<compile_context>
chip_gen: v7x
topology: tpu7x:2x2x1
jax: 0.10.2.dev20260603
libtpu: 0.0.44.dev20260713+nightly
codegen_flags: <defaults>
</compile_context>

<pallas_src>
import functools

import jax
import jax.numpy as jnp
from jax import lax
from jax.experimental import pallas as pl
from jax.experimental.pallas import tpu as pltpu
from jax.experimental.pallas import tpu_sc as plsc

_EPS = 1e-5


@functools.cache
def _make_sc_gather_pair(B, D, V):
    info = plsc.get_sparse_core_info()
    NC, NS, L = info.num_cores, info.num_subcores, info.num_lanes
    NW = NC * NS
    FPW = 2 * D // NW
    WPT = D // FPW
    QTR = B // 4
    assert B % (16 * L) == 0 and 2 * D % NW == 0
    VMAIN = (V // 128) * 128
    VT = V - VMAIN
    CA = (VMAIN // 256) * 128
    CB = VMAIN - CA
    VPAD = VMAIN + (128 if VT else 0)

    mesh = plsc.VectorSubcoreMesh(core_axis_name="c", subcore_axis_name="s")

    @functools.partial(
        pl.kernel,
        mesh=mesh,
        compiler_params=pltpu.CompilerParams(
            needs_layout_passes=False, skip_device_barrier=True),
        out_type=(
            jax.ShapeDtypeStruct((D, B), jnp.float32),
            jax.ShapeDtypeStruct((D, B), jnp.float32),
        ),
        scratch_types=[
            pltpu.VMEM((VPAD,), jnp.float32),
            pltpu.VMEM((B,), jnp.int32),
            pltpu.VMEM((2, QTR), jnp.float32),
            pltpu.SemaphoreType.DMA,
            pltpu.SemaphoreType.DMA,
        ],
    )
    def sc_gather(uid, iid, tu, ti, ttu, tti, ou, oi, colbuf, idbuf,
                  outbuf, osem, csem):
        wid = lax.axis_index("s") * NC + lax.axis_index("c")
        tbl = wid // WPT
        d0 = (wid % WPT) * FPW
        for t, (tref, tailref, idsrc, oref) in enumerate(
                ((tu, ttu, uid, ou), (ti, tti, iid, oi))):
            @pl.when(tbl == t)
            def _():
                pltpu.sync_copy(idsrc, idbuf)

                def wait_one(h):
                    pltpu.make_async_copy(
                        oref.at[0, pl.ds(0, QTR)], outbuf.at[h % 2],
                        osem).wait()

                def per_feature(f, carry):
                    d = d0 + f
                    cps = [pltpu.async_copy(
                        tref.at[d, pl.ds(0, CA)], colbuf.at[pl.ds(0, CA)],
                        csem)]
                    cps.append(pltpu.async_copy(
                        tref.at[d, pl.ds(CA, CB)],
                        colbuf.at[pl.ds(CA, CB)], csem))
                    if VT:
                        cps.append(pltpu.async_copy(
                            tailref.at[d],
                            colbuf.at[pl.ds(VMAIN, 128)], csem))
                    for cp in cps:
                        cp.wait()
                    for h in range(4):
                        if h >= 2:
                            wait_one(h)
                        else:
                            @pl.when(f > 0)
                            def _():
                                wait_one(h)

                        @plsc.parallel_loop(0, QTR, step=4 * L, unroll=2)
                        def _(i):
                            for j in range(4):
                                idx = idbuf[pl.ds(h * QTR + i + j * L, L)]
                                outbuf[h % 2, pl.ds(i + j * L, L)] = (
                                    plsc.load_gather(colbuf, [idx]))
                        pltpu.async_copy(
                            outbuf.at[h % 2],
                            oref.at[d, pl.ds(h * QTR, QTR)], osem)
                    return carry

                lax.fori_loop(0, FPW, per_feature, 0)
                wait_one(0)
                wait_one(1)

    return sc_gather


def _tower_body(muT, miT, w0a, w0b, b0, w1, b1, w2, b2, out):
    f32 = jnp.float32
    h = jnp.dot(w0a[...], muT[...], preferred_element_type=f32)
    h = h + jnp.dot(w0b[...], miT[...], preferred_element_type=f32)
    h = jnp.maximum(h + b0[...], 0.0)
    h = jnp.maximum(
        jnp.dot(w1[...], h, preferred_element_type=f32) + b1[...], 0.0)
    out[...] = jnp.maximum(
        jnp.dot(w2[...], h, preferred_element_type=f32) + b2[...], 0.0)


def _logit_body(guT, giT, hT, wg, wm, bo, out):
    f32 = jnp.float32
    g = guT[...] * giT[...]
    logit = (jnp.dot(wg[...], g, preferred_element_type=f32)
             + jnp.dot(wm[...], hT[...], preferred_element_type=f32)
             + bo[...])
    out[...] = 1.0 / (1.0 + jnp.exp(-logit))


def _tc_tower(muT, miT, w0a, w0b, b0, w1, b1, w2, b2):
    D, B = muT.shape
    BLK = 4096
    H0, H1, H2 = w0a.shape[0], w1.shape[0], w2.shape[0]
    full = lambda s: pl.BlockSpec(s, lambda i: (0, 0))
    return pl.pallas_call(
        _tower_body,
        grid=(B // BLK,),
        in_specs=[
            pl.BlockSpec((D, BLK), lambda i: (0, i)),
            pl.BlockSpec((D, BLK), lambda i: (0, i)),
            full((H0, D)), full((H0, D)), full((H0, 1)),
            full((H1, H0)), full((H1, 1)),
            full((H2, H1)), full((H2, 1)),
        ],
        out_specs=pl.BlockSpec((H2, BLK), lambda i: (0, i)),
        out_shape=jax.ShapeDtypeStruct((H2, B), jnp.float32),
    )(muT, miT, w0a, w0b, b0, w1, b1, w2, b2)


def _tc_logit(guT, giT, hT, wg, wm, bo2):
    D, B = guT.shape
    BLK = 8192
    H2 = hT.shape[0]
    full = lambda s: pl.BlockSpec(s, lambda i: (0, 0))
    out = pl.pallas_call(
        _logit_body,
        grid=(B // BLK,),
        in_specs=[
            pl.BlockSpec((D, BLK), lambda i: (0, i)),
            pl.BlockSpec((D, BLK), lambda i: (0, i)),
            pl.BlockSpec((H2, BLK), lambda i: (0, i)),
            full((1, D)), full((1, H2)), full((1, 1)),
        ],
        out_specs=pl.BlockSpec((1, BLK), lambda i: (0, i)),
        out_shape=jax.ShapeDtypeStruct((1, B), jnp.float32),
    )(guT, giT, hT, wg, wm, bo2)
    return out.reshape(B)


def kernel(user_ids, item_ids, gmf_user_w, gmf_item_w, mlp_user_w, mlp_item_w,
           W0, b0, g0, be0, W1, b1, g1, be1, W2, b2, g2, be2, Wo, bo):
    B = user_ids.shape[0]
    V, D = gmf_user_w.shape
    uid = user_ids.astype(jnp.int32)
    iid = item_ids.astype(jnp.int32)

    t0 = jnp.swapaxes(gmf_user_w, 0, 1)
    t1 = jnp.swapaxes(gmf_item_w, 0, 1)
    t2 = jnp.swapaxes(mlp_user_w, 0, 1)
    t3 = jnp.swapaxes(mlp_item_w, 0, 1)

    VMAIN = (V // 128) * 128
    def tail(t):
        return jnp.pad(t[:, VMAIN:], ((0, 0), (0, 128 - (V - VMAIN))))
    gather = _make_sc_gather_pair(B, D, V)
    muT, miT = gather(uid, iid, t2, t3, tail(t2), tail(t3))
    guT, giT = gather(uid, iid, t0, t1, tail(t0), tail(t1))

    inv = 1.0 / jnp.sqrt(jnp.float32(1.0 + _EPS))
    def fold(W, b, g, be):
        s = g * inv
        return W * s[:, None], (b * s + be)[:, None]
    w0f, b0c = fold(W0, b0, g0, be0)
    w1f, b1c = fold(W1, b1, g1, be1)
    w2f, b2c = fold(W2, b2, g2, be2)
    w0a, w0b = w0f[:, :D], w0f[:, D:]
    wg = Wo[:, :D]
    wm = Wo[:, D:]
    bo2 = bo[None, :]

    hT = _tc_tower(muT, miT, w0a, w0b, b0c, w1f, b1c, w2f, b2c)
    return _tc_logit(guT, giT, hT, wg, wm, bo2)

# --- scband reference (transcript-rebuilt; emitter-appended) ---
"""Pipeline reference for scband-neu-mf-79542794322589 (READ-ONLY COPY).

The authoritative reference and input builder live on the scoring server;
editing this copy changes nothing except your own understanding.
"""

import jax, jax.numpy as jnp
import numpy as np

NUM_USERS = 100000
NUM_ITEMS = 100000
D = 64
LAYERS = [256, 128, 64]
BATCH = 16384
EPS = 1e-5


def setup_inputs(seed: int = 0) -> dict:
    key = jax.random.key(seed)
    ks = jax.random.split(key, 24)
    inp = {}
    inp["user_ids"] = jax.random.randint(ks[0], (BATCH,), 0, NUM_USERS, dtype=jnp.int64 if jax.config.jax_enable_x64 else jnp.int32)
    inp["item_ids"] = jax.random.randint(ks[1], (BATCH,), 0, NUM_ITEMS, dtype=jnp.int64 if jax.config.jax_enable_x64 else jnp.int32)
    inp["gmf_user_w"] = jax.random.normal(ks[2], (NUM_USERS, D), dtype=jnp.float32) * 0.01
    inp["gmf_item_w"] = jax.random.normal(ks[3], (NUM_ITEMS, D), dtype=jnp.float32) * 0.01
    inp["mlp_user_w"] = jax.random.normal(ks[4], (NUM_USERS, D), dtype=jnp.float32) * 0.01
    inp["mlp_item_w"] = jax.random.normal(ks[5], (NUM_ITEMS, D), dtype=jnp.float32) * 0.01
    dims = [2 * D] + LAYERS
    k = 6
    for i, (in_d, out_d) in enumerate(zip(dims[:-1], dims[1:])):
        inp[f"W{i}"] = jax.random.normal(ks[k], (out_d, in_d), dtype=jnp.float32) * (1.0 / np.sqrt(in_d)); k += 1
        inp[f"b{i}"] = jnp.zeros((out_d,), dtype=jnp.float32)
        inp[f"g{i}"] = jnp.ones((out_d,), dtype=jnp.float32)
        inp[f"be{i}"] = jnp.zeros((out_d,), dtype=jnp.float32)
    inp["Wo"] = jax.random.normal(ks[k], (1, D + LAYERS[-1]), dtype=jnp.float32) * (1.0 / np.sqrt(D + LAYERS[-1]))
    inp["bo"] = jnp.zeros((1,), dtype=jnp.float32)
    return inp


def reference(user_ids, item_ids, gmf_user_w, gmf_item_w, mlp_user_w, mlp_item_w,
              W0, b0, g0, be0, W1, b1, g1, be1, W2, b2, g2, be2, Wo, bo):
    # GMF path: elementwise product of user/item embeddings (gather-heavy)
    gmf_out = jnp.take(gmf_user_w, user_ids, axis=0) * jnp.take(gmf_item_w, item_ids, axis=0)
    # MLP path
    x = jnp.concatenate([jnp.take(mlp_user_w, user_ids, axis=0), jnp.take(mlp_item_w, item_ids, axis=0)], axis=-1)
    for (W, b, g, be) in ((W0, b0, g0, be0), (W1, b1, g1, be1), (W2, b2, g2, be2)):
        x = x @ W.T + b
        # BatchNorm1d in eval mode: running_mean=0, running_var=1
        x = (x / jnp.sqrt(1.0 + EPS)) * g + be
        x = jax.nn.relu(x)
        # Dropout in eval mode: identity
    combined = jnp.concatenate([gmf_out, x], axis=-1)
    logits = combined @ Wo.T + bo
    return jax.nn.sigmoid(logits).squeeze(-1)

if __name__ == "__main__":
    import jax
    _d = setup_inputs()
    print(jax.jit(kernel)(*tuple(_d.values())))

</pallas_src>

<mosaic_0001>
#map = affine_map<(d0, d1) -> (0)>
#map1 = affine_map<(d0, d1) -> (0, 0)>
module attributes {stable_mosaic.version = 14 : i64} {
  func.func @sc_gather(%arg0: i32, %arg1: i32, %arg2: memref<16384xi32, #tpu.memory_space<hbm>>, %arg3: memref<16384xi32, #tpu.memory_space<hbm>>, %arg4: memref<64x100000xf32, #tpu.memory_space<hbm>>, %arg5: memref<64x100000xf32, #tpu.memory_space<hbm>>, %arg6: memref<64x128xf32, #tpu.memory_space<hbm>>, %arg7: memref<64x128xf32, #tpu.memory_space<hbm>>, %arg8: memref<64x16384xf32, #tpu.memory_space<hbm>>, %arg9: memref<64x16384xf32, #tpu.memory_space<hbm>>, %arg10: memref<100096xf32, #tpu.memory_space<vmem>>, %arg11: memref<16384xi32, #tpu.memory_space<vmem>>, %arg12: memref<2x4096xf32, #tpu.memory_space<vmem>>, %arg13: memref<!tpu.dma_semaphore, #tpu.memory_space<semaphore_mem>>, %arg14: memref<!tpu.dma_semaphore, #tpu.memory_space<semaphore_mem>>) attributes {dimension_semantics = [#tpu.dimension_semantics<core_parallel>, #tpu.dimension_semantics<subcore_parallel>], iteration_bounds = array<i64: 2, 16>, scalar_prefetch = 0 : i64, scratch_operands = 5 : i64, tpu.core_type = #tpu.core_type<sc_vector_subcore>, window_params = [{transform_indices = #map}, {transform_indices = #map}, {transform_indices = #map1}, {transform_indices = #map1}, {transform_indices = #map1}, {transform_indices = #map1}, {transform_indices = #map1}, {transform_indices = #map1}]} {
    %mul3A = arith.constant 2 : i32
    %mul3A_0 = arith.muli %arg1, %mul3A : i32
    %add3A = arith.addi %mul3A_0, %arg0 : i32
    %jit3A = arith.constant 16 : i32
    %div3A = arith.divsi %add3A, %jit3A : i32
    %sign3A = arith.constant 0 : i32
    %sign3A_1 = arith.cmpi sgt, %add3A, %sign3A : i32
    %sign3A_2 = arith.extui %sign3A_1 : i1 to i32
    %sign3A_3 = arith.constant 0 : i32
    %sign3A_4 = arith.cmpi slt, %add3A, %sign3A_3 : i32
    %sign3A_5 = arith.extui %sign3A_4 : i1 to i32
    %sign3A_6 = arith.subi %sign3A_2, %sign3A_5 : i32
    %sign3A_7 = arith.constant 0 : i32
    %sign3A_8 = arith.cmpi sgt, %jit3A, %sign3A_7 : i32
    %sign3A_9 = arith.extui %sign3A_8 : i1 to i32
    %sign3A_10 = arith.constant 0 : i32
    %sign3A_11 = arith.cmpi slt, %jit3A, %sign3A_10 : i32
    %sign3A_12 = arith.extui %sign3A_11 : i1 to i32
    %sign3A_13 = arith.subi %sign3A_9, %sign3A_12 : i32
    %ne3A = arith.cmpi ne, %sign3A_6, %sign3A_13 : i32
    %rem3A = arith.remsi %add3A, %jit3A : i32
    %ne3A_14 = arith.constant 0 : i32
    %ne3A_15 = arith.cmpi ne, %rem3A, %ne3A_14 : i32
    %and3A = arith.andi %ne3A, %ne3A_15 : i1
    %sub3A = arith.constant 1 : i32
    %sub3A_16 = arith.subi %div3A, %sub3A : i32
    %select_n3A = arith.select %and3A, %sub3A_16, %div3A : i32
    %jit3A_17 = arith.constant 16 : i32
    %eq3A = arith.constant 0 : i32
    %eq3A_18 = arith.cmpi eq, %jit3A_17, %eq3A : i32
    %jit3A_19 = arith.constant 1 : i32
    %select_n3A_20 = arith.select %eq3A_18, %jit3A_19, %jit3A_17 : i32
    %rem3A_21 = arith.remsi %add3A, %select_n3A_20 : i32
    %ne3A_22 = arith.constant 0 : i32
    %ne3A_23 = arith.cmpi ne, %rem3A_21, %ne3A_22 : i32
    %lt3A = arith.constant 0 : i32
    %lt3A_24 = arith.cmpi slt, %rem3A_21, %lt3A : i32
    %lt3A_25 = arith.constant 0 : i32
    %lt3A_26 = arith.cmpi slt, %select_n3A_20, %lt3A_25 : i32
    %ne3A_27 = arith.xori %lt3A_24, %lt3A_26 : i1
    %and3A_28 = arith.andi %ne3A_27, %ne3A_23 : i1
    %add3A_29 = arith.addi %rem3A_21, %select_n3A_20 : i32
    %select_n3A_30 = arith.select %and3A_28, %add3A_29, %rem3A_21 : i32
    %mul3A_31 = arith.constant 4 : i32
    %mul3A_32 = arith.muli %select_n3A_30, %mul3A_31 : i32
    %eq3A_33 = arith.constant 0 : i32
    %eq3A_34 = arith.cmpi eq, %select_n3A, %eq3A_33 : i32
    %convert_element_type3A = arith.extui %eq3A_34 : i1 to i32
    %cond3A = arith.constant 0 : i32
    %cond3A_35 = arith.cmpi ne, %convert_element_type3A, %cond3A : i32
    scf.if %cond3A_35 {
      "tpu.region"() ({
        %run_scoped3A = tpu.sem_alloc : memref<!tpu.dma_semaphore, #tpu.memory_space<semaphore_mem>>
        tpu.enqueue_dma source(%arg2 : memref<16384xi32, #tpu.memory_space<hbm>>) target(%arg11 : memref<16384xi32, #tpu.memory_space<vmem>>) target_semaphore(%run_scoped3A : memref<!tpu.dma_semaphore, #tpu.memory_space<semaphore_mem>>)
        tpu.wait_dma2 semaphore(%run_scoped3A : memref<!tpu.dma_semaphore, #tpu.memory_space<semaphore_mem>>) src(%arg2 : memref<16384xi32, #tpu.memory_space<hbm>>) dst(%arg11 : memref<16384xi32, #tpu.memory_space<vmem>>)
        tpu.yield
      }) : () -> ()
      %scan3A = arith.constant 0 : i32
      %scan3A_41 = arith.constant 0 : i32
      %scan3A_42 = arith.constant 4 : i32
      %scan3A_43 = arith.addi %scan3A_41, %scan3A_42 : i32
      %scan3A_44 = arith.constant 1 : i32
      scf.for %scan3A_73 = %scan3A_41 to %scan3A_43 step %scan3A_44  : i32 {
        %add3A_74 = arith.addi %mul3A_32, %scan3A_73 : i32
        %dma_start3A = arith.constant 0 : i32
        %dma_start3A_75 = tpu.memref_slice %arg10[%dma_start3A] : memref<100096xf32, #tpu.memory_space<vmem>> -> memref<49920xf32, #tpu.memory_space<vmem>>
        %dma_start3A_76 = arith.constant 0 : i32
        %dma_start3A_77 = tpu.memref_slice %arg4[%add3A_74, %dma_start3A_76] : memref<64x100000xf32, #tpu.memory_space<hbm>> -> memref<1x49920xf32, #tpu.memory_space<hbm>>
        %dma_start3A_78 = tpu.memref_squeeze %dma_start3A_77 : memref<1x49920xf32, #tpu.memory_space<hbm>> -> memref<49920xf32, #tpu.memory_space<hbm>>
        %dma_start3A_79 = arith.constant 0 : i32
        %dma_start3A_80 = tpu.memref_slice %arg10[%dma_start3A_79] : memref<100096xf32, #tpu.memory_space<vmem>> -> memref<49920xf32, #tpu.memory_space<vmem>>
        %dma_start3A_81 = arith.constant 0 : i32
        %dma_start3A_82 = tpu.memref_slice %arg4[%add3A_74, %dma_start3A_81] : memref<64x100000xf32, #tpu.memory_space<hbm>> -> memref<1x49920xf32, #tpu.memory_space<hbm>>
        %dma_start3A_83 = tpu.memref_squeeze %dma_start3A_82 : memref<1x49920xf32, #tpu.memory_space<hbm>> -> memref<49920xf32, #tpu.memory_space<hbm>>
        tpu.enqueue_dma source(%dma_start3A_83 : memref<49920xf32, #tpu.memory_space<hbm>>) target(%dma_start3A_80 : memref<49920xf32, #tpu.memory_space<vmem>>) target_semaphore(%arg14 : memref<!tpu.dma_semaphore, #tpu.memory_space<semaphore_mem>>)
        %dma_start3A_84 = arith.constant 49920 : i32
        %dma_start3A_85 = tpu.memref_slice %arg10[%dma_start3A_84] : memref<100096xf32, #tpu.memory_space<vmem>> -> memref<50048xf32, #tpu.memory_space<vmem>>
        %dma_start3A_86 = arith.constant 49920 : i32
        %dma_start3A_87 = tpu.memref_slice %arg4[%add3A_74, %dma_start3A_86] : memref<64x100000xf32, #tpu.memory_space<hbm>> -> memref<1x50048xf32, #tpu.memory_space<hbm>>
        %dma_start3A_88 = tpu.memref_squeeze %dma_start3A_87 : memref<1x50048xf32, #tpu.memory_space<hbm>> -> memref<50048xf32, #tpu.memory_space<hbm>>
        %dma_start3A_89 = arith.constant 49920 : i32
        %dma_start3A_90 = tpu.memref_slice %arg10[%dma_start3A_89] : memref<100096xf32, #tpu.memory_space<vmem>> -> memref<50048xf32, #tpu.memory_space<vmem>>
        %dma_start3A_91 = arith.constant 49920 : i32
        %dma_start3A_92 = tpu.memref_slice %arg4[%add3A_74, %dma_start3A_91] : memref<64x100000xf32, #tpu.memory_space<hbm>> -> memref<1x50048xf32, #tpu.memory_space<hbm>>
        %dma_start3A_93 = tpu.memref_squeeze %dma_start3A_92 : memref<1x50048xf32, #tpu.memory_space<hbm>> -> memref<50048xf32, #tpu.memory_space<hbm>>
        tpu.enqueue_dma source(%dma_start3A_93 : memref<50048xf32, #tpu.memory_space<hbm>>) target(%dma_start3A_90 : memref<50048xf32, #tpu.memory_space<vmem>>) target_semaphore(%arg14 : memref<!tpu.dma_semaphore, #tpu.memory_space<semaphore_mem>>)
        %dma_start3A_94 = arith.constant 99968 : i32
        %dma_start3A_95 = tpu.memref_slice %arg10[%dma_start3A_94] : memref<100096xf32, #tpu.memory_space<vmem>> -> memref<128xf32, #tpu.memory_space<vmem>>
        %dma_start3A_96 = arith.constant 0 : i32
        %dma_start3A_97 = tpu.memref_slice %arg6[%add3A_74, %dma_start3A_96] : memref<64x128xf32, #tpu.memory_space<hbm>> -> memref<1x128xf32, #tpu.memory_space<hbm>>
        %dma_start3A_98 = tpu.memref_squeeze %dma_start3A_97 : memref<1x128xf32, #tpu.memory_space<hbm>> -> memref<128xf32, #tpu.memory_space<hbm>>
        %dma_start3A_99 = arith.constant 99968 : i32
        %dma_start3A_100 = tpu.memref_slice %arg10[%dma_start3A_99] : memref<100096xf32, #tpu.memory_space<vmem>> -> memref<128xf32, #tpu.memory_space<vmem>>
        %dma_start3A_101 = arith.constant 0 : i32
        %dma_start3A_102 = tpu.memref_slice %arg6[%add3A_74, %dma_start3A_101] : memref<64x128xf32, #tpu.memory_space<hbm>> -> memref<1x128xf32, #tpu.memory_space<hbm>>
        %dma_start3A_103 = tpu.memref_squeeze %dma_start3A_102 : memref<1x128xf32, #tpu.memory_space<hbm>> -> memref<128xf32, #tpu.memory_space<hbm>>
        tpu.enqueue_dma source(%dma_start3A_103 : memref<128xf32, #tpu.memory_space<hbm>>) target(%dma_start3A_100 : memref<128xf32, #tpu.memory_space<vmem>>) target_semaphore(%arg14 : memref<!tpu.dma_semaphore, #tpu.memory_space<semaphore_mem>>)
        %dma_wait3A_104 = arith.constant 0 : i32
        %dma_wait3A_105 = tpu.memref_slice %arg10[%dma_wait3A_104] : memref<100096xf32, #tpu.memory_space<vmem>> -> memref<49920xf32, #tpu.memory_space<vmem>>
        %dma_wait3A_106 = arith.constant 0 : i32
        %dma_wait3A_107 = tpu.memref_slice %arg4[%add3A_74, %dma_wait3A_106] : memref<64x100000xf32, #tpu.memory_space<hbm>> -> memref<1x49920xf32, #tpu.memory_space<hbm>>
        %dma_wait3A_108 = tpu.memref_squeeze %dma_wait3A_107 : memref<1x49920xf32, #tpu.memory_space<hbm>> -> memref<49920xf32, #tpu.memory_space<hbm>>
        %dma_wait3A_109 = arith.constant 0 : i32
        %dma_wait3A_110 = tpu.memref_slice %arg10[%dma_wait3A_109] : memref<100096xf32, #tpu.memory_space<vmem>> -> memref<49920xf32, #tpu.memory_space<vmem>>
        %dma_wait3A_111 = arith.constant 0 : i32
        %dma_wait3A_112 = tpu.memref_slice %arg4[%add3A_74, %dma_wait3A_111] : memref<64x100000xf32, #tpu.memory_space<hbm>> -> memref<1x49920xf32, #tpu.memory_space<hbm>>
        %dma_wait3A_113 = tpu.memref_squeeze %dma_wait3A_112 : memref<1x49920xf32, #tpu.memory_space<hbm>> -> memref<49920xf32, #tpu.memory_space<hbm>>
        tpu.wait_dma2 semaphore(%arg14 : memref<!tpu.dma_semaphore, #tpu.memory_space<semaphore_mem>>) src(%dma_wait3A_113 : memref<49920xf32, #tpu.memory_space<hbm>>) dst(%dma_wait3A_110 : memref<49920xf32, #tpu.memory_space<vmem>>)
        %dma_wait3A_114 = arith.constant 49920 : i32
        %dma_wait3A_115 = tpu.memref_slice %arg10[%dma_wait3A_114] : memref<100096xf32, #tpu.memory_space<vmem>> -> memref<50048xf32, #tpu.memory_space<vmem>>
        %dma_wait3A_116 = arith.constant 49920 : i32
        %dma_wait3A_117 = tpu.memref_slice %arg4[%add3A_74, %dma_wait3A_116] : memref<64x100000xf32, #tpu.memory_space<hbm>> -> memref<1x50048xf32, #tpu.memory_space<hbm>>
        %dma_wait3A_118 = tpu.memref_squeeze %dma_wait3A_117 : memref<1x50048xf32, #tpu.memory_space<hbm>> -> memref<50048xf32, #tpu.memory_space<hbm>>
        %dma_wait3A_119 = arith.constant 49920 : i32
        %dma_wait3A_120 = tpu.memref_slice %arg10[%dma_wait3A_119] : memref<100096xf32, #tpu.memory_space<vmem>> -> memref<50048xf32, #tpu.memory_space<vmem>>
        %dma_wait3A_121 = arith.constant 49920 : i32
        %dma_wait3A_122 = tpu.memref_slice %arg4[%add3A_74, %dma_wait3A_121] : memref<64x100000xf32, #tpu.memory_space<hbm>> -> memref<1x50048xf32, #tpu.memory_space<hbm>>
        %dma_wait3A_123 = tpu.memref_squeeze %dma_wait3A_122 : memref<1x50048xf32, #tpu.memory_space<hbm>> -> memref<50048xf32, #tpu.memory_space<hbm>>
        tpu.wait_dma2 semaphore(%arg14 : memref<!tpu.dma_semaphore, #tpu.memory_space<semaphore_mem>>) src(%dma_wait3A_123 : memref<50048xf32, #tpu.memory_space<hbm>>) dst(%dma_wait3A_120 : memref<50048xf32, #tpu.memory_space<vmem>>)
        %dma_wait3A_124 = arith.constant 99968 : i32
        %dma_wait3A_125 = tpu.memref_slice %arg10[%dma_wait3A_124] : memref<100096xf32, #tpu.memory_space<vmem>> -> memref<128xf32, #tpu.memory_space<vmem>>
        %dma_wait3A_126 = arith.constant 0 : i32
        %dma_wait3A_127 = tpu.memref_slice %arg6[%add3A_74, %dma_wait3A_126] : memref<64x128xf32, #tpu.memory_space<hbm>> -> memref<1x128xf32, #tpu.memory_space<hbm>>
        %dma_wait3A_128 = tpu.memref_squeeze %dma_wait3A_127 : memref<1x128xf32, #tpu.memory_space<hbm>> -> memref<128xf32, #tpu.memory_space<hbm>>
        %dma_wait3A_129 = arith.constant 99968 : i32
        %dma_wait3A_130 = tpu.memref_slice %arg10[%dma_wait3A_129] : memref<100096xf32, #tpu.memory_space<vmem>> -> memref<128xf32, #tpu.memory_space<vmem>>
        %dma_wait3A_131 = arith.constant 0 : i32
        %dma_wait3A_132 = tpu.memref_slice %arg6[%add3A_74, %dma_wait3A_131] : memref<64x128xf32, #tpu.memory_space<hbm>> -> memref<1x128xf32, #tpu.memory_space<hbm>>
        %dma_wait3A_133 = tpu.memref_squeeze %dma_wait3A_132 : memref<1x128xf32, #tpu.memory_space<hbm>> -> memref<128xf32, #tpu.memory_space<hbm>>
        tpu.wait_dma2 semaphore(%arg14 : memref<!tpu.dma_semaphore, #tpu.memory_space<semaphore_mem>>) src(%dma_wait3A_133 : memref<128xf32, #tpu.memory_space<hbm>>) dst(%dma_wait3A_130 : memref<128xf32, #tpu.memory_space<vmem>>)
        %gt3A = arith.constant 0 : i32
        %gt3A_134 = arith.cmpi sgt, %scan3A_73, %gt3A : i32
        %convert_element_type3A_135 = arith.extui %gt3A_134 : i1 to i32
        %cond3A_136 = arith.constant 0 : i32
        %cond3A_137 = arith.cmpi ne, %convert_element_type3A_135, %cond3A_136 : i32
        scf.if %cond3A_137 {
          %dma_wait3A_234 = arith.constant 0 : i32
          %dma_wait3A_235 = arith.constant 0 : i32
          %dma_wait3A_236 = arith.constant 0 : i32
          %dma_wait3A_237 = tpu.memref_slice %arg12[%dma_wait3A_235, %dma_wait3A_236] : memref<2x4096xf32, #tpu.memory_space<vmem>> -> memref<1x4096xf32, #tpu.memory_space<vmem>>
          %dma_wait3A_238 = tpu.memref_squeeze %dma_wait3A_237 : memref<1x4096xf32, #tpu.memory_space<vmem>> -> memref<4096xf32, #tpu.memory_space<vmem>>
          %dma_wait3A_239 = arith.constant 0 : i32
          %dma_wait3A_240 = tpu.memref_slice %arg8[%dma_wait3A_234, %dma_wait3A_239] : memref<64x16384xf32, #tpu.memory_space<hbm>> -> memref<1x4096xf32, #tpu.memory_space<hbm>>
          %dma_wait3A_241 = tpu.memref_squeeze %dma_wait3A_240 : memref<1x4096xf32, #tpu.memory_space<hbm>> -> memref<4096xf32, #tpu.memory_space<hbm>>
          %dma_wait3A_242 = arith.constant 0 : i32
          %dma_wait3A_243 = tpu.memref_slice %arg12[%dma_wait3A_235, %dma_wait3A_242] : memref<2x4096xf32, #tpu.memory_space<vmem>> -> memref<1x4096xf32, #tpu.memory_space<vmem>>
          %dma_wait3A_244 = tpu.memref_squeeze %dma_wait3A_243 : memref<1x4096xf32, #tpu.memory_space<vmem>> -> memref<4096xf32, #tpu.memory_space<vmem>>
          %dma_wait3A_245 = arith.constant 0 : i32
          %dma_wait3A_246 = tpu.memref_slice %arg8[%dma_wait3A_234, %dma_wait3A_245] : memref<64x16384xf32, #tpu.memory_space<hbm>> -> memref<1x4096xf32, #tpu.memory_space<hbm>>
          %dma_wait3A_247 = tpu.memref_squeeze %dma_wait3A_246 : memref<1x4096xf32, #tpu.memory_space<hbm>> -> memref<4096xf32, #tpu.memory_space<hbm>>
          tpu.wait_dma2 semaphore(%arg13 : memref<!tpu.dma_semaphore, #tpu.memory_space<semaphore_mem>>) src(%dma_wait3A_247 : memref<4096xf32, #tpu.memory_space<hbm>>) dst(%dma_wait3A_244 : memref<4096xf32, #tpu.memory_space<vmem>>)
        } else {
        }
        %parallel_loop3A = arith.constant 0 : i32
        %parallel_loop3A_138 = arith.constant 4096 : i32
        %parallel_loop3A_139 = arith.constant 64 : i32
        scf.for %parallel_loop3A_234 = %parallel_loop3A to %parallel_loop3A_138 step %parallel_loop3A_139  : i32 {
          %parallel_loop3A_235 = arith.constant 0 : i32
          %parallel_loop3A_236 = arith.addi %parallel_loop3A_235, %parallel_loop3A_234 : i32
          %parallel_loop3A_237 = arith.constant 0 : i32
          %parallel_loop3A_238 = arith.addi %parallel_loop3A_236, %parallel_loop3A_237 : i32
          %parallel_loop3A_239 = arith.index_cast %parallel_loop3A_238 : i32 to index
          %parallel_loop3A_240 = tpu.vector_load %arg11[%parallel_loop3A_239] {strides = array<i32>} : memref<16384xi32, #tpu.memory_space<vmem>>, vector<16xi32>,
          %parallel_loop3A_241 = tpu.vector_load_idx %arg10[%parallel_loop3A_240] : memref<100096xf32, #tpu.memory_space<vmem>>[vector<16xi32>], vector<16xf32>,
          %parallel_loop3A_242 = arith.constant 0 : i32
          %parallel_loop3A_243 = arith.addi %parallel_loop3A_234, %parallel_loop3A_242 : i32
          %parallel_loop3A_244 = arith.constant 0 : i32
          %parallel_loop3A_245 = arith.index_cast %parallel_loop3A_244 : i32 to index
          %parallel_loop3A_246 = arith.index_cast %parallel_loop3A_243 : i32 to index
          %parallel_loop3A_247 = tpu.vector_load %arg12[%parallel_loop3A_245, %parallel_loop3A_246] {strides = array<i32>} : memref<2x4096xf32, #tpu.memory_space<vmem>>, vector<16xf32>,
          tpu.vector_store %arg12[%parallel_loop3A_245, %parallel_loop3A_246], %parallel_loop3A_241 {strides = array<i32>} : memref<2x4096xf32, #tpu.memory_space<vmem>>, vector<16xf32>,
          %parallel_loop3A_248 = arith.constant 0 : i32
          %parallel_loop3A_249 = arith.addi %parallel_loop3A_248, %parallel_loop3A_234 : i32
          %parallel_loop3A_250 = arith.constant 16 : i32
          %parallel_loop3A_251 = arith.addi %parallel_loop3A_249, %parallel_loop3A_250 : i32
          %parallel_loop3A_252 = arith.index_cast %parallel_loop3A_251 : i32 to index
          %parallel_loop3A_253 = tpu.vector_load %arg11[%parallel_loop3A_252] {strides = array<i32>} : memref<16384xi32, #tpu.memory_space<vmem>>, vector<16xi32>,
          %parallel_loop3A_254 = tpu.vector_load_idx %arg10[%parallel_loop3A_253] : memref<100096xf32, #tpu.memory_space<vmem>>[vector<16xi32>], vector<16xf32>,
          %parallel_loop3A_255 = arith.constant 16 : i32
          %parallel_loop3A_256 = arith.addi %parallel_loop3A_234, %parallel_loop3A_255 : i32
          %parallel_loop3A_257 = arith.constant 0 : i32
          %parallel_loop3A_258 = arith.index_cast %parallel_loop3A_257 : i32 to index
          %parallel_loop3A_259 = arith.index_cast %parallel_loop3A_256 : i32 to index
          %parallel_loop3A_260 = tpu.vector_load %arg12[%parallel_loop3A_258, %parallel_loop3A_259] {strides = array<i32>} : memref<2x4096xf32, #tpu.memory_space<vmem>>, vector<16xf32>,
          tpu.vector_store %arg12[%parallel_loop3A_258, %parallel_loop3A_259], %parallel_loop3A_254 {strides = array<i32>} : memref<2x4096xf32, #tpu.memory_space<vmem>>, vector<16xf32>,
          %parallel_loop3A_261 = arith.constant 0 : i32
          %parallel_loop3A_262 = arith.addi %parallel_loop3A_261, %parallel_loop3A_234 : i32
          %parallel_loop3A_263 = arith.constant 32 : i32
          %parallel_loop3A_264 = arith.addi %parallel_loop3A_262, %parallel_loop3A_263 : i32
          %parallel_loop3A_265 = arith.index_cast %parallel_loop3A_264 : i32 to index
          %parallel_loop3A_266 = tpu.vector_load %arg11[%parallel_loop3A_265] {strides = array<i32>} : memref<16384xi32, #tpu.memory_space<vmem>>, vector<16xi32>,
          %parallel_loop3A_267 = tpu.vector_load_idx %arg10[%parallel_loop3A_266] : memref<100096xf32, #tpu.memory_space<vmem>>[vector<16xi32>], vector<16xf32>,
          %parallel_loop3A_268 = arith.constant 32 : i32
          %parallel_loop3A_269 = arith.addi %parallel_loop3A_234, %parallel_loop3A_268 : i32
          %parallel_loop3A_270 = arith.constant 0 : i32
          %parallel_loop3A_271 = arith.index_cast %parallel_loop3A_270 : i32 to index
          %parallel_loop3A_272 = arith.index_cast %parallel_loop3A_269 : i32 to index
          %parallel_loop3A_273 = tpu.vector_load %arg12[%parallel_loop3A_271, %parallel_loop3A_272] {strides = array<i32>} : memref<2x4096xf32, #tpu.memory_space<vmem>>, vector<16xf32>,
          tpu.vector_store %arg12[%parallel_loop3A_271, %parallel_loop3A_272], %parallel_loop3A_267 {strides = array<i32>} : memref<2x4096xf32, #tpu.memory_space<vmem>>, vector<16xf32>,
          %parallel_loop3A_274 = arith.constant 0 : i32
          %parallel_loop3A_275 = arith.addi %parallel_loop3A_274, %parallel_loop3A_234 : i32
          %parallel_loop3A_276 = arith.constant 48 : i32
          %parallel_loop3A_277 = arith.addi %parallel_loop3A_275, %parallel_loop3A_276 : i32
          %parallel_loop3A_278 = arith.index_cast %parallel_loop3A_277 : i32 to index
          %parallel_loop3A_279 = tpu.vector_load %arg11[%parallel_loop3A_278] {strides = array<i32>} : memref<16384xi32, #tpu.memory_space<vmem>>, vector<16xi32>,
          %parallel_loop3A_280 = tpu.vector_load_idx %arg10[%parallel_loop3A_279] : memref<100096xf32, #tpu.memory_space<vmem>>[vector<16xi32>], vector<16xf32>,
          %parallel_loop3A_281 = arith.constant 48 : i32
          %parallel_loop3A_282 = arith.addi %parallel_loop3A_234, %parallel_loop3A_281 : i32
          %parallel_loop3A_283 = arith.constant 0 : i32
          %parallel_loop3A_284 = arith.index_cast %parallel_loop3A_283 : i32 to index
          %parallel_loop3A_285 = arith.index_cast %parallel_loop3A_282 : i32 to index
          %parallel_loop3A_286 = tpu.vector_load %arg12[%parallel_loop3A_284, %parallel_loop3A_285] {strides = array<i32>} : memref<2x4096xf32, #tpu.memory_space<vmem>>, vector<16xf32>,
          tpu.vector_store %arg12[%parallel_loop3A_284, %parallel_loop3A_285], %parallel_loop3A_280 {strides = array<i32>} : memref<2x4096xf32, #tpu.memory_space<vmem>>, vector<16xf32>,
        } {sc.loop_unroll_factor = 2 : i64, sc.parallel_access}
        %dma_start3A_140 = arith.constant 0 : i32
        %dma_start3A_141 = arith.constant 0 : i32
        %dma_start3A_142 = tpu.memref_slice %arg12[%dma_start3A_140, %dma_start3A_141] : memref<2x4096xf32, #tpu.memory_space<vmem>> -> memref<1x4096xf32, #tpu.memory_space<vmem>>
        %dma_start3A_143 = tpu.memref_squeeze %dma_start3A_142 : memref<1x4096xf32, #tpu.memory_space<vmem>> -> memref<4096xf32, #tpu.memory_space<vmem>>
        %dma_start3A_144 = arith.constant 0 : i32
        %dma_start3A_145 = tpu.memref_slice %arg8[%add3A_74, %dma_start3A_144] : memref<64x16384xf32, #tpu.memory_space<hbm>> -> memref<1x4096xf32, #tpu.memory_space<hbm>>
        %dma_start3A_146 = tpu.memref_squeeze %dma_start3A_145 : memref<1x4096xf32, #tpu.memory_space<hbm>> -> memref<4096xf32, #tpu.memory_space<hbm>>
        %dma_start3A_147 = arith.constant 0 : i32
        %dma_start3A_148 = tpu.memref_slice %arg8[%add3A_74, %dma_start3A_147] : memref<64x16384xf32, #tpu.memory_space<hbm>> -> memref<1x4096xf32, #tpu.memory_space<hbm>>
        %dma_start3A_149 = tpu.memref_squeeze %dma_start3A_148 : memref<1x4096xf32, #tpu.memory_space<hbm>> -> memref<4096xf32, #tpu.memory_space<hbm>>
        %dma_start3A_150 = arith.constant 0 : i32
        %dma_start3A_151 = tpu.memref_slice %arg12[%dma_start3A_140, %dma_start3A_150] : memref<2x4096xf32, #tpu.memory_space<vmem>> -> memref<1x4096xf32, #tpu.memory_space<vmem>>
        %dma_start3A_152 = tpu.memref_squeeze %dma_start3A_151 : memref<1x4096xf32, #tpu.memory_space<vmem>> -> memref<4096xf32, #tpu.memory_space<vmem>>
        tpu.enqueue_dma source(%dma_start3A_152 : memref<4096xf32, #tpu.memory_space<vmem>>) target(%dma_start3A_149 : memref<4096xf32, #tpu.memory_space<hbm>>) target_semaphore(%arg13 : memref<!tpu.dma_semaphore, #tpu.memory_space<semaphore_mem>>)
        %gt3A_153 = arith.constant 0 : i32
        %gt3A_154 = arith.cmpi sgt, %scan3A_73, %gt3A_153 : i32
        %convert_element_type3A_155 = arith.extui %gt3A_154 : i1 to i32
        %cond3A_156 = arith.constant 0 : i32
        %cond3A_157 = arith.cmpi ne, %convert_element_type3A_155, %cond3A_156 : i32
        scf.if %cond3A_157 {
          %dma_wait3A_234 = arith.constant 0 : i32
          %dma_wait3A_235 = arith.constant 1 : i32
          %dma_wait3A_236 = arith.constant 0 : i32
          %dma_wait3A_237 = tpu.memref_slice %arg12[%dma_wait3A_235, %dma_wait3A_236] : memref<2x4096xf32, #tpu.memory_space<vmem>> -> memref<1x4096xf32, #tpu.memory_space<vmem>>
          %dma_wait3A_238 = tpu.memref_squeeze %dma_wait3A_237 : memref<1x4096xf32, #tpu.memory_space<vmem>> -> memref<4096xf32, #tpu.memory_space<vmem>>
          %dma_wait3A_239 = arith.constant 0 : i32
          %dma_wait3A_240 = tpu.memref_slice %arg8[%dma_wait3A_234, %dma_wait3A_239] : memref<64x16384xf32, #tpu.memory_space<hbm>> -> memref<1x4096xf32, #tpu.memory_space<hbm>>
          %dma_wait3A_241 = tpu.memref_squeeze %dma_wait3A_240 : memref<1x4096xf32, #tpu.memory_space<hbm>> -> memref<4096xf32, #tpu.memory_space<hbm>>
          %dma_wait3A_242 = arith.constant 0 : i32
          %dma_wait3A_243 = tpu.memref_slice %arg12[%dma_wait3A_235, %dma_wait3A_242] : memref<2x4096xf32, #tpu.memory_space<vmem>> -> memref<1x4096xf32, #tpu.memory_space<vmem>>
          %dma_wait3A_244 = tpu.memref_squeeze %dma_wait3A_243 : memref<1x4096xf32, #tpu.memory_space<vmem>> -> memref<4096xf32, #tpu.memory_space<vmem>>
          %dma_wait3A_245 = arith.constant 0 : i32
          %dma_wait3A_246 = tpu.memref_slice %arg8[%dma_wait3A_234, %dma_wait3A_245] : memref<64x16384xf32, #tpu.memory_space<hbm>> -> memref<1x4096xf32, #tpu.memory_space<hbm>>
          %dma_wait3A_247 = tpu.memref_squeeze %dma_wait3A_246 : memref<1x4096xf32, #tpu.memory_space<hbm>> -> memref<4096xf32, #tpu.memory_space<hbm>>
          tpu.wait_dma2 semaphore(%arg13 : memref<!tpu.dma_semaphore, #tpu.memory_space<semaphore_mem>>) src(%dma_wait3A_247 : memref<4096xf32, #tpu.memory_space<hbm>>) dst(%dma_wait3A_244 : memref<4096xf32, #tpu.memory_space<vmem>>)
        } else {
        }
        %parallel_loop3A_158 = arith.constant 0 : i32
        %parallel_loop3A_159 = arith.constant 4096 : i32
        %parallel_loop3A_160 = arith.constant 64 : i32
        scf.for %parallel_loop3A_234 = %parallel_loop3A_158 to %parallel_loop3A_159 step %parallel_loop3A_160  : i32 {
          %parallel_loop3A_235 = arith.constant 4096 : i32
          %parallel_loop3A_236 = arith.addi %parallel_loop3A_235, %parallel_loop3A_234 : i32
          %parallel_loop3A_237 = arith.constant 0 : i32
          %parallel_loop3A_238 = arith.addi %parallel_loop3A_236, %parallel_loop3A_237 : i32
          %parallel_loop3A_239 = arith.index_cast %parallel_loop3A_238 : i32 to index
          %parallel_loop3A_240 = tpu.vector_load %arg11[%parallel_loop3A_239] {strides = array<i32>} : memref<16384xi32, #tpu.memory_space<vmem>>, vector<16xi32>,
          %parallel_loop3A_241 = tpu.vector_load_idx %arg10[%parallel_loop3A_240] : memref<100096xf32, #tpu.memory_space<vmem>>[vector<16xi32>], vector<16xf32>,
          %parallel_loop3A_242 = arith.constant 0 : i32
          %parallel_loop3A_243 = arith.addi %parallel_loop3A_234, %parallel_loop3A_242 : i32
          %parallel_loop3A_244 = arith.constant 1 : i32
          %parallel_loop3A_245 = arith.index_cast %parallel_loop3A_244 : i32 to index
          %parallel_loop3A_246 = arith.index_cast %parallel_loop3A_243 : i32 to index
          %parallel_loop3A_247 = tpu.vector_load %arg12[%parallel_loop3A_245, %parallel_loop3A_246] {strides = array<i32>} : memref<2x4096xf32, #tpu.memory_space<vmem>>, vector<16xf32>,
          tpu.vector_store %arg12[%parallel_loop3A_245, %parallel_loop3A_246], %parallel_loop3A_241 {strides = array<i32>} : memref<2x4096xf32, #tpu.memory_space<vmem>>, vector<16xf32>,
          %parallel_loop3A_248 = arith.constant 4096 : i32
          %parallel_loop3A_249 = arith.addi %parallel_loop3A_248, %parallel_loop3A_234 : i32
          %parallel_loop3A_250 = arith.constant 16 : i32
          %parallel_loop3A_251 = arith.addi %parallel_loop3A_249, %parallel_loop3A_250 : i32
          %parallel_loop3A_252 = arith.index_cast %parallel_loop3A_251 : i32 to index
          %parallel_loop3A_253 = tpu.vector_load %arg11[%parallel_loop3A_252] {strides = array<i32>} : memref<16384xi32, #tpu.memory_space<vmem>>, vector<16xi32>,
          %parallel_loop3A_254 = tpu.vector_load_idx %arg10[%parallel_loop3A_253] : memref<100096xf32, #tpu.memory_space<vmem>>[vector<16xi32>], vector<16xf32>,
          %parallel_loop3A_255 = arith.constant 16 : i32
          %parallel_loop3A_256 = arith.addi %parallel_loop3A_234, %parallel_loop3A_255 : i32
          %parallel_loop3A_257 = arith.constant 1 : i32
          %parallel_loop3A_258 = arith.index_cast %parallel_loop3A_257 : i32 to index
          %parallel_loop3A_259 = arith.index_cast %parallel_loop3A_256 : i32 to index
          %parallel_loop3A_260 = tpu.vector_load %arg12[%parallel_loop3A_258, %parallel_loop3A_259] {strides = array<i32>} : memref<2x4096xf32, #tpu.memory_space<vmem>>, vector<16xf32>,
          tpu.vector_store %arg12[%parallel_loop3A_258, %parallel_loop3A_259], %parallel_loop3A_254 {strides = array<i32>} : memref<2x4096xf32, #tpu.memory_space<vmem>>, vector<16xf32>,
          %parallel_loop3A_261 = arith.constant 4096 : i32
          %parallel_loop3A_262 = arith.addi %parallel_loop3A_261, %parallel_loop3A_234 : i32
          %parallel_loop3A_263 = arith.constant 32 : i32
          %parallel_loop3A_264 = arith.addi %parallel_loop3A_262, %parallel_loop3A_263 : i32
          %parallel_loop3A_265 = arith.index_cast %parallel_loop3A_264 : i32 to index
          %parallel_loop3A_266 = tpu.vector_load %arg11[%parallel_loop3A_265] {strides = array<i32>} : memref<16384xi32, #tpu.memory_space<vmem>>, vector<16xi32>,
          %parallel_loop3A_267 = tpu.vector_load_idx %arg10[%parallel_loop3A_266] : memref<100096xf32, #tpu.memory_space<vmem>>[vector<16xi32>], vector<16xf32>,
          %parallel_loop3A_268 = arith.constant 32 : i32
          %parallel_loop3A_269 = arith.addi %parallel_loop3A_234, %parallel_loop3A_268 : i32
          %parallel_loop3A_270 = arith.constant 1 : i32
          %parallel_loop3A_271 = arith.index_cast %parallel_loop3A_270 : i32 to index
          %parallel_loop3A_272 = arith.index_cast %parallel_loop3A_269 : i32 to index
          %parallel_loop3A_273 = tpu.vector_load %arg12[%parallel_loop3A_271, %parallel_loop3A_272] {strides = array<i32>} : memref<2x4096xf32, #tpu.memory_space<vmem>>, vector<16xf32>,
          tpu.vector_store %arg12[%parallel_loop3A_271, %parallel_loop3A_272], %parallel_loop3A_267 {strides = array<i32>} : memref<2x4096xf32, #tpu.memory_space<vmem>>, vector<16xf32>,
          %parallel_loop3A_274 = arith.constant 4096 : i32
          %parallel_loop3A_275 = arith.addi %parallel_loop3A_274, %parallel_loop3A_234 : i32
          %parallel_loop3A_276 = arith.constant 48 : i32
          %parallel_loop3A_277 = arith.addi %parallel_loop3A_275, %parallel_loop3A_276 : i32
          %parallel_loop3A_278 = arith.index_cast %parallel_loop3A_277 : i32 to index
          %parallel_loop3A_279 = tpu.vector_load %arg11[%parallel_loop3A_278] {strides = array<i32>} : memref<16384xi32, #tpu.memory_space<vmem>>, vector<16xi32>,
          %parallel_loop3A_280 = tpu.vector_load_idx %arg10[%parallel_loop3A_279] : memref<100096xf32, #tpu.memory_space<vmem>>[vector<16xi32>], vector<16xf32>,
          %parallel_loop3A_281 = arith.constant 48 : i32
          %parallel_loop3A_282 = arith.addi %parallel_loop3A_234, %parallel_loop3A_281 : i32
          %parallel_loop3A_283 = arith.constant 1 : i32
          %parallel_loop3A_284 = arith.index_cast %parallel_loop3A_283 : i32 to index
          %parallel_loop3A_285 = arith.index_cast %parallel_loop3A_282 : i32 to index
          %parallel_loop3A_286 = tpu.vector_load %arg12[%parallel_loop3A_284, %parallel_loop3A_285] {strides = array<i32>} : memref<2x4096xf32, #tpu.memory_space<vmem>>, vector<16xf32>,
          tpu.vector_store %arg12[%parallel_loop3A_284, %parallel_loop3A_285], %parallel_loop3A_280 {strides = array<i32>} : memref<2x4096xf32, #tpu.memory_space<vmem>>, vector<16xf32>,
        } {sc.loop_unroll_factor = 2 : i64, sc.parallel_access}
        %dma_start3A_161 = arith.constant 1 : i32
        %dma_start3A_162 = arith.constant 0 : i32
        %dma_start3A_163 = tpu.memref_slice %arg12[%dma_start3A_161, %dma_start3A_162] : memref<2x4096xf32, #tpu.memory_space<vmem>> -> memref<1x4096xf32, #tpu.memory_space<vmem>>
        %dma_start3A_164 = tpu.memref_squeeze %dma_start3A_163 : memref<1x4096xf32, #tpu.memory_space<vmem>> -> memref<4096xf32, #tpu.memory_space<vmem>>
        %dma_start3A_165 = arith.constant 4096 : i32
        %dma_start3A_166 = tpu.memref_slice %arg8[%add3A_74, %dma_start3A_165] : memref<64x16384xf32, #tpu.memory_space<hbm>> -> memref<1x4096xf32, #tpu.memory_space<hbm>>
        %dma_start3A_167 = tpu.memref_squeeze %dma_start3A_166 : memref<1x4096xf32, #tpu.memory_space<hbm>> -> memref<4096xf32, #tpu.memory_space<hbm>>
        %dma_start3A_168 = arith.constant 4096 : i32
        %dma_start3A_169 = tpu.memref_slice %arg8[%add3A_74, %dma_start3A_168] : memref<64x16384xf32, #tpu.memory_space<hbm>> -> memref<1x4096xf32, #tpu.memory_space<hbm>>
        %dma_start3A_170 = tpu.memref_squeeze %dma_start3A_169 : memref<1x4096xf32, #tpu.memory_space<hbm>> -> memref<4096xf32, #tpu.memory_space<hbm>>
        %dma_start3A_171 = arith.constant 0 : i32
        %dma_start3A_172 = tpu.memref_slice %arg12[%dma_start3A_161, %dma_start3A_171] : memref<2x4096xf32, #tpu.memory_space<vmem>> -> memref<1x4096xf32, #tpu.memory_space<vmem>>
        %dma_start3A_173 = tpu.memref_squeeze %dma_start3A_172 : memref<1x4096xf32, #tpu.memory_space<vmem>> -> memref<4096xf32, #tpu.memory_space<vmem>>
        tpu.enqueue_dma source(%dma_start3A_173 : memref<4096xf32, #tpu.memory_space<vmem>>) target(%dma_start3A_170 : memref<4096xf32, #tpu.memory_space<hbm>>) target_semaphore(%arg13 : memref<!tpu.dma_semaphore, #tpu.memory_space<semaphore_mem>>)
        %dma_wait3A_174 = arith.constant 0 : i32
        %dma_wait3A_175 = arith.constant 0 : i32
        %dma_wait3A_176 = arith.constant 0 : i32
        %dma_wait3A_177 = tpu.memref_slice %arg12[%dma_wait3A_175, %dma_wait3A_176] : memref<2x4096xf32, #tpu.memory_space<vmem>> -> memref<1x4096xf32, #tpu.memory_space<vmem>>
        %dma_wait3A_178 = tpu.memref_squeeze %dma_wait3A_177 : memref<1x4096xf32, #tpu.memory_space<vmem>> -> memref<4096xf32, #tpu.memory_space<vmem>>
        %dma_wait3A_179 = arith.constant 0 : i32
        %dma_wait3A_180 = tpu.memref_slice %arg8[%dma_wait3A_174, %dma_wait3A_179] : memref<64x16384xf32, #tpu.memory_space<hbm>> -> memref<1x4096xf32, #tpu.memory_space<hbm>>
        %dma_wait3A_181 = tpu.memref_squeeze %dma_wait3A_180 : memref<1x4096xf32, #tpu.memory_space<hbm>> -> memref<4096xf32, #tpu.memory_space<hbm>>
        %dma_wait3A_182 = arith.constant 0 : i32
        %dma_wait3A_183 = tpu.memref_slice %arg12[%dma_wait3A_175, %dma_wait3A_182] : memref<2x4096xf32, #tpu.memory_space<vmem>> -> memref<1x4096xf32, #tpu.memory_space<vmem>>
        %dma_wait3A_184 = tpu.memref_squeeze %dma_wait3A_183 : memref<1x4096xf32, #tpu.memory_space<vmem>> -> memref<4096xf32, #tpu.memory_space<vmem>>
        %dma_wait3A_185 = arith.constant 0 : i32
        %dma_wait3A_186 = tpu.memref_slice %arg8[%dma_wait3A_174, %dma_wait3A_185] : memref<64x16384xf32, #tpu.memory_space<hbm>> -> memref<1x4096xf32, #tpu.memory_space<hbm>>
        %dma_wait3A_187 = tpu.memref_squeeze %dma_wait3A_186 : memref<1x4096xf32, #tpu.memory_space<hbm>> -> memref<4096xf32, #tpu.memory_space<hbm>>
        tpu.wait_dma2 semaphore(%arg13 : memref<!tpu.dma_semaphore, #tpu.memory_space<semaphore_mem>>) src(%dma_wait3A_187 : memref<4096xf32, #tpu.memory_space<hbm>>) dst(%dma_wait3A_184 : memref<4096xf32, #tpu.memory_space<vmem>>)
        %parallel_loop3A_188 = arith.constant 0 : i32
        %parallel_loop3A_189 = arith.constant 4096 : i32
        %parallel_loop3A_190 = arith.constant 64 : i32
        scf.for %parallel_loop3A_234 = %parallel_loop3A_188 to %parallel_loop3A_189 step %parallel_loop3A_190  : i32 {
          %parallel_loop3A_235 = arith.constant 8192 : i32
          %parallel_loop3A_236 = arith.addi %parallel_loop3A_235, %parallel_loop3A_234 : i32
          %parallel_loop3A_237 = arith.constant 0 : i32
          %parallel_loop3A_238 = arith.addi %parallel_loop3A_236, %parallel_loop3A_237 : i32
          %parallel_loop3A_239 = arith.index_cast %parallel_loop3A_238 : i32 to index
          %parallel_loop3A_240 = tpu.vector_load %arg11[%parallel_loop3A_239] {strides = array<i32>} : memref<16384xi32, #tpu.memory_space<vmem>>, vector<16xi32>,
          %parallel_loop3A_241 = tpu.vector_load_idx %arg10[%parallel_loop3A_240] : memref<100096xf32, #tpu.memory_space<vmem>>[vector<16xi32>], vector<16xf32>,
          %parallel_loop3A_242 = arith.constant 0 : i32
          %parallel_loop3A_243 = arith.addi %parallel_loop3A_234, %parallel_loop3A_242 : i32
          %parallel_loop3A_244 = arith.constant 0 : i32
          %parallel_loop3A_245 = arith.index_cast %parallel_loop3A_244 : i32 to index
          %parallel_loop3A_246 = arith.index_cast %parallel_loop3A_243 : i32 to index
          %parallel_loop3A_247 = tpu.vector_load %arg12[%parallel_loop3A_245, %parallel_loop3A_246] {strides = array<i32>} : memref<2x4096xf32, #tpu.memory_space<vmem>>, vector<16xf32>,
          tpu.vector_store %arg12[%parallel_loop3A_245, %parallel_loop3A_246], %parallel_loop3A_241 {strides = array<i32>} : memref<2x4096xf32, #tpu.memory_space<vmem>>, vector<16xf32>,
          %parallel_loop3A_248 = arith.constant 8192 : i32
          %parallel_loop3A_249 = arith.addi %parallel_loop3A_248, %parallel_loop3A_234 : i32
          %parallel_loop3A_250 = arith.constant 16 : i32
          %parallel_loop3A_251 = arith.addi %parallel_loop3A_249, %parallel_loop3A_250 : i32
          %parallel_loop3A_252 = arith.index_cast %parallel_loop3A_251 : i32 to index
          %parallel_loop3A_253 = tpu.vector_load %arg11[%parallel_loop3A_252] {strides = array<i32>} : memref<16384xi32, #tpu.memory_space<vmem>>, vector<16xi32>,
          %parallel_loop3A_254 = tpu.vector_load_idx %arg10[%parallel_loop3A_253] : memref<100096xf32, #tpu.memory_space<vmem>>[vector<16xi32>], vector<16xf32>,
          %parallel_loop3A_255 = arith.constant 16 : i32
          %parallel_loop3A_256 = arith.addi %parallel_loop3A_234, %parallel_loop3A_255 : i32
          %parallel_loop3A_257 = arith.constant 0 : i32
          %parallel_loop3A_258 = arith.index_cast %parallel_loop3A_257 : i32 to index
          %parallel_loop3A_259 = arith.index_cast %parallel_loop3A_256 : i32 to index
          %parallel_loop3A_260 = tpu.vector_load %arg12[%parallel_loop3A_258, %parallel_loop3A_259] {strides = array<i32>} : memref<2x4096xf32, #tpu.memory_space<vmem>>, vector<16xf32>,
          tpu.vector_store %arg12[%parallel_loop3A_258, %parallel_loop3A_259], %parallel_loop3A_254 {strides = array<i32>} : memref<2x4096xf32, #tpu.memory_space<vmem>>, vector<16xf32>,
          %parallel_loop3A_261 = arith.constant 8192 : i32
          %parallel_loop3A_262 = arith.addi %parallel_loop3A_261, %parallel_loop3A_234 : i32
          %parallel_loop3A_263 = arith.constant 32 : i32
          %parallel_loop3A_264 = arith.addi %parallel_loop3A_262, %parallel_loop3A_263 : i32
          %parallel_loop3A_265 = arith.index_cast %parallel_loop3A_264 : i32 to index
          %parallel_loop3A_266 = tpu.vector_load %arg11[%parallel_loop3A_265] {strides = array<i32>} : memref<16384xi32, #tpu.memory_space<vmem>>, vector<16xi32>,
          %parallel_loop3A_267 = tpu.vector_load_idx %arg10[%parallel_loop3A_266] : memref<100096xf32, #tpu.memory_space<vmem>>[vector<16xi32>], vector<16xf32>,
          %parallel_loop3A_268 = arith.constant 32 : i32
          %parallel_loop3A_269 = arith.addi %parallel_loop3A_234, %parallel_loop3A_268 : i32
          %parallel_loop3A_270 = arith.constant 0 : i32
          %parallel_loop3A_271 = arith.index_cast %parallel_loop3A_270 : i32 to index
          %parallel_loop3A_272 = arith.index_cast %parallel_loop3A_269 : i32 to index
          %parallel_loop3A_273 = tpu.vector_load %arg12[%parallel_loop3A_271, %parallel_loop3A_272] {strides = array<i32>} : memref<2x4096xf32, #tpu.memory_space<vmem>>, vector<16xf32>,
          tpu.vector_store %arg12[%parallel_loop3A_271, %parallel_loop3A_272], %parallel_loop3A_267 {strides = array<i32>} : memref<2x4096xf32, #tpu.memory_space<vmem>>, vector<16xf32>,
          %parallel_loop3A_274 = arith.constant 8192 : i32
          %parallel_loop3A_275 = arith.addi %parallel_loop3A_274, %parallel_loop3A_234 : i32
          %parallel_loop3A_276 = arith.constant 48 : i32
          %parallel_loop3A_277 = arith.addi %parallel_loop3A_275, %parallel_loop3A_276 : i32
          %parallel_loop3A_278 = arith.index_cast %parallel_loop3A_277 : i32 to index
          %parallel_loop3A_279 = tpu.vector_load %arg11[%parallel_loop3A_278] {strides = array<i32>} : memref<16384xi32, #tpu.memory_space<vmem>>, vector<16xi32>,
          %parallel_loop3A_280 = tpu.vector_load_idx %arg10[%parallel_loop3A_279] : memref<100096xf32, #tpu.memory_space<vmem>>[vector<16xi32>], vector<16xf32>,
          %parallel_loop3A_281 = arith.constant 48 : i32
          %parallel_loop3A_282 = arith.addi %parallel_loop3A_234, %parallel_loop3A_281 : i32
          %parallel_loop3A_283 = arith.constant 0 : i32
          %parallel_loop3A_284 = arith.index_cast %parallel_loop3A_283 : i32 to index
          %parallel_loop3A_285 = arith.index_cast %parallel_loop3A_282 : i32 to index
          %parallel_loop3A_286 = tpu.vector_load %arg12[%parallel_loop3A_284, %parallel_loop3A_285] {strides = array<i32>} : memref<2x4096xf32, #tpu.memory_space<vmem>>, vector<16xf32>,
          tpu.vector_store %arg12[%parallel_loop3A_284, %parallel_loop3A_285], %parallel_loop3A_280 {strides = array<i32>} : memref<2x4096xf32, #tpu.memory_space<vmem>>, vector<16xf32>,
        } {sc.loop_unroll_factor = 2 : i64, sc.parallel_access}
        %dma_start3A_191 = arith.constant 0 : i32
        %dma_start3A_192 = arith.constant 0 : i32
        %dma_start3A_193 = tpu.memref_slice %arg12[%dma_start3A_191, %dma_start3A_192] : memref<2x4096xf32, #tpu.memory_space<vmem>> -> memref<1x4096xf32, #tpu.memory_space<vmem>>
        %dma_start3A_194 = tpu.memref_squeeze %dma_start3A_193 : memref<1x4096xf32, #tpu.memory_space<vmem>> -> memref<4096xf32, #tpu.memory_space<vmem>>
        %dma_start3A_195 = arith.constant 8192 : i32
        %dma_start3A_196 = tpu.memref_slice %arg8[%add3A_74, %dma_start3A_195] : memref<64x16384xf32, #tpu.memory_space<hbm>> -> memref<1x4096xf32, #tpu.memory_space<hbm>>
        %dma_start3A_197 = tpu.memref_squeeze %dma_start3A_196 : memref<1x4096xf32, #tpu.memory_space<hbm>> -> memref<4096xf32, #tpu.memory_space<hbm>>
        %dma_start3A_198 = arith.constant 8192 : i32
        %dma_start3A_199 = tpu.memref_slice %arg8[%add3A_74, %dma_start3A_198] : memref<64x16384xf32, #tpu.memory_space<hbm>> -> memref<1x4096xf32, #tpu.memory_space<hbm>>
        %dma_start3A_200 = tpu.memref_squeeze %dma_start3A_199 : memref<1x4096xf32, #tpu.memory_space<hbm>> -> memref<4096xf32, #tpu.memory_space<hbm>>
        %dma_start3A_201 = arith.constant 0 : i32
        %dma_start3A_202 = tpu.memref_slice %arg12[%dma_start3A_191, %dma_start3A_201] : memref<2x4096xf32, #tpu.memory_space<vmem>> -> memref<1x4096xf32, #tpu.memory_space<vmem>>
        %dma_start3A_203 = tpu.memref_squeeze %dma_start3A_202 : memref<1x4096xf32, #tpu.memory_space<vmem>> -> memref<4096xf32, #tpu.memory_space<vmem>>
        tpu.enqueue_dma source(%dma_start3A_203 : memref<4096xf32, #tpu.memory_space<vmem>>) target(%dma_start3A_200 : memref<4096xf32, #tpu.memory_space<hbm>>) target_semaphore(%arg13 : memref<!tpu.dma_semaphore, #tpu.memory_space<semaphore_mem>>)
        %dma_wait3A_204 = arith.constant 0 : i32
        %dma_wait3A_205 = arith.constant 1 : i32
        %dma_wait3A_206 = arith.constant 0 : i32
        %dma_wait3A_207 = tpu.memref_slice %arg12[%dma_wait3A_205, %dma_wait3A_206] : memref<2x4096xf32, #tpu.memory_space<vmem>> -> memref<1x4096xf32, #tpu.memory_space<vmem>>
        %dma_wait3A_208 = tpu.memref_squeeze %dma_wait3A_207 : memref<1x4096xf32, #tpu.memory_space<vmem>> -> memref<4096xf32, #tpu.memory_space<vmem>>
        %dma_wait3A_209 = arith.constant 0 : i32
        %dma_wait3A_210 = tpu.memref_slice %arg8[%dma_wait3A_204, %dma_wait3A_209] : memref<64x16384xf32, #tpu.memory_space<hbm>> -> memref<1x4096xf32, #tpu.memory_space<hbm>>
        %dma_wait3A_211 = tpu.memref_squeeze %dma_wait3A_210 : memref<1x4096xf32, #tpu.memory_space<hbm>> -> memref<4096xf32, #tpu.memory_space<hbm>>
        %dma_wait3A_212 = arith.constant 0 : i32
        %dma_wait3A_213 = tpu.memref_slice %arg12[%dma_wait3A_205, %dma_wait3A_212] : memref<2x4096xf32, #tpu.memory_space<vmem>> -> memref<1x4096xf32, #tpu.memory_space<vmem>>
        %dma_wait3A_214 = tpu.memref_squeeze %dma_wait3A_213 : memref<1x4096xf32, #tpu.memory_space<vmem>> -> memref<4096xf32, #tpu.memory_space<vmem>>
        %dma_wait3A_215 = arith.constant 0 : i32
        %dma_wait3A_216 = tpu.memref_slice %arg8[%dma_wait3A_204, %dma_wait3A_215] : memref<64x16384xf32, #tpu.memory_space<hbm>> -> memref<1x4096xf32, #tpu.memory_space<hbm>>
        %dma_wait3A_217 = tpu.memref_squeeze %dma_wait3A_216 : memref<1x4096xf32, #tpu.memory_space<hbm>> -> memref<4096xf32, #tpu.memory_space<hbm>>
        tpu.wait_dma2 semaphore(%arg13 : memref<!tpu.dma_semaphore, #tpu.memory_space<semaphore_mem>>) src(%dma_wait3A_217 : memref<4096xf32, #tpu.memory_space<hbm>>) dst(%dma_wait3A_214 : memref<4096xf32, #tpu.memory_space<vmem>>)
        %parallel_loop3A_218 = arith.constant 0 : i32
        %parallel_loop3A_219 = arith.constant 4096 : i32
        %parallel_loop3A_220 = arith.constant 64 : i32
        scf.for %parallel_loop3A_234 = %parallel_loop3A_218 to %parallel_loop3A_219 step %parallel_loop3A_220  : i32 {
          %parallel_loop3A_235 = arith.constant 12288 : i32
          %parallel_loop3A_236 = arith.addi %parallel_loop3A_235, %parallel_loop3A_234 : i32
          %parallel_loop3A_237 = arith.constant 0 : i32
          %parallel_loop3A_238 = arith.addi %parallel_loop3A_236, %parallel_loop3A_237 : i32
          %parallel_loop3A_239 = arith.index_cast %parallel_loop3A_238 : i32 to index
          %parallel_loop3A_240 = tpu.vector_load %arg11[%parallel_loop3A_239] {strides = array<i32>} : memref<16384xi32, #tpu.memory_space<vmem>>, vector<16xi32>,
          %parallel_loop3A_241 = tpu.vector_load_idx %arg10[%parallel_loop3A_240] : memref<100096xf32, #tpu.memory_space<vmem>>[vector<16xi32>], vector<16xf32>,
          %parallel_loop3A_242 = arith.constant 0 : i32
          %parallel_loop3A_243 = arith.addi %parallel_loop3A_234, %parallel_loop3A_242 : i32
          %parallel_loop3A_244 = arith.constant 1 : i32
          %parallel_loop3A_245 = arith.index_cast %parallel_loop3A_244 : i32 to index
          %parallel_loop3A_246 = arith.index_cast %parallel_loop3A_243 : i32 to index
          %parallel_loop3A_247 = tpu.vector_load %arg12[%parallel_loop3A_245, %parallel_loop3A_246] {strides = array<i32>} : memref<2x4096xf32, #tpu.memory_space<vmem>>, vector<16xf32>,
          tpu.vector_store %arg12[%parallel_loop3A_245, %parallel_loop3A_246], %parallel_loop3A_241 {strides = array<i32>} : memref<2x4096xf32, #tpu.memory_space<vmem>>, vector<16xf32>,
          %parallel_loop3A_248 = arith.constant 12288 : i32
          %parallel_loop3A_249 = arith.addi %parallel_loop3A_248, %parallel_loop3A_234 : i32
          %parallel_loop3A_250 = arith.constant 16 : i32
          %parallel_loop3A_251 = arith.addi %parallel_loop3A_249, %parallel_loop3A_250 : i32
          %parallel_loop3A_252 = arith.index_cast %parallel_loop3A_251 : i32 to index
          %parallel_loop3A_253 = tpu.vector_load %arg11[%parallel_loop3A_252] {strides = array<i32>} : memref<16384xi32, #tpu.memory_space<vmem>>, vector<16xi32>,
          %parallel_loop3A_254 = tpu.vector_load_idx %arg10[%parallel_loop3A_253] : memref<100096xf32, #tpu.memory_space<vmem>>[vector<16xi32>], vector<16xf32>,
          %parallel_loop3A_255 = arith.constant 16 : i32
          %parallel_loop3A_256 = arith.addi %parallel_loop3A_234, %parallel_loop3A_255 : i32
          %parallel_loop3A_257 = arith.constant 1 : i32
          %parallel_loop3A_258 = arith.index_cast %parallel_loop3A_257 : i32 to index
          %parallel_loop3A_259 = arith.index_cast %parallel_loop3A_256 : i32 to index
          %parallel_loop3A_260 = tpu.vector_load %arg12[%parallel_loop3A_258, %parallel_loop3A_259] {strides = array<i32>} : memref<2x4096xf32, #tpu.memory_space<vmem>>, vector<16xf32>,
          tpu.vector_store %arg12[%parallel_loop3A_258, %parallel_loop3A_259], %parallel_loop3A_254 {strides = array<i32>} : memref<2x4096xf32, #tpu.memory_space<vmem>>, vector<16xf32>,
          %parallel_loop3A_261 = arith.constant 12288 : i32
          %parallel_loop3A_262 = arith.addi %parallel_loop3A_261, %parallel_loop3A_234 : i32
          %parallel_loop3A_263 = arith.constant 32 : i32
          %parallel_loop3A_264 = arith.addi %parallel_loop3A_262, %parallel_loop3A_263 : i32
          %parallel_loop3A_265 = arith.index_cast %parallel_loop3A_264 : i32 to index
          %parallel_loop3A_266 = tpu.vector_load %arg11[%parallel_loop3A_265] {strides = array<i32>} : memref<16384xi32, #tpu.memory_space<vmem>>, vector<16xi32>,
          %parallel_loop3A_267 = tpu.vector_load_idx %arg10[%parallel_loop3A_266] : memref<100096xf32, #tpu.memory_space<vmem>>[vector<16xi32>], vector<16xf32>,
          %parallel_loop3A_268 = arith.constant 32 : i32
          %parallel_loop3A_269 = arith.addi %parallel_loop3A_234, %parallel_loop3A_268 : i32
          %parallel_loop3A_270 = arith.constant 1 : i32
          %parallel_loop3A_271 = arith.index_cast %parallel_loop3A_270 : i32 to index
          %parallel_loop3A_272 = arith.index_cast %parallel_loop3A_269 : i32 to index
          %parallel_loop3A_273 = tpu.vector_load %arg12[%parallel_loop3A_271, %parallel_loop3A_272] {strides = array<i32>} : memref<2x4096xf32, #tpu.memory_space<vmem>>, vector<16xf32>,
          tpu.vector_store %arg12[%parallel_loop3A_271, %parallel_loop3A_272], %parallel_loop3A_267 {strides = array<i32>} : memref<2x4096xf32, #tpu.memory_space<vmem>>, vector<16xf32>,
          %parallel_loop3A_274 = arith.constant 12288 : i32
          %parallel_loop3A_275 = arith.addi %parallel_loop3A_274, %parallel_loop3A_234 : i32
          %parallel_loop3A_276 = arith.constant 48 : i32
          %parallel_loop3A_277 = arith.addi %parallel_loop3A_275, %parallel_loop3A_276 : i32
          %parallel_loop3A_278 = arith.index_cast %parallel_loop3A_277 : i32 to index
          %parallel_loop3A_279 = tpu.vector_load %arg11[%parallel_loop3A_278] {strides = array<i32>} : memref<16384xi32, #tpu.memory_space<vmem>>, vector<16xi32>,
          %parallel_loop3A_280 = tpu.vector_load_idx %arg10[%parallel_loop3A_279] : memref<100096xf32, #tpu.memory_space<vmem>>[vector<16xi32>], vector<16xf32>,
          %parallel_loop3A_281 = arith.constant 48 : i32
          %parallel_loop3A_282 = arith.addi %parallel_loop3A_234, %parallel_loop3A_281 : i32
          %parallel_loop3A_283 = arith.constant 1 : i32
          %parallel_loop3A_284 = arith.index_cast %parallel_loop3A_283 : i32 to index
          %parallel_loop3A_285 = arith.index_cast %parallel_loop3A_282 : i32 to index
          %parallel_loop3A_286 = tpu.vector_load %arg12[%parallel_loop3A_284, %parallel_loop3A_285] {strides = array<i32>} : memref<2x4096xf32, #tpu.memory_space<vmem>>, vector<16xf32>,
          tpu.vector_store %arg12[%parallel_loop3A_284, %parallel_loop3A_285], %parallel_loop3A_280 {strides = array<i32>} : memref<2x4096xf32, #tpu.memory_space<vmem>>, vector<16xf32>,
        } {sc.loop_unroll_factor = 2 : i64, sc.parallel_access}
        %dma_start3A_221 = arith.constant 1 : i32
        %dma_start3A_222 = arith.constant 0 : i32
        %dma_start3A_223 = tpu.memref_slice %arg12[%dma_start3A_221, %dma_start3A_222] : memref<2x4096xf32, #tpu.memory_space<vmem>> -> memref<1x4096xf32, #tpu.memory_space<vmem>>
        %dma_start3A_224 = tpu.memref_squeeze %dma_start3A_223 : memref<1x4096xf32, #tpu.memory_space<vmem>> -> memref<4096xf32, #tpu.memory_space<vmem>>
        %dma_start3A_225 = arith.constant 12288 : i32
        %dma_start3A_226 = tpu.memref_slice %arg8[%add3A_74, %dma_start3A_225] : memref<64x16384xf32, #tpu.memory_space<hbm>> -> memref<1x4096xf32, #tpu.memory_space<hbm>>
        %dma_start3A_227 = tpu.memref_squeeze %dma_start3A_226 : memref<1x4096xf32, #tpu.memory_space<hbm>> -> memref<4096xf32, #tpu.memory_space<hbm>>
        %dma_start3A_228 = arith.constant 12288 : i32
        %dma_start3A_229 = tpu.memref_slice %arg8[%add3A_74, %dma_start3A_228] : memref<64x16384xf32, #tpu.memory_space<hbm>> -> memref<1x4096xf32, #tpu.memory_space<hbm>>
        %dma_start3A_230 = tpu.memref_squeeze %dma_start3A_229 : memref<1x4096xf32, #tpu.memory_space<hbm>> -> memref<4096xf32, #tpu.memory_space<hbm>>
        %dma_start3A_231 = arith.constant 0 : i32
        %dma_start3A_232 = tpu.memref_slice %arg12[%dma_start3A_221, %dma_start3A_231] : memref<2x4096xf32, #tpu.memory_space<vmem>> -> memref<1x4096xf32, #tpu.memory_space<vmem>>
        %dma_start3A_233 = tpu.memref_squeeze %dma_start3A_232 : memref<1x4096xf32, #tpu.memory_space<vmem>> -> memref<4096xf32, #tpu.memory_space<vmem>>
        tpu.enqueue_dma source(%dma_start3A_233 : memref<4096xf32, #tpu.memory_space<vmem>>) target(%dma_start3A_230 : memref<4096xf32, #tpu.memory_space<hbm>>) target_semaphore(%arg13 : memref<!tpu.dma_semaphore, #tpu.memory_space<semaphore_mem>>)
      }
      %scan3A_45 = arith.constant 4 : i32
      %dma_wait3A = arith.constant 0 : i32
      %dma_wait3A_46 = arith.constant 0 : i32
      %dma_wait3A_47 = arith.constant 0 : i32
      %dma_wait3A_48 = tpu.memref_slice %arg12[%dma_wait3A_46, %dma_wait3A_47] : memref<2x4096xf32, #tpu.memory_space<vmem>> -> memref<1x4096xf32, #tpu.memory_space<vmem>>
      %dma_wait3A_49 = tpu.memref_squeeze %dma_wait3A_48 : memref<1x4096xf32, #tpu.memory_space<vmem>> -> memref<4096xf32, #tpu.memory_space<vmem>>
      %dma_wait3A_50 = arith.constant 0 : i32
      %dma_wait3A_51 = tpu.memref_slice %arg8[%dma_wait3A, %dma_wait3A_50] : memref<64x16384xf32, #tpu.memory_space<hbm>> -> memref<1x4096xf32, #tpu.memory_space<hbm>>
      %dma_wait3A_52 = tpu.memref_squeeze %dma_wait3A_51 : memref<1x4096xf32, #tpu.memory_space<hbm>> -> memref<4096xf32, #tpu.memory_space<hbm>>
      %dma_wait3A_53 = arith.constant 0 : i32
      %dma_wait3A_54 = tpu.memref_slice %arg12[%dma_wait3A_46, %dma_wait3A_53] : memref<2x4096xf32, #tpu.memory_space<vmem>> -> memref<1x4096xf32, #tpu.memory_space<vmem>>
      %dma_wait3A_55 = tpu.memref_squeeze %dma_wait3A_54 : memref<1x4096xf32, #tpu.memory_space<vmem>> -> memref<4096xf32, #tpu.memory_space<vmem>>
      %dma_wait3A_56 = arith.constant 0 : i32
      %dma_wait3A_57 = tpu.memref_slice %arg8[%dma_wait3A, %dma_wait3A_56] : memref<64x16384xf32, #tpu.memory_space<hbm>> -> memref<1x4096xf32, #tpu.memory_space<hbm>>
      %dma_wait3A_58 = tpu.memref_squeeze %dma_wait3A_57 : memref<1x4096xf32, #tpu.memory_space<hbm>> -> memref<4096xf32, #tpu.memory_space<hbm>>
      tpu.wait_dma2 semaphore(%arg13 : memref<!tpu.dma_semaphore, #tpu.memory_space<semaphore_mem>>) src(%dma_wait3A_58 : memref<4096xf32, #tpu.memory_space<hbm>>) dst(%dma_wait3A_55 : memref<4096xf32, #tpu.memory_space<vmem>>)
      %dma_wait3A_59 = arith.constant 0 : i32
      %dma_wait3A_60 = arith.constant 1 : i32
      %dma_wait3A_61 = arith.constant 0 : i32
      %dma_wait3A_62 = tpu.memref_slice %arg12[%dma_wait3A_60, %dma_wait3A_61] : memref<2x4096xf32, #tpu.memory_space<vmem>> -> memref<1x4096xf32, #tpu.memory_space<vmem>>
      %dma_wait3A_63 = tpu.memref_squeeze %dma_wait3A_62 : memref<1x4096xf32, #tpu.memory_space<vmem>> -> memref<4096xf32, #tpu.memory_space<vmem>>
      %dma_wait3A_64 = arith.constant 0 : i32
      %dma_wait3A_65 = tpu.memref_slice %arg8[%dma_wait3A_59, %dma_wait3A_64] : memref<64x16384xf32, #tpu.memory_space<hbm>> -> memref<1x4096xf32, #tpu.memory_space<hbm>>
      %dma_wait3A_66 = tpu.memref_squeeze %dma_wait3A_65 : memref<1x4096xf32, #tpu.memory_space<hbm>> -> memref<4096xf32, #tpu.memory_space<hbm>>
      %dma_wait3A_67 = arith.constant 0 : i32
      %dma_wait3A_68 = tpu.memref_slice %arg12[%dma_wait3A_60, %dma_wait3A_67] : memref<2x4096xf32, #tpu.memory_space<vmem>> -> memref<1x4096xf32, #tpu.memory_space<vmem>>
      %dma_wait3A_69 = tpu.memref_squeeze %dma_wait3A_68 : memref<1x4096xf32, #tpu.memory_space<vmem>> -> memref<4096xf32, #tpu.memory_space<vmem>>
      %dma_wait3A_70 = arith.constant 0 : i32
      %dma_wait3A_71 = tpu.memref_slice %arg8[%dma_wait3A_59, %dma_wait3A_70] : memref<64x16384xf32, #tpu.memory_space<hbm>> -> memref<1x4096xf32, #tpu.memory_space<hbm>>
      %dma_wait3A_72 = tpu.memref_squeeze %dma_wait3A_71 : memref<1x4096xf32, #tpu.memory_space<hbm>> -> memref<4096xf32, #tpu.memory_space<hbm>>
      tpu.wait_dma2 semaphore(%arg13 : memref<!tpu.dma_semaphore, #tpu.memory_space<semaphore_mem>>) src(%dma_wait3A_72 : memref<4096xf32, #tpu.memory_space<hbm>>) dst(%dma_wait3A_69 : memref<4096xf32, #tpu.memory_space<vmem>>)
    } else {
    }
    %eq3A_36 = arith.constant 1 : i32
    %eq3A_37 = arith.cmpi eq, %select_n3A, %eq3A_36 : i32
    %convert_element_type3A_38 = arith.extui %eq3A_37 : i1 to i32
    %cond3A_39 = arith.constant 0 : i32
    %cond3A_40 = arith.cmpi ne, %convert_element_type3A_38, %cond3A_39 : i32
    scf.if %cond3A_40 {
      "tpu.region"() ({
        %run_scoped3A = tpu.sem_alloc : memref<!tpu.dma_semaphore, #tpu.memory_space<semaphore_mem>>
        tpu.enqueue_dma source(%arg3 : memref<16384xi32, #tpu.memory_space<hbm>>) target(%arg11 : memref<16384xi32, #tpu.memory_space<vmem>>) target_semaphore(%run_scoped3A : memref<!tpu.dma_semaphore, #tpu.memory_space<semaphore_mem>>)
        tpu.wait_dma2 semaphore(%run_scoped3A : memref<!tpu.dma_semaphore, #tpu.memory_space<semaphore_mem>>) src(%arg3 : memref<16384xi32, #tpu.memory_space<hbm>>) dst(%arg11 : memref<16384xi32, #tpu.memory_space<vmem>>)
        tpu.yield
      }) : () -> ()
      %scan3A = arith.constant 0 : i32
      %scan3A_41 = arith.constant 0 : i32
      %scan3A_42 = arith.constant 4 : i32
      %scan3A_43 = arith.addi %scan3A_41, %scan3A_42 : i32
      %scan3A_44 = arith.constant 1 : i32
      scf.for %scan3A_73 = %scan3A_41 to %scan3A_43 step %scan3A_44  : i32 {
        %add3A_74 = arith.addi %mul3A_32, %scan3A_73 : i32
        %dma_start3A = arith.constant 0 : i32
        %dma_start3A_75 = tpu.memref_slice %arg10[%dma_start3A] : memref<100096xf32, #tpu.memory_space<vmem>> -> memref<49920xf32, #tpu.memory_space<vmem>>
        %dma_start3A_76 = arith.constant 0 : i32
        %dma_start3A_77 = tpu.memref_slice %arg5[%add3A_74, %dma_start3A_76] : memref<64x100000xf32, #tpu.memory_space<hbm>> -> memref<1x49920xf32, #tpu.memory_space<hbm>>
        %dma_start3A_78 = tpu.memref_squeeze %dma_start3A_77 : memref<1x49920xf32, #tpu.memory_space<hbm>> -> memref<49920xf32, #tpu.memory_space<hbm>>
        %dma_start3A_79 = arith.constant 0 : i32
        %dma_start3A_80 = tpu.memref_slice %arg10[%dma_start3A_79] : memref<100096xf32, #tpu.memory_space<vmem>> -> memref<49920xf32, #tpu.memory_space<vmem>>
        %dma_start3A_81 = arith.constant 0 : i32
        %dma_start3A_82 = tpu.memref_slice %arg5[%add3A_74, %dma_start3A_81] : memref<64x100000xf32, #tpu.memory_space<hbm>> -> memref<1x49920xf32, #tpu.memory_space<hbm>>
        %dma_start3A_83 = tpu.memref_squeeze %dma_start3A_82 : memref<1x49920xf32, #tpu.memory_space<hbm>> -> memref<49920xf32, #tpu.memory_space<hbm>>
        tpu.enqueue_dma source(%dma_start3A_83 : memref<49920xf32, #tpu.memory_space<hbm>>) target(%dma_start3A_80 : memref<49920xf32, #tpu.memory_space<vmem>>) target_semaphore(%arg14 : memref<!tpu.dma_semaphore, #tpu.memory_space<semaphore_mem>>)
        %dma_start3A_84 = arith.constant 49920 : i32
        %dma_start3A_85 = tpu.memref_slice %arg10[%dma_start3A_84] : memref<100096xf32, #tpu.memory_space<vmem>> -> memref<50048xf32, #tpu.memory_space<vmem>>
        %dma_start3A_86 = arith.constant 49920 : i32
        %dma_start3A_87 = tpu.memref_slice %arg5[%add3A_74, %dma_start3A_86] : memref<64x100000xf32, #tpu.memory_space<hbm>> -> memref<1x50048xf32, #tpu.memory_space<hbm>>
        %dma_start3A_88 = tpu.memref_squeeze %dma_start3A_87 : memref<1x50048xf32, #tpu.memory_space<hbm>> -> memref<50048xf32, #tpu.memory_space<hbm>>
        %dma_start3A_89 = arith.constant 49920 : i32
        %dma_start3A_90 = tpu.memref_slice %arg10[%dma_start3A_89] : memref<100096xf32, #tpu.memory_space<vmem>> -> memref<50048xf32, #tpu.memory_space<vmem>>
        %dma_start3A_91 = arith.constant 49920 : i32
        %dma_start3A_92 = tpu.memref_slice %arg5[%add3A_74, %dma_start3A_91] : memref<64x100000xf32, #tpu.memory_space<hbm>> -> memref<1x50048xf32, #tpu.memory_space<hbm>>
        %dma_start3A_93 = tpu.memref_squeeze %dma_start3A_92 : memref<1x50048xf32, #tpu.memory_space<hbm>> -> memref<50048xf32, #tpu.memory_space<hbm>>
        tpu.enqueue_dma source(%dma_start3A_93 : memref<50048xf32, #tpu.memory_space<hbm>>) target(%dma_start3A_90 : memref<50048xf32, #tpu.memory_space<vmem>>) target_semaphore(%arg14 : memref<!tpu.dma_semaphore, #tpu.memory_space<semaphore_mem>>)
        %dma_start3A_94 = arith.constant 99968 : i32
        %dma_start3A_95 = tpu.memref_slice %arg10[%dma_start3A_94] : memref<100096xf32, #tpu.memory_space<vmem>> -> memref<128xf32, #tpu.memory_space<vmem>>
        %dma_start3A_96 = arith.constant 0 : i32
        %dma_start3A_97 = tpu.memref_slice %arg7[%add3A_74, %dma_start3A_96] : memref<64x128xf32, #tpu.memory_space<hbm>> -> memref<1x128xf32, #tpu.memory_space<hbm>>
        %dma_start3A_98 = tpu.memref_squeeze %dma_start3A_97 : memref<1x128xf32, #tpu.memory_space<hbm>> -> memref<128xf32, #tpu.memory_space<hbm>>
        %dma_start3A_99 = arith.constant 99968 : i32
        %dma_start3A_100 = tpu.memref_slice %arg10[%dma_start3A_99] : memref<100096xf32, #tpu.memory_space<vmem>> -> memref<128xf32, #tpu.memory_space<vmem>>
        %dma_start3A_101 = arith.constant 0 : i32
        %dma_start3A_102 = tpu.memref_slice %arg7[%add3A_74, %dma_start3A_101] : memref<64x128xf32, #tpu.memory_space<hbm>> -> memref<1x128xf32, #tpu.memory_space<hbm>>
        %dma_start3A_103 = tpu.memref_squeeze %dma_start3A_102 : memref<1x128xf32, #tpu.memory_space<hbm>> -> memref<128xf32, #tpu.memory_space<hbm>>
        tpu.enqueue_dma source(%dma_start3A_103 : memref<128xf32, #tpu.memory_space<hbm>>) target(%dma_start3A_100 : memref<128xf32, #tpu.memory_space<vmem>>) target_semaphore(%arg14 : memref<!tpu.dma_semaphore, #tpu.memory_space<semaphore_mem>>)
        %dma_wait3A_104 = arith.constant 0 : i32
        %dma_wait3A_105 = tpu.memref_slice %arg10[%dma_wait3A_104] : memref<100096xf32, #tpu.memory_space<vmem>> -> memref<49920xf32, #tpu.memory_space<vmem>>
        %dma_wait3A_106 = arith.constant 0 : i32
        %dma_wait3A_107 = tpu.memref_slice %arg5[%add3A_74, %dma_wait3A_106] : memref<64x100000xf32, #tpu.memory_space<hbm>> -> memref<1x49920xf32, #tpu.memory_space<hbm>>
        %dma_wait3A_108 = tpu.memref_squeeze %dma_wait3A_107 : memref<1x49920xf32, #tpu.memory_space<hbm>> -> memref<49920xf32, #tpu.memory_space<hbm>>
        %dma_wait3A_109 = arith.constant 0 : i32
        %dma_wait3A_110 = tpu.memref_slice %arg10[%dma_wait3A_109] : memref<100096xf32, #tpu.memory_space<vmem>> -> memref<49920xf32, #tpu.memory_space<vmem>>
        %dma_wait3A_111 = arith.constant 0 : i32
        %dma_wait3A_112 = tpu.memref_slice %arg5[%add3A_74, %dma_wait3A_111] : memref<64x100000xf32, #tpu.memory_space<hbm>> -> memref<1x49920xf32, #tpu.memory_space<hbm>>
        %dma_wait3A_113 = tpu.memref_squeeze %dma_wait3A_112 : memref<1x49920xf32, #tpu.memory_space<hbm>> -> memref<49920xf32, #tpu.memory_space<hbm>>
        tpu.wait_dma2 semaphore(%arg14 : memref<!tpu.dma_semaphore, #tpu.memory_space<semaphore_mem>>) src(%dma_wait3A_113 : memref<49920xf32, #tpu.memory_space<hbm>>) dst(%dma_wait3A_110 : memref<49920xf32, #tpu.memory_space<vmem>>)
        %dma_wait3A_114 = arith.constant 49920 : i32
        %dma_wait3A_115 = tpu.memref_slice %arg10[%dma_wait3A_114] : memref<100096xf32, #tpu.memory_space<vmem>> -> memref<50048xf32, #tpu.memory_space<vmem>>
        %dma_wait3A_116 = arith.constant 49920 : i32
        %dma_wait3A_117 = tpu.memref_slice %arg5[%add3A_74, %dma_wait3A_116] : memref<64x100000xf32, #tpu.memory_space<hbm>> -> memref<1x50048xf32, #tpu.memory_space<hbm>>
        %dma_wait3A_118 = tpu.memref_squeeze %dma_wait3A_117 : memref<1x50048xf32, #tpu.memory_space<hbm>> -> memref<50048xf32, #tpu.memory_space<hbm>>
        %dma_wait3A_119 = arith.constant 49920 : i32
        %dma_wait3A_120 = tpu.memref_slice %arg10[%dma_wait3A_119] : memref<100096xf32, #tpu.memory_space<vmem>> -> memref<50048xf32, #tpu.memory_space<vmem>>
        %dma_wait3A_121 = arith.constant 49920 : i32
        %dma_wait3A_122 = tpu.memref_slice %arg5[%add3A_74, %dma_wait3A_121] : memref<64x100000xf32, #tpu.memory_space<hbm>> -> memref<1x50048xf32, #tpu.memory_space<hbm>>
        %dma_wait3A_123 = tpu.memref_squeeze %dma_wait3A_122 : memref<1x50048xf32, #tpu.memory_space<hbm>> -> memref<50048xf32, #tpu.memory_space<hbm>>
        tpu.wait_dma2 semaphore(%arg14 : memref<!tpu.dma_semaphore, #tpu.memory_space<semaphore_mem>>) src(%dma_wait3A_123 : memref<50048xf32, #tpu.memory_space<hbm>>) dst(%dma_wait3A_120 : memref<50048xf32, #tpu.memory_space<vmem>>)
        %dma_wait3A_124 = arith.constant 99968 : i32
        %dma_wait3A_125 = tpu.memref_slice %arg10[%dma_wait3A_124] : memref<100096xf32, #tpu.memory_space<vmem>> -> memref<128xf32, #tpu.memory_space<vmem>>
        %dma_wait3A_126 = arith.constant 0 : i32
        %dma_wait3A_127 = tpu.memref_slice %arg7[%add3A_74, %dma_wait3A_126] : memref<64x128xf32, #tpu.memory_space<hbm>> -> memref<1x128xf32, #tpu.memory_space<hbm>>
        %dma_wait3A_128 = tpu.memref_squeeze %dma_wait3A_127 : memref<1x128xf32, #tpu.memory_space<hbm>> -> memref<128xf32, #tpu.memory_space<hbm>>
        %dma_wait3A_129 = arith.constant 99968 : i32
        %dma_wait3A_130 = tpu.memref_slice %arg10[%dma_wait3A_129] : memref<100096xf32, #tpu.memory_space<vmem>> -> memref<128xf32, #tpu.memory_space<vmem>>
        %dma_wait3A_131 = arith.constant 0 : i32
        %dma_wait3A_132 = tpu.memref_slice %arg7[%add3A_74, %dma_wait3A_131] : memref<64x128xf32, #tpu.memory_space<hbm>> -> memref<1x128xf32, #tpu.memory_space<hbm>>
        %dma_wait3A_133 = tpu.memref_squeeze %dma_wait3A_132 : memref<1x128xf32, #tpu.memory_space<hbm>> -> memref<128xf32, #tpu.memory_space<hbm>>
        tpu.wait_dma2 semaphore(%arg14 : memref<!tpu.dma_semaphore, #tpu.memory_space<semaphore_mem>>) src(%dma_wait3A_133 : memref<128xf32, #tpu.memory_space<hbm>>) dst(%dma_wait3A_130 : memref<128xf32, #tpu.memory_space<vmem>>)
        %gt3A = arith.constant 0 : i32
        %gt3A_134 = arith.cmpi sgt, %scan3A_73, %gt3A : i32
        %convert_element_type3A_135 = arith.extui %gt3A_134 : i1 to i32
        %cond3A_136 = arith.constant 0 : i32
        %cond3A_137 = arith.cmpi ne, %convert_element_type3A_135, %cond3A_136 : i32
        scf.if %cond3A_137 {
          %dma_wait3A_234 = arith.constant 0 : i32
          %dma_wait3A_235 = arith.constant 0 : i32
          %dma_wait3A_236 = arith.constant 0 : i32
          %dma_wait3A_237 = tpu.memref_slice %arg12[%dma_wait3A_235, %dma_wait3A_236] : memref<2x4096xf32, #tpu.memory_space<vmem>> -> memref<1x4096xf32, #tpu.memory_space<vmem>>
          %dma_wait3A_238 = tpu.memref_squeeze %dma_wait3A_237 : memref<1x4096xf32, #tpu.memory_space<vmem>> -> memref<4096xf32, #tpu.memory_space<vmem>>
          %dma_wait3A_239 = arith.constant 0 : i32
          %dma_wait3A_240 = tpu.memref_slice %arg9[%dma_wait3A_234, %dma_wait3A_239] : memref<64x16384xf32, #tpu.memory_space<hbm>> -> memref<1x4096xf32, #tpu.memory_space<hbm>>
          %dma_wait3A_241 = tpu.memref_squeeze %dma_wait3A_240 : memref<1x4096xf32, #tpu.memory_space<hbm>> -> memref<4096xf32, #tpu.memory_space<hbm>>
          %dma_wait3A_242 = arith.constant 0 : i32
          %dma_wait3A_243 = tpu.memref_slice %arg12[%dma_wait3A_235, %dma_wait3A_242] : memref<2x4096xf32, #tpu.memory_space<vmem>> -> memref<1x4096xf32, #tpu.memory_space<vmem>>
          %dma_wait3A_244 = tpu.memref_squeeze %dma_wait3A_243 : memref<1x4096xf32, #tpu.memory_space<vmem>> -> memref<4096xf32, #tpu.memory_space<vmem>>
          %dma_wait3A_245 = arith.constant 0 : i32
          %dma_wait3A_246 = tpu.memref_slice %arg9[%dma_wait3A_234, %dma_wait3A_245] : memref<64x16384xf32, #tpu.memory_space<hbm>> -> memref<1x4096xf32, #tpu.memory_space<hbm>>
          %dma_wait3A_247 = tpu.memref_squeeze %dma_wait3A_246 : memref<1x4096xf32, #tpu.memory_space<hbm>> -> memref<4096xf32, #tpu.memory_space<hbm>>
          tpu.wait_dma2 semaphore(%arg13 : memref<!tpu.dma_semaphore, #tpu.memory_space<semaphore_mem>>) src(%dma_wait3A_247 : memref<4096xf32, #tpu.memory_space<hbm>>) dst(%dma_wait3A_244 : memref<4096xf32, #tpu.memory_space<vmem>>)
        } else {
        }
        %parallel_loop3A = arith.constant 0 : i32
        %parallel_loop3A_138 = arith.constant 4096 : i32
        %parallel_loop3A_139 = arith.constant 64 : i32
        scf.for %parallel_loop3A_234 = %parallel_loop3A to %parallel_loop3A_138 step %parallel_loop3A_139  : i32 {
          %parallel_loop3A_235 = arith.constant 0 : i32
          %parallel_loop3A_236 = arith.addi %parallel_loop3A_235, %parallel_loop3A_234 : i32
          %parallel_loop3A_237 = arith.constant 0 : i32
          %parallel_loop3A_238 = arith.addi %parallel_loop3A_236, %parallel_loop3A_237 : i32
          %parallel_loop3A_239 = arith.index_cast %parallel_loop3A_238 : i32 to index
          %parallel_loop3A_240 = tpu.vector_load %arg11[%parallel_loop3A_239] {strides = array<i32>} : memref<16384xi32, #tpu.memory_space<vmem>>, vector<16xi32>,
          %parallel_loop3A_241 = tpu.vector_load_idx %arg10[%parallel_loop3A_240] : memref<100096xf32, #tpu.memory_space<vmem>>[vector<16xi32>], vector<16xf32>,
          %parallel_loop3A_242 = arith.constant 0 : i32
          %parallel_loop3A_243 = arith.addi %parallel_loop3A_234, %parallel_loop3A_242 : i32
          %parallel_loop3A_244 = arith.constant 0 : i32
          %parallel_loop3A_245 = arith.index_cast %parallel_loop3A_244 : i32 to index
          %parallel_loop3A_246 = arith.index_cast %parallel_loop3A_243 : i32 to index
          %parallel_loop3A_247 = tpu.vector_load %arg12[%parallel_loop3A_245, %parallel_loop3A_246] {strides = array<i32>} : memref<2x4096xf32, #tpu.memory_space<vmem>>, vector<16xf32>,
          tpu.vector_store %arg12[%parallel_loop3A_245, %parallel_loop3A_246], %parallel_loop3A_241 {strides = array<i32>} : memref<2x4096xf32, #tpu.memory_space<vmem>>, vector<16xf32>,
          %parallel_loop3A_248 = arith.constant 0 : i32
          %parallel_loop3A_249 = arith.addi %parallel_loop3A_248, %parallel_loop3A_234 : i32
          %parallel_loop3A_250 = arith.constant 16 : i32
          %parallel_loop3A_251 = arith.addi %parallel_loop3A_249, %parallel_loop3A_250 : i32
          %parallel_loop3A_252 = arith.index_cast %parallel_loop3A_251 : i32 to index
          %parallel_loop3A_253 = tpu.vector_load %arg11[%parallel_loop3A_252] {strides = array<i32>} : memref<16384xi32, #tpu.memory_space<vmem>>, vector<16xi32>,
          %parallel_loop3A_254 = tpu.vector_load_idx %arg10[%parallel_loop3A_253] : memref<100096xf32, #tpu.memory_space<vmem>>[vector<16xi32>], vector<16xf32>,
          %parallel_loop3A_255 = arith.constant 16 : i32
          %parallel_loop3A_256 = arith.addi %parallel_loop3A_234, %parallel_loop3A_255 : i32
          %parallel_loop3A_257 = arith.constant 0 : i32
          %parallel_loop3A_258 = arith.index_cast %parallel_loop3A_257 : i32 to index
          %parallel_loop3A_259 = arith.index_cast %parallel_loop3A_256 : i32 to index
          %parallel_loop3A_260 = tpu.vector_load %arg12[%parallel_loop3A_258, %parallel_loop3A_259] {strides = array<i32>} : memref<2x4096xf32, #tpu.memory_space<vmem>>, vector<16xf32>,
          tpu.vector_store %arg12[%parallel_loop3A_258, %parallel_loop3A_259], %parallel_loop3A_254 {strides = array<i32>} : memref<2x4096xf32, #tpu.memory_space<vmem>>, vector<16xf32>,
          %parallel_loop3A_261 = arith.constant 0 : i32
          %parallel_loop3A_262 = arith.addi %parallel_loop3A_261, %parallel_loop3A_234 : i32
          %parallel_loop3A_263 = arith.constant 32 : i32
          %parallel_loop3A_264 = arith.addi %parallel_loop3A_262, %parallel_loop3A_263 : i32
          %parallel_loop3A_265 = arith.index_cast %parallel_loop3A_264 : i32 to index
          %parallel_loop3A_266 = tpu.vector_load %arg11[%parallel_loop3A_265] {strides = array<i32>} : memref<16384xi32, #tpu.memory_space<vmem>>, vector<16xi32>,
          %parallel_loop3A_267 = tpu.vector_load_idx %arg10[%parallel_loop3A_266] : memref<100096xf32, #tpu.memory_space<vmem>>[vector<16xi32>], vector<16xf32>,
          %parallel_loop3A_268 = arith.constant 32 : i32
          %parallel_loop3A_269 = arith.addi %parallel_loop3A_234, %parallel_loop3A_268 : i32
          %parallel_loop3A_270 = arith.constant 0 : i32
          %parallel_loop3A_271 = arith.index_cast %parallel_loop3A_270 : i32 to index
          %parallel_loop3A_272 = arith.index_cast %parallel_loop3A_269 : i32 to index
          %parallel_loop3A_273 = tpu.vector_load %arg12[%parallel_loop3A_271, %parallel_loop3A_272] {strides = array<i32>} : memref<2x4096xf32, #tpu.memory_space<vmem>>, vector<16xf32>,
          tpu.vector_store %arg12[%parallel_loop3A_271, %parallel_loop3A_272], %parallel_loop3A_267 {strides = array<i32>} : memref<2x4096xf32, #tpu.memory_space<vmem>>, vector<16xf32>,
          %parallel_loop3A_274 = arith.constant 0 : i32
          %parallel_loop3A_275 = arith.addi %parallel_loop3A_274, %parallel_loop3A_234 : i32
          %parallel_loop3A_276 = arith.constant 48 : i32
          %parallel_loop3A_277 = arith.addi %parallel_loop3A_275, %parallel_loop3A_276 : i32
          %parallel_loop3A_278 = arith.index_cast %parallel_loop3A_277 : i32 to index
          %parallel_loop3A_279 = tpu.vector_load %arg11[%parallel_loop3A_278] {strides = array<i32>} : memref<16384xi32, #tpu.memory_space<vmem>>, vector<16xi32>,
          %parallel_loop3A_280 = tpu.vector_load_idx %arg10[%parallel_loop3A_279] : memref<100096xf32, #tpu.memory_space<vmem>>[vector<16xi32>], vector<16xf32>,
          %parallel_loop3A_281 = arith.constant 48 : i32
          %parallel_loop3A_282 = arith.addi %parallel_loop3A_234, %parallel_loop3A_281 : i32
          %parallel_loop3A_283 = arith.constant 0 : i32
          %parallel_loop3A_284 = arith.index_cast %parallel_loop3A_283 : i32 to index
          %parallel_loop3A_285 = arith.index_cast %parallel_loop3A_282 : i32 to index
          %parallel_loop3A_286 = tpu.vector_load %arg12[%parallel_loop3A_284, %parallel_loop3A_285] {strides = array<i32>} : memref<2x4096xf32, #tpu.memory_space<vmem>>, vector<16xf32>,
          tpu.vector_store %arg12[%parallel_loop3A_284, %parallel_loop3A_285], %parallel_loop3A_280 {strides = array<i32>} : memref<2x4096xf32, #tpu.memory_space<vmem>>, vector<16xf32>,
        } {sc.loop_unroll_factor = 2 : i64, sc.parallel_access}
        %dma_start3A_140 = arith.constant 0 : i32
        %dma_start3A_141 = arith.constant 0 : i32
        %dma_start3A_142 = tpu.memref_slice %arg12[%dma_start3A_140, %dma_start3A_141] : memref<2x4096xf32, #tpu.memory_space<vmem>> -> memref<1x4096xf32, #tpu.memory_space<vmem>>
        %dma_start3A_143 = tpu.memref_squeeze %dma_start3A_142 : memref<1x4096xf32, #tpu.memory_space<vmem>> -> memref<4096xf32, #tpu.memory_space<vmem>>
        %dma_start3A_144 = arith.constant 0 : i32
        %dma_start3A_145 = tpu.memref_slice %arg9[%add3A_74, %dma_start3A_144] : memref<64x16384xf32, #tpu.memory_space<hbm>> -> memref<1x4096xf32, #tpu.memory_space<hbm>>
        %dma_start3A_146 = tpu.memref_squeeze %dma_start3A_145 : memref<1x4096xf32, #tpu.memory_space<hbm>> -> memref<4096xf32, #tpu.memory_space<hbm>>
        %dma_start3A_147 = arith.constant 0 : i32
        %dma_start3A_148 = tpu.memref_slice %arg9[%add3A_74, %dma_start3A_147] : memref<64x16384xf32, #tpu.memory_space<hbm>> -> memref<1x4096xf32, #tpu.memory_space<hbm>>
        %dma_start3A_149 = tpu.memref_squeeze %dma_start3A_148 : memref<1x4096xf32, #tpu.memory_space<hbm>> -> memref<4096xf32, #tpu.memory_space<hbm>>
        %dma_start3A_150 = arith.constant 0 : i32
        %dma_start3A_151 = tpu.memref_slice %arg12[%dma_start3A_140, %dma_start3A_150] : memref<2x4096xf32, #tpu.memory_space<vmem>> -> memref<1x4096xf32, #tpu.memory_space<vmem>>
        %dma_start3A_152 = tpu.memref_squeeze %dma_start3A_151 : memref<1x4096xf32, #tpu.memory_space<vmem>> -> memref<4096xf32, #tpu.memory_space<vmem>>
        tpu.enqueue_dma source(%dma_start3A_152 : memref<4096xf32, #tpu.memory_space<vmem>>) target(%dma_start3A_149 : memref<4096xf32, #tpu.memory_space<hbm>>) target_semaphore(%arg13 : memref<!tpu.dma_semaphore, #tpu.memory_space<semaphore_mem>>)
        %gt3A_153 = arith.constant 0 : i32
        %gt3A_154 = arith.cmpi sgt, %scan3A_73, %gt3A_153 : i32
        %convert_element_type3A_155 = arith.extui %gt3A_154 : i1 to i32
        %cond3A_156 = arith.constant 0 : i32
        %cond3A_157 = arith.cmpi ne, %convert_element_type3A_155, %cond3A_156 : i32
        scf.if %cond3A_157 {
          %dma_wait3A_234 = arith.constant 0 : i32
          %dma_wait3A_235 = arith.constant 1 : i32
          %dma_wait3A_236 = arith.constant 0 : i32
          %dma_wait3A_237 = tpu.memref_slice %arg12[%dma_wait3A_235, %dma_wait3A_236] : memref<2x4096xf32, #tpu.memory_space<vmem>> -> memref<1x4096xf32, #tpu.memory_space<vmem>>
          %dma_wait3A_238 = tpu.memref_squeeze %dma_wait3A_237 : memref<1x4096xf32, #tpu.memory_space<vmem>> -> memref<4096xf32, #tpu.memory_space<vmem>>
          %dma_wait3A_239 = arith.constant 0 : i32
          %dma_wait3A_240 = tpu.memref_slice %arg9[%dma_wait3A_234, %dma_wait3A_239] : memref<64x16384xf32, #tpu.memory_space<hbm>> -> memref<1x4096xf32, #tpu.memory_space<hbm>>
          %dma_wait3A_241 = tpu.memref_squeeze %dma_wait3A_240 : memref<1x4096xf32, #tpu.memory_space<hbm>> -> memref<4096xf32, #tpu.memory_space<hbm>>
          %dma_wait3A_242 = arith.constant 0 : i32
          %dma_wait3A_243 = tpu.memref_slice %arg12[%dma_wait3A_235, %dma_wait3A_242] : memref<2x4096xf32, #tpu.memory_space<vmem>> -> memref<1x4096xf32, #tpu.memory_space<vmem>>
          %dma_wait3A_244 = tpu.memref_squeeze %dma_wait3A_243 : memref<1x4096xf32, #tpu.memory_space<vmem>> -> memref<4096xf32, #tpu.memory_space<vmem>>
          %dma_wait3A_245 = arith.constant 0 : i32
          %dma_wait3A_246 = tpu.memref_slice %arg9[%dma_wait3A_234, %dma_wait3A_245] : memref<64x16384xf32, #tpu.memory_space<hbm>> -> memref<1x4096xf32, #tpu.memory_space<hbm>>
          %dma_wait3A_247 = tpu.memref_squeeze %dma_wait3A_246 : memref<1x4096xf32, #tpu.memory_space<hbm>> -> memref<4096xf32, #tpu.memory_space<hbm>>
          tpu.wait_dma2 semaphore(%arg13 : memref<!tpu.dma_semaphore, #tpu.memory_space<semaphore_mem>>) src(%dma_wait3A_247 : memref<4096xf32, #tpu.memory_space<hbm>>) dst(%dma_wait3A_244 : memref<4096xf32, #tpu.memory_space<vmem>>)
        } else {
        }
        %parallel_loop3A_158 = arith.constant 0 : i32
        %parallel_loop3A_159 = arith.constant 4096 : i32
        %parallel_loop3A_160 = arith.constant 64 : i32
        scf.for %parallel_loop3A_234 = %parallel_loop3A_158 to %parallel_loop3A_159 step %parallel_loop3A_160  : i32 {
          %parallel_loop3A_235 = arith.constant 4096 : i32
          %parallel_loop3A_236 = arith.addi %parallel_loop3A_235, %parallel_loop3A_234 : i32
          %parallel_loop3A_237 = arith.constant 0 : i32
          %parallel_loop3A_238 = arith.addi %parallel_loop3A_236, %parallel_loop3A_237 : i32
          %parallel_loop3A_239 = arith.index_cast %parallel_loop3A_238 : i32 to index
          %parallel_loop3A_240 = tpu.vector_load %arg11[%parallel_loop3A_239] {strides = array<i32>} : memref<16384xi32, #tpu.memory_space<vmem>>, vector<16xi32>,
          %parallel_loop3A_241 = tpu.vector_load_idx %arg10[%parallel_loop3A_240] : memref<100096xf32, #tpu.memory_space<vmem>>[vector<16xi32>], vector<16xf32>,
          %parallel_loop3A_242 = arith.constant 0 : i32
          %parallel_loop3A_243 = arith.addi %parallel_loop3A_234, %parallel_loop3A_242 : i32
          %parallel_loop3A_244 = arith.constant 1 : i32
          %parallel_loop3A_245 = arith.index_cast %parallel_loop3A_244 : i32 to index
          %parallel_loop3A_246 = arith.index_cast %parallel_loop3A_243 : i32 to index
          %parallel_loop3A_247 = tpu.vector_load %arg12[%parallel_loop3A_245, %parallel_loop3A_246] {strides = array<i32>} : memref<2x4096xf32, #tpu.memory_space<vmem>>, vector<16xf32>,
          tpu.vector_store %arg12[%parallel_loop3A_245, %parallel_loop3A_246], %parallel_loop3A_241 {strides = array<i32>} : memref<2x4096xf32, #tpu.memory_space<vmem>>, vector<16xf32>,
          %parallel_loop3A_248 = arith.constant 4096 : i32
          %parallel_loop3A_249 = arith.addi %parallel_loop3A_248, %parallel_loop3A_234 : i32
          %parallel_loop3A_250 = arith.constant 16 : i32
          %parallel_loop3A_251 = arith.addi %parallel_loop3A_249, %parallel_loop3A_250 : i32
          %parallel_loop3A_252 = arith.index_cast %parallel_loop3A_251 : i32 to index
          %parallel_loop3A_253 = tpu.vector_load %arg11[%parallel_loop3A_252] {strides = array<i32>} : memref<16384xi32, #tpu.memory_space<vmem>>, vector<16xi32>,
          %parallel_loop3A_254 = tpu.vector_load_idx %arg10[%parallel_loop3A_253] : memref<100096xf32, #tpu.memory_space<vmem>>[vector<16xi32>], vector<16xf32>,
          %parallel_loop3A_255 = arith.constant 16 : i32
          %parallel_loop3A_256 = arith.addi %parallel_loop3A_234, %parallel_loop3A_255 : i32
          %parallel_loop3A_257 = arith.constant 1 : i32
          %parallel_loop3A_258 = arith.index_cast %parallel_loop3A_257 : i32 to index
          %parallel_loop3A_259 = arith.index_cast %parallel_loop3A_256 : i32 to index
          %parallel_loop3A_260 = tpu.vector_load %arg12[%parallel_loop3A_258, %parallel_loop3A_259] {strides = array<i32>} : memref<2x4096xf32, #tpu.memory_space<vmem>>, vector<16xf32>,
          tpu.vector_store %arg12[%parallel_loop3A_258, %parallel_loop3A_259], %parallel_loop3A_254 {strides = array<i32>} : memref<2x4096xf32, #tpu.memory_space<vmem>>, vector<16xf32>,
          %parallel_loop3A_261 = arith.constant 4096 : i32
          %parallel_loop3A_262 = arith.addi %parallel_loop3A_261, %parallel_loop3A_234 : i32
          %parallel_loop3A_263 = arith.constant 32 : i32
          %parallel_loop3A_264 = arith.addi %parallel_loop3A_262, %parallel_loop3A_263 : i32
          %parallel_loop3A_265 = arith.index_cast %parallel_loop3A_264 : i32 to index
          %parallel_loop3A_266 = tpu.vector_load %arg11[%parallel_loop3A_265] {strides = array<i32>} : memref<16384xi32, #tpu.memory_space<vmem>>, vector<16xi32>,
          %parallel_loop3A_267 = tpu.vector_load_idx %arg10[%parallel_loop3A_266] : memref<100096xf32, #tpu.memory_space<vmem>>[vector<16xi32>], vector<16xf32>,
          %parallel_loop3A_268 = arith.constant 32 : i32
          %parallel_loop3A_269 = arith.addi %parallel_loop3A_234, %parallel_loop3A_268 : i32
          %parallel_loop3A_270 = arith.constant 1 : i32
          %parallel_loop3A_271 = arith.index_cast %parallel_loop3A_270 : i32 to index
          %parallel_loop3A_272 = arith.index_cast %parallel_loop3A_269 : i32 to index
          %parallel_loop3A_273 = tpu.vector_load %arg12[%parallel_loop3A_271, %parallel_loop3A_272] {strides = array<i32>} : memref<2x4096xf32, #tpu.memory_space<vmem>>, vector<16xf32>,
          tpu.vector_store %arg12[%parallel_loop3A_271, %parallel_loop3A_272], %parallel_loop3A_267 {strides = array<i32>} : memref<2x4096xf32, #tpu.memory_space<vmem>>, vector<16xf32>,
          %parallel_loop3A_274 = arith.constant 4096 : i32
          %parallel_loop3A_275 = arith.addi %parallel_loop3A_274, %parallel_loop3A_234 : i32
          %parallel_loop3A_276 = arith.constant 48 : i32
          %parallel_loop3A_277 = arith.addi %parallel_loop3A_275, %parallel_loop3A_276 : i32
          %parallel_loop3A_278 = arith.index_cast %parallel_loop3A_277 : i32 to index
          %parallel_loop3A_279 = tpu.vector_load %arg11[%parallel_loop3A_278] {strides = array<i32>} : memref<16384xi32, #tpu.memory_space<vmem>>, vector<16xi32>,
          %parallel_loop3A_280 = tpu.vector_load_idx %arg10[%parallel_loop3A_279] : memref<100096xf32, #tpu.memory_space<vmem>>[vector<16xi32>], vector<16xf32>,
          %parallel_loop3A_281 = arith.constant 48 : i32
          %parallel_loop3A_282 = arith.addi %parallel_loop3A_234, %parallel_loop3A_281 : i32
          %parallel_loop3A_283 = arith.constant 1 : i32
          %parallel_loop3A_284 = arith.index_cast %parallel_loop3A_283 : i32 to index
          %parallel_loop3A_285 = arith.index_cast %parallel_loop3A_282 : i32 to index
          %parallel_loop3A_286 = tpu.vector_load %arg12[%parallel_loop3A_284, %parallel_loop3A_285] {strides = array<i32>} : memref<2x4096xf32, #tpu.memory_space<vmem>>, vector<16xf32>,
          tpu.vector_store %arg12[%parallel_loop3A_284, %parallel_loop3A_285], %parallel_loop3A_280 {strides = array<i32>} : memref<2x4096xf32, #tpu.memory_space<vmem>>, vector<16xf32>,
        } {sc.loop_unroll_factor = 2 : i64, sc.parallel_access}
        %dma_start3A_161 = arith.constant 1 : i32
        %dma_start3A_162 = arith.constant 0 : i32
        %dma_start3A_163 = tpu.memref_slice %arg12[%dma_start3A_161, %dma_start3A_162] : memref<2x4096xf32, #tpu.memory_space<vmem>> -> memref<1x4096xf32, #tpu.memory_space<vmem>>
        %dma_start3A_164 = tpu.memref_squeeze %dma_start3A_163 : memref<1x4096xf32, #tpu.memory_space<vmem>> -> memref<4096xf32, #tpu.memory_space<vmem>>
        %dma_start3A_165 = arith.constant 4096 : i32
        %dma_start3A_166 = tpu.memref_slice %arg9[%add3A_74, %dma_start3A_165] : memref<64x16384xf32, #tpu.memory_space<hbm>> -> memref<1x4096xf32, #tpu.memory_space<hbm>>
        %dma_start3A_167 = tpu.memref_squeeze %dma_start3A_166 : memref<1x4096xf32, #tpu.memory_space<hbm>> -> memref<4096xf32, #tpu.memory_space<hbm>>
        %dma_start3A_168 = arith.constant 4096 : i32
        %dma_start3A_169 = tpu.memref_slice %arg9[%add3A_74, %dma_start3A_168] : memref<64x16384xf32, #tpu.memory_space<hbm>> -> memref<1x4096xf32, #tpu.memory_space<hbm>>
        %dma_start3A_170 = tpu.memref_squeeze %dma_start3A_169 : memref<1x4096xf32, #tpu.memory_space<hbm>> -> memref<4096xf32, #tpu.memory_space<hbm>>
        %dma_start3A_171 = arith.constant 0 : i32
        %dma_start3A_172 = tpu.memref_slice %arg12[%dma_start3A_161, %dma_start3A_171] : memref<2x4096xf32, #tpu.memory_space<vmem>> -> memref<1x4096xf32, #tpu.memory_space<vmem>>
        %dma_start3A_173 = tpu.memref_squeeze %dma_start3A_172 : memref<1x4096xf32, #tpu.memory_space<vmem>> -> memref<4096xf32, #tpu.memory_space<vmem>>
        tpu.enqueue_dma source(%dma_start3A_173 : memref<4096xf32, #tpu.memory_space<vmem>>) target(%dma_start3A_170 : memref<4096xf32, #tpu.memory_space<hbm>>) target_semaphore(%arg13 : memref<!tpu.dma_semaphore, #tpu.memory_space<semaphore_mem>>)
        %dma_wait3A_174 = arith.constant 0 : i32
        %dma_wait3A_175 = arith.constant 0 : i32
        %dma_wait3A_176 = arith.constant 0 : i32
        %dma_wait3A_177 = tpu.memref_slice %arg12[%dma_wait3A_175, %dma_wait3A_176] : memref<2x4096xf32, #tpu.memory_space<vmem>> -> memref<1x4096xf32, #tpu.memory_space<vmem>>
        %dma_wait3A_178 = tpu.memref_squeeze %dma_wait3A_177 : memref<1x4096xf32, #tpu.memory_space<vmem>> -> memref<4096xf32, #tpu.memory_space<vmem>>
        %dma_wait3A_179 = arith.constant 0 : i32
        %dma_wait3A_180 = tpu.memref_slice %arg9[%dma_wait3A_174, %dma_wait3A_179] : memref<64x16384xf32, #tpu.memory_space<hbm>> -> memref<1x4096xf32, #tpu.memory_space<hbm>>
        %dma_wait3A_181 = tpu.memref_squeeze %dma_wait3A_180 : memref<1x4096xf32, #tpu.memory_space<hbm>> -> memref<4096xf32, #tpu.memory_space<hbm>>
        %dma_wait3A_182 = arith.constant 0 : i32
        %dma_wait3A_183 = tpu.memref_slice %arg12[%dma_wait3A_175, %dma_wait3A_182] : memref<2x4096xf32, #tpu.memory_space<vmem>> -> memref<1x4096xf32, #tpu.memory_space<vmem>>
        %dma_wait3A_184 = tpu.memref_squeeze %dma_wait3A_183 : memref<1x4096xf32, #tpu.memory_space<vmem>> -> memref<4096xf32, #tpu.memory_space<vmem>>
        %dma_wait3A_185 = arith.constant 0 : i32
        %dma_wait3A_186 = tpu.memref_slice %arg9[%dma_wait3A_174, %dma_wait3A_185] : memref<64x16384xf32, #tpu.memory_space<hbm>> -> memref<1x4096xf32, #tpu.memory_space<hbm>>
        %dma_wait3A_187 = tpu.memref_squeeze %dma_wait3A_186 : memref<1x4096xf32, #tpu.memory_space<hbm>> -> memref<4096xf32, #tpu.memory_space<hbm>>
        tpu.wait_dma2 semaphore(%arg13 : memref<!tpu.dma_semaphore, #tpu.memory_space<semaphore_mem>>) src(%dma_wait3A_187 : memref<4096xf32, #tpu.memory_space<hbm>>) dst(%dma_wait3A_184 : memref<4096xf32, #tpu.memory_space<vmem>>)
        %parallel_loop3A_188 = arith.constant 0 : i32
        %parallel_loop3A_189 = arith.constant 4096 : i32
        %parallel_loop3A_190 = arith.constant 64 : i32
        scf.for %parallel_loop3A_234 = %parallel_loop3A_188 to %parallel_loop3A_189 step %parallel_loop3A_190  : i32 {
          %parallel_loop3A_235 = arith.constant 8192 : i32
          %parallel_loop3A_236 = arith.addi %parallel_loop3A_235, %parallel_loop3A_234 : i32
          %parallel_loop3A_237 = arith.constant 0 : i32
          %parallel_loop3A_238 = arith.addi %parallel_loop3A_236, %parallel_loop3A_237 : i32
          %parallel_loop3A_239 = arith.index_cast %parallel_loop3A_238 : i32 to index
          %parallel_loop3A_240 = tpu.vector_load %arg11[%parallel_loop3A_239] {strides = array<i32>} : memref<16384xi32, #tpu.memory_space<vmem>>, vector<16xi32>,
          %parallel_loop3A_241 = tpu.vector_load_idx %arg10[%parallel_loop3A_240] : memref<100096xf32, #tpu.memory_space<vmem>>[vector<16xi32>], vector<16xf32>,
          %parallel_loop3A_242 = arith.constant 0 : i32
          %parallel_loop3A_243 = arith.addi %parallel_loop3A_234, %parallel_loop3A_242 : i32
          %parallel_loop3A_244 = arith.constant 0 : i32
          %parallel_loop3A_245 = arith.index_cast %parallel_loop3A_244 : i32 to index
          %parallel_loop3A_246 = arith.index_cast %parallel_loop3A_243 : i32 to index
          %parallel_loop3A_247 = tpu.vector_load %arg12[%parallel_loop3A_245, %parallel_loop3A_246] {strides = array<i32>} : memref<2x4096xf32, #tpu.memory_space<vmem>>, vector<16xf32>,
          tpu.vector_store %arg12[%parallel_loop3A_245, %parallel_loop3A_246], %parallel_loop3A_241 {strides = array<i32>} : memref<2x4096xf32, #tpu.memory_space<vmem>>, vector<16xf32>,
          %parallel_loop3A_248 = arith.constant 8192 : i32
          %parallel_loop3A_249 = arith.addi %parallel_loop3A_248, %parallel_loop3A_234 : i32
          %parallel_loop3A_250 = arith.constant 16 : i32
          %parallel_loop3A_251 = arith.addi %parallel_loop3A_249, %parallel_loop3A_250 : i32
          %parallel_loop3A_252 = arith.index_cast %parallel_loop3A_251 : i32 to index
          %parallel_loop3A_253 = tpu.vector_load %arg11[%parallel_loop3A_252] {strides = array<i32>} : memref<16384xi32, #tpu.memory_space<vmem>>, vector<16xi32>,
          %parallel_loop3A_254 = tpu.vector_load_idx %arg10[%parallel_loop3A_253] : memref<100096xf32, #tpu.memory_space<vmem>>[vector<16xi32>], vector<16xf32>,
          %parallel_loop3A_255 = arith.constant 16 : i32
          %parallel_loop3A_256 = arith.addi %parallel_loop3A_234, %parallel_loop3A_255 : i32
          %parallel_loop3A_257 = arith.constant 0 : i32
          %parallel_loop3A_258 = arith.index_cast %parallel_loop3A_257 : i32 to index
          %parallel_loop3A_259 = arith.index_cast %parallel_loop3A_256 : i32 to index
          %parallel_loop3A_260 = tpu.vector_load %arg12[%parallel_loop3A_258, %parallel_loop3A_259] {strides = array<i32>} : memref<2x4096xf32, #tpu.memory_space<vmem>>, vector<16xf32>,
          tpu.vector_store %arg12[%parallel_loop3A_258, %parallel_loop3A_259], %parallel_loop3A_254 {strides = array<i32>} : memref<2x4096xf32, #tpu.memory_space<vmem>>, vector<16xf32>,
          %parallel_loop3A_261 = arith.constant 8192 : i32
          %parallel_loop3A_262 = arith.addi %parallel_loop3A_261, %parallel_loop3A_234 : i32
          %parallel_loop3A_263 = arith.constant 32 : i32
          %parallel_loop3A_264 = arith.addi %parallel_loop3A_262, %parallel_loop3A_263 : i32
          %parallel_loop3A_265 = arith.index_cast %parallel_loop3A_264 : i32 to index
          %parallel_loop3A_266 = tpu.vector_load %arg11[%parallel_loop3A_265] {strides = array<i32>} : memref<16384xi32, #tpu.memory_space<vmem>>, vector<16xi32>,
          %parallel_loop3A_267 = tpu.vector_load_idx %arg10[%parallel_loop3A_266] : memref<100096xf32, #tpu.memory_space<vmem>>[vector<16xi32>], vector<16xf32>,
          %parallel_loop3A_268 = arith.constant 32 : i32
          %parallel_loop3A_269 = arith.addi %parallel_loop3A_234, %parallel_loop3A_268 : i32
          %parallel_loop3A_270 = arith.constant 0 : i32
          %parallel_loop3A_271 = arith.index_cast %parallel_loop3A_270 : i32 to index
          %parallel_loop3A_272 = arith.index_cast %parallel_loop3A_269 : i32 to index
          %parallel_loop3A_273 = tpu.vector_load %arg12[%parallel_loop3A_271, %parallel_loop3A_272] {strides = array<i32>} : memref<2x4096xf32, #tpu.memory_space<vmem>>, vector<16xf32>,
          tpu.vector_store %arg12[%parallel_loop3A_271, %parallel_loop3A_272], %parallel_loop3A_267 {strides = array<i32>} : memref<2x4096xf32, #tpu.memory_space<vmem>>, vector<16xf32>,
          %parallel_loop3A_274 = arith.constant 8192 : i32
          %parallel_loop3A_275 = arith.addi %parallel_loop3A_274, %parallel_loop3A_234 : i32
          %parallel_loop3A_276 = arith.constant 48 : i32
          %parallel_loop3A_277 = arith.addi %parallel_loop3A_275, %parallel_loop3A_276 : i32
          %parallel_loop3A_278 = arith.index_cast %parallel_loop3A_277 : i32 to index
          %parallel_loop3A_279 = tpu.vector_load %arg11[%parallel_loop3A_278] {strides = array<i32>} : memref<16384xi32, #tpu.memory_space<vmem>>, vector<16xi32>,
          %parallel_loop3A_280 = tpu.vector_load_idx %arg10[%parallel_loop3A_279] : memref<100096xf32, #tpu.memory_space<vmem>>[vector<16xi32>], vector<16xf32>,
          %parallel_loop3A_281 = arith.constant 48 : i32
          %parallel_loop3A_282 = arith.addi %parallel_loop3A_234, %parallel_loop3A_281 : i32
          %parallel_loop3A_283 = arith.constant 0 : i32
          %parallel_loop3A_284 = arith.index_cast %parallel_loop3A_283 : i32 to index
          %parallel_loop3A_285 = arith.index_cast %parallel_loop3A_282 : i32 to index
          %parallel_loop3A_286 = tpu.vector_load %arg12[%parallel_loop3A_284, %parallel_loop3A_285] {strides = array<i32>} : memref<2x4096xf32, #tpu.memory_space<vmem>>, vector<16xf32>,
          tpu.vector_store %arg12[%parallel_loop3A_284, %parallel_loop3A_285], %parallel_loop3A_280 {strides = array<i32>} : memref<2x4096xf32, #tpu.memory_space<vmem>>, vector<16xf32>,
        } {sc.loop_unroll_factor = 2 : i64, sc.parallel_access}
        %dma_start3A_191 = arith.constant 0 : i32
        %dma_start3A_192 = arith.constant 0 : i32
        %dma_start3A_193 = tpu.memref_slice %arg12[%dma_start3A_191, %dma_start3A_192] : memref<2x4096xf32, #tpu.memory_space<vmem>> -> memref<1x4096xf32, #tpu.memory_space<vmem>>
        %dma_start3A_194 = tpu.memref_squeeze %dma_start3A_193 : memref<1x4096xf32, #tpu.memory_space<vmem>> -> memref<4096xf32, #tpu.memory_space<vmem>>
        %dma_start3A_195 = arith.constant 8192 : i32
        %dma_start3A_196 = tpu.memref_slice %arg9[%add3A_74, %dma_start3A_195] : memref<64x16384xf32, #tpu.memory_space<hbm>> -> memref<1x4096xf32, #tpu.memory_space<hbm>>
        %dma_start3A_197 = tpu.memref_squeeze %dma_start3A_196 : memref<1x4096xf32, #tpu.memory_space<hbm>> -> memref<4096xf32, #tpu.memory_space<hbm>>
        %dma_start3A_198 = arith.constant 8192 : i32
        %dma_start3A_199 = tpu.memref_slice %arg9[%add3A_74, %dma_start3A_198] : memref<64x16384xf32, #tpu.memory_space<hbm>> -> memref<1x4096xf32, #tpu.memory_space<hbm>>
        %dma_start3A_200 = tpu.memref_squeeze %dma_start3A_199 : memref<1x4096xf32, #tpu.memory_space<hbm>> -> memref<4096xf32, #tpu.memory_space<hbm>>
        %dma_start3A_201 = arith.constant 0 : i32
        %dma_start3A_202 = tpu.memref_slice %arg12[%dma_start3A_191, %dma_start3A_201] : memref<2x4096xf32, #tpu.memory_space<vmem>> -> memref<1x4096xf32, #tpu.memory_space<vmem>>
        %dma_start3A_203 = tpu.memref_squeeze %dma_start3A_202 : memref<1x4096xf32, #tpu.memory_space<vmem>> -> memref<4096xf32, #tpu.memory_space<vmem>>
        tpu.enqueue_dma source(%dma_start3A_203 : memref<4096xf32, #tpu.memory_space<vmem>>) target(%dma_start3A_200 : memref<4096xf32, #tpu.memory_space<hbm>>) target_semaphore(%arg13 : memref<!tpu.dma_semaphore, #tpu.memory_space<semaphore_mem>>)
        %dma_wait3A_204 = arith.constant 0 : i32
        %dma_wait3A_205 = arith.constant 1 : i32
        %dma_wait3A_206 = arith.constant 0 : i32
        %dma_wait3A_207 = tpu.memref_slice %arg12[%dma_wait3A_205, %dma_wait3A_206] : memref<2x4096xf32, #tpu.memory_space<vmem>> -> memref<1x4096xf32, #tpu.memory_space<vmem>>
        %dma_wait3A_208 = tpu.memref_squeeze %dma_wait3A_207 : memref<1x4096xf32, #tpu.memory_space<vmem>> -> memref<4096xf32, #tpu.memory_space<vmem>>
        %dma_wait3A_209 = arith.constant 0 : i32
        %dma_wait3A_210 = tpu.memref_slice %arg9[%dma_wait3A_204, %dma_wait3A_209] : memref<64x16384xf32, #tpu.memory_space<hbm>> -> memref<1x4096xf32, #tpu.memory_space<hbm>>
        %dma_wait3A_211 = tpu.memref_squeeze %dma_wait3A_210 : memref<1x4096xf32, #tpu.memory_space<hbm>> -> memref<4096xf32, #tpu.memory_space<hbm>>
        %dma_wait3A_212 = arith.constant 0 : i32
        %dma_wait3A_213 = tpu.memref_slice %arg12[%dma_wait3A_205, %dma_wait3A_212] : memref<2x4096xf32, #tpu.memory_space<vmem>> -> memref<1x4096xf32, #tpu.memory_space<vmem>>
        %dma_wait3A_214 = tpu.memref_squeeze %dma_wait3A_213 : memref<1x4096xf32, #tpu.memory_space<vmem>> -> memref<4096xf32, #tpu.memory_space<vmem>>
        %dma_wait3A_215 = arith.constant 0 : i32
        %dma_wait3A_216 = tpu.memref_slice %arg9[%dma_wait3A_204, %dma_wait3A_215] : memref<64x16384xf32, #tpu.memory_space<hbm>> -> memref<1x4096xf32, #tpu.memory_space<hbm>>
        %dma_wait3A_217 = tpu.memref_squeeze %dma_wait3A_216 : memref<1x4096xf32, #tpu.memory_space<hbm>> -> memref<4096xf32, #tpu.memory_space<hbm>>
        tpu.wait_dma2 semaphore(%arg13 : memref<!tpu.dma_semaphore, #tpu.memory_space<semaphore_mem>>) src(%dma_wait3A_217 : memref<4096xf32, #tpu.memory_space<hbm>>) dst(%dma_wait3A_214 : memref<4096xf32, #tpu.memory_space<vmem>>)
        %parallel_loop3A_218 = arith.constant 0 : i32
        %parallel_loop3A_219 = arith.constant 4096 : i32
        %parallel_loop3A_220 = arith.constant 64 : i32
        scf.for %parallel_loop3A_234 = %parallel_loop3A_218 to %parallel_loop3A_219 step %parallel_loop3A_220  : i32 {
          %parallel_loop3A_235 = arith.constant 12288 : i32
          %parallel_loop3A_236 = arith.addi %parallel_loop3A_235, %parallel_loop3A_234 : i32
          %parallel_loop3A_237 = arith.constant 0 : i32
          %parallel_loop3A_238 = arith.addi %parallel_loop3A_236, %parallel_loop3A_237 : i32
          %parallel_loop3A_239 = arith.index_cast %parallel_loop3A_238 : i32 to index
          %parallel_loop3A_240 = tpu.vector_load %arg11[%parallel_loop3A_239] {strides = array<i32>} : memref<16384xi32, #tpu.memory_space<vmem>>, vector<16xi32>,
          %parallel_loop3A_241 = tpu.vector_load_idx %arg10[%parallel_loop3A_240] : memref<100096xf32, #tpu.memory_space<vmem>>[vector<16xi32>], vector<16xf32>,
          %parallel_loop3A_242 = arith.constant 0 : i32
          %parallel_loop3A_243 = arith.addi %parallel_loop3A_234, %parallel_loop3A_242 : i32
          %parallel_loop3A_244 = arith.constant 1 : i32
          %parallel_loop3A_245 = arith.index_cast %parallel_loop3A_244 : i32 to index
          %parallel_loop3A_246 = arith.index_cast %parallel_loop3A_243 : i32 to index
          %parallel_loop3A_247 = tpu.vector_load %arg12[%parallel_loop3A_245, %parallel_loop3A_246] {strides = array<i32>} : memref<2x4096xf32, #tpu.memory_space<vmem>>, vector<16xf32>,
          tpu.vector_store %arg12[%parallel_loop3A_245, %parallel_loop3A_246], %parallel_loop3A_241 {strides = array<i32>} : memref<2x4096xf32, #tpu.memory_space<vmem>>, vector<16xf32>,
          %parallel_loop3A_248 = arith.constant 12288 : i32
          %parallel_loop3A_249 = arith.addi %parallel_loop3A_248, %parallel_loop3A_234 : i32
          %parallel_loop3A_250 = arith.constant 16 : i32
          %parallel_loop3A_251 = arith.addi %parallel_loop3A_249, %parallel_loop3A_250 : i32
          %parallel_loop3A_252 = arith.index_cast %parallel_loop3A_251 : i32 to index
          %parallel_loop3A_253 = tpu.vector_load %arg11[%parallel_loop3A_252] {strides = array<i32>} : memref<16384xi32, #tpu.memory_space<vmem>>, vector<16xi32>,
          %parallel_loop3A_254 = tpu.vector_load_idx %arg10[%parallel_loop3A_253] : memref<100096xf32, #tpu.memory_space<vmem>>[vector<16xi32>], vector<16xf32>,
          %parallel_loop3A_255 = arith.constant 16 : i32
          %parallel_loop3A_256 = arith.addi %parallel_loop3A_234, %parallel_loop3A_255 : i32
          %parallel_loop3A_257 = arith.constant 1 : i32
          %parallel_loop3A_258 = arith.index_cast %parallel_loop3A_257 : i32 to index
          %parallel_loop3A_259 = arith.index_cast %parallel_loop3A_256 : i32 to index
          %parallel_loop3A_260 = tpu.vector_load %arg12[%parallel_loop3A_258, %parallel_loop3A_259] {strides = array<i32>} : memref<2x4096xf32, #tpu.memory_space<vmem>>, vector<16xf32>,
          tpu.vector_store %arg12[%parallel_loop3A_258, %parallel_loop3A_259], %parallel_loop3A_254 {strides = array<i32>} : memref<2x4096xf32, #tpu.memory_space<vmem>>, vector<16xf32>,
          %parallel_loop3A_261 = arith.constant 12288 : i32
          %parallel_loop3A_262 = arith.addi %parallel_loop3A_261, %parallel_loop3A_234 : i32
          %parallel_loop3A_263 = arith.constant 32 : i32
          %parallel_loop3A_264 = arith.addi %parallel_loop3A_262, %parallel_loop3A_263 : i32
          %parallel_loop3A_265 = arith.index_cast %parallel_loop3A_264 : i32 to index
          %parallel_loop3A_266 = tpu.vector_load %arg11[%parallel_loop3A_265] {strides = array<i32>} : memref<16384xi32, #tpu.memory_space<vmem>>, vector<16xi32>,
          %parallel_loop3A_267 = tpu.vector_load_idx %arg10[%parallel_loop3A_266] : memref<100096xf32, #tpu.memory_space<vmem>>[vector<16xi32>], vector<16xf32>,
          %parallel_loop3A_268 = arith.constant 32 : i32
          %parallel_loop3A_269 = arith.addi %parallel_loop3A_234, %parallel_loop3A_268 : i32
          %parallel_loop3A_270 = arith.constant 1 : i32
          %parallel_loop3A_271 = arith.index_cast %parallel_loop3A_270 : i32 to index
          %parallel_loop3A_272 = arith.index_cast %parallel_loop3A_269 : i32 to index
          %parallel_loop3A_273 = tpu.vector_load %arg12[%parallel_loop3A_271, %parallel_loop3A_272] {strides = array<i32>} : memref<2x4096xf32, #tpu.memory_space<vmem>>, vector<16xf32>,
          tpu.vector_store %arg12[%parallel_loop3A_271, %parallel_loop3A_272], %parallel_loop3A_267 {strides = array<i32>} : memref<2x4096xf32, #tpu.memory_space<vmem>>, vector<16xf32>,
          %parallel_loop3A_274 = arith.constant 12288 : i32
          %parallel_loop3A_275 = arith.addi %parallel_loop3A_274, %parallel_loop3A_234 : i32
          %parallel_loop3A_276 = arith.constant 48 : i32
          %parallel_loop3A_277 = arith.addi %parallel_loop3A_275, %parallel_loop3A_276 : i32
          %parallel_loop3A_278 = arith.index_cast %parallel_loop3A_277 : i32 to index
          %parallel_loop3A_279 = tpu.vector_load %arg11[%parallel_loop3A_278] {strides = array<i32>} : memref<16384xi32, #tpu.memory_space<vmem>>, vector<16xi32>,
          %parallel_loop3A_280 = tpu.vector_load_idx %arg10[%parallel_loop3A_279] : memref<100096xf32, #tpu.memory_space<vmem>>[vector<16xi32>], vector<16xf32>,
          %parallel_loop3A_281 = arith.constant 48 : i32
          %parallel_loop3A_282 = arith.addi %parallel_loop3A_234, %parallel_loop3A_281 : i32
          %parallel_loop3A_283 = arith.constant 1 : i32
          %parallel_loop3A_284 = arith.index_cast %parallel_loop3A_283 : i32 to index
          %parallel_loop3A_285 = arith.index_cast %parallel_loop3A_282 : i32 to index
          %parallel_loop3A_286 = tpu.vector_load %arg12[%parallel_loop3A_284, %parallel_loop3A_285] {strides = array<i32>} : memref<2x4096xf32, #tpu.memory_space<vmem>>, vector<16xf32>,
          tpu.vector_store %arg12[%parallel_loop3A_284, %parallel_loop3A_285], %parallel_loop3A_280 {strides = array<i32>} : memref<2x4096xf32, #tpu.memory_space<vmem>>, vector<16xf32>,
        } {sc.loop_unroll_factor = 2 : i64, sc.parallel_access}
        %dma_start3A_221 = arith.constant 1 : i32
        %dma_start3A_222 = arith.constant 0 : i32
        %dma_start3A_223 = tpu.memref_slice %arg12[%dma_start3A_221, %dma_start3A_222] : memref<2x4096xf32, #tpu.memory_space<vmem>> -> memref<1x4096xf32, #tpu.memory_space<vmem>>
        %dma_start3A_224 = tpu.memref_squeeze %dma_start3A_223 : memref<1x4096xf32, #tpu.memory_space<vmem>> -> memref<4096xf32, #tpu.memory_space<vmem>>
        %dma_start3A_225 = arith.constant 12288 : i32
        %dma_start3A_226 = tpu.memref_slice %arg9[%add3A_74, %dma_start3A_225] : memref<64x16384xf32, #tpu.memory_space<hbm>> -> memref<1x4096xf32, #tpu.memory_space<hbm>>
        %dma_start3A_227 = tpu.memref_squeeze %dma_start3A_226 : memref<1x4096xf32, #tpu.memory_space<hbm>> -> memref<4096xf32, #tpu.memory_space<hbm>>
        %dma_start3A_228 = arith.constant 12288 : i32
        %dma_start3A_229 = tpu.memref_slice %arg9[%add3A_74, %dma_start3A_228] : memref<64x16384xf32, #tpu.memory_space<hbm>> -> memref<1x4096xf32, #tpu.memory_space<hbm>>
        %dma_start3A_230 = tpu.memref_squeeze %dma_start3A_229 : memref<1x4096xf32, #tpu.memory_space<hbm>> -> memref<4096xf32, #tpu.memory_space<hbm>>
        %dma_start3A_231 = arith.constant 0 : i32
        %dma_start3A_232 = tpu.memref_slice %arg12[%dma_start3A_221, %dma_start3A_231] : memref<2x4096xf32, #tpu.memory_space<vmem>> -> memref<1x4096xf32, #tpu.memory_space<vmem>>
        %dma_start3A_233 = tpu.memref_squeeze %dma_start3A_232 : memref<1x4096xf32, #tpu.memory_space<vmem>> -> memref<4096xf32, #tpu.memory_space<vmem>>
        tpu.enqueue_dma source(%dma_start3A_233 : memref<4096xf32, #tpu.memory_space<vmem>>) target(%dma_start3A_230 : memref<4096xf32, #tpu.memory_space<hbm>>) target_semaphore(%arg13 : memref<!tpu.dma_semaphore, #tpu.memory_space<semaphore_mem>>)
      }
      %scan3A_45 = arith.constant 4 : i32
      %dma_wait3A = arith.constant 0 : i32
      %dma_wait3A_46 = arith.constant 0 : i32
      %dma_wait3A_47 = arith.constant 0 : i32
      %dma_wait3A_48 = tpu.memref_slice %arg12[%dma_wait3A_46, %dma_wait3A_47] : memref<2x4096xf32, #tpu.memory_space<vmem>> -> memref<1x4096xf32, #tpu.memory_space<vmem>>
      %dma_wait3A_49 = tpu.memref_squeeze %dma_wait3A_48 : memref<1x4096xf32, #tpu.memory_space<vmem>> -> memref<4096xf32, #tpu.memory_space<vmem>>
      %dma_wait3A_50 = arith.constant 0 : i32
      %dma_wait3A_51 = tpu.memref_slice %arg9[%dma_wait3A, %dma_wait3A_50] : memref<64x16384xf32, #tpu.memory_space<hbm>> -> memref<1x4096xf32, #tpu.memory_space<hbm>>
      %dma_wait3A_52 = tpu.memref_squeeze %dma_wait3A_51 : memref<1x4096xf32, #tpu.memory_space<hbm>> -> memref<4096xf32, #tpu.memory_space<hbm>>
      %dma_wait3A_53 = arith.constant 0 : i32
      %dma_wait3A_54 = tpu.memref_slice %arg12[%dma_wait3A_46, %dma_wait3A_53] : memref<2x4096xf32, #tpu.memory_space<vmem>> -> memref<1x4096xf32, #tpu.memory_space<vmem>>
      %dma_wait3A_55 = tpu.memref_squeeze %dma_wait3A_54 : memref<1x4096xf32, #tpu.memory_space<vmem>> -> memref<4096xf32, #tpu.memory_space<vmem>>
      %dma_wait3A_56 = arith.constant 0 : i32
      %dma_wait3A_57 = tpu.memref_slice %arg9[%dma_wait3A, %dma_wait3A_56] : memref<64x16384xf32, #tpu.memory_space<hbm>> -> memref<1x4096xf32, #tpu.memory_space<hbm>>
      %dma_wait3A_58 = tpu.memref_squeeze %dma_wait3A_57 : memref<1x4096xf32, #tpu.memory_space<hbm>> -> memref<4096xf32, #tpu.memory_space<hbm>>
      tpu.wait_dma2 semaphore(%arg13 : memref<!tpu.dma_semaphore, #tpu.memory_space<semaphore_mem>>) src(%dma_wait3A_58 : memref<4096xf32, #tpu.memory_space<hbm>>) dst(%dma_wait3A_55 : memref<4096xf32, #tpu.memory_space<vmem>>)
      %dma_wait3A_59 = arith.constant 0 : i32
      %dma_wait3A_60 = arith.constant 1 : i32
      %dma_wait3A_61 = arith.constant 0 : i32
      %dma_wait3A_62 = tpu.memref_slice %arg12[%dma_wait3A_60, %dma_wait3A_61] : memref<2x4096xf32, #tpu.memory_space<vmem>> -> memref<1x4096xf32, #tpu.memory_space<vmem>>
      %dma_wait3A_63 = tpu.memref_squeeze %dma_wait3A_62 : memref<1x4096xf32, #tpu.memory_space<vmem>> -> memref<4096xf32, #tpu.memory_space<vmem>>
      %dma_wait3A_64 = arith.constant 0 : i32
      %dma_wait3A_65 = tpu.memref_slice %arg9[%dma_wait3A_59, %dma_wait3A_64] : memref<64x16384xf32, #tpu.memory_space<hbm>> -> memref<1x4096xf32, #tpu.memory_space<hbm>>
      %dma_wait3A_66 = tpu.memref_squeeze %dma_wait3A_65 : memref<1x4096xf32, #tpu.memory_space<hbm>> -> memref<4096xf32, #tpu.memory_space<hbm>>
      %dma_wait3A_67 = arith.constant 0 : i32
      %dma_wait3A_68 = tpu.memref_slice %arg12[%dma_wait3A_60, %dma_wait3A_67] : memref<2x4096xf32, #tpu.memory_space<vmem>> -> memref<1x4096xf32, #tpu.memory_space<vmem>>
      %dma_wait3A_69 = tpu.memref_squeeze %dma_wait3A_68 : memref<1x4096xf32, #tpu.memory_space<vmem>> -> memref<4096xf32, #tpu.memory_space<vmem>>
      %dma_wait3A_70 = arith.constant 0 : i32
      %dma_wait3A_71 = tpu.memref_slice %arg9[%dma_wait3A_59, %dma_wait3A_70] : memref<64x16384xf32, #tpu.memory_space<hbm>> -> memref<1x4096xf32, #tpu.memory_space<hbm>>
      %dma_wait3A_72 = tpu.memref_squeeze %dma_wait3A_71 : memref<1x4096xf32, #tpu.memory_space<hbm>> -> memref<4096xf32, #tpu.memory_space<hbm>>
      tpu.wait_dma2 semaphore(%arg13 : memref<!tpu.dma_semaphore, #tpu.memory_space<semaphore_mem>>) src(%dma_wait3A_72 : memref<4096xf32, #tpu.memory_space<hbm>>) dst(%dma_wait3A_69 : memref<4096xf32, #tpu.memory_space<vmem>>)
    } else {
    }
    return
  }
}

#map = affine_map<(d0, d1) -> (0)>
#map1 = affine_map<(d0, d1) -> (0, 0)>
module attributes {stable_mosaic.version = 14 : i64} {
  func.func @sc_gather(%arg0: i32, %arg1: i32, %arg2: memref<16384xi32, #tpu.memory_space<hbm>>, %arg3: memref<16384xi32, #tpu.memory_space<hbm>>, %arg4: memref<64x100000xf32, #tpu.memory_space<hbm>>, %arg5: memref<64x100000xf32, #tpu.memory_space<hbm>>, %arg6: memref<64x128xf32, #tpu.memory_space<hbm>>, %arg7: memref<64x128xf32, #tpu.memory_space<hbm>>, %arg8: memref<64x16384xf32, #tpu.memory_space<hbm>>, %arg9: memref<64x16384xf32, #tpu.memory_space<hbm>>, %arg10: memref<100096xf32, #tpu.memory_space<vmem>>, %arg11: memref<16384xi32, #tpu.memory_space<vmem>>, %arg12: memref<2x4096xf32, #tpu.memory_space<vmem>>, %arg13: memref<!tpu.dma_semaphore, #tpu.memory_space<semaphore_mem>>, %arg14: memref<!tpu.dma_semaphore, #tpu.memory_space<semaphore_mem>>) attributes {dimension_semantics = [#tpu.dimension_semantics<core_parallel>, #tpu.dimension_semantics<subcore_parallel>], iteration_bounds = array<i64: 2, 16>, scalar_prefetch = 0 : i64, scratch_operands = 5 : i64, tpu.core_type = #tpu.core_type<sc_vector_subcore>, window_params = [{transform_indices = #map}, {transform_indices = #map}, {transform_indices = #map1}, {transform_indices = #map1}, {transform_indices = #map1}, {transform_indices = #map1}, {transform_indices = #map1}, {transform_indices = #map1}]} {
    %mul3A = arith.constant 2 : i32
    %mul3A_0 = arith.muli %arg1, %mul3A : i32
    %add3A = arith.addi %mul3A_0, %arg0 : i32
    %jit3A = arith.constant 16 : i32
    %div3A = arith.divsi %add3A, %jit3A : i32
    %sign3A = arith.constant 0 : i32
    %sign3A_1 = arith.cmpi sgt, %add3A, %sign3A : i32
    %sign3A_2 = arith.extui %sign3A_1 : i1 to i32
    %sign3A_3 = arith.constant 0 : i32
    %sign3A_4 = arith.cmpi slt, %add3A, %sign3A_3 : i32
    %sign3A_5 = arith.extui %sign3A_4 : i1 to i32
    %sign3A_6 = arith.subi %sign3A_2, %sign3A_5 : i32
    %sign3A_7 = arith.constant 0 : i32
    %sign3A_8 = arith.cmpi sgt, %jit3A, %sign3A_7 : i32
    %sign3A_9 = arith.extui %sign3A_8 : i1 to i32
    %sign3A_10 = arith.constant 0 : i32
    %sign3A_11 = arith.cmpi slt, %jit3A, %sign3A_10 : i32
    %sign3A_12 = arith.extui %sign3A_11 : i1 to i32
    %sign3A_13 = arith.subi %sign3A_9, %sign3A_12 : i32
    %ne3A = arith.cmpi ne, %sign3A_6, %sign3A_13 : i32
    %rem3A = arith.remsi %add3A, %jit3A : i32
    %ne3A_14 = arith.constant 0 : i32
    %ne3A_15 = arith.cmpi ne, %rem3A, %ne3A_14 : i32
    %and3A = arith.andi %ne3A, %ne3A_15 : i1
    %sub3A = arith.constant 1 : i32
    %sub3A_16 = arith.subi %div3A, %sub3A : i32
    %select_n3A = arith.select %and3A, %sub3A_16, %div3A : i32
    %jit3A_17 = arith.constant 16 : i32
    %eq3A = arith.constant 0 : i32
    %eq3A_18 = arith.cmpi eq, %jit3A_17, %eq3A : i32
    %jit3A_19 = arith.constant 1 : i32
    %select_n3A_20 = arith.select %eq3A_18, %jit3A_19, %jit3A_17 : i32
    %rem3A_21 = arith.remsi %add3A, %select_n3A_20 : i32
    %ne3A_22 = arith.constant 0 : i32
    %ne3A_23 = arith.cmpi ne, %rem3A_21, %ne3A_22 : i32
    %lt3A = arith.constant 0 : i32
    %lt3A_24 = arith.cmpi slt, %rem3A_21, %lt3A : i32
    %lt3A_25 = arith.constant 0 : i32
    %lt3A_26 = arith.cmpi slt, %select_n3A_20, %lt3A_25 : i32
    %ne3A_27 = arith.xori %lt3A_24, %lt3A_26 : i1
    %and3A_28 = arith.andi %ne3A_27, %ne3A_23 : i1
    %add3A_29 = arith.addi %rem3A_21, %select_n3A_20 : i32
    %select_n3A_30 = arith.select %and3A_28, %add3A_29, %rem3A_21 : i32
    %mul3A_31 = arith.constant 4 : i32
    %mul3A_32 = arith.muli %select_n3A_30, %mul3A_31 : i32
    %eq3A_33 = arith.constant 0 : i32
    %eq3A_34 = arith.cmpi eq, %select_n3A, %eq3A_33 : i32
    %convert_element_type3A = arith.extui %eq3A_34 : i1 to i32
    %cond3A = arith.constant 0 : i32
    %cond3A_35 = arith.cmpi ne, %convert_element_type3A, %cond3A : i32
    scf.if %cond3A_35 {
      "tpu.region"() ({
        %run_scoped3A = tpu.sem_alloc : memref<!tpu.dma_semaphore, #tpu.memory_space<semaphore_mem>>
        tpu.enqueue_dma source(%arg2 : memref<16384xi32, #tpu.memory_space<hbm>>) target(%arg11 : memref<16384xi32, #tpu.memory_space<vmem>>) target_semaphore(%run_scoped3A : memref<!tpu.dma_semaphore, #tpu.memory_space<semaphore_mem>>)
        tpu.wait_dma2 semaphore(%run_scoped3A : memref<!tpu.dma_semaphore, #tpu.memory_space<semaphore_mem>>) src(%arg2 : memref<16384xi32, #tpu.memory_space<hbm>>) dst(%arg11 : memref<16384xi32, #tpu.memory_space<vmem>>)
        tpu.yield
      }) : () -> ()
      %scan3A = arith.constant 0 : i32
      %scan3A_41 = arith.constant 0 : i32
      %scan3A_42 = arith.constant 4 : i32
      %scan3A_43 = arith.addi %scan3A_41, %scan3A_42 : i32
      %scan3A_44 = arith.constant 1 : i32
      scf.for %scan3A_73 = %scan3A_41 to %scan3A_43 step %scan3A_44  : i32 {
        %add3A_74 = arith.addi %mul3A_32, %scan3A_73 : i32
        %dma_start3A = arith.constant 0 : i32
        %dma_start3A_75 = tpu.memref_slice %arg10[%dma_start3A] : memref<100096xf32, #tpu.memory_space<vmem>> -> memref<49920xf32, #tpu.memory_space<vmem>>
        %dma_start3A_76 = arith.constant 0 : i32
        %dma_start3A_77 = tpu.memref_slice %arg4[%add3A_74, %dma_start3A_76] : memref<64x100000xf32, #tpu.memory_space<hbm>> -> memref<1x49920xf32, #tpu.memory_space<hbm>>
        %dma_start3A_78 = tpu.memref_squeeze %dma_start3A_77 : memref<1x49920xf32, #tpu.memory_space<hbm>> -> memref<49920xf32, #tpu.memory_space<hbm>>
        %dma_start3A_79 = arith.constant 0 : i32
        %dma_start3A_80 = tpu.memref_slice %arg10[%dma_start3A_79] : memref<100096xf32, #tpu.memory_space<vmem>> -> memref<49920xf32, #tpu.memory_space<vmem>>
        %dma_start3A_81 = arith.constant 0 : i32
        %dma_start3A_82 = tpu.memref_slice %arg4[%add3A_74, %dma_start3A_81] : memref<64x100000xf32, #tpu.memory_space<hbm>> -> memref<1x49920xf32, #tpu.memory_space<hbm>>
        %dma_start3A_83 = tpu.memref_squeeze %dma_start3A_82 : memref<1x49920xf32, #tpu.memory_space<hbm>> -> memref<49920xf32, #tpu.memory_space<hbm>>
        tpu.enqueue_dma source(%dma_start3A_83 : memref<49920xf32, #tpu.memory_space<hbm>>) target(%dma_start3A_80 : memref<49920xf32, #tpu.memory_space<vmem>>) target_semaphore(%arg14 : memref<!tpu.dma_semaphore, #tpu.memory_space<semaphore_mem>>)
        %dma_start3A_84 = arith.constant 49920 : i32
        %dma_start3A_85 = tpu.memref_slice %arg10[%dma_start3A_84] : memref<100096xf32, #tpu.memory_space<vmem>> -> memref<50048xf32, #tpu.memory_space<vmem>>
        %dma_start3A_86 = arith.constant 49920 : i32
        %dma_start3A_87 = tpu.memref_slice %arg4[%add3A_74, %dma_start3A_86] : memref<64x100000xf32, #tpu.memory_space<hbm>> -> memref<1x50048xf32, #tpu.memory_space<hbm>>
        %dma_start3A_88 = tpu.memref_squeeze %dma_start3A_87 : memref<1x50048xf32, #tpu.memory_space<hbm>> -> memref<50048xf32, #tpu.memory_space<hbm>>
        %dma_start3A_89 = arith.constant 49920 : i32
        %dma_start3A_90 = tpu.memref_slice %arg10[%dma_start3A_89] : memref<100096xf32, #tpu.memory_space<vmem>> -> memref<50048xf32, #tpu.memory_space<vmem>>
        %dma_start3A_91 = arith.constant 49920 : i32
        %dma_start3A_92 = tpu.memref_slice %arg4[%add3A_74, %dma_start3A_91] : memref<64x100000xf32, #tpu.memory_space<hbm>> -> memref<1x50048xf32, #tpu.memory_space<hbm>>
        %dma_start3A_93 = tpu.memref_squeeze %dma_start3A_92 : memref<1x50048xf32, #tpu.memory_space<hbm>> -> memref<50048xf32, #tpu.memory_space<hbm>>
        tpu.enqueue_dma source(%dma_start3A_93 : memref<50048xf32, #tpu.memory_space<hbm>>) target(%dma_start3A_90 : memref<50048xf32, #tpu.memory_space<vmem>>) target_semaphore(%arg14 : memref<!tpu.dma_semaphore, #tpu.memory_space<semaphore_mem>>)
        %dma_start3A_94 = arith.constant 99968 : i32
        %dma_start3A_95 = tpu.memref_slice %arg10[%dma_start3A_94] : memref<100096xf32, #tpu.memory_space<vmem>> -> memref<128xf32, #tpu.memory_space<vmem>>
        %dma_start3A_96 = arith.constant 0 : i32
        %dma_start3A_97 = tpu.memref_slice %arg6[%add3A_74, %dma_start3A_96] : memref<64x128xf32, #tpu.memory_space<hbm>> -> memref<1x128xf32, #tpu.memory_space<hbm>>
        %dma_start3A_98 = tpu.memref_squeeze %dma_start3A_97 : memref<1x128xf32, #tpu.memory_space<hbm>> -> memref<128xf32, #tpu.memory_space<hbm>>
        %dma_start3A_99 = arith.constant 99968 : i32
        %dma_start3A_100 = tpu.memref_slice %arg10[%dma_start3A_99] : memref<100096xf32, #tpu.memory_space<vmem>> -> memref<128xf32, #tpu.memory_space<vmem>>
        %dma_start3A_101 = arith.constant 0 : i32
        %dma_start3A_102 = tpu.memref_slice %arg6[%add3A_74, %dma_start3A_101] : memref<64x128xf32, #tpu.memory_space<hbm>> -> memref<1x128xf32, #tpu.memory_space<hbm>>
        %dma_start3A_103 = tpu.memref_squeeze %dma_start3A_102 : memref<1x128xf32, #tpu.memory_space<hbm>> -> memref<128xf32, #tpu.memory_space<hbm>>
        tpu.enqueue_dma source(%dma_start3A_103 : memref<128xf32, #tpu.memory_space<hbm>>) target(%dma_start3A_100 : memref<128xf32, #tpu.memory_space<vmem>>) target_semaphore(%arg14 : memref<!tpu.dma_semaphore, #tpu.memory_space<semaphore_mem>>)
        %dma_wait3A_104 = arith.constant 0 : i32
        %dma_wait3A_105 = tpu.memref_slice %arg10[%dma_wait3A_104] : memref<100096xf32, #tpu.memory_space<vmem>> -> memref<49920xf32, #tpu.memory_space<vmem>>
        %dma_wait3A_106 = arith.constant 0 : i32
        %dma_wait3A_107 = tpu.memref_slice %arg4[%add3A_74, %dma_wait3A_106] : memref<64x100000xf32, #tpu.memory_space<hbm>> -> memref<1x49920xf32, #tpu.memory_space<hbm>>
        %dma_wait3A_108 = tpu.memref_squeeze %dma_wait3A_107 : memref<1x49920xf32, #tpu.memory_space<hbm>> -> memref<49920xf32, #tpu.memory_space<hbm>>
        %dma_wait3A_109 = arith.constant 0 : i32
        %dma_wait3A_110 = tpu.memref_slice %arg10[%dma_wait3A_109] : memref<100096xf32, #tpu.memory_space<vmem>> -> memref<49920xf32, #tpu.memory_space<vmem>>
        %dma_wait3A_111 = arith.constant 0 : i32
        %dma_wait3A_112 = tpu.memref_slice %arg4[%add3A_74, %dma_wait3A_111] : memref<64x100000xf32, #tpu.memory_space<hbm>> -> memref<1x49920xf32, #tpu.memory_space<hbm>>
        %dma_wait3A_113 = tpu.memref_squeeze %dma_wait3A_112 : memref<1x49920xf32, #tpu.memory_space<hbm>> -> memref<49920xf32, #tpu.memory_space<hbm>>
        tpu.wait_dma2 semaphore(%arg14 : memref<!tpu.dma_semaphore, #tpu.memory_space<semaphore_mem>>) src(%dma_wait3A_113 : memref<49920xf32, #tpu.memory_space<hbm>>) dst(%dma_wait3A_110 : memref<49920xf32, #tpu.memory_space<vmem>>)
        %dma_wait3A_114 = arith.constant 49920 : i32
        %dma_wait3A_115 = tpu.memref_slice %arg10[%dma_wait3A_114] : memref<100096xf32, #tpu.memory_space<vmem>> -> memref<50048xf32, #tpu.memory_space<vmem>>
        %dma_wait3A_116 = arith.constant 49920 : i32
        %dma_wait3A_117 = tpu.memref_slice %arg4[%add3A_74, %dma_wait3A_116] : memref<64x100000xf32, #tpu.memory_space<hbm>> -> memref<1x50048xf32, #tpu.memory_space<hbm>>
        %dma_wait3A_118 = tpu.memref_squeeze %dma_wait3A_117 : memref<1x50048xf32, #tpu.memory_space<hbm>> -> memref<50048xf32, #tpu.memory_space<hbm>>
        %dma_wait3A_119 = arith.constant 49920 : i32
        %dma_wait3A_120 = tpu.memref_slice %arg10[%dma_wait3A_119] : memref<100096xf32, #tpu.memory_space<vmem>> -> memref<50048xf32, #tpu.memory_space<vmem>>
        %dma_wait3A_121 = arith.constant 49920 : i32
        %dma_wait3A_122 = tpu.memref_slice %arg4[%add3A_74, %dma_wait3A_121] : memref<64x100000xf32, #tpu.memory_space<hbm>> -> memref<1x50048xf32, #tpu.memory_space<hbm>>
        %dma_wait3A_123 = tpu.memref_squeeze %dma_wait3A_122 : memref<1x50048xf32, #tpu.memory_space<hbm>> -> memref<50048xf32, #tpu.memory_space<hbm>>
        tpu.wait_dma2 semaphore(%arg14 : memref<!tpu.dma_semaphore, #tpu.memory_space<semaphore_mem>>) src(%dma_wait3A_123 : memref<50048xf32, #tpu.memory_space<hbm>>) dst(%dma_wait3A_120 : memref<50048xf32, #tpu.memory_space<vmem>>)
        %dma_wait3A_124 = arith.constant 99968 : i32
        %dma_wait3A_125 = tpu.memref_slice %arg10[%dma_wait3A_124] : memref<100096xf32, #tpu.memory_space<vmem>> -> memref<128xf32, #tpu.memory_space<vmem>>
        %dma_wait3A_126 = arith.constant 0 : i32
        %dma_wait3A_127 = tpu.memref_slice %arg6[%add3A_74, %dma_wait3A_126] : memref<64x128xf32, #tpu.memory_space<hbm>> -> memref<1x128xf32, #tpu.memory_space<hbm>>
        %dma_wait3A_128 = tpu.memref_squeeze %dma_wait3A_127 : memref<1x128xf32, #tpu.memory_space<hbm>> -> memref<128xf32, #tpu.memory_space<hbm>>
        %dma_wait3A_129 = arith.constant 99968 : i32
        %dma_wait3A_130 = tpu.memref_slice %arg10[%dma_wait3A_129] : memref<100096xf32, #tpu.memory_space<vmem>> -> memref<128xf32, #tpu.memory_space<vmem>>
        %dma_wait3A_131 = arith.constant 0 : i32
        %dma_wait3A_132 = tpu.memref_slice %arg6[%add3A_74, %dma_wait3A_131] : memref<64x128xf32, #tpu.memory_space<hbm>> -> memref<1x128xf32, #tpu.memory_space<hbm>>
        %dma_wait3A_133 = tpu.memref_squeeze %dma_wait3A_132 : memref<1x128xf32, #tpu.memory_space<hbm>> -> memref<128xf32, #tpu.memory_space<hbm>>
        tpu.wait_dma2 semaphore(%arg14 : memref<!tpu.dma_semaphore, #tpu.memory_space<semaphore_mem>>) src(%dma_wait3A_133 : memref<128xf32, #tpu.memory_space<hbm>>) dst(%dma_wait3A_130 : memref<128xf32, #tpu.memory_space<vmem>>)
        %gt3A = arith.constant 0 : i32
        %gt3A_134 = arith.cmpi sgt, %scan3A_73, %gt3A : i32
        %convert_element_type3A_135 = arith.extui %gt3A_134 : i1 to i32
        %cond3A_136 = arith.constant 0 : i32
        %cond3A_137 = arith.cmpi ne, %convert_element_type3A_135, %cond3A_136 : i32
        scf.if %cond3A_137 {
          %dma_wait3A_234 = arith.constant 0 : i32
          %dma_wait3A_235 = arith.constant 0 : i32
          %dma_wait3A_236 = arith.constant 0 : i32
          %dma_wait3A_237 = tpu.memref_slice %arg12[%dma_wait3A_235, %dma_wait3A_236] : memref<2x4096xf32, #tpu.memory_space<vmem>> -> memref<1x4096xf32, #tpu.memory_space<vmem>>
          %dma_wait3A_238 = tpu.memref_squeeze %dma_wait3A_237 : memref<1x4096xf32, #tpu.memory_space<vmem>> -> memref<4096xf32, #tpu.memory_space<vmem>>
          %dma_wait3A_239 = arith.constant 0 : i32
          %dma_wait3A_240 = tpu.memref_slice %arg8[%dma_wait3A_234, %dma_wait3A_239] : memref<64x16384xf32, #tpu.memory_space<hbm>> -> memref<1x4096xf32, #tpu.memory_space<hbm>>
          %dma_wait3A_241 = tpu.memref_squeeze %dma_wait3A_240 : memref<1x4096xf32, #tpu.memory_space<hbm>> -> memref<4096xf32, #tpu.memory_space<hbm>>
          %dma_wait3A_242 = arith.constant 0 : i32
          %dma_wait3A_243 = tpu.memref_slice %arg12[%dma_wait3A_235, %dma_wait3A_242] : memref<2x4096xf32, #tpu.memory_space<vmem>> -> memref<1x4096xf32, #tpu.memory_space<vmem>>
          %dma_wait3A_244 = tpu.memref_squeeze %dma_wait3A_243 : memref<1x4096xf32, #tpu.memory_space<vmem>> -> memref<4096xf32, #tpu.memory_space<vmem>>
          %dma_wait3A_245 = arith.constant 0 : i32
          %dma_wait3A_246 = tpu.memref_slice %arg8[%dma_wait3A_234, %dma_wait3A_245] : memref<64x16384xf32, #tpu.memory_space<hbm>> -> memref<1x4096xf32, #tpu.memory_space<hbm>>
          %dma_wait3A_247 = tpu.memref_squeeze %dma_wait3A_246 : memref<1x4096xf32, #tpu.memory_space<hbm>> -> memref<4096xf32, #tpu.memory_space<hbm>>
          tpu.wait_dma2 semaphore(%arg13 : memref<!tpu.dma_semaphore, #tpu.memory_space<semaphore_mem>>) src(%dma_wait3A_247 : memref<4096xf32, #tpu.memory_space<hbm>>) dst(%dma_wait3A_244 : memref<4096xf32, #tpu.memory_space<vmem>>)
        } else {
        }
        %parallel_loop3A = arith.constant 0 : i32
        %parallel_loop3A_138 = arith.constant 4096 : i32
        %parallel_loop3A_139 = arith.constant 64 : i32
        scf.for %parallel_loop3A_234 = %parallel_loop3A to %parallel_loop3A_138 step %parallel_loop3A_139  : i32 {
          %parallel_loop3A_235 = arith.constant 0 : i32
          %parallel_loop3A_236 = arith.addi %parallel_loop3A_235, %parallel_loop3A_234 : i32
          %parallel_loop3A_237 = arith.constant 0 : i32
          %parallel_loop3A_238 = arith.addi %parallel_loop3A_236, %parallel_loop3A_237 : i32
          %parallel_loop3A_239 = arith.index_cast %parallel_loop3A_238 : i32 to index
          %parallel_loop3A_240 = tpu.vector_load %arg11[%parallel_loop3A_239] {strides = array<i32>} : memref<16384xi32, #tpu.memory_space<vmem>>, vector<16xi32>,
          %parallel_loop3A_241 = tpu.vector_load_idx %arg10[%parallel_loop3A_240] : memref<100096xf32, #tpu.memory_space<vmem>>[vector<16xi32>], vector<16xf32>,
          %parallel_loop3A_242 = arith.constant 0 : i32
          %parallel_loop3A_243 = arith.addi %parallel_loop3A_234, %parallel_loop3A_242 : i32
          %parallel_loop3A_244 = arith.constant 0 : i32
          %parallel_loop3A_245 = arith.index_cast %parallel_loop3A_244 : i32 to index
          %parallel_loop3A_246 = arith.index_cast %parallel_loop3A_243 : i32 to index
          %parallel_loop3A_247 = tpu.vector_load %arg12[%parallel_loop3A_245, %parallel_loop3A_246] {strides = array<i32>} : memref<2x4096xf32, #tpu.memory_space<vmem>>, vector<16xf32>,
          tpu.vector_store %arg12[%parallel_loop3A_245, %parallel_loop3A_246], %parallel_loop3A_241 {strides = array<i32>} : memref<2x4096xf32, #tpu.memory_space<vmem>>, vector<16xf32>,
          %parallel_loop3A_248 = arith.constant 0 : i32
          %parallel_loop3A_249 = arith.addi %parallel_loop3A_248, %parallel_loop3A_234 : i32
          %parallel_loop3A_250 = arith.constant 16 : i32
          %parallel_loop3A_251 = arith.addi %parallel_loop3A_249, %parallel_loop3A_250 : i32
          %parallel_loop3A_252 = arith.index_cast %parallel_loop3A_251 : i32 to index
          %parallel_loop3A_253 = tpu.vector_load %arg11[%parallel_loop3A_252] {strides = array<i32>} : memref<16384xi32, #tpu.memory_space<vmem>>, vector<16xi32>,
          %parallel_loop3A_254 = tpu.vector_load_idx %arg10[%parallel_loop3A_253] : memref<100096xf32, #tpu.memory_space<vmem>>[vector<16xi32>], vector<16xf32>,
          %parallel_loop3A_255 = arith.constant 16 : i32
          %parallel_loop3A_256 = arith.addi %parallel_loop3A_234, %parallel_loop3A_255 : i32
          %parallel_loop3A_257 = arith.constant 0 : i32
          %parallel_loop3A_258 = arith.index_cast %parallel_loop3A_257 : i32 to index
          %parallel_loop3A_259 = arith.index_cast %parallel_loop3A_256 : i32 to index
          %parallel_loop3A_260 = tpu.vector_load %arg12[%parallel_loop3A_258, %parallel_loop3A_259] {strides = array<i32>} : memref<2x4096xf32, #tpu.memory_space<vmem>>, vector<16xf32>,
          tpu.vector_store %arg12[%parallel_loop3A_258, %parallel_loop3A_259], %parallel_loop3A_254 {strides = array<i32>} : memref<2x4096xf32, #tpu.memory_space<vmem>>, vector<16xf32>,
          %parallel_loop3A_261 = arith.constant 0 : i32
          %parallel_loop3A_262 = arith.addi %parallel_loop3A_261, %parallel_loop3A_234 : i32
          %parallel_loop3A_263 = arith.constant 32 : i32
          %parallel_loop3A_264 = arith.addi %parallel_loop3A_262, %parallel_loop3A_263 : i32
          %parallel_loop3A_265 = arith.index_cast %parallel_loop3A_264 : i32 to index
          %parallel_loop3A_266 = tpu.vector_load %arg11[%parallel_loop3A_265] {strides = array<i32>} : memref<16384xi32, #tpu.memory_space<vmem>>, vector<16xi32>,
          %parallel_loop3A_267 = tpu.vector_load_idx %arg10[%parallel_loop3A_266] : memref<100096xf32, #tpu.memory_space<vmem>>[vector<16xi32>], vector<16xf32>,
          %parallel_loop3A_268 = arith.constant 32 : i32
          %parallel_loop3A_269 = arith.addi %parallel_loop3A_234, %parallel_loop3A_268 : i32
          %parallel_loop3A_270 = arith.constant 0 : i32
          %parallel_loop3A_271 = arith.index_cast %parallel_loop3A_270 : i32 to index
          %parallel_loop3A_272 = arith.index_cast %parallel_loop3A_269 : i32 to index
          %parallel_loop3A_273 = tpu.vector_load %arg12[%parallel_loop3A_271, %parallel_loop3A_272] {strides = array<i32>} : memref<2x4096xf32, #tpu.memory_space<vmem>>, vector<16xf32>,
          tpu.vector_store %arg12[%parallel_loop3A_271, %parallel_loop3A_272], %parallel_loop3A_267 {strides = array<i32>} : memref<2x4096xf32, #tpu.memory_space<vmem>>, vector<16xf32>,
          %parallel_loop3A_274 = arith.constant 0 : i32
          %parallel_loop3A_275 = arith.addi %parallel_loop3A_274, %parallel_loop3A_234 : i32
          %parallel_loop3A_276 = arith.constant 48 : i32
          %parallel_loop3A_277 = arith.addi %parallel_loop3A_275, %parallel_loop3A_276 : i32
          %parallel_loop3A_278 = arith.index_cast %parallel_loop3A_277 : i32 to index
          %parallel_loop3A_279 = tpu.vector_load %arg11[%parallel_loop3A_278] {strides = array<i32>} : memref<16384xi32, #tpu.memory_space<vmem>>, vector<16xi32>,
          %parallel_loop3A_280 = tpu.vector_load_idx %arg10[%parallel_loop3A_279] : memref<100096xf32, #tpu.memory_space<vmem>>[vector<16xi32>], vector<16xf32>,
          %parallel_loop3A_281 = arith.constant 48 : i32
          %parallel_loop3A_282 = arith.addi %parallel_loop3A_234, %parallel_loop3A_281 : i32
          %parallel_loop3A_283 = arith.constant 0 : i32
          %parallel_loop3A_284 = arith.index_cast %parallel_loop3A_283 : i32 to index
          %parallel_loop3A_285 = arith.index_cast %parallel_loop3A_282 : i32 to index
          %parallel_loop3A_286 = tpu.vector_load %arg12[%parallel_loop3A_284, %parallel_loop3A_285] {strides = array<i32>} : memref<2x4096xf32, #tpu.memory_space<vmem>>, vector<16xf32>,
          tpu.vector_store %arg12[%parallel_loop3A_284, %parallel_loop3A_285], %parallel_loop3A_280 {strides = array<i32>} : memref<2x4096xf32, #tpu.memory_space<vmem>>, vector<16xf32>,
        } {sc.loop_unroll_factor = 2 : i64, sc.parallel_access}
        %dma_start3A_140 = arith.constant 0 : i32
        %dma_start3A_141 = arith.constant 0 : i32
        %dma_start3A_142 = tpu.memref_slice %arg12[%dma_start3A_140, %dma_start3A_141] : memref<2x4096xf32, #tpu.memory_space<vmem>> -> memref<1x4096xf32, #tpu.memory_space<vmem>>
        %dma_start3A_143 = tpu.memref_squeeze %dma_start3A_142 : memref<1x4096xf32, #tpu.memory_space<vmem>> -> memref<4096xf32, #tpu.memory_space<vmem>>
        %dma_start3A_144 = arith.constant 0 : i32
        %dma_start3A_145 = tpu.memref_slice %arg8[%add3A_74, %dma_start3A_144] : memref<64x16384xf32, #tpu.memory_space<hbm>> -> memref<1x4096xf32, #tpu.memory_space<hbm>>
        %dma_start3A_146 = tpu.memref_squeeze %dma_start3A_145 : memref<1x4096xf32, #tpu.memory_space<hbm>> -> memref<4096xf32, #tpu.memory_space<hbm>>
        %dma_start3A_147 = arith.constant 0 : i32
        %dma_start3A_148 = tpu.memref_slice %arg8[%add3A_74, %dma_start3A_147] : memref<64x16384xf32, #tpu.memory_space<hbm>> -> memref<1x4096xf32, #tpu.memory_space<hbm>>
        %dma_start3A_149 = tpu.memref_squeeze %dma_start3A_148 : memref<1x4096xf32, #tpu.memory_space<hbm>> -> memref<4096xf32, #tpu.memory_space<hbm>>
        %dma_start3A_150 = arith.constant 0 : i32
        %dma_start3A_151 = tpu.memref_slice %arg12[%dma_start3A_140, %dma_start3A_150] : memref<2x4096xf32, #tpu.memory_space<vmem>> -> memref<1x4096xf32, #tpu.memory_space<vmem>>
        %dma_start3A_152 = tpu.memref_squeeze %dma_start3A_151 : memref<1x4096xf32, #tpu.memory_space<vmem>> -> memref<4096xf32, #tpu.memory_space<vmem>>
        tpu.enqueue_dma source(%dma_start3A_152 : memref<4096xf32, #tpu.memory_space<vmem>>) target(%dma_start3A_149 : memref<4096xf32, #tpu.memory_space<hbm>>) target_semaphore(%arg13 : memref<!tpu.dma_semaphore, #tpu.memory_space<semaphore_mem>>)
        %gt3A_153 = arith.constant 0 : i32
        %gt3A_154 = arith.cmpi sgt, %scan3A_73, %gt3A_153 : i32
        %convert_element_type3A_155 = arith.extui %gt3A_154 : i1 to i32
        %cond3A_156 = arith.constant 0 : i32
        %cond3A_157 = arith.cmpi ne, %convert_element_type3A_155, %cond3A_156 : i32
        scf.if %cond3A_157 {
          %dma_wait3A_234 = arith.constant 0 : i32
          %dma_wait3A_235 = arith.constant 1 : i32
          %dma_wait3A_236 = arith.constant 0 : i32
          %dma_wait3A_237 = tpu.memref_slice %arg12[%dma_wait3A_235, %dma_wait3A_236] : memref<2x4096xf32, #tpu.memory_space<vmem>> -> memref<1x4096xf32, #tpu.memory_space<vmem>>
          %dma_wait3A_238 = tpu.memref_squeeze %dma_wait3A_237 : memref<1x4096xf32, #tpu.memory_space<vmem>> -> memref<4096xf32, #tpu.memory_space<vmem>>
          %dma_wait3A_239 = arith.constant 0 : i32
          %dma_wait3A_240 = tpu.memref_slice %arg8[%dma_wait3A_234, %dma_wait3A_239] : memref<64x16384xf32, #tpu.memory_space<hbm>> -> memref<1x4096xf32, #tpu.memory_space<hbm>>
          %dma_wait3A_241 = tpu.memref_squeeze %dma_wait3A_240 : memref<1x4096xf32, #tpu.memory_space<hbm>> -> memref<4096xf32, #tpu.memory_space<hbm>>
          %dma_wait3A_242 = arith.constant 0 : i32
          %dma_wait3A_243 = tpu.memref_slice %arg12[%dma_wait3A_235, %dma_wait3A_242] : memref<2x4096xf32, #tpu.memory_space<vmem>> -> memref<1x4096xf32, #tpu.memory_space<vmem>>
          %dma_wait3A_244 = tpu.memref_squeeze %dma_wait3A_243 : memref<1x4096xf32, #tpu.memory_space<vmem>> -> memref<4096xf32, #tpu.memory_space<vmem>>
          %dma_wait3A_245 = arith.constant 0 : i32
          %dma_wait3A_246 = tpu.memref_slice %arg8[%dma_wait3A_234, %dma_wait3A_245] : memref<64x16384xf32, #tpu.memory_space<hbm>> -> memref<1x4096xf32, #tpu.memory_space<hbm>>
          %dma_wait3A_247 = tpu.memref_squeeze %dma_wait3A_246 : memref<1x4096xf32, #tpu.memory_space<hbm>> -> memref<4096xf32, #tpu.memory_space<hbm>>
          tpu.wait_dma2 semaphore(%arg13 : memref<!tpu.dma_semaphore, #tpu.memory_space<semaphore_mem>>) src(%dma_wait3A_247 : memref<4096xf32, #tpu.memory_space<hbm>>) dst(%dma_wait3A_244 : memref<4096xf32, #tpu.memory_space<vmem>>)
        } else {
        }
        %parallel_loop3A_158 = arith.constant 0 : i32
        %parallel_loop3A_159 = arith.constant 4096 : i32
        %parallel_loop3A_160 = arith.constant 64 : i32
        scf.for %parallel_loop3A_234 = %parallel_loop3A_158 to %parallel_loop3A_159 step %parallel_loop3A_160  : i32 {
          %parallel_loop3A_235 = arith.constant 4096 : i32
          %parallel_loop3A_236 = arith.addi %parallel_loop3A_235, %parallel_loop3A_234 : i32
          %parallel_loop3A_237 = arith.constant 0 : i32
          %parallel_loop3A_238 = arith.addi %parallel_loop3A_236, %parallel_loop3A_237 : i32
          %parallel_loop3A_239 = arith.index_cast %parallel_loop3A_238 : i32 to index
          %parallel_loop3A_240 = tpu.vector_load %arg11[%parallel_loop3A_239] {strides = array<i32>} : memref<16384xi32, #tpu.memory_space<vmem>>, vector<16xi32>,
          %parallel_loop3A_241 = tpu.vector_load_idx %arg10[%parallel_loop3A_240] : memref<100096xf32, #tpu.memory_space<vmem>>[vector<16xi32>], vector<16xf32>,
          %parallel_loop3A_242 = arith.constant 0 : i32
          %parallel_loop3A_243 = arith.addi %parallel_loop3A_234, %parallel_loop3A_242 : i32
          %parallel_loop3A_244 = arith.constant 1 : i32
          %parallel_loop3A_245 = arith.index_cast %parallel_loop3A_244 : i32 to index
          %parallel_loop3A_246 = arith.index_cast %parallel_loop3A_243 : i32 to index
          %parallel_loop3A_247 = tpu.vector_load %arg12[%parallel_loop3A_245, %parallel_loop3A_246] {strides = array<i32>} : memref<2x4096xf32, #tpu.memory_space<vmem>>, vector<16xf32>,
          tpu.vector_store %arg12[%parallel_loop3A_245, %parallel_loop3A_246], %parallel_loop3A_241 {strides = array<i32>} : memref<2x4096xf32, #tpu.memory_space<vmem>>, vector<16xf32>,
          %parallel_loop3A_248 = arith.constant 4096 : i32
          %parallel_loop3A_249 = arith.addi %parallel_loop3A_248, %parallel_loop3A_234 : i32
          %parallel_loop3A_250 = arith.constant 16 : i32
          %parallel_loop3A_251 = arith.addi %parallel_loop3A_249, %parallel_loop3A_250 : i32
          %parallel_loop3A_252 = arith.index_cast %parallel_loop3A_251 : i32 to index
          %parallel_loop3A_253 = tpu.vector_load %arg11[%parallel_loop3A_252] {strides = array<i32>} : memref<16384xi32, #tpu.memory_space<vmem>>, vector<16xi32>,
          %parallel_loop3A_254 = tpu.vector_load_idx %arg10[%parallel_loop3A_253] : memref<100096xf32, #tpu.memory_space<vmem>>[vector<16xi32>], vector<16xf32>,
          %parallel_loop3A_255 = arith.constant 16 : i32
          %parallel_loop3A_256 = arith.addi %parallel_loop3A_234, %parallel_loop3A_255 : i32
          %parallel_loop3A_257 = arith.constant 1 : i32
          %parallel_loop3A_258 = arith.index_cast %parallel_loop3A_257 : i32 to index
          %parallel_loop3A_259 = arith.index_cast %parallel_loop3A_256 : i32 to index
          %parallel_loop3A_260 = tpu.vector_load %arg12[%parallel_loop3A_258, %parallel_loop3A_259] {strides = array<i32>} : memref<2x4096xf32, #tpu.memory_space<vmem>>, vector<16xf32>,
          tpu.vector_store %arg12[%parallel_loop3A_258, %parallel_loop3A_259], %parallel_loop3A_254 {strides = array<i32>} : memref<2x4096xf32, #tpu.memory_space<vmem>>, vector<16xf32>,
          %parallel_loop3A_261 = arith.constant 4096 : i32
          %parallel_loop3A_262 = arith.addi %parallel_loop3A_261, %parallel_loop3A_234 : i32
          %parallel_loop3A_263 = arith.constant 32 : i32
          %parallel_loop3A_264 = arith.addi %parallel_loop3A_262, %parallel_loop3A_263 : i32
          %parallel_loop3A_265 = arith.index_cast %parallel_loop3A_264 : i32 to index
          %parallel_loop3A_266 = tpu.vector_load %arg11[%parallel_loop3A_265] {strides = array<i32>} : memref<16384xi32, #tpu.memory_space<vmem>>, vector<16xi32>,
          %parallel_loop3A_267 = tpu.vector_load_idx %arg10[%parallel_loop3A_266] : memref<100096xf32, #tpu.memory_space<vmem>>[vector<16xi32>], vector<16xf32>,
          %parallel_loop3A_268 = arith.constant 32 : i32
          %parallel_loop3A_269 = arith.addi %parallel_loop3A_234, %parallel_loop3A_268 : i32
          %parallel_loop3A_270 = arith.constant 1 : i32
          %parallel_loop3A_271 = arith.index_cast %parallel_loop3A_270 : i32 to index
          %parallel_loop3A_272 = arith.index_cast %parallel_loop3A_269 : i32 to index
          %parallel_loop3A_273 = tpu.vector_load %arg12[%parallel_loop3A_271, %parallel_loop3A_272] {strides = array<i32>} : memref<2x4096xf32, #tpu.memory_space<vmem>>, vector<16xf32>,
          tpu.vector_store %arg12[%parallel_loop3A_271, %parallel_loop3A_272], %parallel_loop3A_267 {strides = array<i32>} : memref<2x4096xf32, #tpu.memory_space<vmem>>, vector<16xf32>,
          %parallel_loop3A_274 = arith.constant 4096 : i32
          %parallel_loop3A_275 = arith.addi %parallel_loop3A_274, %parallel_loop3A_234 : i32
          %parallel_loop3A_276 = arith.constant 48 : i32
          %parallel_loop3A_277 = arith.addi %parallel_loop3A_275, %parallel_loop3A_276 : i32
          %parallel_loop3A_278 = arith.index_cast %parallel_loop3A_277 : i32 to index
          %parallel_loop3A_279 = tpu.vector_load %arg11[%parallel_loop3A_278] {strides = array<i32>} : memref<16384xi32, #tpu.memory_space<vmem>>, vector<16xi32>,
          %parallel_loop3A_280 = tpu.vector_load_idx %arg10[%parallel_loop3A_279] : memref<100096xf32, #tpu.memory_space<vmem>>[vector<16xi32>], vector<16xf32>,
          %parallel_loop3A_281 = arith.constant 48 : i32
          %parallel_loop3A_282 = arith.addi %parallel_loop3A_234, %parallel_loop3A_281 : i32
          %parallel_loop3A_283 = arith.constant 1 : i32
          %parallel_loop3A_284 = arith.index_cast %parallel_loop3A_283 : i32 to index
          %parallel_loop3A_285 = arith.index_cast %parallel_loop3A_282 : i32 to index
          %parallel_loop3A_286 = tpu.vector_load %arg12[%parallel_loop3A_284, %parallel_loop3A_285] {strides = array<i32>} : memref<2x4096xf32, #tpu.memory_space<vmem>>, vector<16xf32>,
          tpu.vector_store %arg12[%parallel_loop3A_284, %parallel_loop3A_285], %parallel_loop3A_280 {strides = array<i32>} : memref<2x4096xf32, #tpu.memory_space<vmem>>, vector<16xf32>,
        } {sc.loop_unroll_factor = 2 : i64, sc.parallel_access}
        %dma_start3A_161 = arith.constant 1 : i32
        %dma_start3A_162 = arith.constant 0 : i32
        %dma_start3A_163 = tpu.memref_slice %arg12[%dma_start3A_161, %dma_start3A_162] : memref<2x4096xf32, #tpu.memory_space<vmem>> -> memref<1x4096xf32, #tpu.memory_space<vmem>>
        %dma_start3A_164 = tpu.memref_squeeze %dma_start3A_163 : memref<1x4096xf32, #tpu.memory_space<vmem>> -> memref<4096xf32, #tpu.memory_space<vmem>>
        %dma_start3A_165 = arith.constant 4096 : i32
        %dma_start3A_166 = tpu.memref_slice %arg8[%add3A_74, %dma_start3A_165] : memref<64x16384xf32, #tpu.memory_space<hbm>> -> memref<1x4096xf32, #tpu.memory_space<hbm>>
        %dma_start3A_167 = tpu.memref_squeeze %dma_start3A_166 : memref<1x4096xf32, #tpu.memory_space<hbm>> -> memref<4096xf32, #tpu.memory_space<hbm>>
        %dma_start3A_168 = arith.constant 4096 : i32
        %dma_start3A_169 = tpu.memref_slice %arg8[%add3A_74, %dma_start3A_168] : memref<64x16384xf32, #tpu.memory_space<hbm>> -> memref<1x4096xf32, #tpu.memory_space<hbm>>
        %dma_start3A_170 = tpu.memref_squeeze %dma_start3A_169 : memref<1x4096xf32, #tpu.memory_space<hbm>> -> memref<4096xf32, #tpu.memory_space<hbm>>
        %dma_start3A_171 = arith.constant 0 : i32
        %dma_start3A_172 = tpu.memref_slice %arg12[%dma_start3A_161, %dma_start3A_171] : memref<2x4096xf32, #tpu.memory_space<vmem>> -> memref<1x4096xf32, #tpu.memory_space<vmem>>
        %dma_start3A_173 = tpu.memref_squeeze %dma_start3A_172 : memref<1x4096xf32, #tpu.memory_space<vmem>> -> memref<4096xf32, #tpu.memory_space<vmem>>
        tpu.enqueue_dma source(%dma_start3A_173 : memref<4096xf32, #tpu.memory_space<vmem>>) target(%dma_start3A_170 : memref<4096xf32, #tpu.memory_space<hbm>>) target_semaphore(%arg13 : memref<!tpu.dma_semaphore, #tpu.memory_space<semaphore_mem>>)
        %dma_wait3A_174 = arith.constant 0 : i32
        %dma_wait3A_175 = arith.constant 0 : i32
        %dma_wait3A_176 = arith.constant 0 : i32
        %dma_wait3A_177 = tpu.memref_slice %arg12[%dma_wait3A_175, %dma_wait3A_176] : memref<2x4096xf32, #tpu.memory_space<vmem>> -> memref<1x4096xf32, #tpu.memory_space<vmem>>
        %dma_wait3A_178 = tpu.memref_squeeze %dma_wait3A_177 : memref<1x4096xf32, #tpu.memory_space<vmem>> -> memref<4096xf32, #tpu.memory_space<vmem>>
        %dma_wait3A_179 = arith.constant 0 : i32
        %dma_wait3A_180 = tpu.memref_slice %arg8[%dma_wait3A_174, %dma_wait3A_179] : memref<64x16384xf32, #tpu.memory_space<hbm>> -> memref<1x4096xf32, #tpu.memory_space<hbm>>
        %dma_wait3A_181 = tpu.memref_squeeze %dma_wait3A_180 : memref<1x4096xf32, #tpu.memory_space<hbm>> -> memref<4096xf32, #tpu.memory_space<hbm>>
        %dma_wait3A_182 = arith.constant 0 : i32
        %dma_wait3A_183 = tpu.memref_slice %arg12[%dma_wait3A_175, %dma_wait3A_182] : memref<2x4096xf32, #tpu.memory_space<vmem>> -> memref<1x4096xf32, #tpu.memory_space<vmem>>
        %dma_wait3A_184 = tpu.memref_squeeze %dma_wait3A_183 : memref<1x4096xf32, #tpu.memory_space<vmem>> -> memref<4096xf32, #tpu.memory_space<vmem>>
        %dma_wait3A_185 = arith.constant 0 : i32
        %dma_wait3A_186 = tpu.memref_slice %arg8[%dma_wait3A_174, %dma_wait3A_185] : memref<64x16384xf32, #tpu.memory_space<hbm>> -> memref<1x4096xf32, #tpu.memory_space<hbm>>
        %dma_wait3A_187 = tpu.memref_squeeze %dma_wait3A_186 : memref<1x4096xf32, #tpu.memory_space<hbm>> -> memref<4096xf32, #tpu.memory_space<hbm>>
        tpu.wait_dma2 semaphore(%arg13 : memref<!tpu.dma_semaphore, #tpu.memory_space<semaphore_mem>>) src(%dma_wait3A_187 : memref<4096xf32, #tpu.memory_space<hbm>>) dst(%dma_wait3A_184 : memref<4096xf32, #tpu.memory_space<vmem>>)
        %parallel_loop3A_188 = arith.constant 0 : i32
        %parallel_loop3A_189 = arith.constant 4096 : i32
        %parallel_loop3A_190 = arith.constant 64 : i32
        scf.for %parallel_loop3A_234 = %parallel_loop3A_188 to %parallel_loop3A_189 step %parallel_loop3A_190  : i32 {
          %parallel_loop3A_235 = arith.constant 8192 : i32
          %parallel_loop3A_236 = arith.addi %parallel_loop3A_235, %parallel_loop3A_234 : i32
          %parallel_loop3A_237 = arith.constant 0 : i32
          %parallel_loop3A_238 = arith.addi %parallel_loop3A_236, %parallel_loop3A_237 : i32
          %parallel_loop3A_239 = arith.index_cast %parallel_loop3A_238 : i32 to index
          %parallel_loop3A_240 = tpu.vector_load %arg11[%parallel_loop3A_239] {strides = array<i32>} : memref<16384xi32, #tpu.memory_space<vmem>>, vector<16xi32>,
          %parallel_loop3A_241 = tpu.vector_load_idx %arg10[%parallel_loop3A_240] : memref<100096xf32, #tpu.memory_space<vmem>>[vector<16xi32>], vector<16xf32>,
          %parallel_loop3A_242 = arith.constant 0 : i32
          %parallel_loop3A_243 = arith.addi %parallel_loop3A_234, %parallel_loop3A_242 : i32
          %parallel_loop3A_244 = arith.constant 0 : i32
          %parallel_loop3A_245 = arith.index_cast %parallel_loop3A_244 : i32 to index
          %parallel_loop3A_246 = arith.index_cast %parallel_loop3A_243 : i32 to index
          %parallel_loop3A_247 = tpu.vector_load %arg12[%parallel_loop3A_245, %parallel_loop3A_246] {strides = array<i32>} : memref<2x4096xf32, #tpu.memory_space<vmem>>, vector<16xf32>,
          tpu.vector_store %arg12[%parallel_loop3A_245, %parallel_loop3A_246], %parallel_loop3A_241 {strides = array<i32>} : memref<2x4096xf32, #tpu.memory_space<vmem>>, vector<16xf32>,
          %parallel_loop3A_248 = arith.constant 8192 : i32
          %parallel_loop3A_249 = arith.addi %parallel_loop3A_248, %parallel_loop3A_234 : i32
          %parallel_loop3A_250 = arith.constant 16 : i32
          %parallel_loop3A_251 = arith.addi %parallel_loop3A_249, %parallel_loop3A_250 : i32
          %parallel_loop3A_252 = arith.index_cast %parallel_loop3A_251 : i32 to index
          %parallel_loop3A_253 = tpu.vector_load %arg11[%parallel_loop3A_252] {strides = array<i32>} : memref<16384xi32, #tpu.memory_space<vmem>>, vector<16xi32>,
          %parallel_loop3A_254 = tpu.vector_load_idx %arg10[%parallel_loop3A_253] : memref<100096xf32, #tpu.memory_space<vmem>>[vector<16xi32>], vector<16xf32>,
          %parallel_loop3A_255 = arith.constant 16 : i32
          %parallel_loop3A_256 = arith.addi %parallel_loop3A_234, %parallel_loop3A_255 : i32
          %parallel_loop3A_257 = arith.constant 0 : i32
          %parallel_loop3A_258 = arith.index_cast %parallel_loop3A_257 : i32 to index
          %parallel_loop3A_259 = arith.index_cast %parallel_loop3A_256 : i32 to index
          %parallel_loop3A_260 = tpu.vector_load %arg12[%parallel_loop3A_258, %parallel_loop3A_259] {strides = array<i32>} : memref<2x4096xf32, #tpu.memory_space<vmem>>, vector<16xf32>,
          tpu.vector_store %arg12[%parallel_loop3A_258, %parallel_loop3A_259], %parallel_loop3A_254 {strides = array<i32>} : memref<2x4096xf32, #tpu.memory_space<vmem>>, vector<16xf32>,
          %parallel_loop3A_261 = arith.constant 8192 : i32
          %parallel_loop3A_262 = arith.addi %parallel_loop3A_261, %parallel_loop3A_234 : i32
          %parallel_loop3A_263 = arith.constant 32 : i32
          %parallel_loop3A_264 = arith.addi %parallel_loop3A_262, %parallel_loop3A_263 : i32
          %parallel_loop3A_265 = arith.index_cast %parallel_loop3A_264 : i32 to index
          %parallel_loop3A_266 = tpu.vector_load %arg11[%parallel_loop3A_265] {strides = array<i32>} : memref<16384xi32, #tpu.memory_space<vmem>>, vector<16xi32>,
          %parallel_loop3A_267 = tpu.vector_load_idx %arg10[%parallel_loop3A_266] : memref<100096xf32, #tpu.memory_space<vmem>>[vector<16xi32>], vector<16xf32>,
          %parallel_loop3A_268 = arith.constant 32 : i32
          %parallel_loop3A_269 = arith.addi %parallel_loop3A_234, %parallel_loop3A_268 : i32
          %parallel_loop3A_270 = arith.constant 0 : i32
          %parallel_loop3A_271 = arith.index_cast %parallel_loop3A_270 : i32 to index
          %parallel_loop3A_272 = arith.index_cast %parallel_loop3A_269 : i32 to index
          %parallel_loop3A_273 = tpu.vector_load %arg12[%parallel_loop3A_271, %parallel_loop3A_272] {strides = array<i32>} : memref<2x4096xf32, #tpu.memory_space<vmem>>, vector<16xf32>,
          tpu.vector_store %arg12[%parallel_loop3A_271, %parallel_loop3A_272], %parallel_loop3A_267 {strides = array<i32>} : memref<2x4096xf32, #tpu.memory_space<vmem>>, vector<16xf32>,
          %parallel_loop3A_274 = arith.constant 8192 : i32
          %parallel_loop3A_275 = arith.addi %parallel_loop3A_274, %parallel_loop3A_234 : i32
          %parallel_loop3A_276 = arith.constant 48 : i32
          %parallel_loop3A_277 = arith.addi %parallel_loop3A_275, %parallel_loop3A_276 : i32
          %parallel_loop3A_278 = arith.index_cast %parallel_loop3A_277 : i32 to index
          %parallel_loop3A_279 = tpu.vector_load %arg11[%parallel_loop3A_278] {strides = array<i32>} : memref<16384xi32, #tpu.memory_space<vmem>>, vector<16xi32>,
          %parallel_loop3A_280 = tpu.vector_load_idx %arg10[%parallel_loop3A_279] : memref<100096xf32, #tpu.memory_space<vmem>>[vector<16xi32>], vector<16xf32>,
          %parallel_loop3A_281 = arith.constant 48 : i32
          %parallel_loop3A_282 = arith.addi %parallel_loop3A_234, %parallel_loop3A_281 : i32
          %parallel_loop3A_283 = arith.constant 0 : i32
          %parallel_loop3A_284 = arith.index_cast %parallel_loop3A_283 : i32 to index
          %parallel_loop3A_285 = arith.index_cast %parallel_loop3A_282 : i32 to index
          %parallel_loop3A_286 = tpu.vector_load %arg12[%parallel_loop3A_284, %parallel_loop3A_285] {strides = array<i32>} : memref<2x4096xf32, #tpu.memory_space<vmem>>, vector<16xf32>,
          tpu.vector_store %arg12[%parallel_loop3A_284, %parallel_loop3A_285], %parallel_loop3A_280 {strides = array<i32>} : memref<2x4096xf32, #tpu.memory_space<vmem>>, vector<16xf32>,
        } {sc.loop_unroll_factor = 2 : i64, sc.parallel_access}
        %dma_start3A_191 = arith.constant 0 : i32
        %dma_start3A_192 = arith.constant 0 : i32
        %dma_start3A_193 = tpu.memref_slice %arg12[%dma_start3A_191, %dma_start3A_192] : memref<2x4096xf32, #tpu.memory_space<vmem>> -> memref<1x4096xf32, #tpu.memory_space<vmem>>
        %dma_start3A_194 = tpu.memref_squeeze %dma_start3A_193 : memref<1x4096xf32, #tpu.memory_space<vmem>> -> memref<4096xf32, #tpu.memory_space<vmem>>
        %dma_start3A_195 = arith.constant 8192 : i32
        %dma_start3A_196 = tpu.memref_slice %arg8[%add3A_74, %dma_start3A_195] : memref<64x16384xf32, #tpu.memory_space<hbm>> -> memref<1x4096xf32, #tpu.memory_space<hbm>>
        %dma_start3A_197 = tpu.memref_squeeze %dma_start3A_196 : memref<1x4096xf32, #tpu.memory_space<hbm>> -> memref<4096xf32, #tpu.memory_space<hbm>>
        %dma_start3A_198 = arith.constant 8192 : i32
        %dma_start3A_199 = tpu.memref_slice %arg8[%add3A_74, %dma_start3A_198] : memref<64x16384xf32, #tpu.memory_space<hbm>> -> memref<1x4096xf32, #tpu.memory_space<hbm>>
        %dma_start3A_200 = tpu.memref_squeeze %dma_start3A_199 : memref<1x4096xf32, #tpu.memory_space<hbm>> -> memref<4096xf32, #tpu.memory_space<hbm>>
        %dma_start3A_201 = arith.constant 0 : i32
        %dma_start3A_202 = tpu.memref_slice %arg12[%dma_start3A_191, %dma_start3A_201] : memref<2x4096xf32, #tpu.memory_space<vmem>> -> memref<1x4096xf32, #tpu.memory_space<vmem>>
        %dma_start3A_203 = tpu.memref_squeeze %dma_start3A_202 : memref<1x4096xf32, #tpu.memory_space<vmem>> -> memref<4096xf32, #tpu.memory_space<vmem>>
        tpu.enqueue_dma source(%dma_start3A_203 : memref<4096xf32, #tpu.memory_space<vmem>>) target(%dma_start3A_200 : memref<4096xf32, #tpu.memory_space<hbm>>) target_semaphore(%arg13 : memref<!tpu.dma_semaphore, #tpu.memory_space<semaphore_mem>>)
        %dma_wait3A_204 = arith.constant 0 : i32
        %dma_wait3A_205 = arith.constant 1 : i32
        %dma_wait3A_206 = arith.constant 0 : i32
        %dma_wait3A_207 = tpu.memref_slice %arg12[%dma_wait3A_205, %dma_wait3A_206] : memref<2x4096xf32, #tpu.memory_space<vmem>> -> memref<1x4096xf32, #tpu.memory_space<vmem>>
        %dma_wait3A_208 = tpu.memref_squeeze %dma_wait3A_207 : memref<1x4096xf32, #tpu.memory_space<vmem>> -> memref<4096xf32, #tpu.memory_space<vmem>>
        %dma_wait3A_209 = arith.constant 0 : i32
        %dma_wait3A_210 = tpu.memref_slice %arg8[%dma_wait3A_204, %dma_wait3A_209] : memref<64x16384xf32, #tpu.memory_space<hbm>> -> memref<1x4096xf32, #tpu.memory_space<hbm>>
        %dma_wait3A_211 = tpu.memref_squeeze %dma_wait3A_210 : memref<1x4096xf32, #tpu.memory_space<hbm>> -> memref<4096xf32, #tpu.memory_space<hbm>>
        %dma_wait3A_212 = arith.constant 0 : i32
        %dma_wait3A_213 = tpu.memref_slice %arg12[%dma_wait3A_205, %dma_wait3A_212] : memref<2x4096xf32, #tpu.memory_space<vmem>> -> memref<1x4096xf32, #tpu.memory_space<vmem>>
        %dma_wait3A_214 = tpu.memref_squeeze %dma_wait3A_213 : memref<1x4096xf32, #tpu.memory_space<vmem>> -> memref<4096xf32, #tpu.memory_space<vmem>>
        %dma_wait3A_215 = arith.constant 0 : i32
        %dma_wait3A_216 = tpu.memref_slice %arg8[%dma_wait3A_204, %dma_wait3A_215] : memref<64x16384xf32, #tpu.memory_space<hbm>> -> memref<1x4096xf32, #tpu.memory_space<hbm>>
        %dma_wait3A_217 = tpu.memref_squeeze %dma_wait3A_216 : memref<1x4096xf32, #tpu.memory_space<hbm>> -> memref<4096xf32, #tpu.memory_space<hbm>>
        tpu.wait_dma2 semaphore(%arg13 : memref<!tpu.dma_semaphore, #tpu.memory_space<semaphore_mem>>) src(%dma_wait3A_217 : memref<4096xf32, #tpu.memory_space<hbm>>) dst(%dma_wait3A_214 : memref<4096xf32, #tpu.memory_space<vmem>>)
        %parallel_loop3A_218 = arith.constant 0 : i32
        %parallel_loop3A_219 = arith.constant 4096 : i32
        %parallel_loop3A_220 = arith.constant 64 : i32
        scf.for %parallel_loop3A_234 = %parallel_loop3A_218 to %parallel_loop3A_219 step %parallel_loop3A_220  : i32 {
          %parallel_loop3A_235 = arith.constant 12288 : i32
          %parallel_loop3A_236 = arith.addi %parallel_loop3A_235, %parallel_loop3A_234 : i32
          %parallel_loop3A_237 = arith.constant 0 : i32
          %parallel_loop3A_238 = arith.addi %parallel_loop3A_236, %parallel_loop3A_237 : i32
          %parallel_loop3A_239 = arith.index_cast %parallel_loop3A_238 : i32 to index
          %parallel_loop3A_240 = tpu.vector_load %arg11[%parallel_loop3A_239] {strides = array<i32>} : memref<16384xi32, #tpu.memory_space<vmem>>, vector<16xi32>,
          %parallel_loop3A_241 = tpu.vector_load_idx %arg10[%parallel_loop3A_240] : memref<100096xf32, #tpu.memory_space<vmem>>[vector<16xi32>], vector<16xf32>,
          %parallel_loop3A_242 = arith.constant 0 : i32
          %parallel_loop3A_243 = arith.addi %parallel_loop3A_234, %parallel_loop3A_242 : i32
          %parallel_loop3A_244 = arith.constant 1 : i32
          %parallel_loop3A_245 = arith.index_cast %parallel_loop3A_244 : i32 to index
          %parallel_loop3A_246 = arith.index_cast %parallel_loop3A_243 : i32 to index
          %parallel_loop3A_247 = tpu.vector_load %arg12[%parallel_loop3A_245, %parallel_loop3A_246] {strides = array<i32>} : memref<2x4096xf32, #tpu.memory_space<vmem>>, vector<16xf32>,
          tpu.vector_store %arg12[%parallel_loop3A_245, %parallel_loop3A_246], %parallel_loop3A_241 {strides = array<i32>} : memref<2x4096xf32, #tpu.memory_space<vmem>>, vector<16xf32>,
          %parallel_loop3A_248 = arith.constant 12288 : i32
          %parallel_loop3A_249 = arith.addi %parallel_loop3A_248, %parallel_loop3A_234 : i32
          %parallel_loop3A_250 = arith.constant 16 : i32
          %parallel_loop3A_251 = arith.addi %parallel_loop3A_249, %parallel_loop3A_250 : i32
          %parallel_loop3A_252 = arith.index_cast %parallel_loop3A_251 : i32 to index
          %parallel_loop3A_253 = tpu.vector_load %arg11[%parallel_loop3A_252] {strides = array<i32>} : memref<16384xi32, #tpu.memory_space<vmem>>, vector<16xi32>,
          %parallel_loop3A_254 = tpu.vector_load_idx %arg10[%parallel_loop3A_253] : memref<100096xf32, #tpu.memory_space<vmem>>[vector<16xi32>], vector<16xf32>,
          %parallel_loop3A_255 = arith.constant 16 : i32
          %parallel_loop3A_256 = arith.addi %parallel_loop3A_234, %parallel_loop3A_255 : i32
          %parallel_loop3A_257 = arith.constant 1 : i32
          %parallel_loop3A_258 = arith.index_cast %parallel_loop3A_257 : i32 to index
          %parallel_loop3A_259 = arith.index_cast %parallel_loop3A_256 : i32 to index
          %parallel_loop3A_260 = tpu.vector_load %arg12[%parallel_loop3A_258, %parallel_loop3A_259] {strides = array<i32>} : memref<2x4096xf32, #tpu.memory_space<vmem>>, vector<16xf32>,
          tpu.vector_store %arg12[%parallel_loop3A_258, %parallel_loop3A_259], %parallel_loop3A_254 {strides = array<i32>} : memref<2x4096xf32, #tpu.memory_space<vmem>>, vector<16xf32>,
          %parallel_loop3A_261 = arith.constant 12288 : i32
          %parallel_loop3A_262 = arith.addi %parallel_loop3A_261, %parallel_loop3A_234 : i32
          %parallel_loop3A_263 = arith.constant 32 : i32
          %parallel_loop3A_264 = arith.addi %parallel_loop3A_262, %parallel_loop3A_263 : i32
          %parallel_loop3A_265 = arith.index_cast %parallel_loop3A_264 : i32 to index
          %parallel_loop3A_266 = tpu.vector_load %arg11[%parallel_loop3A_265] {strides = array<i32>} : memref<16384xi32, #tpu.memory_space<vmem>>, vector<16xi32>,
          %parallel_loop3A_267 = tpu.vector_load_idx %arg10[%parallel_loop3A_266] : memref<100096xf32, #tpu.memory_space<vmem>>[vector<16xi32>], vector<16xf32>,
          %parallel_loop3A_268 = arith.constant 32 : i32
          %parallel_loop3A_269 = arith.addi %parallel_loop3A_234, %parallel_loop3A_268 : i32
          %parallel_loop3A_270 = arith.constant 1 : i32
          %parallel_loop3A_271 = arith.index_cast %parallel_loop3A_270 : i32 to index
          %parallel_loop3A_272 = arith.index_cast %parallel_loop3A_269 : i32 to index
          %parallel_loop3A_273 = tpu.vector_load %arg12[%parallel_loop3A_271, %parallel_loop3A_272] {strides = array<i32>} : memref<2x4096xf32, #tpu.memory_space<vmem>>, vector<16xf32>,
          tpu.vector_store %arg12[%parallel_loop3A_271, %parallel_loop3A_272], %parallel_loop3A_267 {strides = array<i32>} : memref<2x4096xf32, #tpu.memory_space<vmem>>, vector<16xf32>,
          %parallel_loop3A_274 = arith.constant 12288 : i32
          %parallel_loop3A_275 = arith.addi %parallel_loop3A_274, %parallel_loop3A_234 : i32
          %parallel_loop3A_276 = arith.constant 48 : i32
          %parallel_loop3A_277 = arith.addi %parallel_loop3A_275, %parallel_loop3A_276 : i32
          %parallel_loop3A_278 = arith.index_cast %parallel_loop3A_277 : i32 to index
          %parallel_loop3A_279 = tpu.vector_load %arg11[%parallel_loop3A_278] {strides = array<i32>} : memref<16384xi32, #tpu.memory_space<vmem>>, vector<16xi32>,
          %parallel_loop3A_280 = tpu.vector_load_idx %arg10[%parallel_loop3A_279] : memref<100096xf32, #tpu.memory_space<vmem>>[vector<16xi32>], vector<16xf32>,
          %parallel_loop3A_281 = arith.constant 48 : i32
          %parallel_loop3A_282 = arith.addi %parallel_loop3A_234, %parallel_loop3A_281 : i32
          %parallel_loop3A_283 = arith.constant 1 : i32
          %parallel_loop3A_284 = arith.index_cast %parallel_loop3A_283 : i32 to index
          %parallel_loop3A_285 = arith.index_cast %parallel_loop3A_282 : i32 to index
          %parallel_loop3A_286 = tpu.vector_load %arg12[%parallel_loop3A_284, %parallel_loop3A_285] {strides = array<i32>} : memref<2x4096xf32, #tpu.memory_space<vmem>>, vector<16xf32>,
          tpu.vector_store %arg12[%parallel_loop3A_284, %parallel_loop3A_285], %parallel_loop3A_280 {strides = array<i32>} : memref<2x4096xf32, #tpu.memory_space<vmem>>, vector<16xf32>,
        } {sc.loop_unroll_factor = 2 : i64, sc.parallel_access}
        %dma_start3A_221 = arith.constant 1 : i32
        %dma_start3A_222 = arith.constant 0 : i32
        %dma_start3A_223 = tpu.memref_slice %arg12[%dma_start3A_221, %dma_start3A_222] : memref<2x4096xf32, #tpu.memory_space<vmem>> -> memref<1x4096xf32, #tpu.memory_space<vmem>>
        %dma_start3A_224 = tpu.memref_squeeze %dma_start3A_223 : memref<1x4096xf32, #tpu.memory_space<vmem>> -> memref<4096xf32, #tpu.memory_space<vmem>>
        %dma_start3A_225 = arith.constant 12288 : i32
        %dma_start3A_226 = tpu.memref_slice %arg8[%add3A_74, %dma_start3A_225] : memref<64x16384xf32, #tpu.memory_space<hbm>> -> memref<1x4096xf32, #tpu.memory_space<hbm>>
        %dma_start3A_227 = tpu.memref_squeeze %dma_start3A_226 : memref<1x4096xf32, #tpu.memory_space<hbm>> -> memref<4096xf32, #tpu.memory_space<hbm>>
        %dma_start3A_228 = arith.constant 12288 : i32
        %dma_start3A_229 = tpu.memref_slice %arg8[%add3A_74, %dma_start3A_228] : memref<64x16384xf32, #tpu.memory_space<hbm>> -> memref<1x4096xf32, #tpu.memory_space<hbm>>
        %dma_start3A_230 = tpu.memref_squeeze %dma_start3A_229 : memref<1x4096xf32, #tpu.memory_space<hbm>> -> memref<4096xf32, #tpu.memory_space<hbm>>
        %dma_start3A_231 = arith.constant 0 : i32
        %dma_start3A_232 = tpu.memref_slice %arg12[%dma_start3A_221, %dma_start3A_231] : memref<2x4096xf32, #tpu.memory_space<vmem>> -> memref<1x4096xf32, #tpu.memory_space<vmem>>
        %dma_start3A_233 = tpu.memref_squeeze %dma_start3A_232 : memref<1x4096xf32, #tpu.memory_space<vmem>> -> memref<4096xf32, #tpu.memory_space<vmem>>
        tpu.enqueue_dma source(%dma_start3A_233 : memref<4096xf32, #tpu.memory_space<vmem>>) target(%dma_start3A_230 : memref<4096xf32, #tpu.memory_space<hbm>>) target_semaphore(%arg13 : memref<!tpu.dma_semaphore, #tpu.memory_space<semaphore_mem>>)
      }
      %scan3A_45 = arith.constant 4 : i32
      %dma_wait3A = arith.constant 0 : i32
      %dma_wait3A_46 = arith.constant 0 : i32
      %dma_wait3A_47 = arith.constant 0 : i32
      %dma_wait3A_48 = tpu.memref_slice %arg12[%dma_wait3A_46, %dma_wait3A_47] : memref<2x4096xf32, #tpu.memory_space<vmem>> -> memref<1x4096xf32, #tpu.memory_space<vmem>>
      %dma_wait3A_49 = tpu.memref_squeeze %dma_wait3A_48 : memref<1x4096xf32, #tpu.memory_space<vmem>> -> memref<4096xf32, #tpu.memory_space<vmem>>
      %dma_wait3A_50 = arith.constant 0 : i32
      %dma_wait3A_51 = tpu.memref_slice %arg8[%dma_wait3A, %dma_wait3A_50] : memref<64x16384xf32, #tpu.memory_space<hbm>> -> memref<1x4096xf32, #tpu.memory_space<hbm>>
      %dma_wait3A_52 = tpu.memref_squeeze %dma_wait3A_51 : memref<1x4096xf32, #tpu.memory_space<hbm>> -> memref<4096xf32, #tpu.memory_space<hbm>>
      %dma_wait3A_53 = arith.constant 0 : i32
      %dma_wait3A_54 = tpu.memref_slice %arg12[%dma_wait3A_46, %dma_wait3A_53] : memref<2x4096xf32, #tpu.memory_space<vmem>> -> memref<1x4096xf32, #tpu.memory_space<vmem>>
      %dma_wait3A_55 = tpu.memref_squeeze %dma_wait3A_54 : memref<1x4096xf32, #tpu.memory_space<vmem>> -> memref<4096xf32, #tpu.memory_space<vmem>>
      %dma_wait3A_56 = arith.constant 0 : i32
      %dma_wait3A_57 = tpu.memref_slice %arg8[%dma_wait3A, %dma_wait3A_56] : memref<64x16384xf32, #tpu.memory_space<hbm>> -> memref<1x4096xf32, #tpu.memory_space<hbm>>
      %dma_wait3A_58 = tpu.memref_squeeze %dma_wait3A_57 : memref<1x4096xf32, #tpu.memory_space<hbm>> -> memref<4096xf32, #tpu.memory_space<hbm>>
      tpu.wait_dma2 semaphore(%arg13 : memref<!tpu.dma_semaphore, #tpu.memory_space<semaphore_mem>>) src(%dma_wait3A_58 : memref<4096xf32, #tpu.memory_space<hbm>>) dst(%dma_wait3A_55 : memref<4096xf32, #tpu.memory_space<vmem>>)
      %dma_wait3A_59 = arith.constant 0 : i32
      %dma_wait3A_60 = arith.constant 1 : i32
      %dma_wait3A_61 = arith.constant 0 : i32
      %dma_wait3A_62 = tpu.memref_slice %arg12[%dma_wait3A_60, %dma_wait3A_61] : memref<2x4096xf32, #tpu.memory_space<vmem>> -> memref<1x4096xf32, #tpu.memory_space<vmem>>
      %dma_wait3A_63 = tpu.memref_squeeze %dma_wait3A_62 : memref<1x4096xf32, #tpu.memory_space<vmem>> -> memref<4096xf32, #tpu.memory_space<vmem>>
      %dma_wait3A_64 = arith.constant 0 : i32
      %dma_wait3A_65 = tpu.memref_slice %arg8[%dma_wait3A_59, %dma_wait3A_64] : memref<64x16384xf32, #tpu.memory_space<hbm>> -> memref<1x4096xf32, #tpu.memory_space<hbm>>
      %dma_wait3A_66 = tpu.memref_squeeze %dma_wait3A_65 : memref<1x4096xf32, #tpu.memory_space<hbm>> -> memref<4096xf32, #tpu.memory_space<hbm>>
      %dma_wait3A_67 = arith.constant 0 : i32
      %dma_wait3A_68 = tpu.memref_slice %arg12[%dma_wait3A_60, %dma_wait3A_67] : memref<2x4096xf32, #tpu.memory_space<vmem>> -> memref<1x4096xf32, #tpu.memory_space<vmem>>
      %dma_wait3A_69 = tpu.memref_squeeze %dma_wait3A_68 : memref<1x4096xf32, #tpu.memory_space<vmem>> -> memref<4096xf32, #tpu.memory_space<vmem>>
      %dma_wait3A_70 = arith.constant 0 : i32
      %dma_wait3A_71 = tpu.memref_slice %arg8[%dma_wait3A_59, %dma_wait3A_70] : memref<64x16384xf32, #tpu.memory_space<hbm>> -> memref<1x4096xf32, #tpu.memory_space<hbm>>
      %dma_wait3A_72 = tpu.memref_squeeze %dma_wait3A_71 : memref<1x4096xf32, #tpu.memory_space<hbm>> -> memref<4096xf32, #tpu.memory_space<hbm>>
      tpu.wait_dma2 semaphore(%arg13 : memref<!tpu.dma_semaphore, #tpu.memory_space<semaphore_mem>>) src(%dma_wait3A_72 : memref<4096xf32, #tpu.memory_space<hbm>>) dst(%dma_wait3A_69 : memref<4096xf32, #tpu.memory_space<vmem>>)
    } else {
    }
    %eq3A_36 = arith.constant 1 : i32
    %eq3A_37 = arith.cmpi eq, %select_n3A, %eq3A_36 : i32
    %convert_element_type3A_38 = arith.extui %eq3A_37 : i1 to i32
    %cond3A_39 = arith.constant 0 : i32
    %cond3A_40 = arith.cmpi ne, %convert_element_type3A_38, %cond3A_39 : i32
    scf.if %cond3A_40 {
      "tpu.region"() ({
        %run_scoped3A = tpu.sem_alloc : memref<!tpu.dma_semaphore, #tpu.memory_space<semaphore_mem>>
        tpu.enqueue_dma source(%arg3 : memref<16384xi32, #tpu.memory_space<hbm>>) target(%arg11 : memref<16384xi32, #tpu.memory_space<vmem>>) target_semaphore(%run_scoped3A : memref<!tpu.dma_semaphore, #tpu.memory_space<semaphore_mem>>)
        tpu.wait_dma2 semaphore(%run_scoped3A : memref<!tpu.dma_semaphore, #tpu.memory_space<semaphore_mem>>) src(%arg3 : memref<16384xi32, #tpu.memory_space<hbm>>) dst(%arg11 : memref<16384xi32, #tpu.memory_space<vmem>>)
        tpu.yield
      }) : () -> ()
      %scan3A = arith.constant 0 : i32
      %scan3A_41 = arith.constant 0 : i32
      %scan3A_42 = arith.constant 4 : i32
      %scan3A_43 = arith.addi %scan3A_41, %scan3A_42 : i32
      %scan3A_44 = arith.constant 1 : i32
      scf.for %scan3A_73 = %scan3A_41 to %scan3A_43 step %scan3A_44  : i32 {
        %add3A_74 = arith.addi %mul3A_32, %scan3A_73 : i32
        %dma_start3A = arith.constant 0 : i32
        %dma_start3A_75 = tpu.memref_slice %arg10[%dma_start3A] : memref<100096xf32, #tpu.memory_space<vmem>> -> memref<49920xf32, #tpu.memory_space<vmem>>
        %dma_start3A_76 = arith.constant 0 : i32
        %dma_start3A_77 = tpu.memref_slice %arg5[%add3A_74, %dma_start3A_76] : memref<64x100000xf32, #tpu.memory_space<hbm>> -> memref<1x49920xf32, #tpu.memory_space<hbm>>
        %dma_start3A_78 = tpu.memref_squeeze %dma_start3A_77 : memref<1x49920xf32, #tpu.memory_space<hbm>> -> memref<49920xf32, #tpu.memory_space<hbm>>
        %dma_start3A_79 = arith.constant 0 : i32
        %dma_start3A_80 = tpu.memref_slice %arg10[%dma_start3A_79] : memref<100096xf32, #tpu.memory_space<vmem>> -> memref<49920xf32, #tpu.memory_space<vmem>>
        %dma_start3A_81 = arith.constant 0 : i32
        %dma_start3A_82 = tpu.memref_slice %arg5[%add3A_74, %dma_start3A_81] : memref<64x100000xf32, #tpu.memory_space<hbm>> -> memref<1x49920xf32, #tpu.memory_space<hbm>>
        %dma_start3A_83 = tpu.memref_squeeze %dma_start3A_82 : memref<1x49920xf32, #tpu.memory_space<hbm>> -> memref<49920xf32, #tpu.memory_space<hbm>>
        tpu.enqueue_dma source(%dma_start3A_83 : memref<49920xf32, #tpu.memory_space<hbm>>) target(%dma_start3A_80 : memref<49920xf32, #tpu.memory_space<vmem>>) target_semaphore(%arg14 : memref<!tpu.dma_semaphore, #tpu.memory_space<semaphore_mem>>)
        %dma_start3A_84 = arith.constant 49920 : i32
        %dma_start3A_85 = tpu.memref_slice %arg10[%dma_start3A_84] : memref<100096xf32, #tpu.memory_space<vmem>> -> memref<50048xf32, #tpu.memory_space<vmem>>
        %dma_start3A_86 = arith.constant 49920 : i32
        %dma_start3A_87 = tpu.memref_slice %arg5[%add3A_74, %dma_start3A_86] : memref<64x100000xf32, #tpu.memory_space<hbm>> -> memref<1x50048xf32, #tpu.memory_space<hbm>>
        %dma_start3A_88 = tpu.memref_squeeze %dma_start3A_87 : memref<1x50048xf32, #tpu.memory_space<hbm>> -> memref<50048xf32, #tpu.memory_space<hbm>>
        %dma_start3A_89 = arith.constant 49920 : i32
        %dma_start3A_90 = tpu.memref_slice %arg10[%dma_start3A_89] : memref<100096xf32, #tpu.memory_space<vmem>> -> memref<50048xf32, #tpu.memory_space<vmem>>
        %dma_start3A_91 = arith.constant 49920 : i32
        %dma_start3A_92 = tpu.memref_slice %arg5[%add3A_74, %dma_start3A_91] : memref<64x100000xf32, #tpu.memory_space<hbm>> -> memref<1x50048xf32, #tpu.memory_space<hbm>>
        %dma_start3A_93 = tpu.memref_squeeze %dma_start3A_92 : memref<1x50048xf32, #tpu.memory_space<hbm>> -> memref<50048xf32, #tpu.memory_space<hbm>>
        tpu.enqueue_dma source(%dma_start3A_93 : memref<50048xf32, #tpu.memory_space<hbm>>) target(%dma_start3A_90 : memref<50048xf32, #tpu.memory_space<vmem>>) target_semaphore(%arg14 : memref<!tpu.dma_semaphore, #tpu.memory_space<semaphore_mem>>)
        %dma_start3A_94 = arith.constant 99968 : i32
        %dma_start3A_95 = tpu.memref_slice %arg10[%dma_start3A_94] : memref<100096xf32, #tpu.memory_space<vmem>> -> memref<128xf32, #tpu.memory_space<vmem>>
        %dma_start3A_96 = arith.constant 0 : i32
        %dma_start3A_97 = tpu.memref_slice %arg7[%add3A_74, %dma_start3A_96] : memref<64x128xf32, #tpu.memory_space<hbm>> -> memref<1x128xf32, #tpu.memory_space<hbm>>
        %dma_start3A_98 = tpu.memref_squeeze %dma_start3A_97 : memref<1x128xf32, #tpu.memory_space<hbm>> -> memref<128xf32, #tpu.memory_space<hbm>>
        %dma_start3A_99 = arith.constant 99968 : i32
        %dma_start3A_100 = tpu.memref_slice %arg10[%dma_start3A_99] : memref<100096xf32, #tpu.memory_space<vmem>> -> memref<128xf32, #tpu.memory_space<vmem>>
        %dma_start3A_101 = arith.constant 0 : i32
        %dma_start3A_102 = tpu.memref_slice %arg7[%add3A_74, %dma_start3A_101] : memref<64x128xf32, #tpu.memory_space<hbm>> -> memref<1x128xf32, #tpu.memory_space<hbm>>
        %dma_start3A_103 = tpu.memref_squeeze %dma_start3A_102 : memref<1x128xf32, #tpu.memory_space<hbm>> -> memref<128xf32, #tpu.memory_space<hbm>>
        tpu.enqueue_dma source(%dma_start3A_103 : memref<128xf32, #tpu.memory_space<hbm>>) target(%dma_start3A_100 : memref<128xf32, #tpu.memory_space<vmem>>) target_semaphore(%arg14 : memref<!tpu.dma_semaphore, #tpu.memory_space<semaphore_mem>>)
        %dma_wait3A_104 = arith.constant 0 : i32
        %dma_wait3A_105 = tpu.memref_slice %arg10[%dma_wait3A_104] : memref<100096xf32, #tpu.memory_space<vmem>> -> memref<49920xf32, #tpu.memory_space<vmem>>
        %dma_wait3A_106 = arith.constant 0 : i32
        %dma_wait3A_107 = tpu.memref_slice %arg5[%add3A_74, %dma_wait3A_106] : memref<64x100000xf32, #tpu.memory_space<hbm>> -> memref<1x49920xf32, #tpu.memory_space<hbm>>
        %dma_wait3A_108 = tpu.memref_squeeze %dma_wait3A_107 : memref<1x49920xf32, #tpu.memory_space<hbm>> -> memref<49920xf32, #tpu.memory_space<hbm>>
        %dma_wait3A_109 = arith.constant 0 : i32
        %dma_wait3A_110 = tpu.memref_slice %arg10[%dma_wait3A_109] : memref<100096xf32, #tpu.memory_space<vmem>> -> memref<49920xf32, #tpu.memory_space<vmem>>
        %dma_wait3A_111 = arith.constant 0 : i32
        %dma_wait3A_112 = tpu.memref_slice %arg5[%add3A_74, %dma_wait3A_111] : memref<64x100000xf32, #tpu.memory_space<hbm>> -> memref<1x49920xf32, #tpu.memory_space<hbm>>
        %dma_wait3A_113 = tpu.memref_squeeze %dma_wait3A_112 : memref<1x49920xf32, #tpu.memory_space<hbm>> -> memref<49920xf32, #tpu.memory_space<hbm>>
        tpu.wait_dma2 semaphore(%arg14 : memref<!tpu.dma_semaphore, #tpu.memory_space<semaphore_mem>>) src(%dma_wait3A_113 : memref<49920xf32, #tpu.memory_space<hbm>>) dst(%dma_wait3A_110 : memref<49920xf32, #tpu.memory_space<vmem>>)
        %dma_wait3A_114 = arith.constant 49920 : i32
        %dma_wait3A_115 = tpu.memref_slice %arg10[%dma_wait3A_114] : memref<100096xf32, #tpu.memory_space<vmem>> -> memref<50048xf32, #tpu.memory_space<vmem>>
        %dma_wait3A_116 = arith.constant 49920 : i32
        %dma_wait3A_117 = tpu.memref_slice %arg5[%add3A_74, %dma_wait3A_116] : memref<64x100000xf32, #tpu.memory_space<hbm>> -> memref<1x50048xf32, #tpu.memory_space<hbm>>
        %dma_wait3A_118 = tpu.memref_squeeze %dma_wait3A_117 : memref<1x50048xf32, #tpu.memory_space<hbm>> -> memref<50048xf32, #tpu.memory_space<hbm>>
        %dma_wait3A_119 = arith.constant 49920 : i32
        %dma_wait3A_120 = tpu.memref_slice %arg10[%dma_wait3A_119] : memref<100096xf32, #tpu.memory_space<vmem>> -> memref<50048xf32, #tpu.memory_space<vmem>>
        %dma_wait3A_121 = arith.constant 49920 : i32
        %dma_wait3A_122 = tpu.memref_slice %arg5[%add3A_74, %dma_wait3A_121] : memref<64x100000xf32, #tpu.memory_space<hbm>> -> memref<1x50048xf32, #tpu.memory_space<hbm>>
        %dma_wait3A_123 = tpu.memref_squeeze %dma_wait3A_122 : memref<1x50048xf32, #tpu.memory_space<hbm>> -> memref<50048xf32, #tpu.memory_space<hbm>>
        tpu.wait_dma2 semaphore(%arg14 : memref<!tpu.dma_semaphore, #tpu.memory_space<semaphore_mem>>) src(%dma_wait3A_123 : memref<50048xf32, #tpu.memory_space<hbm>>) dst(%dma_wait3A_120 : memref<50048xf32, #tpu.memory_space<vmem>>)
        %dma_wait3A_124 = arith.constant 99968 : i32
        %dma_wait3A_125 = tpu.memref_slice %arg10[%dma_wait3A_124] : memref<100096xf32, #tpu.memory_space<vmem>> -> memref<128xf32, #tpu.memory_space<vmem>>
        %dma_wait3A_126 = arith.constant 0 : i32
        %dma_wait3A_127 = tpu.memref_slice %arg7[%add3A_74, %dma_wait3A_126] : memref<64x128xf32, #tpu.memory_space<hbm>> -> memref<1x128xf32, #tpu.memory_space<hbm>>
        %dma_wait3A_128 = tpu.memref_squeeze %dma_wait3A_127 : memref<1x128xf32, #tpu.memory_space<hbm>> -> memref<128xf32, #tpu.memory_space<hbm>>
        %dma_wait3A_129 = arith.constant 99968 : i32
        %dma_wait3A_130 = tpu.memref_slice %arg10[%dma_wait3A_129] : memref<100096xf32, #tpu.memory_space<vmem>> -> memref<128xf32, #tpu.memory_space<vmem>>
        %dma_wait3A_131 = arith.constant 0 : i32
        %dma_wait3A_132 = tpu.memref_slice %arg7[%add3A_74, %dma_wait3A_131] : memref<64x128xf32, #tpu.memory_space<hbm>> -> memref<1x128xf32, #tpu.memory_space<hbm>>
        %dma_wait3A_133 = tpu.memref_squeeze %dma_wait3A_132 : memref<1x128xf32, #tpu.memory_space<hbm>> -> memref<128xf32, #tpu.memory_space<hbm>>
        tpu.wait_dma2 semaphore(%arg14 : memref<!tpu.dma_semaphore, #tpu.memory_space<semaphore_mem>>) src(%dma_wait3A_133 : memref<128xf32, #tpu.memory_space<hbm>>) dst(%dma_wait3A_130 : memref<128xf32, #tpu.memory_space<vmem>>)
        %gt3A = arith.constant 0 : i32
        %gt3A_134 = arith.cmpi sgt, %scan3A_73, %gt3A : i32
        %convert_element_type3A_135 = arith.extui %gt3A_134 : i1 to i32
        %cond3A_136 = arith.constant 0 : i32
        %cond3A_137 = arith.cmpi ne, %convert_element_type3A_135, %cond3A_136 : i32
        scf.if %cond3A_137 {
          %dma_wait3A_234 = arith.constant 0 : i32
          %dma_wait3A_235 = arith.constant 0 : i32
          %dma_wait3A_236 = arith.constant 0 : i32
          %dma_wait3A_237 = tpu.memref_slice %arg12[%dma_wait3A_235, %dma_wait3A_236] : memref<2x4096xf32, #tpu.memory_space<vmem>> -> memref<1x4096xf32, #tpu.memory_space<vmem>>
          %dma_wait3A_238 = tpu.memref_squeeze %dma_wait3A_237 : memref<1x4096xf32, #tpu.memory_space<vmem>> -> memref<4096xf32, #tpu.memory_space<vmem>>
          %dma_wait3A_239 = arith.constant 0 : i32
          %dma_wait3A_240 = tpu.memref_slice %arg9[%dma_wait3A_234, %dma_wait3A_239] : memref<64x16384xf32, #tpu.memory_space<hbm>> -> memref<1x4096xf32, #tpu.memory_space<hbm>>
          %dma_wait3A_241 = tpu.memref_squeeze %dma_wait3A_240 : memref<1x4096xf32, #tpu.memory_space<hbm>> -> memref<4096xf32, #tpu.memory_space<hbm>>
          %dma_wait3A_242 = arith.constant 0 : i32
          %dma_wait3A_243 = tpu.memref_slice %arg12[%dma_wait3A_235, %dma_wait3A_242] : memref<2x4096xf32, #tpu.memory_space<vmem>> -> memref<1x4096xf32, #tpu.memory_space<vmem>>
          %dma_wait3A_244 = tpu.memref_squeeze %dma_wait3A_243 : memref<1x4096xf32, #tpu.memory_space<vmem>> -> memref<4096xf32, #tpu.memory_space<vmem>>
          %dma_wait3A_245 = arith.constant 0 : i32
          %dma_wait3A_246 = tpu.memref_slice %arg9[%dma_wait3A_234, %dma_wait3A_245] : memref<64x16384xf32, #tpu.memory_space<hbm>> -> memref<1x4096xf32, #tpu.memory_space<hbm>>
          %dma_wait3A_247 = tpu.memref_squeeze %dma_wait3A_246 : memref<1x4096xf32, #tpu.memory_space<hbm>> -> memref<4096xf32, #tpu.memory_space<hbm>>
          tpu.wait_dma2 semaphore(%arg13 : memref<!tpu.dma_semaphore, #tpu.memory_space<semaphore_mem>>) src(%dma_wait3A_247 : memref<4096xf32, #tpu.memory_space<hbm>>) dst(%dma_wait3A_244 : memref<4096xf32, #tpu.memory_space<vmem>>)
        } else {
        }
        %parallel_loop3A = arith.constant 0 : i32
        %parallel_loop3A_138 = arith.constant 4096 : i32
        %parallel_loop3A_139 = arith.constant 64 : i32
        scf.for %parallel_loop3A_234 = %parallel_loop3A to %parallel_loop3A_138 step %parallel_loop3A_139  : i32 {
          %parallel_loop3A_235 = arith.constant 0 : i32
          %parallel_loop3A_236 = arith.addi %parallel_loop3A_235, %parallel_loop3A_234 : i32
          %parallel_loop3A_237 = arith.constant 0 : i32
          %parallel_loop3A_238 = arith.addi %parallel_loop3A_236, %parallel_loop3A_237 : i32
          %parallel_loop3A_239 = arith.index_cast %parallel_loop3A_238 : i32 to index
          %parallel_loop3A_240 = tpu.vector_load %arg11[%parallel_loop3A_239] {strides = array<i32>} : memref<16384xi32, #tpu.memory_space<vmem>>, vector<16xi32>,
          %parallel_loop3A_241 = tpu.vector_load_idx %arg10[%parallel_loop3A_240] : memref<100096xf32, #tpu.memory_space<vmem>>[vector<16xi32>], vector<16xf32>,
          %parallel_loop3A_242 = arith.constant 0 : i32
          %parallel_loop3A_243 = arith.addi %parallel_loop3A_234, %parallel_loop3A_242 : i32
          %parallel_loop3A_244 = arith.constant 0 : i32
          %parallel_loop3A_245 = arith.index_cast %parallel_loop3A_244 : i32 to index
          %parallel_loop3A_246 = arith.index_cast %parallel_loop3A_243 : i32 to index
          %parallel_loop3A_247 = tpu.vector_load %arg12[%parallel_loop3A_245, %parallel_loop3A_246] {strides = array<i32>} : memref<2x4096xf32, #tpu.memory_space<vmem>>, vector<16xf32>,
          tpu.vector_store %arg12[%parallel_loop3A_245, %parallel_loop3A_246], %parallel_loop3A_241 {strides = array<i32>} : memref<2x4096xf32, #tpu.memory_space<vmem>>, vector<16xf32>,
          %parallel_loop3A_248 = arith.constant 0 : i32
          %parallel_loop3A_249 = arith.addi %parallel_loop3A_248, %parallel_loop3A_234 : i32
          %parallel_loop3A_250 = arith.constant 16 : i32
          %parallel_loop3A_251 = arith.addi %parallel_loop3A_249, %parallel_loop3A_250 : i32
          %parallel_loop3A_252 = arith.index_cast %parallel_loop3A_251 : i32 to index
          %parallel_loop3A_253 = tpu.vector_load %arg11[%parallel_loop3A_252] {strides = array<i32>} : memref<16384xi32, #tpu.memory_space<vmem>>, vector<16xi32>,
          %parallel_loop3A_254 = tpu.vector_load_idx %arg10[%parallel_loop3A_253] : memref<100096xf32, #tpu.memory_space<vmem>>[vector<16xi32>], vector<16xf32>,
          %parallel_loop3A_255 = arith.constant 16 : i32
          %parallel_loop3A_256 = arith.addi %parallel_loop3A_234, %parallel_loop3A_255 : i32
          %parallel_loop3A_257 = arith.constant 0 : i32
          %parallel_loop3A_258 = arith.index_cast %parallel_loop3A_257 : i32 to index
          %parallel_loop3A_259 = arith.index_cast %parallel_loop3A_256 : i32 to index
          %parallel_loop3A_260 = tpu.vector_load %arg12[%parallel_loop3A_258, %parallel_loop3A_259] {strides = array<i32>} : memref<2x4096xf32, #tpu.memory_space<vmem>>, vector<16xf32>,
          tpu.vector_store %arg12[%parallel_loop3A_258, %parallel_loop3A_259], %parallel_loop3A_254 {strides = array<i32>} : memref<2x4096xf32, #tpu.memory_space<vmem>>, vector<16xf32>,
          %parallel_loop3A_261 = arith.constant 0 : i32
          %parallel_loop3A_262 = arith.addi %parallel_loop3A_261, %parallel_loop3A_234 : i32
          %parallel_loop3A_263 = arith.constant 32 : i32
          %parallel_loop3A_264 = arith.addi %parallel_loop3A_262, %parallel_loop3A_263 : i32
          %parallel_loop3A_265 = arith.index_cast %parallel_loop3A_264 : i32 to index
          %parallel_loop3A_266 = tpu.vector_load %arg11[%parallel_loop3A_265] {strides = array<i32>} : memref<16384xi32, #tpu.memory_space<vmem>>, vector<16xi32>,
          %parallel_loop3A_267 = tpu.vector_load_idx %arg10[%parallel_loop3A_266] : memref<100096xf32, #tpu.memory_space<vmem>>[vector<16xi32>], vector<16xf32>,
          %parallel_loop3A_268 = arith.constant 32 : i32
          %parallel_loop3A_269 = arith.addi %parallel_loop3A_234, %parallel_loop3A_268 : i32
          %parallel_loop3A_270 = arith.constant 0 : i32
          %parallel_loop3A_271 = arith.index_cast %parallel_loop3A_270 : i32 to index
          %parallel_loop3A_272 = arith.index_cast %parallel_loop3A_269 : i32 to index
          %parallel_loop3A_273 = tpu.vector_load %arg12[%parallel_loop3A_271, %parallel_loop3A_272] {strides = array<i32>} : memref<2x4096xf32, #tpu.memory_space<vmem>>, vector<16xf32>,
          tpu.vector_store %arg12[%parallel_loop3A_271, %parallel_loop3A_272], %parallel_loop3A_267 {strides = array<i32>} : memref<2x4096xf32, #tpu.memory_space<vmem>>, vector<16xf32>,
          %parallel_loop3A_274 = arith.constant 0 : i32
          %parallel_loop3A_275 = arith.addi %parallel_loop3A_274, %parallel_loop3A_234 : i32
          %parallel_loop3A_276 = arith.constant 48 : i32
          %parallel_loop3A_277 = arith.addi %parallel_loop3A_275, %parallel_loop3A_276 : i32
          %parallel_loop3A_278 = arith.index_cast %parallel_loop3A_277 : i32 to index
          %parallel_loop3A_279 = tpu.vector_load %arg11[%parallel_loop3A_278] {strides = array<i32>} : memref<16384xi32, #tpu.memory_space<vmem>>, vector<16xi32>,
          %parallel_loop3A_280 = tpu.vector_load_idx %arg10[%parallel_loop3A_279] : memref<100096xf32, #tpu.memory_space<vmem>>[vector<16xi32>], vector<16xf32>,
          %parallel_loop3A_281 = arith.constant 48 : i32
          %parallel_loop3A_282 = arith.addi %parallel_loop3A_234, %parallel_loop3A_281 : i32
          %parallel_loop3A_283 = arith.constant 0 : i32
          %parallel_loop3A_284 = arith.index_cast %parallel_loop3A_283 : i32 to index
          %parallel_loop3A_285 = arith.index_cast %parallel_loop3A_282 : i32 to index
          %parallel_loop3A_286 = tpu.vector_load %arg12[%parallel_loop3A_284, %parallel_loop3A_285] {strides = array<i32>} : memref<2x4096xf32, #tpu.memory_space<vmem>>, vector<16xf32>,
          tpu.vector_store %arg12[%parallel_loop3A_284, %parallel_loop3A_285], %parallel_loop3A_280 {strides = array<i32>} : memref<2x4096xf32, #tpu.memory_space<vmem>>, vector<16xf32>,
        } {sc.loop_unroll_factor = 2 : i64, sc.parallel_access}
        %dma_start3A_140 = arith.constant 0 : i32
        %dma_start3A_141 = arith.constant 0 : i32
        %dma_start3A_142 = tpu.memref_slice %arg12[%dma_start3A_140, %dma_start3A_141] : memref<2x4096xf32, #tpu.memory_space<vmem>> -> memref<1x4096xf32, #tpu.memory_space<vmem>>
        %dma_start3A_143 = tpu.memref_squeeze %dma_start3A_142 : memref<1x4096xf32, #tpu.memory_space<vmem>> -> memref<4096xf32, #tpu.memory_space<vmem>>
        %dma_start3A_144 = arith.constant 0 : i32
        %dma_start3A_145 = tpu.memref_slice %arg9[%add3A_74, %dma_start3A_144] : memref<64x16384xf32, #tpu.memory_space<hbm>> -> memref<1x4096xf32, #tpu.memory_space<hbm>>
        %dma_start3A_146 = tpu.memref_squeeze %dma_start3A_145 : memref<1x4096xf32, #tpu.memory_space<hbm>> -> memref<4096xf32, #tpu.memory_space<hbm>>
        %dma_start3A_147 = arith.constant 0 : i32
        %dma_start3A_148 = tpu.memref_slice %arg9[%add3A_74, %dma_start3A_147] : memref<64x16384xf32, #tpu.memory_space<hbm>> -> memref<1x4096xf32, #tpu.memory_space<hbm>>
        %dma_start3A_149 = tpu.memref_squeeze %dma_start3A_148 : memref<1x4096xf32, #tpu.memory_space<hbm>> -> memref<4096xf32, #tpu.memory_space<hbm>>
        %dma_start3A_150 = arith.constant 0 : i32
        %dma_start3A_151 = tpu.memref_slice %arg12[%dma_start3A_140, %dma_start3A_150] : memref<2x4096xf32, #tpu.memory_space<vmem>> -> memref<1x4096xf32, #tpu.memory_space<vmem>>
        %dma_start3A_152 = tpu.memref_squeeze %dma_start3A_151 : memref<1x4096xf32, #tpu.memory_space<vmem>> -> memref<4096xf32, #tpu.memory_space<vmem>>
        tpu.enqueue_dma source(%dma_start3A_152 : memref<4096xf32, #tpu.memory_space<vmem>>) target(%dma_start3A_149 : memref<4096xf32, #tpu.memory_space<hbm>>) target_semaphore(%arg13 : memref<!tpu.dma_semaphore, #tpu.memory_space<semaphore_mem>>)
        %gt3A_153 = arith.constant 0 : i32
        %gt3A_154 = arith.cmpi sgt, %scan3A_73, %gt3A_153 : i32
        %convert_element_type3A_155 = arith.extui %gt3A_154 : i1 to i32
        %cond3A_156 = arith.constant 0 : i32
        %cond3A_157 = arith.cmpi ne, %convert_element_type3A_155, %cond3A_156 : i32
        scf.if %cond3A_157 {
          %dma_wait3A_234 = arith.constant 0 : i32
          %dma_wait3A_235 = arith.constant 1 : i32
          %dma_wait3A_236 = arith.constant 0 : i32
          %dma_wait3A_237 = tpu.memref_slice %arg12[%dma_wait3A_235, %dma_wait3A_236] : memref<2x4096xf32, #tpu.memory_space<vmem>> -> memref<1x4096xf32, #tpu.memory_space<vmem>>
          %dma_wait3A_238 = tpu.memref_squeeze %dma_wait3A_237 : memref<1x4096xf32, #tpu.memory_space<vmem>> -> memref<4096xf32, #tpu.memory_space<vmem>>
          %dma_wait3A_239 = arith.constant 0 : i32
          %dma_wait3A_240 = tpu.memref_slice %arg9[%dma_wait3A_234, %dma_wait3A_239] : memref<64x16384xf32, #tpu.memory_space<hbm>> -> memref<1x4096xf32, #tpu.memory_space<hbm>>
          %dma_wait3A_241 = tpu.memref_squeeze %dma_wait3A_240 : memref<1x4096xf32, #tpu.memory_space<hbm>> -> memref<4096xf32, #tpu.memory_space<hbm>>
          %dma_wait3A_242 = arith.constant 0 : i32
          %dma_wait3A_243 = tpu.memref_slice %arg12[%dma_wait3A_235, %dma_wait3A_242] : memref<2x4096xf32, #tpu.memory_space<vmem>> -> memref<1x4096xf32, #tpu.memory_space<vmem>>
          %dma_wait3A_244 = tpu.memref_squeeze %dma_wait3A_243 : memref<1x4096xf32, #tpu.memory_space<vmem>> -> memref<4096xf32, #tpu.memory_space<vmem>>
          %dma_wait3A_245 = arith.constant 0 : i32
          %dma_wait3A_246 = tpu.memref_slice %arg9[%dma_wait3A_234, %dma_wait3A_245] : memref<64x16384xf32, #tpu.memory_space<hbm>> -> memref<1x4096xf32, #tpu.memory_space<hbm>>
          %dma_wait3A_247 = tpu.memref_squeeze %dma_wait3A_246 : memref<1x4096xf32, #tpu.memory_space<hbm>> -> memref<4096xf32, #tpu.memory_space<hbm>>
          tpu.wait_dma2 semaphore(%arg13 : memref<!tpu.dma_semaphore, #tpu.memory_space<semaphore_mem>>) src(%dma_wait3A_247 : memref<4096xf32, #tpu.memory_space<hbm>>) dst(%dma_wait3A_244 : memref<4096xf32, #tpu.memory_space<vmem>>)
        } else {
        }
        %parallel_loop3A_158 = arith.constant 0 : i32
        %parallel_loop3A_159 = arith.constant 4096 : i32
        %parallel_loop3A_160 = arith.constant 64 : i32
        scf.for %parallel_loop3A_234 = %parallel_loop3A_158 to %parallel_loop3A_159 step %parallel_loop3A_160  : i32 {
          %parallel_loop3A_235 = arith.constant 4096 : i32
          %parallel_loop3A_236 = arith.addi %parallel_loop3A_235, %parallel_loop3A_234 : i32
          %parallel_loop3A_237 = arith.constant 0 : i32
          %parallel_loop3A_238 = arith.addi %parallel_loop3A_236, %parallel_loop3A_237 : i32
          %parallel_loop3A_239 = arith.index_cast %parallel_loop3A_238 : i32 to index
          %parallel_loop3A_240 = tpu.vector_load %arg11[%parallel_loop3A_239] {strides = array<i32>} : memref<16384xi32, #tpu.memory_space<vmem>>, vector<16xi32>,
          %parallel_loop3A_241 = tpu.vector_load_idx %arg10[%parallel_loop3A_240] : memref<100096xf32, #tpu.memory_space<vmem>>[vector<16xi32>], vector<16xf32>,
          %parallel_loop3A_242 = arith.constant 0 : i32
          %parallel_loop3A_243 = arith.addi %parallel_loop3A_234, %parallel_loop3A_242 : i32
          %parallel_loop3A_244 = arith.constant 1 : i32
          %parallel_loop3A_245 = arith.index_cast %parallel_loop3A_244 : i32 to index
          %parallel_loop3A_246 = arith.index_cast %parallel_loop3A_243 : i32 to index
          %parallel_loop3A_247 = tpu.vector_load %arg12[%parallel_loop3A_245, %parallel_loop3A_246] {strides = array<i32>} : memref<2x4096xf32, #tpu.memory_space<vmem>>, vector<16xf32>,
          tpu.vector_store %arg12[%parallel_loop3A_245, %parallel_loop3A_246], %parallel_loop3A_241 {strides = array<i32>} : memref<2x4096xf32, #tpu.memory_space<vmem>>, vector<16xf32>,
          %parallel_loop3A_248 = arith.constant 4096 : i32
          %parallel_loop3A_249 = arith.addi %parallel_loop3A_248, %parallel_loop3A_234 : i32
          %parallel_loop3A_250 = arith.constant 16 : i32
          %parallel_loop3A_251 = arith.addi %parallel_loop3A_249, %parallel_loop3A_250 : i32
          %parallel_loop3A_252 = arith.index_cast %parallel_loop3A_251 : i32 to index
          %parallel_loop3A_253 = tpu.vector_load %arg11[%parallel_loop3A_252] {strides = array<i32>} : memref<16384xi32, #tpu.memory_space<vmem>>, vector<16xi32>,
          %parallel_loop3A_254 = tpu.vector_load_idx %arg10[%parallel_loop3A_253] : memref<100096xf32, #tpu.memory_space<vmem>>[vector<16xi32>], vector<16xf32>,
          %parallel_loop3A_255 = arith.constant 16 : i32
          %parallel_loop3A_256 = arith.addi %parallel_loop3A_234, %parallel_loop3A_255 : i32
          %parallel_loop3A_257 = arith.constant 1 : i32
          %parallel_loop3A_258 = arith.index_cast %parallel_loop3A_257 : i32 to index
          %parallel_loop3A_259 = arith.index_cast %parallel_loop3A_256 : i32 to index
          %parallel_loop3A_260 = tpu.vector_load %arg12[%parallel_loop3A_258, %parallel_loop3A_259] {strides = array<i32>} : memref<2x4096xf32, #tpu.memory_space<vmem>>, vector<16xf32>,
          tpu.vector_store %arg12[%parallel_loop3A_258, %parallel_loop3A_259], %parallel_loop3A_254 {strides = array<i32>} : memref<2x4096xf32, #tpu.memory_space<vmem>>, vector<16xf32>,
          %parallel_loop3A_261 = arith.constant 4096 : i32
          %parallel_loop3A_262 = arith.addi %parallel_loop3A_261, %parallel_loop3A_234 : i32
          %parallel_loop3A_263 = arith.constant 32 : i32
          %parallel_loop3A_264 = arith.addi %parallel_loop3A_262, %parallel_loop3A_263 : i32
          %parallel_loop3A_265 = arith.index_cast %parallel_loop3A_264 : i32 to index
          %parallel_loop3A_266 = tpu.vector_load %arg11[%parallel_loop3A_265] {strides = array<i32>} : memref<16384xi32, #tpu.memory_space<vmem>>, vector<16xi32>,
          %parallel_loop3A_267 = tpu.vector_load_idx %arg10[%parallel_loop3A_266] : memref<100096xf32, #tpu.memory_space<vmem>>[vector<16xi32>], vector<16xf32>,
          %parallel_loop3A_268 = arith.constant 32 : i32
          %parallel_loop3A_269 = arith.addi %parallel_loop3A_234, %parallel_loop3A_268 : i32
          %parallel_loop3A_270 = arith.constant 1 : i32
          %parallel_loop3A_271 = arith.index_cast %parallel_loop3A_270 : i32 to index
          %parallel_loop3A_272 = arith.index_cast %parallel_loop3A_269 : i32 to index
          %parallel_loop3A_273 = tpu.vector_load %arg12[%parallel_loop3A_271, %parallel_loop3A_272] {strides = array<i32>} : memref<2x4096xf32, #tpu.memory_space<vmem>>, vector<16xf32>,
          tpu.vector_store %arg12[%parallel_loop3A_271, %parallel_loop3A_272], %parallel_loop3A_267 {strides = array<i32>} : memref<2x4096xf32, #tpu.memory_space<vmem>>, vector<16xf32>,
          %parallel_loop3A_274 = arith.constant 4096 : i32
          %parallel_loop3A_275 = arith.addi %parallel_loop3A_274, %parallel_loop3A_234 : i32
          %parallel_loop3A_276 = arith.constant 48 : i32
          %parallel_loop3A_277 = arith.addi %parallel_loop3A_275, %parallel_loop3A_276 : i32
          %parallel_loop3A_278 = arith.index_cast %parallel_loop3A_277 : i32 to index
          %parallel_loop3A_279 = tpu.vector_load %arg11[%parallel_loop3A_278] {strides = array<i32>} : memref<16384xi32, #tpu.memory_space<vmem>>, vector<16xi32>,
          %parallel_loop3A_280 = tpu.vector_load_idx %arg10[%parallel_loop3A_279] : memref<100096xf32, #tpu.memory_space<vmem>>[vector<16xi32>], vector<16xf32>,
          %parallel_loop3A_281 = arith.constant 48 : i32
          %parallel_loop3A_282 = arith.addi %parallel_loop3A_234, %parallel_loop3A_281 : i32
          %parallel_loop3A_283 = arith.constant 1 : i32
          %parallel_loop3A_284 = arith.index_cast %parallel_loop3A_283 : i32 to index
          %parallel_loop3A_285 = arith.index_cast %parallel_loop3A_282 : i32 to index
          %parallel_loop3A_286 = tpu.vector_load %arg12[%parallel_loop3A_284, %parallel_loop3A_285] {strides = array<i32>} : memref<2x4096xf32, #tpu.memory_space<vmem>>, vector<16xf32>,
          tpu.vector_store %arg12[%parallel_loop3A_284, %parallel_loop3A_285], %parallel_loop3A_280 {strides = array<i32>} : memref<2x4096xf32, #tpu.memory_space<vmem>>, vector<16xf32>,
        } {sc.loop_unroll_factor = 2 : i64, sc.parallel_access}
        %dma_start3A_161 = arith.constant 1 : i32
        %dma_start3A_162 = arith.constant 0 : i32
        %dma_start3A_163 = tpu.memref_slice %arg12[%dma_start3A_161, %dma_start3A_162] : memref<2x4096xf32, #tpu.memory_space<vmem>> -> memref<1x4096xf32, #tpu.memory_space<vmem>>
        %dma_start3A_164 = tpu.memref_squeeze %dma_start3A_163 : memref<1x4096xf32, #tpu.memory_space<vmem>> -> memref<4096xf32, #tpu.memory_space<vmem>>
        %dma_start3A_165 = arith.constant 4096 : i32
        %dma_start3A_166 = tpu.memref_slice %arg9[%add3A_74, %dma_start3A_165] : memref<64x16384xf32, #tpu.memory_space<hbm>> -> memref<1x4096xf32, #tpu.memory_space<hbm>>
        %dma_start3A_167 = tpu.memref_squeeze %dma_start3A_166 : memref<1x4096xf32, #tpu.memory_space<hbm>> -> memref<4096xf32, #tpu.memory_space<hbm>>
        %dma_start3A_168 = arith.constant 4096 : i32
        %dma_start3A_169 = tpu.memref_slice %arg9[%add3A_74, %dma_start3A_168] : memref<64x16384xf32, #tpu.memory_space<hbm>> -> memref<1x4096xf32, #tpu.memory_space<hbm>>
        %dma_start3A_170 = tpu.memref_squeeze %dma_start3A_169 : memref<1x4096xf32, #tpu.memory_space<hbm>> -> memref<4096xf32, #tpu.memory_space<hbm>>
        %dma_start3A_171 = arith.constant 0 : i32
        %dma_start3A_172 = tpu.memref_slice %arg12[%dma_start3A_161, %dma_start3A_171] : memref<2x4096xf32, #tpu.memory_space<vmem>> -> memref<1x4096xf32, #tpu.memory_space<vmem>>
        %dma_start3A_173 = tpu.memref_squeeze %dma_start3A_172 : memref<1x4096xf32, #tpu.memory_space<vmem>> -> memref<4096xf32, #tpu.memory_space<vmem>>
        tpu.enqueue_dma source(%dma_start3A_173 : memref<4096xf32, #tpu.memory_space<vmem>>) target(%dma_start3A_170 : memref<4096xf32, #tpu.memory_space<hbm>>) target_semaphore(%arg13 : memref<!tpu.dma_semaphore, #tpu.memory_space<semaphore_mem>>)
        %dma_wait3A_174 = arith.constant 0 : i32
        %dma_wait3A_175 = arith.constant 0 : i32
        %dma_wait3A_176 = arith.constant 0 : i32
        %dma_wait3A_177 = tpu.memref_slice %arg12[%dma_wait3A_175, %dma_wait3A_176] : memref<2x4096xf32, #tpu.memory_space<vmem>> -> memref<1x4096xf32, #tpu.memory_space<vmem>>
        %dma_wait3A_178 = tpu.memref_squeeze %dma_wait3A_177 : memref<1x4096xf32, #tpu.memory_space<vmem>> -> memref<4096xf32, #tpu.memory_space<vmem>>
        %dma_wait3A_179 = arith.constant 0 : i32
        %dma_wait3A_180 = tpu.memref_slice %arg9[%dma_wait3A_174, %dma_wait3A_179] : memref<64x16384xf32, #tpu.memory_space<hbm>> -> memref<1x4096xf32, #tpu.memory_space<hbm>>
        %dma_wait3A_181 = tpu.memref_squeeze %dma_wait3A_180 : memref<1x4096xf32, #tpu.memory_space<hbm>> -> memref<4096xf32, #tpu.memory_space<hbm>>
        %dma_wait3A_182 = arith.constant 0 : i32
        %dma_wait3A_183 = tpu.memref_slice %arg12[%dma_wait3A_175, %dma_wait3A_182] : memref<2x4096xf32, #tpu.memory_space<vmem>> -> memref<1x4096xf32, #tpu.memory_space<vmem>>
        %dma_wait3A_184 = tpu.memref_squeeze %dma_wait3A_183 : memref<1x4096xf32, #tpu.memory_space<vmem>> -> memref<4096xf32, #tpu.memory_space<vmem>>
        %dma_wait3A_185 = arith.constant 0 : i32
        %dma_wait3A_186 = tpu.memref_slice %arg9[%dma_wait3A_174, %dma_wait3A_185] : memref<64x16384xf32, #tpu.memory_space<hbm>> -> memref<1x4096xf32, #tpu.memory_space<hbm>>
        %dma_wait3A_187 = tpu.memref_squeeze %dma_wait3A_186 : memref<1x4096xf32, #tpu.memory_space<hbm>> -> memref<4096xf32, #tpu.memory_space<hbm>>
        tpu.wait_dma2 semaphore(%arg13 : memref<!tpu.dma_semaphore, #tpu.memory_space<semaphore_mem>>) src(%dma_wait3A_187 : memref<4096xf32, #tpu.memory_space<hbm>>) dst(%dma_wait3A_184 : memref<4096xf32, #tpu.memory_space<vmem>>)
        %parallel_loop3A_188 = arith.constant 0 : i32
        %parallel_loop3A_189 = arith.constant 4096 : i32
        %parallel_loop3A_190 = arith.constant 64 : i32
        scf.for %parallel_loop3A_234 = %parallel_loop3A_188 to %parallel_loop3A_189 step %parallel_loop3A_190  : i32 {
          %parallel_loop3A_235 = arith.constant 8192 : i32
          %parallel_loop3A_236 = arith.addi %parallel_loop3A_235, %parallel_loop3A_234 : i32
          %parallel_loop3A_237 = arith.constant 0 : i32
          %parallel_loop3A_238 = arith.addi %parallel_loop3A_236, %parallel_loop3A_237 : i32
          %parallel_loop3A_239 = arith.index_cast %parallel_loop3A_238 : i32 to index
          %parallel_loop3A_240 = tpu.vector_load %arg11[%parallel_loop3A_239] {strides = array<i32>} : memref<16384xi32, #tpu.memory_space<vmem>>, vector<16xi32>,
          %parallel_loop3A_241 = tpu.vector_load_idx %arg10[%parallel_loop3A_240] : memref<100096xf32, #tpu.memory_space<vmem>>[vector<16xi32>], vector<16xf32>,
          %parallel_loop3A_242 = arith.constant 0 : i32
          %parallel_loop3A_243 = arith.addi %parallel_loop3A_234, %parallel_loop3A_242 : i32
          %parallel_loop3A_244 = arith.constant 0 : i32
          %parallel_loop3A_245 = arith.index_cast %parallel_loop3A_244 : i32 to index
          %parallel_loop3A_246 = arith.index_cast %parallel_loop3A_243 : i32 to index
          %parallel_loop3A_247 = tpu.vector_load %arg12[%parallel_loop3A_245, %parallel_loop3A_246] {strides = array<i32>} : memref<2x4096xf32, #tpu.memory_space<vmem>>, vector<16xf32>,
          tpu.vector_store %arg12[%parallel_loop3A_245, %parallel_loop3A_246], %parallel_loop3A_241 {strides = array<i32>} : memref<2x4096xf32, #tpu.memory_space<vmem>>, vector<16xf32>,
          %parallel_loop3A_248 = arith.constant 8192 : i32
          %parallel_loop3A_249 = arith.addi %parallel_loop3A_248, %parallel_loop3A_234 : i32
          %parallel_loop3A_250 = arith.constant 16 : i32
          %parallel_loop3A_251 = arith.addi %parallel_loop3A_249, %parallel_loop3A_250 : i32
          %parallel_loop3A_252 = arith.index_cast %parallel_loop3A_251 : i32 to index
          %parallel_loop3A_253 = tpu.vector_load %arg11[%parallel_loop3A_252] {strides = array<i32>} : memref<16384xi32, #tpu.memory_space<vmem>>, vector<16xi32>,
          %parallel_loop3A_254 = tpu.vector_load_idx %arg10[%parallel_loop3A_253] : memref<100096xf32, #tpu.memory_space<vmem>>[vector<16xi32>], vector<16xf32>,
          %parallel_loop3A_255 = arith.constant 16 : i32
          %parallel_loop3A_256 = arith.addi %parallel_loop3A_234, %parallel_loop3A_255 : i32
          %parallel_loop3A_257 = arith.constant 0 : i32
          %parallel_loop3A_258 = arith.index_cast %parallel_loop3A_257 : i32 to index
          %parallel_loop3A_259 = arith.index_cast %parallel_loop3A_256 : i32 to index
          %parallel_loop3A_260 = tpu.vector_load %arg12[%parallel_loop3A_258, %parallel_loop3A_259] {strides = array<i32>} : memref<2x4096xf32, #tpu.memory_space<vmem>>, vector<16xf32>,
          tpu.vector_store %arg12[%parallel_loop3A_258, %parallel_loop3A_259], %parallel_loop3A_254 {strides = array<i32>} : memref<2x4096xf32, #tpu.memory_space<vmem>>, vector<16xf32>,
          %parallel_loop3A_261 = arith.constant 8192 : i32
          %parallel_loop3A_262 = arith.addi %parallel_loop3A_261, %parallel_loop3A_234 : i32
          %parallel_loop3A_263 = arith.constant 32 : i32
          %parallel_loop3A_264 = arith.addi %parallel_loop3A_262, %parallel_loop3A_263 : i32
          %parallel_loop3A_265 = arith.index_cast %parallel_loop3A_264 : i32 to index
          %parallel_loop3A_266 = tpu.vector_load %arg11[%parallel_loop3A_265] {strides = array<i32>} : memref<16384xi32, #tpu.memory_space<vmem>>, vector<16xi32>,
          %parallel_loop3A_267 = tpu.vector_load_idx %arg10[%parallel_loop3A_266] : memref<100096xf32, #tpu.memory_space<vmem>>[vector<16xi32>], vector<16xf32>,
          %parallel_loop3A_268 = arith.constant 32 : i32
          %parallel_loop3A_269 = arith.addi %parallel_loop3A_234, %parallel_loop3A_268 : i32
          %parallel_loop3A_270 = arith.constant 0 : i32
          %parallel_loop3A_271 = arith.index_cast %parallel_loop3A_270 : i32 to index
          %parallel_loop3A_272 = arith.index_cast %parallel_loop3A_269 : i32 to index
          %parallel_loop3A_273 = tpu.vector_load %arg12[%parallel_loop3A_271, %parallel_loop3A_272] {strides = array<i32>} : memref<2x4096xf32, #tpu.memory_space<vmem>>, vector<16xf32>,
          tpu.vector_store %arg12[%parallel_loop3A_271, %parallel_loop3A_272], %parallel_loop3A_267 {strides = array<i32>} : memref<2x4096xf32, #tpu.memory_space<vmem>>, vector<16xf32>,
          %parallel_loop3A_274 = arith.constant 8192 : i32
          %parallel_loop3A_275 = arith.addi %parallel_loop3A_274, %parallel_loop3A_234 : i32
          %parallel_loop3A_276 = arith.constant 48 : i32
          %parallel_loop3A_277 = arith.addi %parallel_loop3A_275, %parallel_loop3A_276 : i32
          %parallel_loop3A_278 = arith.index_cast %parallel_loop3A_277 : i32 to index
          %parallel_loop3A_279 = tpu.vector_load %arg11[%parallel_loop3A_278] {strides = array<i32>} : memref<16384xi32, #tpu.memory_space<vmem>>, vector<16xi32>,
          %parallel_loop3A_280 = tpu.vector_load_idx %arg10[%parallel_loop3A_279] : memref<100096xf32, #tpu.memory_space<vmem>>[vector<16xi32>], vector<16xf32>,
          %parallel_loop3A_281 = arith.constant 48 : i32
          %parallel_loop3A_282 = arith.addi %parallel_loop3A_234, %parallel_loop3A_281 : i32
          %parallel_loop3A_283 = arith.constant 0 : i32
          %parallel_loop3A_284 = arith.index_cast %parallel_loop3A_283 : i32 to index
          %parallel_loop3A_285 = arith.index_cast %parallel_loop3A_282 : i32 to index
          %parallel_loop3A_286 = tpu.vector_load %arg12[%parallel_loop3A_284, %parallel_loop3A_285] {strides = array<i32>} : memref<2x4096xf32, #tpu.memory_space<vmem>>, vector<16xf32>,
          tpu.vector_store %arg12[%parallel_loop3A_284, %parallel_loop3A_285], %parallel_loop3A_280 {strides = array<i32>} : memref<2x4096xf32, #tpu.memory_space<vmem>>, vector<16xf32>,
        } {sc.loop_unroll_factor = 2 : i64, sc.parallel_access}
        %dma_start3A_191 = arith.constant 0 : i32
        %dma_start3A_192 = arith.constant 0 : i32
        %dma_start3A_193 = tpu.memref_slice %arg12[%dma_start3A_191, %dma_start3A_192] : memref<2x4096xf32, #tpu.memory_space<vmem>> -> memref<1x4096xf32, #tpu.memory_space<vmem>>
        %dma_start3A_194 = tpu.memref_squeeze %dma_start3A_193 : memref<1x4096xf32, #tpu.memory_space<vmem>> -> memref<4096xf32, #tpu.memory_space<vmem>>
        %dma_start3A_195 = arith.constant 8192 : i32
        %dma_start3A_196 = tpu.memref_slice %arg9[%add3A_74, %dma_start3A_195] : memref<64x16384xf32, #tpu.memory_space<hbm>> -> memref<1x4096xf32, #tpu.memory_space<hbm>>
        %dma_start3A_197 = tpu.memref_squeeze %dma_start3A_196 : memref<1x4096xf32, #tpu.memory_space<hbm>> -> memref<4096xf32, #tpu.memory_space<hbm>>
        %dma_start3A_198 = arith.constant 8192 : i32
        %dma_start3A_199 = tpu.memref_slice %arg9[%add3A_74, %dma_start3A_198] : memref<64x16384xf32, #tpu.memory_space<hbm>> -> memref<1x4096xf32, #tpu.memory_space<hbm>>
        %dma_start3A_200 = tpu.memref_squeeze %dma_start3A_199 : memref<1x4096xf32, #tpu.memory_space<hbm>> -> memref<4096xf32, #tpu.memory_space<hbm>>
        %dma_start3A_201 = arith.constant 0 : i32
        %dma_start3A_202 = tpu.memref_slice %arg12[%dma_start3A_191, %dma_start3A_201] : memref<2x4096xf32, #tpu.memory_space<vmem>> -> memref<1x4096xf32, #tpu.memory_space<vmem>>
        %dma_start3A_203 = tpu.memref_squeeze %dma_start3A_202 : memref<1x4096xf32, #tpu.memory_space<vmem>> -> memref<4096xf32, #tpu.memory_space<vmem>>
        tpu.enqueue_dma source(%dma_start3A_203 : memref<4096xf32, #tpu.memory_space<vmem>>) target(%dma_start3A_200 : memref<4096xf32, #tpu.memory_space<hbm>>) target_semaphore(%arg13 : memref<!tpu.dma_semaphore, #tpu.memory_space<semaphore_mem>>)
        %dma_wait3A_204 = arith.constant 0 : i32
        %dma_wait3A_205 = arith.constant 1 : i32
        %dma_wait3A_206 = arith.constant 0 : i32
        %dma_wait3A_207 = tpu.memref_slice %arg12[%dma_wait3A_205, %dma_wait3A_206] : memref<2x4096xf32, #tpu.memory_space<vmem>> -> memref<1x4096xf32, #tpu.memory_space<vmem>>
        %dma_wait3A_208 = tpu.memref_squeeze %dma_wait3A_207 : memref<1x4096xf32, #tpu.memory_space<vmem>> -> memref<4096xf32, #tpu.memory_space<vmem>>
        %dma_wait3A_209 = arith.constant 0 : i32
        %dma_wait3A_210 = tpu.memref_slice %arg9[%dma_wait3A_204, %dma_wait3A_209] : memref<64x16384xf32, #tpu.memory_space<hbm>> -> memref<1x4096xf32, #tpu.memory_space<hbm>>
        %dma_wait3A_211 = tpu.memref_squeeze %dma_wait3A_210 : memref<1x4096xf32, #tpu.memory_space<hbm>> -> memref<4096xf32, #tpu.memory_space<hbm>>
        %dma_wait3A_212 = arith.constant 0 : i32
        %dma_wait3A_213 = tpu.memref_slice %arg12[%dma_wait3A_205, %dma_wait3A_212] : memref<2x4096xf32, #tpu.memory_space<vmem>> -> memref<1x4096xf32, #tpu.memory_space<vmem>>
        %dma_wait3A_214 = tpu.memref_squeeze %dma_wait3A_213 : memref<1x4096xf32, #tpu.memory_space<vmem>> -> memref<4096xf32, #tpu.memory_space<vmem>>
        %dma_wait3A_215 = arith.constant 0 : i32
        %dma_wait3A_216 = tpu.memref_slice %arg9[%dma_wait3A_204, %dma_wait3A_215] : memref<64x16384xf32, #tpu.memory_space<hbm>> -> memref<1x4096xf32, #tpu.memory_space<hbm>>
        %dma_wait3A_217 = tpu.memref_squeeze %dma_wait3A_216 : memref<1x4096xf32, #tpu.memory_space<hbm>> -> memref<4096xf32, #tpu.memory_space<hbm>>
        tpu.wait_dma2 semaphore(%arg13 : memref<!tpu.dma_semaphore, #tpu.memory_space<semaphore_mem>>) src(%dma_wait3A_217 : memref<4096xf32, #tpu.memory_space<hbm>>) dst(%dma_wait3A_214 : memref<4096xf32, #tpu.memory_space<vmem>>)
        %parallel_loop3A_218 = arith.constant 0 : i32
        %parallel_loop3A_219 = arith.constant 4096 : i32
        %parallel_loop3A_220 = arith.constant 64 : i32
        scf.for %parallel_loop3A_234 = %parallel_loop3A_218 to %parallel_loop3A_219 step %parallel_loop3A_220  : i32 {
          %parallel_loop3A_235 = arith.constant 12288 : i32
          %parallel_loop3A_236 = arith.addi %parallel_loop3A_235, %parallel_loop3A_234 : i32
          %parallel_loop3A_237 = arith.constant 0 : i32
          %parallel_loop3A_238 = arith.addi %parallel_loop3A_236, %parallel_loop3A_237 : i32
          %parallel_loop3A_239 = arith.index_cast %parallel_loop3A_238 : i32 to index
          %parallel_loop3A_240 = tpu.vector_load %arg11[%parallel_loop3A_239] {strides = array<i32>} : memref<16384xi32, #tpu.memory_space<vmem>>, vector<16xi32>,
          %parallel_loop3A_241 = tpu.vector_load_idx %arg10[%parallel_loop3A_240] : memref<100096xf32, #tpu.memory_space<vmem>>[vector<16xi32>], vector<16xf32>,
          %parallel_loop3A_242 = arith.constant 0 : i32
          %parallel_loop3A_243 = arith.addi %parallel_loop3A_234, %parallel_loop3A_242 : i32
          %parallel_loop3A_244 = arith.constant 1 : i32
          %parallel_loop3A_245 = arith.index_cast %parallel_loop3A_244 : i32 to index
          %parallel_loop3A_246 = arith.index_cast %parallel_loop3A_243 : i32 to index
          %parallel_loop3A_247 = tpu.vector_load %arg12[%parallel_loop3A_245, %parallel_loop3A_246] {strides = array<i32>} : memref<2x4096xf32, #tpu.memory_space<vmem>>, vector<16xf32>,
          tpu.vector_store %arg12[%parallel_loop3A_245, %parallel_loop3A_246], %parallel_loop3A_241 {strides = array<i32>} : memref<2x4096xf32, #tpu.memory_space<vmem>>, vector<16xf32>,
          %parallel_loop3A_248 = arith.constant 12288 : i32
          %parallel_loop3A_249 = arith.addi %parallel_loop3A_248, %parallel_loop3A_234 : i32
          %parallel_loop3A_250 = arith.constant 16 : i32
          %parallel_loop3A_251 = arith.addi %parallel_loop3A_249, %parallel_loop3A_250 : i32
          %parallel_loop3A_252 = arith.index_cast %parallel_loop3A_251 : i32 to index
          %parallel_loop3A_253 = tpu.vector_load %arg11[%parallel_loop3A_252] {strides = array<i32>} : memref<16384xi32, #tpu.memory_space<vmem>>, vector<16xi32>,
          %parallel_loop3A_254 = tpu.vector_load_idx %arg10[%parallel_loop3A_253] : memref<100096xf32, #tpu.memory_space<vmem>>[vector<16xi32>], vector<16xf32>,
          %parallel_loop3A_255 = arith.constant 16 : i32
          %parallel_loop3A_256 = arith.addi %parallel_loop3A_234, %parallel_loop3A_255 : i32
          %parallel_loop3A_257 = arith.constant 1 : i32
          %parallel_loop3A_258 = arith.index_cast %parallel_loop3A_257 : i32 to index
          %parallel_loop3A_259 = arith.index_cast %parallel_loop3A_256 : i32 to index
          %parallel_loop3A_260 = tpu.vector_load %arg12[%parallel_loop3A_258, %parallel_loop3A_259] {strides = array<i32>} : memref<2x4096xf32, #tpu.memory_space<vmem>>, vector<16xf32>,
          tpu.vector_store %arg12[%parallel_loop3A_258, %parallel_loop3A_259], %parallel_loop3A_254 {strides = array<i32>} : memref<2x4096xf32, #tpu.memory_space<vmem>>, vector<16xf32>,
          %parallel_loop3A_261 = arith.constant 12288 : i32
          %parallel_loop3A_262 = arith.addi %parallel_loop3A_261, %parallel_loop3A_234 : i32
          %parallel_loop3A_263 = arith.constant 32 : i32
          %parallel_loop3A_264 = arith.addi %parallel_loop3A_262, %parallel_loop3A_263 : i32
          %parallel_loop3A_265 = arith.index_cast %parallel_loop3A_264 : i32 to index
          %parallel_loop3A_266 = tpu.vector_load %arg11[%parallel_loop3A_265] {strides = array<i32>} : memref<16384xi32, #tpu.memory_space<vmem>>, vector<16xi32>,
          %parallel_loop3A_267 = tpu.vector_load_idx %arg10[%parallel_loop3A_266] : memref<100096xf32, #tpu.memory_space<vmem>>[vector<16xi32>], vector<16xf32>,
          %parallel_loop3A_268 = arith.constant 32 : i32
          %parallel_loop3A_269 = arith.addi %parallel_loop3A_234, %parallel_loop3A_268 : i32
          %parallel_loop3A_270 = arith.constant 1 : i32
          %parallel_loop3A_271 = arith.index_cast %parallel_loop3A_270 : i32 to index
          %parallel_loop3A_272 = arith.index_cast %parallel_loop3A_269 : i32 to index
          %parallel_loop3A_273 = tpu.vector_load %arg12[%parallel_loop3A_271, %parallel_loop3A_272] {strides = array<i32>} : memref<2x4096xf32, #tpu.memory_space<vmem>>, vector<16xf32>,
          tpu.vector_store %arg12[%parallel_loop3A_271, %parallel_loop3A_272], %parallel_loop3A_267 {strides = array<i32>} : memref<2x4096xf32, #tpu.memory_space<vmem>>, vector<16xf32>,
          %parallel_loop3A_274 = arith.constant 12288 : i32
          %parallel_loop3A_275 = arith.addi %parallel_loop3A_274, %parallel_loop3A_234 : i32
          %parallel_loop3A_276 = arith.constant 48 : i32
          %parallel_loop3A_277 = arith.addi %parallel_loop3A_275, %parallel_loop3A_276 : i32
          %parallel_loop3A_278 = arith.index_cast %parallel_loop3A_277 : i32 to index
          %parallel_loop3A_279 = tpu.vector_load %arg11[%parallel_loop3A_278] {strides = array<i32>} : memref<16384xi32, #tpu.memory_space<vmem>>, vector<16xi32>,
          %parallel_loop3A_280 = tpu.vector_load_idx %arg10[%parallel_loop3A_279] : memref<100096xf32, #tpu.memory_space<vmem>>[vector<16xi32>], vector<16xf32>,
          %parallel_loop3A_281 = arith.constant 48 : i32
          %parallel_loop3A_282 = arith.addi %parallel_loop3A_234, %parallel_loop3A_281 : i32
          %parallel_loop3A_283 = arith.constant 1 : i32
          %parallel_loop3A_284 = arith.index_cast %parallel_loop3A_283 : i32 to index
          %parallel_loop3A_285 = arith.index_cast %parallel_loop3A_282 : i32 to index
          %parallel_loop3A_286 = tpu.vector_load %arg12[%parallel_loop3A_284, %parallel_loop3A_285] {strides = array<i32>} : memref<2x4096xf32, #tpu.memory_space<vmem>>, vector<16xf32>,
          tpu.vector_store %arg12[%parallel_loop3A_284, %parallel_loop3A_285], %parallel_loop3A_280 {strides = array<i32>} : memref<2x4096xf32, #tpu.memory_space<vmem>>, vector<16xf32>,
        } {sc.loop_unroll_factor = 2 : i64, sc.parallel_access}
        %dma_start3A_221 = arith.constant 1 : i32
        %dma_start3A_222 = arith.constant 0 : i32
        %dma_start3A_223 = tpu.memref_slice %arg12[%dma_start3A_221, %dma_start3A_222] : memref<2x4096xf32, #tpu.memory_space<vmem>> -> memref<1x4096xf32, #tpu.memory_space<vmem>>
        %dma_start3A_224 = tpu.memref_squeeze %dma_start3A_223 : memref<1x4096xf32, #tpu.memory_space<vmem>> -> memref<4096xf32, #tpu.memory_space<vmem>>
        %dma_start3A_225 = arith.constant 12288 : i32
        %dma_start3A_226 = tpu.memref_slice %arg9[%add3A_74, %dma_start3A_225] : memref<64x16384xf32, #tpu.memory_space<hbm>> -> memref<1x4096xf32, #tpu.memory_space<hbm>>
        %dma_start3A_227 = tpu.memref_squeeze %dma_start3A_226 : memref<1x4096xf32, #tpu.memory_space<hbm>> -> memref<4096xf32, #tpu.memory_space<hbm>>
        %dma_start3A_228 = arith.constant 12288 : i32
        %dma_start3A_229 = tpu.memref_slice %arg9[%add3A_74, %dma_start3A_228] : memref<64x16384xf32, #tpu.memory_space<hbm>> -> memref<1x4096xf32, #tpu.memory_space<hbm>>
        %dma_start3A_230 = tpu.memref_squeeze %dma_start3A_229 : memref<1x4096xf32, #tpu.memory_space<hbm>> -> memref<4096xf32, #tpu.memory_space<hbm>>
        %dma_start3A_231 = arith.constant 0 : i32
        %dma_start3A_232 = tpu.memref_slice %arg12[%dma_start3A_221, %dma_start3A_231] : memref<2x4096xf32, #tpu.memory_space<vmem>> -> memref<1x4096xf32, #tpu.memory_space<vmem>>
        %dma_start3A_233 = tpu.memref_squeeze %dma_start3A_232 : memref<1x4096xf32, #tpu.memory_space<vmem>> -> memref<4096xf32, #tpu.memory_space<vmem>>
        tpu.enqueue_dma source(%dma_start3A_233 : memref<4096xf32, #tpu.memory_space<vmem>>) target(%dma_start3A_230 : memref<4096xf32, #tpu.memory_space<hbm>>) target_semaphore(%arg13 : memref<!tpu.dma_semaphore, #tpu.memory_space<semaphore_mem>>)
      }
      %scan3A_45 = arith.constant 4 : i32
      %dma_wait3A = arith.constant 0 : i32
      %dma_wait3A_46 = arith.constant 0 : i32
      %dma_wait3A_47 = arith.constant 0 : i32
      %dma_wait3A_48 = tpu.memref_slice %arg12[%dma_wait3A_46, %dma_wait3A_47] : memref<2x4096xf32, #tpu.memory_space<vmem>> -> memref<1x4096xf32, #tpu.memory_space<vmem>>
      %dma_wait3A_49 = tpu.memref_squeeze %dma_wait3A_48 : memref<1x4096xf32, #tpu.memory_space<vmem>> -> memref<4096xf32, #tpu.memory_space<vmem>>
      %dma_wait3A_50 = arith.constant 0 : i32
      %dma_wait3A_51 = tpu.memref_slice %arg9[%dma_wait3A, %dma_wait3A_50] : memref<64x16384xf32, #tpu.memory_space<hbm>> -> memref<1x4096xf32, #tpu.memory_space<hbm>>
      %dma_wait3A_52 = tpu.memref_squeeze %dma_wait3A_51 : memref<1x4096xf32, #tpu.memory_space<hbm>> -> memref<4096xf32, #tpu.memory_space<hbm>>
      %dma_wait3A_53 = arith.constant 0 : i32
      %dma_wait3A_54 = tpu.memref_slice %arg12[%dma_wait3A_46, %dma_wait3A_53] : memref<2x4096xf32, #tpu.memory_space<vmem>> -> memref<1x4096xf32, #tpu.memory_space<vmem>>
      %dma_wait3A_55 = tpu.memref_squeeze %dma_wait3A_54 : memref<1x4096xf32, #tpu.memory_space<vmem>> -> memref<4096xf32, #tpu.memory_space<vmem>>
      %dma_wait3A_56 = arith.constant 0 : i32
      %dma_wait3A_57 = tpu.memref_slice %arg9[%dma_wait3A, %dma_wait3A_56] : memref<64x16384xf32, #tpu.memory_space<hbm>> -> memref<1x4096xf32, #tpu.memory_space<hbm>>
      %dma_wait3A_58 = tpu.memref_squeeze %dma_wait3A_57 : memref<1x4096xf32, #tpu.memory_space<hbm>> -> memref<4096xf32, #tpu.memory_space<hbm>>
      tpu.wait_dma2 semaphore(%arg13 : memref<!tpu.dma_semaphore, #tpu.memory_space<semaphore_mem>>) src(%dma_wait3A_58 : memref<4096xf32, #tpu.memory_space<hbm>>) dst(%dma_wait3A_55 : memref<4096xf32, #tpu.memory_space<vmem>>)
      %dma_wait3A_59 = arith.constant 0 : i32
      %dma_wait3A_60 = arith.constant 1 : i32
      %dma_wait3A_61 = arith.constant 0 : i32
      %dma_wait3A_62 = tpu.memref_slice %arg12[%dma_wait3A_60, %dma_wait3A_61] : memref<2x4096xf32, #tpu.memory_space<vmem>> -> memref<1x4096xf32, #tpu.memory_space<vmem>>
      %dma_wait3A_63 = tpu.memref_squeeze %dma_wait3A_62 : memref<1x4096xf32, #tpu.memory_space<vmem>> -> memref<4096xf32, #tpu.memory_space<vmem>>
      %dma_wait3A_64 = arith.constant 0 : i32
      %dma_wait3A_65 = tpu.memref_slice %arg9[%dma_wait3A_59, %dma_wait3A_64] : memref<64x16384xf32, #tpu.memory_space<hbm>> -> memref<1x4096xf32, #tpu.memory_space<hbm>>
      %dma_wait3A_66 = tpu.memref_squeeze %dma_wait3A_65 : memref<1x4096xf32, #tpu.memory_space<hbm>> -> memref<4096xf32, #tpu.memory_space<hbm>>
      %dma_wait3A_67 = arith.constant 0 : i32
      %dma_wait3A_68 = tpu.memref_slice %arg12[%dma_wait3A_60, %dma_wait3A_67] : memref<2x4096xf32, #tpu.memory_space<vmem>> -> memref<1x4096xf32, #tpu.memory_space<vmem>>
      %dma_wait3A_69 = tpu.memref_squeeze %dma_wait3A_68 : memref<1x4096xf32, #tpu.memory_space<vmem>> -> memref<4096xf32, #tpu.memory_space<vmem>>
      %dma_wait3A_70 = arith.constant 0 : i32
      %dma_wait3A_71 = tpu.memref_slice %arg9[%dma_wait3A_59, %dma_wait3A_70] : memref<64x16384xf32, #tpu.memory_space<hbm>> -> memref<1x4096xf32, #tpu.memory_space<hbm>>
      %dma_wait3A_72 = tpu.memref_squeeze %dma_wait3A_71 : memref<1x4096xf32, #tpu.memory_space<hbm>> -> memref<4096xf32, #tpu.memory_space<hbm>>
      tpu.wait_dma2 semaphore(%arg13 : memref<!tpu.dma_semaphore, #tpu.memory_space<semaphore_mem>>) src(%dma_wait3A_72 : memref<4096xf32, #tpu.memory_space<hbm>>) dst(%dma_wait3A_69 : memref<4096xf32, #tpu.memory_space<vmem>>)
    } else {
    }
    return
  }
}

module attributes {stable_mosaic.version = 14 : i64} {
  func.func @_logit_body(%arg0: i32, %arg1: memref<64x8192xf32, #tpu.memory_space<vmem>>, %arg2: memref<64x8192xf32, #tpu.memory_space<vmem>>, %arg3: memref<64x8192xf32, #tpu.memory_space<vmem>>, %arg4: memref<1x64xf32, #tpu.memory_space<vmem>>, %arg5: memref<1x64xf32, #tpu.memory_space<vmem>>, %arg6: memref<1x1xf32, #tpu.memory_space<vmem>>, %arg7: memref<1x8192xf32, #tpu.memory_space<vmem>>) attributes {dimension_semantics = [#tpu.dimension_semantics<arbitrary>], iteration_bounds = array<i64: 2>, scalar_prefetch = 0 : i64, scratch_operands = 0 : i64, tpu.core_type = #tpu.core_type<tc>, window_params = [{transform_indices = @transform_0, window_bounds = array<i64: 64, 8192>}, {transform_indices = @transform_1, window_bounds = array<i64: 64, 8192>}, {transform_indices = @transform_2, window_bounds = array<i64: 64, 8192>}, {pipeline_mode = #tpu.pipeline_mode<synchronous>, transform_indices = @transform_3, window_bounds = array<i64: 1, 64>}, {pipeline_mode = #tpu.pipeline_mode<synchronous>, transform_indices = @transform_4, window_bounds = array<i64: 1, 64>}, {pipeline_mode = #tpu.pipeline_mode<synchronous>, transform_indices = @transform_5, window_bounds = array<i64: 1, 1>}, {transform_indices = @transform_6, window_bounds = array<i64: 1, 8192>}]} {
    %get3A = arith.constant 0 : index
    %get3A_0 = arith.constant 0 : index
    %get3A_1 = vector.load %arg1[%get3A, %get3A_0] : memref<64x8192xf32, #tpu.memory_space<vmem>>, vector<64x8192xf32>
    %get3A_2 = arith.constant 0 : index
    %get3A_3 = arith.constant 0 : index
    %get3A_4 = vector.load %arg2[%get3A_2, %get3A_3] : memref<64x8192xf32, #tpu.memory_space<vmem>>, vector<64x8192xf32>
    %mul3A = arith.mulf %get3A_1, %get3A_4 : vector<64x8192xf32>
    %get3A_5 = arith.constant 0 : index
    %get3A_6 = arith.constant 0 : index
    %get3A_7 = vector.load %arg4[%get3A_5, %get3A_6] : memref<1x64xf32, #tpu.memory_space<vmem>>, vector<1x64xf32>
    %dot_general3A = arith.constant dense<0.000000e+00> : vector<1x8192xf32>
    %dot_general3A_8 = tpu.matmul %get3A_7, %mul3A, %dot_general3A {dimension_numbers = #tpu.dot_dimension_numbers<[1], [0], [0], [1], [0, 0, 1, 1], [], []>, transpose_lhs_hint = false} : vector<1x64xf32>, vector<64x8192xf32>, vector<1x8192xf32> -> vector<1x8192xf32>
    %get3A_9 = arith.constant 0 : index
    %get3A_10 = arith.constant 0 : index
    %get3A_11 = vector.load %arg5[%get3A_9, %get3A_10] : memref<1x64xf32, #tpu.memory_space<vmem>>, vector<1x64xf32>
    %get3A_12 = arith.constant 0 : index
    %get3A_13 = arith.constant 0 : index
    %get3A_14 = vector.load %arg3[%get3A_12, %get3A_13] : memref<64x8192xf32, #tpu.memory_space<vmem>>, vector<64x8192xf32>
    %dot_general3A_15 = arith.constant dense<0.000000e+00> : vector<1x8192xf32>
    %dot_general3A_16 = tpu.matmul %get3A_11, %get3A_14, %dot_general3A_15 {dimension_numbers = #tpu.dot_dimension_numbers<[1], [0], [0], [1], [0, 0, 1, 1], [], []>, transpose_lhs_hint = false} : vector<1x64xf32>, vector<64x8192xf32>, vector<1x8192xf32> -> vector<1x8192xf32>
    %add3A = arith.addf %dot_general3A_8, %dot_general3A_16 : vector<1x8192xf32>
    %get3A_17 = arith.constant 0 : index
    %get3A_18 = arith.constant 0 : index
    %get3A_19 = vector.load %arg6[%get3A_17, %get3A_18] : memref<1x1xf32, #tpu.memory_space<vmem>>, vector<1x1xf32>
    %add3A_20 = vector.broadcast %get3A_19 : vector<1x1xf32> to vector<1x8192xf32>
    %add3A_21 = arith.addf %add3A, %add3A_20 : vector<1x8192xf32>
    %neg3A = arith.constant 0.000000e+00 : f32
    %neg3A_22 = vector.broadcast %neg3A : f32 to vector<1x8192xf32>
    %neg3A_23 = arith.subf %neg3A_22, %add3A_21 : vector<1x8192xf32>
    %exp3A = math.exp %neg3A_23 : vector<1x8192xf32>
    %add3A_24 = arith.constant 1.000000e+00 : f32
    %add3A_25 = vector.broadcast %add3A_24 : f32 to vector<1x8192xf32>
    %add3A_26 = arith.addf %add3A_25, %exp3A : vector<1x8192xf32>
    %div3A = arith.constant 1.000000e+00 : f32
    %div3A_27 = vector.broadcast %div3A : f32 to vector<1x8192xf32>
    %div3A_28 = arith.divf %div3A_27, %add3A_26 : vector<1x8192xf32>
    %swap3A = arith.constant 0 : index
    %swap3A_29 = arith.constant 0 : index
    %swap3A_30 = vector.load %arg7[%swap3A, %swap3A_29] : memref<1x8192xf32, #tpu.memory_space<vmem>>, vector<1x8192xf32>
    tpu.vector_store %arg7[%swap3A, %swap3A_29], %div3A_28 {strides = array<i32>} : memref<1x8192xf32, #tpu.memory_space<vmem>>, vector<1x8192xf32>,
    return
  }
  func.func @transform_0(%arg0: i32) -> (i32, i32) {
    %c0_i32 = arith.constant 0 : i32
    %c0_i32_0 = arith.constant 0 : i32
    return %c0_i32, %arg0 : i32, i32
  }
  func.func @transform_1(%arg0: i32) -> (i32, i32) {
    %c0_i32 = arith.constant 0 : i32
    %c0_i32_0 = arith.constant 0 : i32
    return %c0_i32, %arg0 : i32, i32
  }
  func.func @transform_2(%arg0: i32) -> (i32, i32) {
    %c0_i32 = arith.constant 0 : i32
    %c0_i32_0 = arith.constant 0 : i32
    return %c0_i32, %arg0 : i32, i32
  }
  func.func @transform_3(%arg0: i32) -> (i32, i32) {
    %c0_i32 = arith.constant 0 : i32
    %c0_i32_0 = arith.constant 0 : i32
    %c0_i32_1 = arith.constant 0 : i32
    return %c0_i32, %c0_i32_0 : i32, i32
  }
  func.func @transform_4(%arg0: i32) -> (i32, i32) {
    %c0_i32 = arith.constant 0 : i32
    %c0_i32_0 = arith.constant 0 : i32
    %c0_i32_1 = arith.constant 0 : i32
    return %c0_i32, %c0_i32_0 : i32, i32
  }
  func.func @transform_5(%arg0: i32) -> (i32, i32) {
    %c0_i32 = arith.constant 0 : i32
    %c0_i32_0 = arith.constant 0 : i32
    %c0_i32_1 = arith.constant 0 : i32
    return %c0_i32, %c0_i32_0 : i32, i32
  }
  func.func @transform_6(%arg0: i32) -> (i32, i32) {
    %c0_i32 = arith.constant 0 : i32
    %c0_i32_0 = arith.constant 0 : i32
    return %c0_i32, %arg0 : i32, i32
  }
}

module attributes {stable_mosaic.version = 14 : i64} {
  func.func @_tower_body(%arg0: i32, %arg1: memref<64x4096xf32, #tpu.memory_space<vmem>>, %arg2: memref<64x4096xf32, #tpu.memory_space<vmem>>, %arg3: memref<256x64xf32, #tpu.memory_space<vmem>>, %arg4: memref<256x64xf32, #tpu.memory_space<vmem>>, %arg5: memref<256x1xf32, #tpu.memory_space<vmem>>, %arg6: memref<128x256xf32, #tpu.memory_space<vmem>>, %arg7: memref<128x1xf32, #tpu.memory_space<vmem>>, %arg8: memref<64x128xf32, #tpu.memory_space<vmem>>, %arg9: memref<64x1xf32, #tpu.memory_space<vmem>>, %arg10: memref<64x4096xf32, #tpu.memory_space<vmem>>) attributes {dimension_semantics = [#tpu.dimension_semantics<arbitrary>], iteration_bounds = array<i64: 4>, scalar_prefetch = 0 : i64, scratch_operands = 0 : i64, tpu.core_type = #tpu.core_type<tc>, window_params = [{transform_indices = @transform_0, window_bounds = array<i64: 64, 4096>}, {transform_indices = @transform_1, window_bounds = array<i64: 64, 4096>}, {pipeline_mode = #tpu.pipeline_mode<synchronous>, transform_indices = @transform_2, window_bounds = array<i64: 256, 64>}, {pipeline_mode = #tpu.pipeline_mode<synchronous>, transform_indices = @transform_3, window_bounds = array<i64: 256, 64>}, {pipeline_mode = #tpu.pipeline_mode<synchronous>, transform_indices = @transform_4, window_bounds = array<i64: 256, 1>}, {pipeline_mode = #tpu.pipeline_mode<synchronous>, transform_indices = @transform_5, window_bounds = array<i64: 128, 256>}, {pipeline_mode = #tpu.pipeline_mode<synchronous>, transform_indices = @transform_6, window_bounds = array<i64: 128, 1>}, {pipeline_mode = #tpu.pipeline_mode<synchronous>, transform_indices = @transform_7, window_bounds = array<i64: 64, 128>}, {pipeline_mode = #tpu.pipeline_mode<synchronous>, transform_indices = @transform_8, window_bounds = array<i64: 64, 1>}, {transform_indices = @transform_9, window_bounds = array<i64: 64, 4096>}]} {
    %get3A = arith.constant 0 : index
    %get3A_0 = arith.constant 0 : index
    %get3A_1 = vector.load %arg3[%get3A, %get3A_0] : memref<256x64xf32, #tpu.memory_space<vmem>>, vector<256x64xf32>
    %get3A_2 = arith.constant 0 : index
    %get3A_3 = arith.constant 0 : index
    %get3A_4 = vector.load %arg1[%get3A_2, %get3A_3] : memref<64x4096xf32, #tpu.memory_space<vmem>>, vector<64x4096xf32>
    %dot_general3A = arith.constant dense<0.000000e+00> : vector<256x4096xf32>
    %dot_general3A_5 = tpu.matmul %get3A_1, %get3A_4, %dot_general3A {dimension_numbers = #tpu.dot_dimension_numbers<[1], [0], [0], [1], [0, 0, 1, 1], [], []>, transpose_lhs_hint = false} : vector<256x64xf32>, vector<64x4096xf32>, vector<256x4096xf32> -> vector<256x4096xf32>
    %get3A_6 = arith.constant 0 : index
    %get3A_7 = arith.constant 0 : index
    %get3A_8 = vector.load %arg4[%get3A_6, %get3A_7] : memref<256x64xf32, #tpu.memory_space<vmem>>, vector<256x64xf32>
    %get3A_9 = arith.constant 0 : index
    %get3A_10 = arith.constant 0 : index
    %get3A_11 = vector.load %arg2[%get3A_9, %get3A_10] : memref<64x4096xf32, #tpu.memory_space<vmem>>, vector<64x4096xf32>
    %dot_general3A_12 = arith.constant dense<0.000000e+00> : vector<256x4096xf32>
    %dot_general3A_13 = tpu.matmul %get3A_8, %get3A_11, %dot_general3A_12 {dimension_numbers = #tpu.dot_dimension_numbers<[1], [0], [0], [1], [0, 0, 1, 1], [], []>, transpose_lhs_hint = false} : vector<256x64xf32>, vector<64x4096xf32>, vector<256x4096xf32> -> vector<256x4096xf32>
    %add3A = arith.addf %dot_general3A_5, %dot_general3A_13 : vector<256x4096xf32>
    %get3A_14 = arith.constant 0 : index
    %get3A_15 = arith.constant 0 : index
    %get3A_16 = vector.load %arg5[%get3A_14, %get3A_15] : memref<256x1xf32, #tpu.memory_space<vmem>>, vector<256x1xf32>
    %add3A_17 = vector.broadcast %get3A_16 : vector<256x1xf32> to vector<256x4096xf32>
    %add3A_18 = arith.addf %add3A, %add3A_17 : vector<256x4096xf32>
    %max3A = arith.constant 0.000000e+00 : f32
    %max3A_19 = vector.broadcast %max3A : f32 to vector<256x4096xf32>
    %max3A_20 = arith.maximumf %add3A_18, %max3A_19 : vector<256x4096xf32>
    %get3A_21 = arith.constant 0 : index
    %get3A_22 = arith.constant 0 : index
    %get3A_23 = vector.load %arg6[%get3A_21, %get3A_22] : memref<128x256xf32, #tpu.memory_space<vmem>>, vector<128x256xf32>
    %dot_general3A_24 = arith.constant dense<0.000000e+00> : vector<128x4096xf32>
    %dot_general3A_25 = tpu.matmul %get3A_23, %max3A_20, %dot_general3A_24 {dimension_numbers = #tpu.dot_dimension_numbers<[1], [0], [0], [1], [0, 0, 1, 1], [], []>, transpose_lhs_hint = false} : vector<128x256xf32>, vector<256x4096xf32>, vector<128x4096xf32> -> vector<128x4096xf32>
    %get3A_26 = arith.constant 0 : index
    %get3A_27 = arith.constant 0 : index
    %get3A_28 = vector.load %arg7[%get3A_26, %get3A_27] : memref<128x1xf32, #tpu.memory_space<vmem>>, vector<128x1xf32>
    %add3A_29 = vector.broadcast %get3A_28 : vector<128x1xf32> to vector<128x4096xf32>
    %add3A_30 = arith.addf %dot_general3A_25, %add3A_29 : vector<128x4096xf32>
    %max3A_31 = arith.constant 0.000000e+00 : f32
    %max3A_32 = vector.broadcast %max3A_31 : f32 to vector<128x4096xf32>
    %max3A_33 = arith.maximumf %add3A_30, %max3A_32 : vector<128x4096xf32>
    %get3A_34 = arith.constant 0 : index
    %get3A_35 = arith.constant 0 : index
    %get3A_36 = vector.load %arg8[%get3A_34, %get3A_35] : memref<64x128xf32, #tpu.memory_space<vmem>>, vector<64x128xf32>
    %dot_general3A_37 = arith.constant dense<0.000000e+00> : vector<64x4096xf32>
    %dot_general3A_38 = tpu.matmul %get3A_36, %max3A_33, %dot_general3A_37 {dimension_numbers = #tpu.dot_dimension_numbers<[1], [0], [0], [1], [0, 0, 1, 1], [], []>, transpose_lhs_hint = false} : vector<64x128xf32>, vector<128x4096xf32>, vector<64x4096xf32> -> vector<64x4096xf32>
    %get3A_39 = arith.constant 0 : index
    %get3A_40 = arith.constant 0 : index
    %get3A_41 = vector.load %arg9[%get3A_39, %get3A_40] : memref<64x1xf32, #tpu.memory_space<vmem>>, vector<64x1xf32>
    %add3A_42 = vector.broadcast %get3A_41 : vector<64x1xf32> to vector<64x4096xf32>
    %add3A_43 = arith.addf %dot_general3A_38, %add3A_42 : vector<64x4096xf32>
    %max3A_44 = arith.constant 0.000000e+00 : f32
    %max3A_45 = vector.broadcast %max3A_44 : f32 to vector<64x4096xf32>
    %max3A_46 = arith.maximumf %add3A_43, %max3A_45 : vector<64x4096xf32>
    %swap3A = arith.constant 0 : index
    %swap3A_47 = arith.constant 0 : index
    %swap3A_48 = vector.load %arg10[%swap3A, %swap3A_47] : memref<64x4096xf32, #tpu.memory_space<vmem>>, vector<64x4096xf32>
    tpu.vector_store %arg10[%swap3A, %swap3A_47], %max3A_46 {strides = array<i32>} : memref<64x4096xf32, #tpu.memory_space<vmem>>, vector<64x4096xf32>,
    return
  }
  func.func @transform_0(%arg0: i32) -> (i32, i32) {
    %c0_i32 = arith.constant 0 : i32
    %c0_i32_0 = arith.constant 0 : i32
    return %c0_i32, %arg0 : i32, i32
  }
  func.func @transform_1(%arg0: i32) -> (i32, i32) {
    %c0_i32 = arith.constant 0 : i32
    %c0_i32_0 = arith.constant 0 : i32
    return %c0_i32, %arg0 : i32, i32
  }
  func.func @transform_2(%arg0: i32) -> (i32, i32) {
    %c0_i32 = arith.constant 0 : i32
    %c0_i32_0 = arith.constant 0 : i32
    %c0_i32_1 = arith.constant 0 : i32
    return %c0_i32, %c0_i32_0 : i32, i32
  }
  func.func @transform_3(%arg0: i32) -> (i32, i32) {
    %c0_i32 = arith.constant 0 : i32
    %c0_i32_0 = arith.constant 0 : i32
    %c0_i32_1 = arith.constant 0 : i32
    return %c0_i32, %c0_i32_0 : i32, i32
  }
  func.func @transform_4(%arg0: i32) -> (i32, i32) {
    %c0_i32 = arith.constant 0 : i32
    %c0_i32_0 = arith.constant 0 : i32
    %c0_i32_1 = arith.constant 0 : i32
    return %c0_i32, %c0_i32_0 : i32, i32
  }
  func.func @transform_5(%arg0: i32) -> (i32, i32) {
    %c0_i32 = arith.constant 0 : i32
    %c0_i32_0 = arith.constant 0 : i32
    %c0_i32_1 = arith.constant 0 : i32
    return %c0_i32, %c0_i32_0 : i32, i32
  }
  func.func @transform_6(%arg0: i32) -> (i32, i32) {
    %c0_i32 = arith.constant 0 : i32
    %c0_i32_0 = arith.constant 0 : i32
    %c0_i32_1 = arith.constant 0 : i32
    return %c0_i32, %c0_i32_0 : i32, i32
  }
  func.func @transform_7(%arg0: i32) -> (i32, i32) {
    %c0_i32 = arith.constant 0 : i32
    %c0_i32_0 = arith.constant 0 : i32
    %c0_i32_1 = arith.constant 0 : i32
    return %c0_i32, %c0_i32_0 : i32, i32
  }
  func.func @transform_8(%arg0: i32) -> (i32, i32) {
    %c0_i32 = arith.constant 0 : i32
    %c0_i32_0 = arith.constant 0 : i32
    %c0_i32_1 = arith.constant 0 : i32
    return %c0_i32, %c0_i32_0 : i32, i32
  }
  func.func @transform_9(%arg0: i32) -> (i32, i32) {
    %c0_i32 = arith.constant 0 : i32
    %c0_i32_0 = arith.constant 0 : i32
    return %c0_i32, %arg0 : i32, i32
  }
}

</mosaic_0001>

<sc_bundles>
// kernel: kernel.6.cloned.1.call-start
scs
__scs_entry_jumppad:
0x0: {  	(pc) =	sbr.rel $0x88, $3  }
0x1: {  	(tag) =	ssettag $0x0;
	lr =	simm.s32 $0x1  }
0x2: {  	[smem:$0x3F8D] =	sst lr;
	_ =	strace $0xD0000000  }
0x3: {  	_ = 	snop  }
0x4: {  	_ = 	snop  }
0x5: {  	_ = 	snop  }
0x6: {  	_ = 	snop  }
0x7: {  	_ = 	snop  }
__scs_overlays_trampoline_lowered:
0x8: {  	[smem:$0x3F9C] =	sst s0  }
0x9: {  	[smem:$0x3F9D] =	sst s1  }
0xa: {  	[smem:$0x3F9E] =	sst s2  }
0xb: {  	[smem:$0x3F9F] =	sst s3  }
0xc: {  	[smem:$0x3FA0] =	sst s4  }
0xd: {  	[smem:$0x3FA1] =	sst s5  }
0xe: {  	[smem:$0x3FA2] =	sst s6  }
0xf: {  	[smem:$0x3FA3] =	sst s7  }
0x10: {  	[smem:$0x3FA4] =	sst s8  }
0x11: {  	[smem:$0x3FA5] =	sst s9;
	s0 =	simm.s32 @!p0 $0x0  }
0x12: {  	s1 =	sld [smem:$0x3F8B];
	s0 =	simm.s32 @p0 $0x1  }
0x13: {  	[smem:$0x3FA6] =	sst s0;
	s0 =	simm.s32 @!p1 $0x0  }
0x14: {  	s2 =	sld [smem:$0x3F8A];
	s0 =	simm.s32 @p1 $0x1  }
0x15: {  	[smem:$0x3FA7] =	sst s0;
	s0 =	simm.s32 @!p2 $0x0  }
0x16: {  	s3 =	sld [smem:$0x3FDB];
	s0 =	simm.s32 @p2 $0x1  }
0x17: {  	s4 =	simm.s32 $0x1BF5;
	[smem:$0x3FA9] =	sst s0  }
0x18: {  	s0 =	sld [smem:$0x3F8C];
	_ =	swait.ge [sflag:s4], $0x0  }
0x19: {  	s7 =	sld [smem:$0x3F8D]  }
0x1a: {  	s8 =	sadd.s32 $0xFFFFE003, lr  }
0x1b: {  	s9 =	sadd.s32 $0xFFFFFEF7, lr;
	s5 =	simm.s32 $0xFFFFFFFF;
	p2 =	slt.u32 s8, $0xFFFFF086  }
0x1c: {  	p1 =	slt.u32 s9, $0xF7A;
	s5 =	simm.s32 @!p2 $0x0  }
0x1d: {  	s5 =	simm.s32 @p1 $0x1;
	p0 =	seq.s32 s7, s2  }
0x1e: {  	s7 =	smul.u32 @!p0 $0xF7A, s2;
	p2 =	seq.s32 @!p0 s5, $0x0  }
0x1f: {  	s9 =	smul.u32 $0xF7A, s1;
	s8 =	simm.s32 @!p0 $0x1BF5;
	p2 =	por !p2, p0  }
0x20: {  	[sflag:s8] =	ssyncset.s32 @!p0 $0xFFFFF086;
	s6 =	sadd.s32 @!p0 s3, s7;
	s7 =	simm.s32 @!p0 $0x108  }
0x21: {  	s3 =	sadd.s32 s3, s9;
	s6 =	sadd.s32 @!p0 $0x88, s6;
	s7 =	simm.s32 @p2 $0x1082  }
0x22: {  	[simem:s7], [sflag:s8] =	dma.local @!p0 [hbm:s6], $0xF7A  }
0x23: {  	s9 =	sor.u32 $0xD0000000, s2;
	s6 =	simm.s32 $0x108;
	_ =	swait.ge @!p0 [sflag:s8], $0x0  }
0x24: {  	s3 =	sadd.s32 $0x88, s3;
	s6 =	simm.s32 @!p1 $0x1082;
	[sflag:s4] =	ssyncset.s32 $0xFFFFF086  }
0x25: {  	[simem:s6], [sflag:s4] =	dma.local [hbm:s3], $0xF7A  }
0x26: {  	[smem:$0x3F8D] =	sst s1;
	(tag) =	ssettag s2;
	_ =	strace s9  }
0x27: {  	s1 =	sld [smem:$0x3F9D]  }
0x28: {  	s2 =	sld [smem:$0x3F9E]  }
0x29: {  	s4 =	sld [smem:$0x3FA0]  }
0x2a: {  	p0 =	seq.s32 s5, $0x0;
	s5 =	sld [smem:$0x3FA1]  }
0x2b: {  	s6 =	sld [smem:$0x3FA2]  }
0x2c: {  	s7 =	sld [smem:$0x3FA3]  }
0x2d: {  	s3 =	simm.s32 $0x108;
	s8 =	sld [smem:$0x3FA4]  }
0x2e: {  	s3 =	simm.s32 @!p0 $0x1082;
	s9 =	sld [smem:$0x3FA5]  }
0x2f: {  	lr =	sadd.s32 s0, s3;
	s0 =	sld [smem:$0x3F9C]  }
0x30: {  	s3 =	sld [smem:$0x3F9F]  }
0x31: {  	[smem:$0x3FA8] =	sst s10  }
0x32: {  	s10 =	sld [smem:$0x3FA6];
	_ =	sdelay $0x3  }
0x33: {  	p0 =	seq.s32 s10, $0x1;
	s10 =	sld [smem:$0x3FA8];
	_ =	sdelay $0x3  }
0x34: {  	[smem:$0x3FA8] =	sst s10  }
0x35: {  	s10 =	sld [smem:$0x3FA7];
	_ =	sdelay $0x3  }
0x36: {  	p1 =	seq.s32 s10, $0x1;
	s10 =	sld [smem:$0x3FA8];
	_ =	sdelay $0x3  }
0x37: {  	[smem:$0x3FA8] =	sst s10  }
0x38: {  	s10 =	sld [smem:$0x3FA9]  }
0x39: {  	_ = 	snop;
	(pc) =	sbr.ind lr, $3  }
0x3a: {  	_ = 	snop  }
0x3b: {  	_ = 	snop  }
0x3c: {  	p2 =	seq.s32 s10, $0x1;
	s10 =	sld [smem:$0x3FA8]  }
0x3d: {  	_ =	shalt  }
0x3e: {  	_ =	shalt  }
0x3f: {  	_ =	shalt  }
0x40: {  	_ =	shalt  }
0x41: {  	_ =	shalt  }
0x42: {  	_ =	shalt  }
0x43: {  	_ =	shalt  }
0x44: {  	_ =	shalt  }
0x45: {  	_ =	shalt  }
0x46: {  	_ =	shalt  }
0x47: {  	_ =	shalt  }
0x48: {  	_ =	shalt  }
0x49: {  	_ =	shalt  }
0x4a: {  	_ =	shalt  }
0x4b: {  	_ =	shalt  }
0x4c: {  	_ =	shalt  }
0x4d: {  	_ =	shalt  }
0x4e: {  	_ =	shalt  }
0x4f: {  	_ =	shalt  }
0x50: {  	_ =	shalt  }
0x51: {  	_ =	shalt  }
0x52: {  	_ =	shalt  }
0x53: {  	_ =	shalt  }
0x54: {  	_ =	shalt  }
0x55: {  	_ =	shalt  }
0x56: {  	_ =	shalt  }
0x57: {  	_ =	shalt  }
0x58: {  	_ =	shalt  }
0x59: {  	_ =	shalt  }
0x5a: {  	_ =	shalt  }
0x5b: {  	_ =	shalt  }
0x5c: {  	_ =	shalt  }
0x5d: {  	_ =	shalt  }
0x5e: {  	_ =	shalt  }
0x5f: {  	_ =	shalt  }
0x60: {  	_ =	shalt  }
0x61: {  	_ =	shalt  }
0x62: {  	_ =	shalt  }
0x63: {  	_ =	shalt  }
0x64: {  	_ =	shalt  }
0x65: {  	_ =	shalt  }
0x66: {  	_ =	shalt  }
0x67: {  	_ =	shalt  }
0x68: {  	_ =	shalt  }
0x69: {  	_ =	shalt  }
0x6a: {  	_ =	shalt  }
0x6b: {  	_ =	shalt  }
0x6c: {  	_ =	shalt  }
0x6d: {  	_ =	shalt  }
0x6e: {  	_ =	shalt  }
0x6f: {  	_ =	shalt  }
0x70: {  	_ =	shalt  }
0x71: {  	_ =	shalt  }
0x72: {  	_ =	shalt  }
0x73: {  	_ =	shalt  }
0x74: {  	_ =	shalt  }
0x75: {  	_ =	shalt  }
0x76: {  	_ =	shalt  }
0x77: {  	_ =	shalt  }
0x78: {  	_ =	shalt  }
0x79: {  	_ =	shalt  }
0x7a: {  	_ =	shalt  }
0x7b: {  	_ =	shalt  }
0x7c: {  	_ =	shalt  }
0x7d: {  	_ =	shalt  }
0x7e: {  	_ =	shalt  }
0x7f: {  	_ =	shalt  }
0x80: {  	_ =	shalt  }
0x81: {  	_ =	shalt  }
0x82: {  	_ =	shalt  }
0x83: {  	_ =	shalt  }
0x84: {  	_ =	shalt  }
0x85: {  	_ =	shalt  }
0x86: {  	_ =	shalt  }
0x87: {  	_ =	shalt  }
.Lfunc_end0:
.L_simem_size_0:
called_computation_lowered:
.L_overlay_start_0:
0x88: {  	s2 =	sld [smem:$0x3FD9]  }
0x89: {  	s3 =	sld [smem:$0x3FFE];
	_ =	sdelay $0x1  }
0x8a: {  	s1 =	srdreg.scid  }
0x8b: {  	s0 =	sand.u32 $0x1, s1  }
0x8c: {  	s17 =	sshll.u32 s0, $0xA;
	s2 =	sadd.s32 s3, s2  }
0x8d: {  	s2 =	sadd.s32 s2, s17  }
0x8e: {  	[smem:$0x3FB4] =	sst s2  }
0x8f: {  	_ = 	snop  }
0x90: {  	s2 =	sld [smem:$0x3FC9]  }
0x91: {  	s18 =	sld [smem:$0x3FC8]  }
0x92: {  	s4 =	sld [smem:$0x3FC5]  }
0x93: {  	s5 =	sld [smem:$0x3FC4];
	(tm) =	ssettm $0x1  }
0x94: {  	s6 =	sld [smem:$0x3FFB];
	_ =	sdelay $0x3  }
0x95: {  	_ =	strace s6  }
0x96: {  	s6 =	sld [smem:$0x3FFC];
	_ =	sdelay $0x3  }
0x97: {  	_ =	strace s6  }
0x98: {  	s6 =	sld [smem:$0x3FFD];
	_ =	sdelay $0x3  }
0x99: {  	_ =	strace s6  }
0x9a: {  	_ =	strace $0x8FFFFFFF  }
0x9b: {  	s19 =	sld [smem:$0x3FDB];
	_ =	sdelay $0x1  }
0x9c: {  	s7 =	simm.s32 $_scs_section_size  }
0x9d: {  	s8 =	simm.s32 $_size__tile_overlayer_lowered;
	s9 =	simm.s32 $_tile_overlayer_lowered  }
0x9e: {  	s22 =	simm.s32 $0x1BFF;
	s21 =	sshll.u32 s9, $0x1;
	s6 =	sadd.s32 s7, s19  }
0x9f: {  	s10 =	simm.s32 $0x0;
	s20 =	sshll.u32 s8, $0x1;
	s8 =	sadd.s32 s21, s6  }
0xa0: {  	[timem:s10], [sflag:s22] =	dma.local [hbm:s8], s20  }
0xa1: {  	_ =	swait.ge [sflag:s22], s20  }
0xa2: {  	s7 =	ssub.s32 $0x0, s20;
	[sflag:s22] =	ssyncset.done $0x0  }
0xa3: {  	[sflag:s22] =	ssyncadd.s32 s7;
	_ =	sdelay $0x1  }
0xa4: {  	s23 =	simm.s32 $0x1B8B  }
0xa5: {  	_ =	swait.ge [sflag:s23], $0x1  }
0xa6: {  	[sflag:s23] =	ssyncset.done $0x0  }
0xa7: {  	s25 =	simm.s32 $0x1B8E;
	s24 =	sld [smem:$0x3FFE];
	[sflag:s23] =	ssyncadd.s32 $0xFFFFFFFF  }
0xa8: {  	s26 =	simm.s32 $execute0_lowered;
	[smem:$0x3FD2] =	sst s25  }
0xa9: {  	s8 =	sshll.u32 s26, $0x1;
	_ =	strace $0x80000046;
	[dreg:$0x1] =	wrdreg $0xFFFFFFFF  }
0xaa: {  	s28 =	simm.s32 $_size_execute0_lowered;
	s6 =	sadd.s32 s6, s8;
	[dreg:$0x0] =	wrdreg $0x0  }
0xab: {  	s8 =	sshll.u32 s28, $0x1;
	[dreg:$0x2] =	wrdreg s6  }
0xac: {  	[dreg:$0x3] =	wrdreg s8  }
0xad: {  	[dreg:$0x4] =	wrdreg $0xC0  }
0xae: {  	_ =	task [dreg:s10], $0x5FFFF  }
0xaf: {  	[dreg:$0x1] =	wrdreg $0xFFFFFFFF  }
0xb0: {  	[dreg:$0x0] =	wrdreg $0x60  }
0xb1: {  	[dreg:$0x2] =	wrdreg s2  }
0xb2: {  	[dreg:$0x3] =	wrdreg s18  }
0xb3: {  	[dreg:$0x4] =	wrdreg s4  }
0xb4: {  	[dreg:$0x5] =	wrdreg s5  }
0xb5: {  	[dreg:$0x6] =	wrdreg s24  }
0xb6: {  	[dreg:$0x7] =	wrdreg $0x9  }
0xb7: {  	_ =	task.clear_ibuf [dreg:s10], $0x8FFFF;
	_ =	strace $0x90000046  }
0xb8: {  	s29 =	simm.s32 $0x9;
	_ =	strace $0x80000048  }
0xb9: {  	_ =	swait.ge [sflag:s29], $0x1  }
0xba: {  	[sflag:s29] =	ssyncadd.s32 $0xFFFFFFFF  }
0xbb: {  	_ =	strace $0x90000048  }
0xbc: {  	_ =	sfence  }
0xbd: {  	s30 =	sld [smem:$0x0];
	_ =	sdelay $0x2  }
0xbe: {  	s31 =	sshll.u32 s1, $0xD;
	s1 =	sshrl.u32 s1, $0x2  }
0xbf: {  	s3 =	sand.u32 $0x4000, s31;
	s1 =	sadd.s32 s1, s30  }
0xc0: {  	s0 =	sor.u32 s3, s0;
	s1 =	sshll.u32 s1, $0x11  }
0xc1: {  	s0 =	sor.u32 s1, s0  }
0xc2: {  	s0 =	sadd.s32 $0x8F2B, s0  }
0xc3: {  	[sflag:s0] =	ssyncadd.remote.s32 $0x1  }
0xc4: {  	_ =	sfence.sel $0xFFFF  }
0xc5: {  	[dreg:$0x0] =	wrdreg $0xFFFFFFFF;
	(pc) =	sbr.abs _section_cstart, $3  }
0xc6: {  	[dreg:$0x1] =	wrdreg $0xFFFFFFFF  }
0xc7: {  	_ =	task.clear_ibuf [dreg:s10], $0x2FFFF;
	_ =	strace $0x9FFFFFFF  }
0xc8: {  	(tm) =	ssettm $0x7FFFFFFF  }
0xc9: {  	_ =	shalt  }
tec
execute0_lowered:
.L_overlay_start_1:
0x0: {  	(tag) =	ssettag $0x1  }
0x1: {  	s0 =	rddreg [dreg:$0x4];
	s6 =	simm.s32 $0x0;
	s7 =	stileid.u32  }
0x2: {  	s23 =	srdreg.scid;
	s30 =	simm.s32 $0x80;
	s31 =	simm.s32 $0x400  }
0x3: {  	[smem:$0x7FF] =	sst s6;
	s1 =	sadd.s32 $0x3C00, s0;
	s2 =	sshll.u32 s7, $0x1  }
0x4: {  	s3 =	sadd.s32 $0x4000, s0;
	s24 =	sadd.s32 $0x4400, s0;
	s8 =	sadd.s32 $0x24400, s0  }
0x5: {  	s15 =	smul.u32 $0xC3800, s7;
	s17 =	sadd.s32 $0x25400, s0;
	s18 =	sadd.s32 $0x26400, s0  }
0x6: {  	s19 =	sadd.s32 $0x27400, s0;
	_ =	strace $0x80000047;
	[dreg:$0x6] =	wrdreg s1  }
0x7: {  	s21 =	sshll.u32 s7, $0xA;
	s22 =	sadd.s32 $0x5400, s0;
	[dreg:$0x7] =	wrdreg s3  }
0x8: {  	p0 =	sgt.u32 s7, $0x7;
	s1 =	sand.u32 $0x1, s23;
	[dreg:$0x8] =	wrdreg s24  }
0x9: {  	s2 =	sand.u32 $0xE, s2;
	[dreg:$0x9] =	wrdreg s8;
	s23 =	sadd.s32 $0x6400, s0  }
0xa: {  	s24 =	sadd.s32 $0x7400, s0;
	s0 =	simm.s32 $0xC300;
	s25 =	ssub.s32 $0x2, s1  }
0xb: {  	s4 =	sshrl.u32 s2, $0x1;
	s1 =	sor.u32 s1, s2;
	s28 =	sshll.u32 s2, $0x9  }
0xc: {  	s16 =	sshll.u32 s2, $0x10;
	s20 =	sadd.s32 $0x61800, s15;
	s4 =	smul.u32 $0xC3800, s4  }
.Ltmp0:
0xd: {  	s2 =	simm.s32 $0x1;
	s5 =	sshrl.u32 s25, $0x1;
	(pc) =	sbr.rel .LBB2_1-.Ltmp0, $4  }
0xe: {  	s12 =	sshll.u32 s1, $0x2;
	[dreg:$0xb] =	wrdreg s28;
	s1 =	simm.s32 $0x2  }
0xf: {  	s3 =	ssub.s32 s25, s5;
	s5 =	simm.s32 $0x18680;
	s26 =	sadd.s32 $0x61800, s4  }
0x10: {  	s14 =	smov.u32 s4;
	s29 =	smax.u32 s3, $0x1;
	[dreg:$0xa] =	wrdreg s26  }
0x11: {  	s4 =	simm.s32 $0x0;
	[dreg:$0xc] =	wrdreg s29;
	s26 =	sshll.u32 s7, $0x11  }
.LBB2_38:
0x12: {  	_ =	swait.ge [sflag:s2], $0x1000  }
0x13: {  	[sflag:s2] =	ssyncset.done $0x0  }
0x14: {  	[sflag:s2] =	ssyncadd.s32 $0xFFFFF000  }
0x15: {  	_ =	swait.ge [sflag:s2], $0x1000  }
0x16: {  	s4 =	rddreg [dreg:$0xd]  }
0x17: {  	s3 =	rddreg [dreg:$0xc];
	s4 =	sadd.s32 $0x1, s4  }
0x18: {  	p1 =	sne.s32 s4, s3  }
.Ltmp1:
0x19: {  	_ = 	snop;
	(pc) =	sbr.rel @!p1 .LBB2_39-.Ltmp1, $3  }
0x1a: {  	_ =	sdelay $0x1  }
0x1b: {  	[sflag:s2] =	ssyncset.done $0x0  }
0x1c: {  	[sflag:s2] =	ssyncadd.s32 $0xFFFFF000  }
.LBB2_1:
.Ltmp2:
0x1d: {  	(pc) =	sbr.rel @p0 .LBB2_20-.Ltmp2, $2  }
0x1e: {  	_ =	sdelay $0x2  }
0x1f: {  	[dreg:$0xd] =	wrdreg s4;
	s25 =	simm.s32 $0x0  }
0x20: {  	s3 =	rddreg [dreg:$0x0];
	s4 =	simm.s32 $0x18700;
	s29 =	simm.s32 $0x3  }
0x21: {  	[tilespmem:s4], [sflag:$0x3] =	stream.linear.gather [hbm4b:s3+s25], $0x4000, $0x38;
	[tilespmem:$0x1E700] =	vst v63  }
0x22: {  	_ =	swait.ge [sflag:s29], $0x4000  }
0x23: {  	[sflag:s29] =	ssyncset.done $0x0  }
0x24: {  	[sflag:s29] =	ssyncadd.s32 $0xFFFFC000  }
.LBB2_3:
0x25: {  	s3 =	sadd.s32 s12, s25  }
0x26: {  	s3 =	sshll.u32 s3, $0x7  }
0x27: {  	s29 =	sand.u32 $0x380, s3  }
0x28: {  	s3 =	sor.u32 s15, s29  }
0x29: {  	s4 =	rddreg [dreg:$0x2];
	s3 =	sshrl.u32 s3, $0x3  }
0x2a: {  	s10 =	sor.u32 s20, s29;
	s3 =	sadd.s32 s4, s3  }
0x2b: {  	[tilespmem:s6], [sflag:$0x2] =	stream.strided.gather [hbm4b:s3+s30], $0xC300, s31, s30, $0x38;
	[tilespmem:$0x1E700] =	vst v63  }
0x2c: {  	s3 =	sshrl.u32 s10, $0x3  }
0x2d: {  	s11 =	sor.u32 s21, s29;
	s3 =	sadd.s32 s4, s3  }
0x2e: {  	[tilespmem:s0], [sflag:$0x2] =	stream.strided.gather [hbm4b:s3+s30], $0xC380, s31, s30, $0x38;
	[tilespmem:$0x1E700] =	vst v63  }
0x2f: {  	s13 =	rddreg [dreg:$0x6];
	s3 =	sshrl.u32 s11, $0x3  }
0x30: {  	s3 =	sadd.s32 s13, s3  }
0x31: {  	[tilespmem:s5], [sflag:$0x2] =	stream.linear.gather [hbm4b:s3+s6], $0x80, $0x38;
	[tilespmem:$0x1E700] =	vst v63  }
0x32: {  	_ =	swait.ge [sflag:s1], $0xC300  }
0x33: {  	[sflag:s1] =	ssyncset.done $0x0  }
0x34: {  	[sflag:s1] =	ssyncadd.s32 $0xFFFF3D00  }
0x35: {  	_ =	swait.ge [sflag:s1], $0xC380  }
0x36: {  	[sflag:s1] =	ssyncset.done $0x0  }
0x37: {  	[sflag:s1] =	ssyncadd.s32 $0xFFFF3C80  }
0x38: {  	_ =	swait.ge [sflag:s1], $0x80  }
0x39: {  	p1 =	seq.s32 s25, $0x0;
	[sflag:s1] =	ssyncset.done $0x0  }
0x3a: {  	s3 =	simm.s32 @!p1 $0x1;
	[sflag:s1] =	ssyncadd.s32 $0xFFFFFF80  }
0x3b: {  	_ =	swait.ge @!p1 [sflag:s3], $0x1000  }
0x3c: {  	[sflag:s3] =	ssyncset.done @!p1 $0x0  }
0x3d: {  	s10 =	simm.s32 $0x18740;
	[sflag:s3] =	ssyncadd.s32 @!p1 $0xFFFFF000  }
0x3e: {  	v0 =	vld [tilespmem:s10+$0x0];
	_ =	sdelay $0x3  }
0x3f: {  	v1 =	vld [tilespmem:s10+$0xFFFFFFC0];
	_ =	sdelay $0x3  }
0x40: {  	v0 =	vld.idx.msk [tilespmem:v0+s6+$0x0], $0xffff;
	_ =	sdelay $0x3  }
0x41: {  	s28 =	simm.s32 $0x1C740;
	s4 =	simm.s32 $0x187C0;
	v1 =	vld.idx.msk [tilespmem:v1+s6+$0x0], $0xffff  }
0x42: {  	v2 =	vld [tilespmem:s4+$0x0];
	[tilespmem:s28+$0x0] =	vst v0  }
0x43: {  	v0 =	vld [tilespmem:s10+$0x10];
	_ =	sdelay $0x2  }
0x44: {  	[tilespmem:s28+$0xFFFFFFC0] =	vst v1;
	v1 =	vld [tilespmem:s4+$0xFFFFFFC0]  }
0x45: {  	v3 =	vld [tilespmem:s10+$0xFFFFFFD0]  }
0x46: {  	s8 =	simm.s32 $0x18840  }
0x47: {  	v4 =	vld [tilespmem:s8+$0x0]  }
0x48: {  	v2 =	vld.idx.msk [tilespmem:v2+s6+$0x0], $0xffff  }
0x49: {  	v0 =	vld.idx.msk [tilespmem:v0+s6+$0x0], $0xffff;
	_ =	sdelay $0x2  }
0x4a: {  	s3 =	simm.s32 $0x1C840;
	v1 =	vld.idx.msk [tilespmem:v1+s6+$0x0], $0xffff  }
0x4b: {  	[tilespmem:s3+$0x0] =	vst v2;
	v3 =	vld.idx.msk [tilespmem:v3+s6+$0x0], $0xffff  }
0x4c: {  	v2 =	vld [tilespmem:s4+$0x10];
	[tilespmem:s28+$0x10] =	vst v0  }
0x4d: {  	v0 =	vld [tilespmem:s10+$0x20]  }
0x4e: {  	v4 =	vld.idx.msk [tilespmem:v4+s6+$0x0], $0xffff  }
0x4f: {  	[tilespmem:s3+$0xFFFFFFC0] =	vst v1;
	v1 =	vld [tilespmem:s8+$0xFFFFFFC0]  }
0x50: {  	[tilespmem:s28+$0xFFFFFFD0] =	vst v3;
	v3 =	vld [tilespmem:s4+$0xFFFFFFD0]  }
0x51: {  	v5 =	vld [tilespmem:s10+$0xFFFFFFE0]  }
0x52: {  	s9 =	simm.s32 $0x188C0  }
0x53: {  	v6 =	vld [tilespmem:s9+$0x0]  }
0x54: {  	s7 =	simm.s32 $0x1C940;
	v2 =	vld.idx.msk [tilespmem:v2+s6+$0x0], $0xffff  }
0x55: {  	[tilespmem:s7+$0x0] =	vst v4;
	v0 =	vld.idx.msk [tilespmem:v0+s6+$0x0], $0xffff  }
0x56: {  	v4 =	vld [tilespmem:s8+$0x10]  }
0x57: {  	v1 =	vld.idx.msk [tilespmem:v1+s6+$0x0], $0xffff  }
0x58: {  	v3 =	vld.idx.msk [tilespmem:v3+s6+$0x0], $0xffff  }
0x59: {  	[tilespmem:s3+$0x10] =	vst v2;
	v5 =	vld.idx.msk [tilespmem:v5+s6+$0x0], $0xffff  }
0x5a: {  	v2 =	vld [tilespmem:s4+$0x20];
	[tilespmem:s28+$0x20] =	vst v0  }
0x5b: {  	v0 =	vld [tilespmem:s10+$0x30]  }
0x5c: {  	[tilespmem:s7+$0xFFFFFFC0] =	vst v1;
	v1 =	vld [tilespmem:s9+$0xFFFFFFC0]  }
0x5d: {  	[tilespmem:s3+$0xFFFFFFD0] =	vst v3;
	v3 =	vld [tilespmem:s8+$0xFFFFFFD0]  }
0x5e: {  	[tilespmem:s28+$0xFFFFFFE0] =	vst v5;
	v5 =	vld [tilespmem:s4+$0xFFFFFFE0]  }
0x5f: {  	v7 =	vld [tilespmem:s10+$0xFFFFFFF0]  }
0x60: {  	v6 =	vld.idx.msk [tilespmem:v6+s6+$0x0], $0xffff  }
0x61: {  	v9 =	vld.idx.msk [tilespmem:v4+s6+$0x0], $0xffff  }
0x62: {  	v8 =	vld.idx.msk [tilespmem:v2+s6+$0x0], $0xffff  }
0x63: {  	v0 =	vld.idx.msk [tilespmem:v0+s6+$0x0], $0xffff  }
0x64: {  	v10 =	vld.idx.msk [tilespmem:v1+s6+$0x0], $0xffff  }
0x65: {  	v4 =	vld.idx.msk [tilespmem:v3+s6+$0x0], $0xffff  }
0x66: {  	[tilespmem:s7+$0x10] =	vst v9;
	v2 =	vld.idx.msk [tilespmem:v5+s6+$0x0], $0xffff  }
0x67: {  	[tilespmem:s3+$0x20] =	vst v8;
	v1 =	vld.idx.msk [tilespmem:v7+s6+$0x0], $0xffff  }
0x68: {  	s11 =	simm.s32 $0x1CA40;
	[tilespmem:s28+$0x30] =	vst v0;
	v0 =	vld [tilespmem:s4+$0x30]  }
0x69: {  	[tilespmem:s11+$0x0] =	vst v6;
	v3 =	vld [tilespmem:s8+$0x20]  }
0x6a: {  	s13 =	simm.s32 $0x18940;
	s10 =	simm.s32 $0x180;
	v5 =	vld [tilespmem:s9+$0x10];
	[tilespmem:s11+$0xFFFFFFC0] =	vst v10  }
.LBB2_4:
0x6b: {  	v6 =	vld [tilespmem:s13+$0x0];
	s10 =	sadd.s32 $0x80, s10;
	[tilespmem:s7+$0xFFFFFFD0] =	vst v4  }
0x6c: {  	v4 =	vld [tilespmem:s13+$0xFFFFFFC0];
	p2 =	slt.u32 s10, $0xF80;
	[tilespmem:s3+$0xFFFFFFE0] =	vst v2  }
0x6d: {  	v2 =	vld [tilespmem:s9+$0xFFFFFFD0];
	[tilespmem:s28+$0xFFFFFFF0] =	vst v1;
	s28 =	smov.u32 s3;
	s3 =	smov.u32 s7;
	s7 =	smov.u32 s11  }
0x6e: {  	v1 =	vld [tilespmem:s8+$0xFFFFFFE0]  }
0x6f: {  	v7 =	vld [tilespmem:s4+$0xFFFFFFF0];
	s4 =	smov.u32 s8;
	s8 =	smov.u32 s9;
	s9 =	smov.u32 s13  }
0x70: {  	v0 =	vld.idx.msk [tilespmem:v0+s6+$0x0], $0xffff  }
0x71: {  	v3 =	vld.idx.msk [tilespmem:v3+s6+$0x0], $0xffff  }
0x72: {  	v5 =	vld.idx.msk [tilespmem:v5+s6+$0x0], $0xffff  }
0x73: {  	v6 =	vld.idx.msk [tilespmem:v6+s6+$0x0], $0xffff  }
0x74: {  	v8 =	vld.idx.msk [tilespmem:v4+s6+$0x0], $0xffff  }
0x75: {  	v4 =	vld.idx.msk [tilespmem:v2+s6+$0x0], $0xffff  }
.Ltmp3:
0x76: {  	v2 =	vld.idx.msk [tilespmem:v1+s6+$0x0], $0xffff;
	[tilespmem:s28+$0x30] =	vst v0;
	(pc) =	sbr.rel @p2 .LBB2_4-.Ltmp3, $4  }
0x77: {  	[tilespmem:s3+$0x20] =	vst v3;
	v1 =	vld.idx.msk [tilespmem:v7+s6+$0x0], $0xffff  }
0x78: {  	s11 =	sadd.s32 $0x100, s11;
	[tilespmem:s7+$0x10] =	vst v5;
	v0 =	vld [tilespmem:s4+$0x30]  }
0x79: {  	[tilespmem:s11+$0x0] =	vst v6;
	v3 =	vld [tilespmem:s8+$0x20]  }
0x7a: {  	s13 =	sadd.s32 $0x80, s13;
	[tilespmem:s11+$0xFFFFFFC0] =	vst v8;
	v5 =	vld [tilespmem:s9+$0x10]  }
0x7b: {  	_ =	sdelay $0x2  }
0x7c: {  	v6 =	vld [tilespmem:s9+$0xFFFFFFD0];
	_ =	sdelay $0x4  }
0x7d: {  	v5 =	vld.idx.msk [tilespmem:v5+s6+$0x0], $0xffff;
	_ =	sdelay $0x2  }
0x7e: {  	v6 =	vld.idx.msk [tilespmem:v6+s6+$0x0], $0xffff  }
0x7f: {  	[tilespmem:s7+$0xFFFFFFD0] =	vst v4  }
0x80: {  	v4 =	vld [tilespmem:s8+$0xFFFFFFE0];
	[tilespmem:s11+$0x10] =	vst v5  }
0x81: {  	v5 =	vld [tilespmem:s9+$0x20];
	_ =	sdelay $0x1  }
0x82: {  	[tilespmem:s11+$0xFFFFFFD0] =	vst v6  }
0x83: {  	v6 =	vld [tilespmem:s9+$0xFFFFFFE0];
	_ =	sdelay $0x2  }
0x84: {  	v3 =	vld.idx.msk [tilespmem:v3+s6+$0x0], $0xffff  }
0x85: {  	v4 =	vld.idx.msk [tilespmem:v4+s6+$0x0], $0xffff  }
0x86: {  	v5 =	vld.idx.msk [tilespmem:v5+s6+$0x0], $0xffff  }
0x87: {  	[tilespmem:s3+$0xFFFFFFE0] =	vst v2  }
0x88: {  	v2 =	vld [tilespmem:s4+$0xFFFFFFF0]  }
0x89: {  	[tilespmem:s7+$0x20] =	vst v3;
	v6 =	vld.idx.msk [tilespmem:v6+s6+$0x0], $0xffff  }
0x8a: {  	v3 =	vld [tilespmem:s8+$0x30];
	[tilespmem:s7+$0xFFFFFFE0] =	vst v4  }
0x8b: {  	v4 =	vld [tilespmem:s8+$0xFFFFFFF0];
	[tilespmem:s11+$0x20] =	vst v5  }
0x8c: {  	v5 =	vld [tilespmem:s9+$0x30];
	_ =	sdelay $0x1  }
0x8d: {  	[tilespmem:s11+$0xFFFFFFE0] =	vst v6  }
0x8e: {  	v6 =	vld [tilespmem:s9+$0xFFFFFFF0]  }
0x8f: {  	v0 =	vld.idx.msk [tilespmem:v0+s6+$0x0], $0xffff  }
0x90: {  	v2 =	vld.idx.msk [tilespmem:v2+s6+$0x0], $0xffff  }
0x91: {  	v3 =	vld.idx.msk [tilespmem:v3+s6+$0x0], $0xffff  }
0x92: {  	v4 =	vld.idx.msk [tilespmem:v4+s6+$0x0], $0xffff  }
0x93: {  	[tilespmem:s28+$0xFFFFFFF0] =	vst v1;
	v62 =	vld.idx.msk [tilespmem:v5+s6+$0x0], $0xffff  }
0x94: {  	[tilespmem:s3+$0x30] =	vst v0  }
0x95: {  	[tilespmem:s3+$0xFFFFFFF0] =	vst v2  }
0x96: {  	[tilespmem:s7+$0x30] =	vst v3;
	v63 =	vld.idx.msk [tilespmem:v6+s6+$0x0], $0xffff  }
0x97: {  	[tilespmem:s7+$0xFFFFFFF0] =	vst v4  }
0x98: {  	s13 =	sor.u32 s26, s29;
	[tilespmem:s11+$0x30] =	vst v62  }
0x99: {  	s29 =	sshrl.u32 s13, $0x3;
	s28 =	rddreg [dreg:$0x8]  }
0x9a: {  	s4 =	simm.s32 $0x1C700;
	s3 =	sadd.s32 s28, s29  }
0x9b: {  	s8 =	simm.s32 $0x1C800;
	s7 =	simm.s32 $0x80;
	s9 =	sadd.s32 $0x0, s3;
	[tilespmem:s11+$0xFFFFFFF0] =	vst v63  }
.LBB2_6:
0x9c: {  	[hbm4b:s9+s6] =	stream.linear.scatter [tilespmem:s4], [sflag:$0x1], $0x80, $0x38;
	[tilespmem:$0x1E700] =	vst v63  }
0x9d: {  	s9 =	smov.u32 s7;
	s4 =	smov.u32 s8;
	p2 =	sne.s32 s7, $0xF80  }
.Ltmp4:
0x9e: {  	s7 =	sadd.s32 $0x80, s7;
	(pc) =	sbr.rel @p2 .LBB2_6-.Ltmp4, $2  }
0x9f: {  	_ =	sdelay $0x2  }
0xa0: {  	s8 =	sadd.s32 $0x100, s8;
	s9 =	sadd.s32 s9, s3  }
0xa1: {  	[hbm4b:s9+s6] =	stream.linear.scatter [tilespmem:s4], [sflag:$0x1], $0x80, $0x38;
	[tilespmem:$0x1E700] =	vst v63  }
0xa2: {  	s3 =	simm.s32 @!p1 $0x1  }
0xa3: {  	_ =	swait.ge @!p1 [sflag:s3], $0x1000  }
0xa4: {  	[sflag:s3] =	ssyncset.done @!p1 $0x0  }
0xa5: {  	s10 =	simm.s32 $0x19770;
	[sflag:s3] =	ssyncadd.s32 @!p1 $0xFFFFF000  }
0xa6: {  	v0 =	vld [tilespmem:s10+$0xFFFFFFD0];
	_ =	sdelay $0x3  }
0xa7: {  	v1 =	vld [tilespmem:s10+$0xFFFFFF90];
	_ =	sdelay $0x3  }
0xa8: {  	v0 =	vld.idx.msk [tilespmem:v0+s6+$0x0], $0xffff;
	_ =	sdelay $0x3  }
0xa9: {  	s28 =	simm.s32 $0x1C7F0;
	s4 =	simm.s32 $0x197F0;
	v1 =	vld.idx.msk [tilespmem:v1+s6+$0x0], $0xffff  }
0xaa: {  	v2 =	vld [tilespmem:s4+$0xFFFFFFD0];
	[tilespmem:s28+$0xFFFFFFD0] =	vst v0  }
0xab: {  	v0 =	vld [tilespmem:s10+$0xFFFFFFE0];
	_ =	sdelay $0x2  }
0xac: {  	[tilespmem:s28+$0xFFFFFF90] =	vst v1;
	v1 =	vld [tilespmem:s4+$0xFFFFFF90]  }
0xad: {  	v3 =	vld [tilespmem:s10+$0xFFFFFFA0]  }
0xae: {  	s8 =	simm.s32 $0x19870  }
0xaf: {  	v4 =	vld [tilespmem:s8+$0xFFFFFFD0]  }
0xb0: {  	v2 =	vld.idx.msk [tilespmem:v2+s6+$0x0], $0xffff  }
0xb1: {  	v0 =	vld.idx.msk [tilespmem:v0+s6+$0x0], $0xffff;
	_ =	sdelay $0x2  }
0xb2: {  	s3 =	simm.s32 $0x1C8F0;
	v1 =	vld.idx.msk [tilespmem:v1+s6+$0x0], $0xffff  }
0xb3: {  	[tilespmem:s3+$0xFFFFFFD0] =	vst v2;
	v3 =	vld.idx.msk [tilespmem:v3+s6+$0x0], $0xffff  }
0xb4: {  	v2 =	vld [tilespmem:s4+$0xFFFFFFE0];
	[tilespmem:s28+$0xFFFFFFE0] =	vst v0  }
0xb5: {  	v0 =	vld [tilespmem:s10+$0xFFFFFFF0]  }
0xb6: {  	v4 =	vld.idx.msk [tilespmem:v4+s6+$0x0], $0xffff  }
0xb7: {  	[tilespmem:s3+$0xFFFFFF90] =	vst v1;
	v1 =	vld [tilespmem:s8+$0xFFFFFF90]  }
0xb8: {  	[tilespmem:s28+$0xFFFFFFA0] =	vst v3;
	v3 =	vld [tilespmem:s4+$0xFFFFFFA0]  }
0xb9: {  	v5 =	vld [tilespmem:s10+$0xFFFFFFB0]  }
0xba: {  	s9 =	simm.s32 $0x198F0  }
0xbb: {  	v6 =	vld [tilespmem:s9+$0xFFFFFFD0]  }
0xbc: {  	s7 =	simm.s32 $0x1C9F0;
	v2 =	vld.idx.msk [tilespmem:v2+s6+$0x0], $0xffff  }
0xbd: {  	[tilespmem:s7+$0xFFFFFFD0] =	vst v4;
	v0 =	vld.idx.msk [tilespmem:v0+s6+$0x0], $0xffff  }
0xbe: {  	v4 =	vld [tilespmem:s8+$0xFFFFFFE0]  }
0xbf: {  	v1 =	vld.idx.msk [tilespmem:v1+s6+$0x0], $0xffff  }
0xc0: {  	v3 =	vld.idx.msk [tilespmem:v3+s6+$0x0], $0xffff  }
0xc1: {  	[tilespmem:s3+$0xFFFFFFE0] =	vst v2;
	v5 =	vld.idx.msk [tilespmem:v5+s6+$0x0], $0xffff  }
0xc2: {  	v2 =	vld [tilespmem:s4+$0xFFFFFFF0];
	[tilespmem:s28+$0xFFFFFFF0] =	vst v0  }
0xc3: {  	v0 =	vld [tilespmem:s10+$0x0]  }
0xc4: {  	[tilespmem:s7+$0xFFFFFF90] =	vst v1;
	v1 =	vld [tilespmem:s9+$0xFFFFFF90]  }
0xc5: {  	[tilespmem:s3+$0xFFFFFFA0] =	vst v3;
	v3 =	vld [tilespmem:s8+$0xFFFFFFA0]  }
0xc6: {  	[tilespmem:s28+$0xFFFFFFB0] =	vst v5;
	v5 =	vld [tilespmem:s4+$0xFFFFFFB0]  }
0xc7: {  	v7 =	vld [tilespmem:s10+$0xFFFFFFC0]  }
0xc8: {  	v6 =	vld.idx.msk [tilespmem:v6+s6+$0x0], $0xffff  }
0xc9: {  	v9 =	vld.idx.msk [tilespmem:v4+s6+$0x0], $0xffff  }
0xca: {  	v8 =	vld.idx.msk [tilespmem:v2+s6+$0x0], $0xffff  }
0xcb: {  	v0 =	vld.idx.msk [tilespmem:v0+s6+$0x0], $0xffff  }
0xcc: {  	v10 =	vld.idx.msk [tilespmem:v1+s6+$0x0], $0xffff  }
0xcd: {  	v4 =	vld.idx.msk [tilespmem:v3+s6+$0x0], $0xffff  }
0xce: {  	[tilespmem:s7+$0xFFFFFFE0] =	vst v9;
	v2 =	vld.idx.msk [tilespmem:v5+s6+$0x0], $0xffff  }
0xcf: {  	[tilespmem:s3+$0xFFFFFFF0] =	vst v8;
	v1 =	vld.idx.msk [tilespmem:v7+s6+$0x0], $0xffff  }
0xd0: {  	s11 =	simm.s32 $0x1CAF0;
	[tilespmem:s28+$0x0] =	vst v0;
	v0 =	vld [tilespmem:s4+$0x0]  }
0xd1: {  	[tilespmem:s11+$0xFFFFFFD0] =	vst v6;
	v3 =	vld [tilespmem:s8+$0xFFFFFFF0]  }
0xd2: {  	s13 =	simm.s32 $0x19970;
	s10 =	simm.s32 $0x180;
	v5 =	vld [tilespmem:s9+$0xFFFFFFE0];
	[tilespmem:s11+$0xFFFFFF90] =	vst v10  }
.LBB2_8:
0xd3: {  	v6 =	vld [tilespmem:s13+$0xFFFFFFD0];
	s10 =	sadd.s32 $0x80, s10;
	[tilespmem:s7+$0xFFFFFFA0] =	vst v4  }
0xd4: {  	v4 =	vld [tilespmem:s13+$0xFFFFFF90];
	p1 =	slt.u32 s10, $0xF80;
	[tilespmem:s3+$0xFFFFFFB0] =	vst v2  }
0xd5: {  	v2 =	vld [tilespmem:s9+$0xFFFFFFA0];
	[tilespmem:s28+$0xFFFFFFC0] =	vst v1;
	s28 =	smov.u32 s3;
	s3 =	smov.u32 s7;
	s7 =	smov.u32 s11  }
0xd6: {  	v1 =	vld [tilespmem:s8+$0xFFFFFFB0]  }
0xd7: {  	v7 =	vld [tilespmem:s4+$0xFFFFFFC0];
	s4 =	smov.u32 s8;
	s8 =	smov.u32 s9;
	s9 =	smov.u32 s13  }
0xd8: {  	v0 =	vld.idx.msk [tilespmem:v0+s6+$0x0], $0xffff  }
0xd9: {  	v3 =	vld.idx.msk [tilespmem:v3+s6+$0x0], $0xffff  }
0xda: {  	v5 =	vld.idx.msk [tilespmem:v5+s6+$0x0], $0xffff  }
0xdb: {  	v6 =	vld.idx.msk [tilespmem:v6+s6+$0x0], $0xffff  }
0xdc: {  	v8 =	vld.idx.msk [tilespmem:v4+s6+$0x0], $0xffff  }
0xdd: {  	v4 =	vld.idx.msk [tilespmem:v2+s6+$0x0], $0xffff  }
.Ltmp5:
0xde: {  	v2 =	vld.idx.msk [tilespmem:v1+s6+$0x0], $0xffff;
	[tilespmem:s28+$0x0] =	vst v0;
	(pc) =	sbr.rel @p1 .LBB2_8-.Ltmp5, $4  }
0xdf: {  	[tilespmem:s3+$0xFFFFFFF0] =	vst v3;
	v1 =	vld.idx.msk [tilespmem:v7+s6+$0x0], $0xffff  }
0xe0: {  	s11 =	sadd.s32 $0x100, s11;
	[tilespmem:s7+$0xFFFFFFE0] =	vst v5;
	v0 =	vld [tilespmem:s4+$0x0]  }
0xe1: {  	[tilespmem:s11+$0xFFFFFFD0] =	vst v6;
	v3 =	vld [tilespmem:s8+$0xFFFFFFF0]  }
0xe2: {  	s13 =	sadd.s32 $0x80, s13;
	[tilespmem:s11+$0xFFFFFF90] =	vst v8;
	v5 =	vld [tilespmem:s9+$0xFFFFFFE0]  }
0xe3: {  	_ = 	snop  }
0xe4: {  	v6 =	vld [tilespmem:s9+$0xFFFFFFA0];
	_ =	sdelay $0x6  }
0xe5: {  	v5 =	vld.idx.msk [tilespmem:v5+s6+$0x0], $0xffff  }
0xe6: {  	v6 =	vld.idx.msk [tilespmem:v6+s6+$0x0], $0xffff;
	_ =	sdelay $0x2  }
0xe7: {  	[tilespmem:s7+$0xFFFFFFA0] =	vst v4  }
0xe8: {  	v4 =	vld [tilespmem:s8+$0xFFFFFFB0];
	[tilespmem:s11+$0xFFFFFFE0] =	vst v5  }
0xe9: {  	v5 =	vld [tilespmem:s9+$0xFFFFFFF0];
	[tilespmem:s11+$0xFFFFFFA0] =	vst v6  }
0xea: {  	v6 =	vld [tilespmem:s9+$0xFFFFFFB0];
	_ =	sdelay $0x4  }
0xeb: {  	v3 =	vld.idx.msk [tilespmem:v3+s6+$0x0], $0xffff  }
0xec: {  	v4 =	vld.idx.msk [tilespmem:v4+s6+$0x0], $0xffff  }
0xed: {  	v5 =	vld.idx.msk [tilespmem:v5+s6+$0x0], $0xffff  }
0xee: {  	v6 =	vld.idx.msk [tilespmem:v6+s6+$0x0], $0xffff  }
0xef: {  	[tilespmem:s3+$0xFFFFFFB0] =	vst v2  }
0xf0: {  	v2 =	vld [tilespmem:s4+$0xFFFFFFC0];
	[tilespmem:s7+$0xFFFFFFF0] =	vst v3  }
0xf1: {  	v3 =	vld [tilespmem:s8+$0x0];
	[tilespmem:s7+$0xFFFFFFB0] =	vst v4  }
0xf2: {  	v4 =	vld [tilespmem:s8+$0xFFFFFFC0];
	[tilespmem:s11+$0xFFFFFFF0] =	vst v5  }
0xf3: {  	v5 =	vld [tilespmem:s9+$0x0];
	[tilespmem:s11+$0xFFFFFFB0] =	vst v6  }
0xf4: {  	v6 =	vld [tilespmem:s9+$0xFFFFFFC0];
	_ =	sdelay $0x2  }
0xf5: {  	v0 =	vld.idx.msk [tilespmem:v0+s6+$0x0], $0xffff  }
0xf6: {  	v2 =	vld.idx.msk [tilespmem:v2+s6+$0x0], $0xffff  }
0xf7: {  	v3 =	vld.idx.msk [tilespmem:v3+s6+$0x0], $0xffff  }
0xf8: {  	v4 =	vld.idx.msk [tilespmem:v4+s6+$0x0], $0xffff  }
0xf9: {  	[tilespmem:s28+$0xFFFFFFC0] =	vst v1;
	v62 =	vld.idx.msk [tilespmem:v5+s6+$0x0], $0xffff  }
0xfa: {  	[tilespmem:s3+$0x0] =	vst v0;
	v63 =	vld.idx.msk [tilespmem:v6+s6+$0x0], $0xffff  }
0xfb: {  	[tilespmem:s3+$0xFFFFFFC0] =	vst v2  }
0xfc: {  	[tilespmem:s7+$0x0] =	vst v3  }
0xfd: {  	[tilespmem:s7+$0xFFFFFFC0] =	vst v4  }
0xfe: {  	s4 =	simm.s32 $0x1C780;
	s3 =	sadd.s32 s29, s22;
	[tilespmem:s11+$0x0] =	vst v62  }
0xff: {  	s8 =	simm.s32 $0x1C880;
	s7 =	simm.s32 $0x80;
	s9 =	sadd.s32 $0x0, s3;
	[tilespmem:s11+$0xFFFFFFC0] =	vst v63  }
.LBB2_10:
0x100: {  	[hbm4b:s9+s6] =	stream.linear.scatter [tilespmem:s4], [sflag:$0x1], $0x80, $0x38;
	[tilespmem:$0x1E700] =	vst v63  }
0x101: {  	s9 =	smov.u32 s7;
	s4 =	smov.u32 s8;
	p1 =	sne.s32 s7, $0xF80  }
.Ltmp6:
0x102: {  	s7 =	sadd.s32 $0x80, s7;
	(pc) =	sbr.rel @p1 .LBB2_10-.Ltmp6, $2  }
0x103: {  	_ =	sdelay $0x2  }
0x104: {  	s8 =	sadd.s32 $0x100, s8;
	s9 =	sadd.s32 s9, s3  }
0x105: {  	[hbm4b:s9+s6] =	stream.linear.scatter [tilespmem:s4], [sflag:$0x1], $0x80, $0x38;
	[tilespmem:$0x1E700] =	vst v63  }
0x106: {  	_ =	swait.ge [sflag:s2], $0x1000  }
0x107: {  	[sflag:s2] =	ssyncset.done $0x0  }
0x108: {  	s10 =	simm.s32 $0x1A770;
	[sflag:s2] =	ssyncadd.s32 $0xFFFFF000  }
0x109: {  	v0 =	vld [tilespmem:s10+$0xFFFFFFD0];
	_ =	sdelay $0x3  }
0x10a: {  	v1 =	vld [tilespmem:s10+$0xFFFFFF90];
	_ =	sdelay $0x3  }
0x10b: {  	v0 =	vld.idx.msk [tilespmem:v0+s6+$0x0], $0xffff;
	_ =	sdelay $0x3  }
0x10c: {  	s28 =	simm.s32 $0x1C740;
	s4 =	simm.s32 $0x1A7F0;
	v1 =	vld.idx.msk [tilespmem:v1+s6+$0x0], $0xffff  }
0x10d: {  	v2 =	vld [tilespmem:s4+$0xFFFFFFD0];
	[tilespmem:s28+$0x0] =	vst v0  }
0x10e: {  	v0 =	vld [tilespmem:s10+$0xFFFFFFE0];
	_ =	sdelay $0x2  }
0x10f: {  	[tilespmem:s28+$0xFFFFFFC0] =	vst v1;
	v1 =	vld [tilespmem:s4+$0xFFFFFF90]  }
0x110: {  	v3 =	vld [tilespmem:s10+$0xFFFFFFA0]  }
0x111: {  	s8 =	simm.s32 $0x1A870  }
0x112: {  	v4 =	vld [tilespmem:s8+$0xFFFFFFD0]  }
0x113: {  	v2 =	vld.idx.msk [tilespmem:v2+s6+$0x0], $0xffff  }
0x114: {  	v0 =	vld.idx.msk [tilespmem:v0+s6+$0x0], $0xffff;
	_ =	sdelay $0x2  }
0x115: {  	s3 =	simm.s32 $0x1C840;
	v1 =	vld.idx.msk [tilespmem:v1+s6+$0x0], $0xffff  }
0x116: {  	[tilespmem:s3+$0x0] =	vst v2;
	v3 =	vld.idx.msk [tilespmem:v3+s6+$0x0], $0xffff  }
0x117: {  	v2 =	vld [tilespmem:s4+$0xFFFFFFE0];
	[tilespmem:s28+$0x10] =	vst v0  }
0x118: {  	v0 =	vld [tilespmem:s10+$0xFFFFFFF0]  }
0x119: {  	v4 =	vld.idx.msk [tilespmem:v4+s6+$0x0], $0xffff  }
0x11a: {  	[tilespmem:s3+$0xFFFFFFC0] =	vst v1;
	v1 =	vld [tilespmem:s8+$0xFFFFFF90]  }
0x11b: {  	[tilespmem:s28+$0xFFFFFFD0] =	vst v3;
	v3 =	vld [tilespmem:s4+$0xFFFFFFA0]  }
0x11c: {  	v5 =	vld [tilespmem:s10+$0xFFFFFFB0]  }
0x11d: {  	s9 =	simm.s32 $0x1A8F0  }
0x11e: {  	v6 =	vld [tilespmem:s9+$0xFFFFFFD0]  }
0x11f: {  	s7 =	simm.s32 $0x1C940;
	v2 =	vld.idx.msk [tilespmem:v2+s6+$0x0], $0xffff  }
0x120: {  	[tilespmem:s7+$0x0] =	vst v4;
	v0 =	vld.idx.msk [tilespmem:v0+s6+$0x0], $0xffff  }
0x121: {  	v4 =	vld [tilespmem:s8+$0xFFFFFFE0]  }
0x122: {  	v1 =	vld.idx.msk [tilespmem:v1+s6+$0x0], $0xffff  }
0x123: {  	v3 =	vld.idx.msk [tilespmem:v3+s6+$0x0], $0xffff  }
0x124: {  	[tilespmem:s3+$0x10] =	vst v2;
	v5 =	vld.idx.msk [tilespmem:v5+s6+$0x0], $0xffff  }
0x125: {  	v2 =	vld [tilespmem:s4+$0xFFFFFFF0];
	[tilespmem:s28+$0x20] =	vst v0  }
0x126: {  	v0 =	vld [tilespmem:s10+$0x0]  }
0x127: {  	[tilespmem:s7+$0xFFFFFFC0] =	vst v1;
	v1 =	vld [tilespmem:s9+$0xFFFFFF90]  }
0x128: {  	[tilespmem:s3+$0xFFFFFFD0] =	vst v3;
	v3 =	vld [tilespmem:s8+$0xFFFFFFA0]  }
0x129: {  	[tilespmem:s28+$0xFFFFFFE0] =	vst v5;
	v5 =	vld [tilespmem:s4+$0xFFFFFFB0]  }
0x12a: {  	v7 =	vld [tilespmem:s10+$0xFFFFFFC0]  }
0x12b: {  	v6 =	vld.idx.msk [tilespmem:v6+s6+$0x0], $0xffff  }
0x12c: {  	v9 =	vld.idx.msk [tilespmem:v4+s6+$0x0], $0xffff  }
0x12d: {  	v8 =	vld.idx.msk [tilespmem:v2+s6+$0x0], $0xffff  }
0x12e: {  	v0 =	vld.idx.msk [tilespmem:v0+s6+$0x0], $0xffff  }
0x12f: {  	v10 =	vld.idx.msk [tilespmem:v1+s6+$0x0], $0xffff  }
0x130: {  	v4 =	vld.idx.msk [tilespmem:v3+s6+$0x0], $0xffff  }
0x131: {  	[tilespmem:s7+$0x10] =	vst v9;
	v2 =	vld.idx.msk [tilespmem:v5+s6+$0x0], $0xffff  }
0x132: {  	[tilespmem:s3+$0x20] =	vst v8;
	v1 =	vld.idx.msk [tilespmem:v7+s6+$0x0], $0xffff  }
0x133: {  	s11 =	simm.s32 $0x1CA40;
	[tilespmem:s28+$0x30] =	vst v0;
	v0 =	vld [tilespmem:s4+$0x0]  }
0x134: {  	[tilespmem:s11+$0x0] =	vst v6;
	v3 =	vld [tilespmem:s8+$0xFFFFFFF0]  }
0x135: {  	s13 =	simm.s32 $0x1A970;
	s10 =	simm.s32 $0x180;
	v5 =	vld [tilespmem:s9+$0xFFFFFFE0];
	[tilespmem:s11+$0xFFFFFFC0] =	vst v10  }
.LBB2_12:
0x136: {  	v6 =	vld [tilespmem:s13+$0xFFFFFFD0];
	s10 =	sadd.s32 $0x80, s10;
	[tilespmem:s7+$0xFFFFFFD0] =	vst v4  }
0x137: {  	v4 =	vld [tilespmem:s13+$0xFFFFFF90];
	p1 =	slt.u32 s10, $0xF80;
	[tilespmem:s3+$0xFFFFFFE0] =	vst v2  }
0x138: {  	v2 =	vld [tilespmem:s9+$0xFFFFFFA0];
	[tilespmem:s28+$0xFFFFFFF0] =	vst v1;
	s28 =	smov.u32 s3;
	s3 =	smov.u32 s7;
	s7 =	smov.u32 s11  }
0x139: {  	v1 =	vld [tilespmem:s8+$0xFFFFFFB0]  }
0x13a: {  	v7 =	vld [tilespmem:s4+$0xFFFFFFC0];
	s4 =	smov.u32 s8;
	s8 =	smov.u32 s9;
	s9 =	smov.u32 s13  }
0x13b: {  	v0 =	vld.idx.msk [tilespmem:v0+s6+$0x0], $0xffff  }
0x13c: {  	v3 =	vld.idx.msk [tilespmem:v3+s6+$0x0], $0xffff  }
0x13d: {  	v5 =	vld.idx.msk [tilespmem:v5+s6+$0x0], $0xffff  }
0x13e: {  	v6 =	vld.idx.msk [tilespmem:v6+s6+$0x0], $0xffff  }
0x13f: {  	v8 =	vld.idx.msk [tilespmem:v4+s6+$0x0], $0xffff  }
0x140: {  	v4 =	vld.idx.msk [tilespmem:v2+s6+$0x0], $0xffff  }
.Ltmp7:
0x141: {  	v2 =	vld.idx.msk [tilespmem:v1+s6+$0x0], $0xffff;
	[tilespmem:s28+$0x30] =	vst v0;
	(pc) =	sbr.rel @p1 .LBB2_12-.Ltmp7, $4  }
0x142: {  	[tilespmem:s3+$0x20] =	vst v3;
	v1 =	vld.idx.msk [tilespmem:v7+s6+$0x0], $0xffff  }
0x143: {  	s11 =	sadd.s32 $0x100, s11;
	[tilespmem:s7+$0x10] =	vst v5;
	v0 =	vld [tilespmem:s4+$0x0]  }
0x144: {  	[tilespmem:s11+$0x0] =	vst v6;
	v3 =	vld [tilespmem:s8+$0xFFFFFFF0]  }
0x145: {  	s13 =	sadd.s32 $0x80, s13;
	[tilespmem:s11+$0xFFFFFFC0] =	vst v8;
	v5 =	vld [tilespmem:s9+$0xFFFFFFE0]  }
0x146: {  	_ = 	snop  }
0x147: {  	v6 =	vld [tilespmem:s9+$0xFFFFFFA0];
	_ =	sdelay $0x6  }
0x148: {  	v5 =	vld.idx.msk [tilespmem:v5+s6+$0x0], $0xffff  }
0x149: {  	v6 =	vld.idx.msk [tilespmem:v6+s6+$0x0], $0xffff;
	_ =	sdelay $0x2  }
0x14a: {  	[tilespmem:s7+$0xFFFFFFD0] =	vst v4  }
0x14b: {  	v4 =	vld [tilespmem:s8+$0xFFFFFFB0];
	[tilespmem:s11+$0x10] =	vst v5  }
0x14c: {  	v5 =	vld [tilespmem:s9+$0xFFFFFFF0];
	[tilespmem:s11+$0xFFFFFFD0] =	vst v6  }
0x14d: {  	v6 =	vld [tilespmem:s9+$0xFFFFFFB0];
	_ =	sdelay $0x4  }
0x14e: {  	v3 =	vld.idx.msk [tilespmem:v3+s6+$0x0], $0xffff  }
0x14f: {  	v4 =	vld.idx.msk [tilespmem:v4+s6+$0x0], $0xffff  }
0x150: {  	v5 =	vld.idx.msk [tilespmem:v5+s6+$0x0], $0xffff  }
0x151: {  	v6 =	vld.idx.msk [tilespmem:v6+s6+$0x0], $0xffff  }
0x152: {  	[tilespmem:s3+$0xFFFFFFE0] =	vst v2  }
0x153: {  	v2 =	vld [tilespmem:s4+$0xFFFFFFC0];
	[tilespmem:s7+$0x20] =	vst v3  }
0x154: {  	v3 =	vld [tilespmem:s8+$0x0];
	[tilespmem:s7+$0xFFFFFFE0] =	vst v4  }
0x155: {  	v4 =	vld [tilespmem:s8+$0xFFFFFFC0];
	[tilespmem:s11+$0x20] =	vst v5  }
0x156: {  	v5 =	vld [tilespmem:s9+$0x0];
	[tilespmem:s11+$0xFFFFFFE0] =	vst v6  }
0x157: {  	v6 =	vld [tilespmem:s9+$0xFFFFFFC0];
	_ =	sdelay $0x2  }
0x158: {  	v0 =	vld.idx.msk [tilespmem:v0+s6+$0x0], $0xffff  }
0x159: {  	v2 =	vld.idx.msk [tilespmem:v2+s6+$0x0], $0xffff  }
0x15a: {  	v3 =	vld.idx.msk [tilespmem:v3+s6+$0x0], $0xffff  }
0x15b: {  	v4 =	vld.idx.msk [tilespmem:v4+s6+$0x0], $0xffff  }
0x15c: {  	[tilespmem:s28+$0xFFFFFFF0] =	vst v1;
	v62 =	vld.idx.msk [tilespmem:v5+s6+$0x0], $0xffff  }
0x15d: {  	[tilespmem:s3+$0x30] =	vst v0;
	v63 =	vld.idx.msk [tilespmem:v6+s6+$0x0], $0xffff  }
0x15e: {  	[tilespmem:s3+$0xFFFFFFF0] =	vst v2  }
0x15f: {  	[tilespmem:s7+$0x30] =	vst v3  }
0x160: {  	[tilespmem:s7+$0xFFFFFFF0] =	vst v4  }
0x161: {  	s4 =	simm.s32 $0x1C700;
	s3 =	sadd.s32 s29, s23;
	[tilespmem:s11+$0x30] =	vst v62  }
0x162: {  	s8 =	simm.s32 $0x1C800;
	s7 =	simm.s32 $0x80;
	s9 =	sadd.s32 $0x0, s3;
	[tilespmem:s11+$0xFFFFFFF0] =	vst v63  }
.LBB2_14:
0x163: {  	[hbm4b:s9+s6] =	stream.linear.scatter [tilespmem:s4], [sflag:$0x1], $0x80, $0x38;
	[tilespmem:$0x1E700] =	vst v63  }
0x164: {  	s9 =	smov.u32 s7;
	s4 =	smov.u32 s8;
	p1 =	sne.s32 s7, $0xF80  }
.Ltmp8:
0x165: {  	s7 =	sadd.s32 $0x80, s7;
	(pc) =	sbr.rel @p1 .LBB2_14-.Ltmp8, $2  }
0x166: {  	_ =	sdelay $0x2  }
0x167: {  	s8 =	sadd.s32 $0x100, s8;
	s9 =	sadd.s32 s9, s3  }
0x168: {  	[hbm4b:s9+s6] =	stream.linear.scatter [tilespmem:s4], [sflag:$0x1], $0x80, $0x38;
	[tilespmem:$0x1E700] =	vst v63  }
0x169: {  	_ =	swait.ge [sflag:s2], $0x1000  }
0x16a: {  	[sflag:s2] =	ssyncset.done $0x0  }
0x16b: {  	s10 =	simm.s32 $0x1B770;
	[sflag:s2] =	ssyncadd.s32 $0xFFFFF000  }
0x16c: {  	v0 =	vld [tilespmem:s10+$0xFFFFFFD0];
	_ =	sdelay $0x3  }
0x16d: {  	v1 =	vld [tilespmem:s10+$0xFFFFFF90];
	_ =	sdelay $0x3  }
0x16e: {  	v0 =	vld.idx.msk [tilespmem:v0+s6+$0x0], $0xffff;
	_ =	sdelay $0x3  }
0x16f: {  	s28 =	simm.s32 $0x1C7F0;
	s4 =	simm.s32 $0x1B7F0;
	v1 =	vld.idx.msk [tilespmem:v1+s6+$0x0], $0xffff  }
0x170: {  	v2 =	vld [tilespmem:s4+$0xFFFFFFD0];
	[tilespmem:s28+$0xFFFFFFD0] =	vst v0  }
0x171: {  	v0 =	vld [tilespmem:s10+$0xFFFFFFE0];
	_ =	sdelay $0x2  }
0x172: {  	[tilespmem:s28+$0xFFFFFF90] =	vst v1;
	v1 =	vld [tilespmem:s4+$0xFFFFFF90]  }
0x173: {  	v3 =	vld [tilespmem:s10+$0xFFFFFFA0]  }
0x174: {  	s8 =	simm.s32 $0x1B870  }
0x175: {  	v4 =	vld [tilespmem:s8+$0xFFFFFFD0]  }
0x176: {  	v2 =	vld.idx.msk [tilespmem:v2+s6+$0x0], $0xffff  }
0x177: {  	v0 =	vld.idx.msk [tilespmem:v0+s6+$0x0], $0xffff;
	_ =	sdelay $0x2  }
0x178: {  	s3 =	simm.s32 $0x1C8F0;
	v1 =	vld.idx.msk [tilespmem:v1+s6+$0x0], $0xffff  }
0x179: {  	[tilespmem:s3+$0xFFFFFFD0] =	vst v2;
	v3 =	vld.idx.msk [tilespmem:v3+s6+$0x0], $0xffff  }
0x17a: {  	v2 =	vld [tilespmem:s4+$0xFFFFFFE0];
	[tilespmem:s28+$0xFFFFFFE0] =	vst v0  }
0x17b: {  	v0 =	vld [tilespmem:s10+$0xFFFFFFF0]  }
0x17c: {  	v4 =	vld.idx.msk [tilespmem:v4+s6+$0x0], $0xffff  }
0x17d: {  	[tilespmem:s3+$0xFFFFFF90] =	vst v1;
	v1 =	vld [tilespmem:s8+$0xFFFFFF90]  }
0x17e: {  	[tilespmem:s28+$0xFFFFFFA0] =	vst v3;
	v3 =	vld [tilespmem:s4+$0xFFFFFFA0]  }
0x17f: {  	v5 =	vld [tilespmem:s10+$0xFFFFFFB0]  }
0x180: {  	s9 =	simm.s32 $0x1B8F0  }
0x181: {  	v6 =	vld [tilespmem:s9+$0xFFFFFFD0]  }
0x182: {  	s7 =	simm.s32 $0x1C9F0;
	v2 =	vld.idx.msk [tilespmem:v2+s6+$0x0], $0xffff  }
0x183: {  	[tilespmem:s7+$0xFFFFFFD0] =	vst v4;
	v0 =	vld.idx.msk [tilespmem:v0+s6+$0x0], $0xffff  }
0x184: {  	v4 =	vld [tilespmem:s8+$0xFFFFFFE0]  }
0x185: {  	v1 =	vld.idx.msk [tilespmem:v1+s6+$0x0], $0xffff  }
0x186: {  	v3 =	vld.idx.msk [tilespmem:v3+s6+$0x0], $0xffff  }
0x187: {  	[tilespmem:s3+$0xFFFFFFE0] =	vst v2;
	v5 =	vld.idx.msk [tilespmem:v5+s6+$0x0], $0xffff  }
0x188: {  	v2 =	vld [tilespmem:s4+$0xFFFFFFF0];
	[tilespmem:s28+$0xFFFFFFF0] =	vst v0  }
0x189: {  	v0 =	vld [tilespmem:s10+$0x0]  }
0x18a: {  	[tilespmem:s7+$0xFFFFFF90] =	vst v1;
	v1 =	vld [tilespmem:s9+$0xFFFFFF90]  }
0x18b: {  	[tilespmem:s3+$0xFFFFFFA0] =	vst v3;
	v3 =	vld [tilespmem:s8+$0xFFFFFFA0]  }
0x18c: {  	[tilespmem:s28+$0xFFFFFFB0] =	vst v5;
	v5 =	vld [tilespmem:s4+$0xFFFFFFB0]  }
0x18d: {  	v7 =	vld [tilespmem:s10+$0xFFFFFFC0]  }
0x18e: {  	v6 =	vld.idx.msk [tilespmem:v6+s6+$0x0], $0xffff  }
0x18f: {  	v9 =	vld.idx.msk [tilespmem:v4+s6+$0x0], $0xffff  }
0x190: {  	v8 =	vld.idx.msk [tilespmem:v2+s6+$0x0], $0xffff  }
0x191: {  	v0 =	vld.idx.msk [tilespmem:v0+s6+$0x0], $0xffff  }
0x192: {  	v10 =	vld.idx.msk [tilespmem:v1+s6+$0x0], $0xffff  }
0x193: {  	v4 =	vld.idx.msk [tilespmem:v3+s6+$0x0], $0xffff  }
0x194: {  	[tilespmem:s7+$0xFFFFFFE0] =	vst v9;
	v2 =	vld.idx.msk [tilespmem:v5+s6+$0x0], $0xffff  }
0x195: {  	[tilespmem:s3+$0xFFFFFFF0] =	vst v8;
	v1 =	vld.idx.msk [tilespmem:v7+s6+$0x0], $0xffff  }
0x196: {  	s11 =	simm.s32 $0x1CAF0;
	[tilespmem:s28+$0x0] =	vst v0;
	v0 =	vld [tilespmem:s4+$0x0]  }
0x197: {  	[tilespmem:s11+$0xFFFFFFD0] =	vst v6;
	v3 =	vld [tilespmem:s8+$0xFFFFFFF0]  }
0x198: {  	s13 =	simm.s32 $0x1B970;
	s10 =	simm.s32 $0x180;
	v5 =	vld [tilespmem:s9+$0xFFFFFFE0];
	[tilespmem:s11+$0xFFFFFF90] =	vst v10  }
.LBB2_16:
0x199: {  	v6 =	vld [tilespmem:s13+$0xFFFFFFD0];
	s10 =	sadd.s32 $0x80, s10;
	[tilespmem:s7+$0xFFFFFFA0] =	vst v4  }
0x19a: {  	v4 =	vld [tilespmem:s13+$0xFFFFFF90];
	p1 =	slt.u32 s10, $0xF80;
	[tilespmem:s3+$0xFFFFFFB0] =	vst v2  }
0x19b: {  	v2 =	vld [tilespmem:s9+$0xFFFFFFA0];
	[tilespmem:s28+$0xFFFFFFC0] =	vst v1;
	s28 =	smov.u32 s3;
	s3 =	smov.u32 s7;
	s7 =	smov.u32 s11  }
0x19c: {  	v1 =	vld [tilespmem:s8+$0xFFFFFFB0]  }
0x19d: {  	v7 =	vld [tilespmem:s4+$0xFFFFFFC0];
	s4 =	smov.u32 s8;
	s8 =	smov.u32 s9;
	s9 =	smov.u32 s13  }
0x19e: {  	v0 =	vld.idx.msk [tilespmem:v0+s6+$0x0], $0xffff  }
0x19f: {  	v3 =	vld.idx.msk [tilespmem:v3+s6+$0x0], $0xffff  }
0x1a0: {  	v5 =	vld.idx.msk [tilespmem:v5+s6+$0x0], $0xffff  }
0x1a1: {  	v6 =	vld.idx.msk [tilespmem:v6+s6+$0x0], $0xffff  }
0x1a2: {  	v8 =	vld.idx.msk [tilespmem:v4+s6+$0x0], $0xffff  }
0x1a3: {  	v4 =	vld.idx.msk [tilespmem:v2+s6+$0x0], $0xffff  }
.Ltmp9:
0x1a4: {  	v2 =	vld.idx.msk [tilespmem:v1+s6+$0x0], $0xffff;
	[tilespmem:s28+$0x0] =	vst v0;
	(pc) =	sbr.rel @p1 .LBB2_16-.Ltmp9, $4  }
0x1a5: {  	[tilespmem:s3+$0xFFFFFFF0] =	vst v3;
	v1 =	vld.idx.msk [tilespmem:v7+s6+$0x0], $0xffff  }
0x1a6: {  	s11 =	sadd.s32 $0x100, s11;
	[tilespmem:s7+$0xFFFFFFE0] =	vst v5;
	v0 =	vld [tilespmem:s4+$0x0]  }
0x1a7: {  	[tilespmem:s11+$0xFFFFFFD0] =	vst v6;
	v3 =	vld [tilespmem:s8+$0xFFFFFFF0]  }
0x1a8: {  	s13 =	sadd.s32 $0x80, s13;
	[tilespmem:s11+$0xFFFFFF90] =	vst v8;
	v5 =	vld [tilespmem:s9+$0xFFFFFFE0]  }
0x1a9: {  	_ = 	snop  }
0x1aa: {  	v6 =	vld [tilespmem:s9+$0xFFFFFFA0];
	_ =	sdelay $0x6  }
0x1ab: {  	v5 =	vld.idx.msk [tilespmem:v5+s6+$0x0], $0xffff  }
0x1ac: {  	v6 =	vld.idx.msk [tilespmem:v6+s6+$0x0], $0xffff;
	_ =	sdelay $0x2  }
0x1ad: {  	[tilespmem:s7+$0xFFFFFFA0] =	vst v4  }
0x1ae: {  	v4 =	vld [tilespmem:s8+$0xFFFFFFB0];
	[tilespmem:s11+$0xFFFFFFE0] =	vst v5  }
0x1af: {  	v5 =	vld [tilespmem:s9+$0xFFFFFFF0];
	[tilespmem:s11+$0xFFFFFFA0] =	vst v6  }
0x1b0: {  	v6 =	vld [tilespmem:s9+$0xFFFFFFB0];
	_ =	sdelay $0x4  }
0x1b1: {  	v3 =	vld.idx.msk [tilespmem:v3+s6+$0x0], $0xffff  }
0x1b2: {  	v4 =	vld.idx.msk [tilespmem:v4+s6+$0x0], $0xffff  }
0x1b3: {  	v5 =	vld.idx.msk [tilespmem:v5+s6+$0x0], $0xffff  }
0x1b4: {  	v6 =	vld.idx.msk [tilespmem:v6+s6+$0x0], $0xffff  }
0x1b5: {  	[tilespmem:s3+$0xFFFFFFB0] =	vst v2  }
0x1b6: {  	v2 =	vld [tilespmem:s4+$0xFFFFFFC0];
	[tilespmem:s7+$0xFFFFFFF0] =	vst v3  }
0x1b7: {  	v3 =	vld [tilespmem:s8+$0x0];
	[tilespmem:s7+$0xFFFFFFB0] =	vst v4  }
0x1b8: {  	v4 =	vld [tilespmem:s8+$0xFFFFFFC0];
	[tilespmem:s11+$0xFFFFFFF0] =	vst v5  }
0x1b9: {  	v5 =	vld [tilespmem:s9+$0x0];
	[tilespmem:s11+$0xFFFFFFB0] =	vst v6  }
0x1ba: {  	v6 =	vld [tilespmem:s9+$0xFFFFFFC0];
	_ =	sdelay $0x2  }
0x1bb: {  	v0 =	vld.idx.msk [tilespmem:v0+s6+$0x0], $0xffff  }
0x1bc: {  	v2 =	vld.idx.msk [tilespmem:v2+s6+$0x0], $0xffff  }
0x1bd: {  	v3 =	vld.idx.msk [tilespmem:v3+s6+$0x0], $0xffff  }
0x1be: {  	v4 =	vld.idx.msk [tilespmem:v4+s6+$0x0], $0xffff  }
0x1bf: {  	[tilespmem:s28+$0xFFFFFFC0] =	vst v1;
	v62 =	vld.idx.msk [tilespmem:v5+s6+$0x0], $0xffff  }
0x1c0: {  	[tilespmem:s3+$0x0] =	vst v0;
	v63 =	vld.idx.msk [tilespmem:v6+s6+$0x0], $0xffff  }
0x1c1: {  	[tilespmem:s3+$0xFFFFFFC0] =	vst v2  }
0x1c2: {  	[tilespmem:s7+$0x0] =	vst v3  }
0x1c3: {  	[tilespmem:s7+$0xFFFFFFC0] =	vst v4  }
0x1c4: {  	s4 =	simm.s32 $0x1C780;
	s3 =	sadd.s32 s29, s24;
	[tilespmem:s11+$0x0] =	vst v62  }
0x1c5: {  	s8 =	simm.s32 $0x1C880;
	s7 =	simm.s32 $0x80;
	s9 =	sadd.s32 $0x0, s3;
	[tilespmem:s11+$0xFFFFFFC0] =	vst v63  }
.LBB2_18:
0x1c6: {  	[hbm4b:s9+s6] =	stream.linear.scatter [tilespmem:s4], [sflag:$0x1], $0x80, $0x38;
	[tilespmem:$0x1E700] =	vst v63  }
0x1c7: {  	s9 =	smov.u32 s7;
	s4 =	smov.u32 s8;
	p1 =	sne.s32 s7, $0xF80  }
.Ltmp10:
0x1c8: {  	s7 =	sadd.s32 $0x80, s7;
	(pc) =	sbr.rel @p1 .LBB2_18-.Ltmp10, $2  }
0x1c9: {  	_ =	sdelay $0x2  }
0x1ca: {  	s8 =	sadd.s32 $0x100, s8;
	s9 =	sadd.s32 s9, s3  }
0x1cb: {  	s25 =	sadd.s32 $0x1, s25  }
0x1cc: {  	p1 =	seq.s32 s25, $0x4  }
.Ltmp11:
0x1cd: {  	_ = 	snop;
	(pc) =	sbr.rel @!p1 .LBB2_3-.Ltmp11, $4  }
.Ltmp12:
0x1ce: {  	_ = 	snop;
	(pc) =	sbr.rel @p1 .LBB2_38-.Ltmp12, $4  }
0x1cf: {  	_ = 	snop  }
0x1d0: {  	_ = 	snop  }
0x1d1: {  	[hbm4b:s9+s6] =	stream.linear.scatter [tilespmem:s4], [sflag:$0x1], $0x80, $0x38;
	[tilespmem:$0x1E700] =	vst v63  }
0x1d2: {  	_ = 	snop  }
.LBB2_20:
0x1d3: {  	s3 =	rddreg [dreg:$0x1];
	s4 =	simm.s32 $0x18700;
	s29 =	simm.s32 $0x3  }
0x1d4: {  	[tilespmem:s4], [sflag:$0x3] =	stream.linear.gather [hbm4b:s3+s25], $0x4000, $0x38;
	[tilespmem:$0x1E700] =	vst v63  }
0x1d5: {  	_ =	swait.ge [sflag:s29], $0x4000  }
0x1d6: {  	[sflag:s29] =	ssyncset.done $0x0  }
0x1d7: {  	[sflag:s29] =	ssyncadd.s32 $0xFFFFC000  }
.LBB2_21:
0x1d8: {  	s3 =	sadd.s32 s12, s25  }
0x1d9: {  	s3 =	sshll.u32 s3, $0x7  }
0x1da: {  	s29 =	sand.u32 $0x380, s3  }
0x1db: {  	s3 =	sor.u32 s14, s29  }
0x1dc: {  	s4 =	rddreg [dreg:$0x3];
	s3 =	sshrl.u32 s3, $0x3  }
0x1dd: {  	s10 =	rddreg [dreg:$0xa];
	s3 =	sadd.s32 s4, s3  }
0x1de: {  	[tilespmem:s6], [sflag:$0x2] =	stream.strided.gather [hbm4b:s3+s30], $0xC300, s31, s30, $0x38;
	[tilespmem:$0x1E700] =	vst v63  }
0x1df: {  	s3 =	sor.u32 s10, s29  }
0x1e0: {  	s3 =	sshrl.u32 s3, $0x3  }
0x1e1: {  	s11 =	rddreg [dreg:$0xb];
	s3 =	sadd.s32 s4, s3  }
0x1e2: {  	[tilespmem:s0], [sflag:$0x2] =	stream.strided.gather [hbm4b:s3+s30], $0xC380, s31, s30, $0x38;
	[tilespmem:$0x1E700] =	vst v63  }
0x1e3: {  	s3 =	sor.u32 s11, s29  }
0x1e4: {  	s13 =	rddreg [dreg:$0x7];
	s3 =	sshrl.u32 s3, $0x3  }
0x1e5: {  	s3 =	sadd.s32 s13, s3  }
0x1e6: {  	[tilespmem:s5], [sflag:$0x2] =	stream.linear.gather [hbm4b:s3+s6], $0x80, $0x38;
	[tilespmem:$0x1E700] =	vst v63  }
0x1e7: {  	_ =	swait.ge [sflag:s1], $0xC300  }
0x1e8: {  	[sflag:s1] =	ssyncset.done $0x0  }
0x1e9: {  	[sflag:s1] =	ssyncadd.s32 $0xFFFF3D00  }
0x1ea: {  	_ =	swait.ge [sflag:s1], $0xC380  }
0x1eb: {  	[sflag:s1] =	ssyncset.done $0x0  }
0x1ec: {  	[sflag:s1] =	ssyncadd.s32 $0xFFFF3C80  }
0x1ed: {  	_ =	swait.ge [sflag:s1], $0x80  }
0x1ee: {  	p1 =	seq.s32 s25, $0x0;
	[sflag:s1] =	ssyncset.done $0x0  }
0x1ef: {  	s3 =	simm.s32 @!p1 $0x1;
	[sflag:s1] =	ssyncadd.s32 $0xFFFFFF80  }
0x1f0: {  	_ =	swait.ge @!p1 [sflag:s3], $0x1000  }
0x1f1: {  	[sflag:s3] =	ssyncset.done @!p1 $0x0  }
0x1f2: {  	s10 =	simm.s32 $0x18740;
	[sflag:s3] =	ssyncadd.s32 @!p1 $0xFFFFF000  }
0x1f3: {  	v0 =	vld [tilespmem:s10+$0x0];
	_ =	sdelay $0x3  }
0x1f4: {  	v1 =	vld [tilespmem:s10+$0xFFFFFFC0];
	_ =	sdelay $0x3  }
0x1f5: {  	v0 =	vld.idx.msk [tilespmem:v0+s6+$0x0], $0xffff;
	_ =	sdelay $0x3  }
0x1f6: {  	s28 =	simm.s32 $0x1C740;
	s4 =	simm.s32 $0x187C0;
	v1 =	vld.idx.msk [tilespmem:v1+s6+$0x0], $0xffff  }
0x1f7: {  	v2 =	vld [tilespmem:s4+$0x0];
	[tilespmem:s28+$0x0] =	vst v0  }
0x1f8: {  	v0 =	vld [tilespmem:s10+$0x10];
	_ =	sdelay $0x2  }
0x1f9: {  	[tilespmem:s28+$0xFFFFFFC0] =	vst v1;
	v1 =	vld [tilespmem:s4+$0xFFFFFFC0]  }
0x1fa: {  	v3 =	vld [tilespmem:s10+$0xFFFFFFD0]  }
0x1fb: {  	s8 =	simm.s32 $0x18840  }
0x1fc: {  	v4 =	vld [tilespmem:s8+$0x0]  }
0x1fd: {  	v2 =	vld.idx.msk [tilespmem:v2+s6+$0x0], $0xffff  }
0x1fe: {  	v0 =	vld.idx.msk [tilespmem:v0+s6+$0x0], $0xffff;
	_ =	sdelay $0x2  }
0x1ff: {  	s3 =	simm.s32 $0x1C840;
	v1 =	vld.idx.msk [tilespmem:v1+s6+$0x0], $0xffff  }
0x200: {  	[tilespmem:s3+$0x0] =	vst v2;
	v3 =	vld.idx.msk [tilespmem:v3+s6+$0x0], $0xffff  }
0x201: {  	v2 =	vld [tilespmem:s4+$0x10];
	[tilespmem:s28+$0x10] =	vst v0  }
0x202: {  	v0 =	vld [tilespmem:s10+$0x20]  }
0x203: {  	v4 =	vld.idx.msk [tilespmem:v4+s6+$0x0], $0xffff  }
0x204: {  	[tilespmem:s3+$0xFFFFFFC0] =	vst v1;
	v1 =	vld [tilespmem:s8+$0xFFFFFFC0]  }
0x205: {  	[tilespmem:s28+$0xFFFFFFD0] =	vst v3;
	v3 =	vld [tilespmem:s4+$0xFFFFFFD0]  }
0x206: {  	v5 =	vld [tilespmem:s10+$0xFFFFFFE0]  }
0x207: {  	s9 =	simm.s32 $0x188C0  }
0x208: {  	v6 =	vld [tilespmem:s9+$0x0]  }
0x209: {  	s7 =	simm.s32 $0x1C940;
	v2 =	vld.idx.msk [tilespmem:v2+s6+$0x0], $0xffff  }
0x20a: {  	[tilespmem:s7+$0x0] =	vst v4;
	v0 =	vld.idx.msk [tilespmem:v0+s6+$0x0], $0xffff  }
0x20b: {  	v4 =	vld [tilespmem:s8+$0x10]  }
0x20c: {  	v1 =	vld.idx.msk [tilespmem:v1+s6+$0x0], $0xffff  }
0x20d: {  	v3 =	vld.idx.msk [tilespmem:v3+s6+$0x0], $0xffff  }
0x20e: {  	[tilespmem:s3+$0x10] =	vst v2;
	v5 =	vld.idx.msk [tilespmem:v5+s6+$0x0], $0xffff  }
0x20f: {  	v2 =	vld [tilespmem:s4+$0x20];
	[tilespmem:s28+$0x20] =	vst v0  }
0x210: {  	v0 =	vld [tilespmem:s10+$0x30]  }
0x211: {  	[tilespmem:s7+$0xFFFFFFC0] =	vst v1;
	v1 =	vld [tilespmem:s9+$0xFFFFFFC0]  }
0x212: {  	[tilespmem:s3+$0xFFFFFFD0] =	vst v3;
	v3 =	vld [tilespmem:s8+$0xFFFFFFD0]  }
0x213: {  	[tilespmem:s28+$0xFFFFFFE0] =	vst v5;
	v5 =	vld [tilespmem:s4+$0xFFFFFFE0]  }
0x214: {  	v7 =	vld [tilespmem:s10+$0xFFFFFFF0]  }
0x215: {  	v6 =	vld.idx.msk [tilespmem:v6+s6+$0x0], $0xffff  }
0x216: {  	v9 =	vld.idx.msk [tilespmem:v4+s6+$0x0], $0xffff  }
0x217: {  	v8 =	vld.idx.msk [tilespmem:v2+s6+$0x0], $0xffff  }
0x218: {  	v0 =	vld.idx.msk [tilespmem:v0+s6+$0x0], $0xffff  }
0x219: {  	v10 =	vld.idx.msk [tilespmem:v1+s6+$0x0], $0xffff  }
0x21a: {  	v4 =	vld.idx.msk [tilespmem:v3+s6+$0x0], $0xffff  }
0x21b: {  	[tilespmem:s7+$0x10] =	vst v9;
	v2 =	vld.idx.msk [tilespmem:v5+s6+$0x0], $0xffff  }
0x21c: {  	[tilespmem:s3+$0x20] =	vst v8;
	v1 =	vld.idx.msk [tilespmem:v7+s6+$0x0], $0xffff  }
0x21d: {  	s11 =	simm.s32 $0x1CA40;
	[tilespmem:s28+$0x30] =	vst v0;
	v0 =	vld [tilespmem:s4+$0x30]  }
0x21e: {  	[tilespmem:s11+$0x0] =	vst v6;
	v3 =	vld [tilespmem:s8+$0x20]  }
0x21f: {  	s13 =	simm.s32 $0x18940;
	s10 =	simm.s32 $0x180;
	v5 =	vld [tilespmem:s9+$0x10];
	[tilespmem:s11+$0xFFFFFFC0] =	vst v10  }
.LBB2_22:
0x220: {  	v6 =	vld [tilespmem:s13+$0x0];
	s10 =	sadd.s32 $0x80, s10;
	[tilespmem:s7+$0xFFFFFFD0] =	vst v4  }
0x221: {  	v4 =	vld [tilespmem:s13+$0xFFFFFFC0];
	p2 =	slt.u32 s10, $0xF80;
	[tilespmem:s3+$0xFFFFFFE0] =	vst v2  }
0x222: {  	v2 =	vld [tilespmem:s9+$0xFFFFFFD0];
	[tilespmem:s28+$0xFFFFFFF0] =	vst v1;
	s28 =	smov.u32 s3;
	s3 =	smov.u32 s7;
	s7 =	smov.u32 s11  }
0x223: {  	v1 =	vld [tilespmem:s8+$0xFFFFFFE0]  }
0x224: {  	v7 =	vld [tilespmem:s4+$0xFFFFFFF0];
	s4 =	smov.u32 s8;
	s8 =	smov.u32 s9;
	s9 =	smov.u32 s13  }
0x225: {  	v0 =	vld.idx.msk [tilespmem:v0+s6+$0x0], $0xffff  }
0x226: {  	v3 =	vld.idx.msk [tilespmem:v3+s6+$0x0], $0xffff  }
0x227: {  	v5 =	vld.idx.msk [tilespmem:v5+s6+$0x0], $0xffff  }
0x228: {  	v6 =	vld.idx.msk [tilespmem:v6+s6+$0x0], $0xffff  }
0x229: {  	v8 =	vld.idx.msk [tilespmem:v4+s6+$0x0], $0xffff  }
0x22a: {  	v4 =	vld.idx.msk [tilespmem:v2+s6+$0x0], $0xffff  }
.Ltmp13:
0x22b: {  	v2 =	vld.idx.msk [tilespmem:v1+s6+$0x0], $0xffff;
	[tilespmem:s28+$0x30] =	vst v0;
	(pc) =	sbr.rel @p2 .LBB2_22-.Ltmp13, $4  }
0x22c: {  	[tilespmem:s3+$0x20] =	vst v3;
	v1 =	vld.idx.msk [tilespmem:v7+s6+$0x0], $0xffff  }
0x22d: {  	s11 =	sadd.s32 $0x100, s11;
	[tilespmem:s7+$0x10] =	vst v5;
	v0 =	vld [tilespmem:s4+$0x30]  }
0x22e: {  	[tilespmem:s11+$0x0] =	vst v6;
	v3 =	vld [tilespmem:s8+$0x20]  }
0x22f: {  	s13 =	sadd.s32 $0x80, s13;
	[tilespmem:s11+$0xFFFFFFC0] =	vst v8;
	v5 =	vld [tilespmem:s9+$0x10]  }
0x230: {  	_ =	sdelay $0x2  }
0x231: {  	v6 =	vld [tilespmem:s9+$0xFFFFFFD0];
	_ =	sdelay $0x4  }
0x232: {  	v5 =	vld.idx.msk [tilespmem:v5+s6+$0x0], $0xffff;
	_ =	sdelay $0x2  }
0x233: {  	v6 =	vld.idx.msk [tilespmem:v6+s6+$0x0], $0xffff  }
0x234: {  	[tilespmem:s7+$0xFFFFFFD0] =	vst v4  }
0x235: {  	v4 =	vld [tilespmem:s8+$0xFFFFFFE0];
	[tilespmem:s11+$0x10] =	vst v5  }
0x236: {  	v5 =	vld [tilespmem:s9+$0x20];
	_ =	sdelay $0x1  }
0x237: {  	[tilespmem:s11+$0xFFFFFFD0] =	vst v6  }
0x238: {  	v6 =	vld [tilespmem:s9+$0xFFFFFFE0];
	_ =	sdelay $0x2  }
0x239: {  	v3 =	vld.idx.msk [tilespmem:v3+s6+$0x0], $0xffff  }
0x23a: {  	v4 =	vld.idx.msk [tilespmem:v4+s6+$0x0], $0xffff  }
0x23b: {  	v5 =	vld.idx.msk [tilespmem:v5+s6+$0x0], $0xffff  }
0x23c: {  	[tilespmem:s3+$0xFFFFFFE0] =	vst v2  }
0x23d: {  	v2 =	vld [tilespmem:s4+$0xFFFFFFF0]  }
0x23e: {  	[tilespmem:s7+$0x20] =	vst v3;
	v6 =	vld.idx.msk [tilespmem:v6+s6+$0x0], $0xffff  }
0x23f: {  	v3 =	vld [tilespmem:s8+$0x30];
	[tilespmem:s7+$0xFFFFFFE0] =	vst v4  }
0x240: {  	v4 =	vld [tilespmem:s8+$0xFFFFFFF0];
	[tilespmem:s11+$0x20] =	vst v5  }
0x241: {  	v5 =	vld [tilespmem:s9+$0x30];
	_ =	sdelay $0x1  }
0x242: {  	[tilespmem:s11+$0xFFFFFFE0] =	vst v6  }
0x243: {  	v6 =	vld [tilespmem:s9+$0xFFFFFFF0]  }
0x244: {  	v0 =	vld.idx.msk [tilespmem:v0+s6+$0x0], $0xffff  }
0x245: {  	v2 =	vld.idx.msk [tilespmem:v2+s6+$0x0], $0xffff  }
0x246: {  	v3 =	vld.idx.msk [tilespmem:v3+s6+$0x0], $0xffff  }
0x247: {  	v4 =	vld.idx.msk [tilespmem:v4+s6+$0x0], $0xffff  }
0x248: {  	[tilespmem:s28+$0xFFFFFFF0] =	vst v1;
	v62 =	vld.idx.msk [tilespmem:v5+s6+$0x0], $0xffff  }
0x249: {  	[tilespmem:s3+$0x30] =	vst v0  }
0x24a: {  	[tilespmem:s3+$0xFFFFFFF0] =	vst v2  }
0x24b: {  	[tilespmem:s7+$0x30] =	vst v3;
	v63 =	vld.idx.msk [tilespmem:v6+s6+$0x0], $0xffff  }
0x24c: {  	[tilespmem:s7+$0xFFFFFFF0] =	vst v4  }
0x24d: {  	s13 =	sor.u32 s16, s29;
	[tilespmem:s11+$0x30] =	vst v62  }
0x24e: {  	s29 =	sshrl.u32 s13, $0x3;
	s28 =	rddreg [dreg:$0x9]  }
0x24f: {  	s4 =	simm.s32 $0x1C700;
	s3 =	sadd.s32 s28, s29  }
0x250: {  	s8 =	simm.s32 $0x1C800;
	s7 =	simm.s32 $0x80;
	s9 =	sadd.s32 $0x0, s3;
	[tilespmem:s11+$0xFFFFFFF0] =	vst v63  }
.LBB2_24:
0x251: {  	[hbm4b:s9+s6] =	stream.linear.scatter [tilespmem:s4], [sflag:$0x1], $0x80, $0x38;
	[tilespmem:$0x1E700] =	vst v63  }
0x252: {  	s9 =	smov.u32 s7;
	s4 =	smov.u32 s8;
	p2 =	sne.s32 s7, $0xF80  }
.Ltmp14:
0x253: {  	s7 =	sadd.s32 $0x80, s7;
	(pc) =	sbr.rel @p2 .LBB2_24-.Ltmp14, $2  }
0x254: {  	_ =	sdelay $0x2  }
0x255: {  	s8 =	sadd.s32 $0x100, s8;
	s9 =	sadd.s32 s9, s3  }
0x256: {  	[hbm4b:s9+s6] =	stream.linear.scatter [tilespmem:s4], [sflag:$0x1], $0x80, $0x38;
	[tilespmem:$0x1E700] =	vst v63  }
0x257: {  	s3 =	simm.s32 @!p1 $0x1  }
0x258: {  	_ =	swait.ge @!p1 [sflag:s3], $0x1000  }
0x259: {  	[sflag:s3] =	ssyncset.done @!p1 $0x0  }
0x25a: {  	s10 =	simm.s32 $0x19770;
	[sflag:s3] =	ssyncadd.s32 @!p1 $0xFFFFF000  }
0x25b: {  	v0 =	vld [tilespmem:s10+$0xFFFFFFD0];
	_ =	sdelay $0x3  }
0x25c: {  	v1 =	vld [tilespmem:s10+$0xFFFFFF90];
	_ =	sdelay $0x3  }
0x25d: {  	v0 =	vld.idx.msk [tilespmem:v0+s6+$0x0], $0xffff;
	_ =	sdelay $0x3  }
0x25e: {  	s28 =	simm.s32 $0x1C7F0;
	s4 =	simm.s32 $0x197F0;
	v1 =	vld.idx.msk [tilespmem:v1+s6+$0x0], $0xffff  }
0x25f: {  	v2 =	vld [tilespmem:s4+$0xFFFFFFD0];
	[tilespmem:s28+$0xFFFFFFD0] =	vst v0  }
0x260: {  	v0 =	vld [tilespmem:s10+$0xFFFFFFE0];
	_ =	sdelay $0x2  }
0x261: {  	[tilespmem:s28+$0xFFFFFF90] =	vst v1;
	v1 =	vld [tilespmem:s4+$0xFFFFFF90]  }
0x262: {  	v3 =	vld [tilespmem:s10+$0xFFFFFFA0]  }
0x263: {  	s8 =	simm.s32 $0x19870  }
0x264: {  	v4 =	vld [tilespmem:s8+$0xFFFFFFD0]  }
0x265: {  	v2 =	vld.idx.msk [tilespmem:v2+s6+$0x0], $0xffff  }
0x266: {  	v0 =	vld.idx.msk [tilespmem:v0+s6+$0x0], $0xffff;
	_ =	sdelay $0x2  }
0x267: {  	s3 =	simm.s32 $0x1C8F0;
	v1 =	vld.idx.msk [tilespmem:v1+s6+$0x0], $0xffff  }
0x268: {  	[tilespmem:s3+$0xFFFFFFD0] =	vst v2;
	v3 =	vld.idx.msk [tilespmem:v3+s6+$0x0], $0xffff  }
0x269: {  	v2 =	vld [tilespmem:s4+$0xFFFFFFE0];
	[tilespmem:s28+$0xFFFFFFE0] =	vst v0  }
0x26a: {  	v0 =	vld [tilespmem:s10+$0xFFFFFFF0]  }
0x26b: {  	v4 =	vld.idx.msk [tilespmem:v4+s6+$0x0], $0xffff  }
0x26c: {  	[tilespmem:s3+$0xFFFFFF90] =	vst v1;
	v1 =	vld [tilespmem:s8+$0xFFFFFF90]  }
0x26d: {  	[tilespmem:s28+$0xFFFFFFA0] =	vst v3;
	v3 =	vld [tilespmem:s4+$0xFFFFFFA0]  }
0x26e: {  	v5 =	vld [tilespmem:s10+$0xFFFFFFB0]  }
0x26f: {  	s9 =	simm.s32 $0x198F0  }
0x270: {  	v6 =	vld [tilespmem:s9+$0xFFFFFFD0]  }
0x271: {  	s7 =	simm.s32 $0x1C9F0;
	v2 =	vld.idx.msk [tilespmem:v2+s6+$0x0], $0xffff  }
0x272: {  	[tilespmem:s7+$0xFFFFFFD0] =	vst v4;
	v0 =	vld.idx.msk [tilespmem:v0+s6+$0x0], $0xffff  }
0x273: {  	v4 =	vld [tilespmem:s8+$0xFFFFFFE0]  }
0x274: {  	v1 =	vld.idx.msk [tilespmem:v1+s6+$0x0], $0xffff  }
0x275: {  	v3 =	vld.idx.msk [tilespmem:v3+s6+$0x0], $0xffff  }
0x276: {  	[tilespmem:s3+$0xFFFFFFE0] =	vst v2;
	v5 =	vld.idx.msk [tilespmem:v5+s6+$0x0], $0xffff  }
0x277: {  	v2 =	vld [tilespmem:s4+$0xFFFFFFF0];
	[tilespmem:s28+$0xFFFFFFF0] =	vst v0  }
0x278: {  	v0 =	vld [tilespmem:s10+$0x0]  }
0x279: {  	[tilespmem:s7+$0xFFFFFF90] =	vst v1;
	v1 =	vld [tilespmem:s9+$0xFFFFFF90]  }
0x27a: {  	[tilespmem:s3+$0xFFFFFFA0] =	vst v3;
	v3 =	vld [tilespmem:s8+$0xFFFFFFA0]  }
0x27b: {  	[tilespmem:s28+$0xFFFFFFB0] =	vst v5;
	v5 =	vld [tilespmem:s4+$0xFFFFFFB0]  }
0x27c: {  	v7 =	vld [tilespmem:s10+$0xFFFFFFC0]  }
0x27d: {  	v6 =	vld.idx.msk [tilespmem:v6+s6+$0x0], $0xffff  }
0x27e: {  	v9 =	vld.idx.msk [tilespmem:v4+s6+$0x0], $0xffff  }
0x27f: {  	v8 =	vld.idx.msk [tilespmem:v2+s6+$0x0], $0xffff  }
0x280: {  	v0 =	vld.idx.msk [tilespmem:v0+s6+$0x0], $0xffff  }
0x281: {  	v10 =	vld.idx.msk [tilespmem:v1+s6+$0x0], $0xffff  }
0x282: {  	v4 =	vld.idx.msk [tilespmem:v3+s6+$0x0], $0xffff  }
0x283: {  	[tilespmem:s7+$0xFFFFFFE0] =	vst v9;
	v2 =	vld.idx.msk [tilespmem:v5+s6+$0x0], $0xffff  }
0x284: {  	[tilespmem:s3+$0xFFFFFFF0] =	vst v8;
	v1 =	vld.idx.msk [tilespmem:v7+s6+$0x0], $0xffff  }
0x285: {  	s11 =	simm.s32 $0x1CAF0;
	[tilespmem:s28+$0x0] =	vst v0;
	v0 =	vld [tilespmem:s4+$0x0]  }
0x286: {  	[tilespmem:s11+$0xFFFFFFD0] =	vst v6;
	v3 =	vld [tilespmem:s8+$0xFFFFFFF0]  }
0x287: {  	s13 =	simm.s32 $0x19970;
	s10 =	simm.s32 $0x180;
	v5 =	vld [tilespmem:s9+$0xFFFFFFE0];
	[tilespmem:s11+$0xFFFFFF90] =	vst v10  }
.LBB2_26:
0x288: {  	v6 =	vld [tilespmem:s13+$0xFFFFFFD0];
	s10 =	sadd.s32 $0x80, s10;
	[tilespmem:s7+$0xFFFFFFA0] =	vst v4  }
0x289: {  	v4 =	vld [tilespmem:s13+$0xFFFFFF90];
	p1 =	slt.u32 s10, $0xF80;
	[tilespmem:s3+$0xFFFFFFB0] =	vst v2  }
0x28a: {  	v2 =	vld [tilespmem:s9+$0xFFFFFFA0];
	[tilespmem:s28+$0xFFFFFFC0] =	vst v1;
	s28 =	smov.u32 s3;
	s3 =	smov.u32 s7;
	s7 =	smov.u32 s11  }
0x28b: {  	v1 =	vld [tilespmem:s8+$0xFFFFFFB0]  }
0x28c: {  	v7 =	vld [tilespmem:s4+$0xFFFFFFC0];
	s4 =	smov.u32 s8;
	s8 =	smov.u32 s9;
	s9 =	smov.u32 s13  }
0x28d: {  	v0 =	vld.idx.msk [tilespmem:v0+s6+$0x0], $0xffff  }
0x28e: {  	v3 =	vld.idx.msk [tilespmem:v3+s6+$0x0], $0xffff  }
0x28f: {  	v5 =	vld.idx.msk [tilespmem:v5+s6+$0x0], $0xffff  }
0x290: {  	v6 =	vld.idx.msk [tilespmem:v6+s6+$0x0], $0xffff  }
0x291: {  	v8 =	vld.idx.msk [tilespmem:v4+s6+$0x0], $0xffff  }
0x292: {  	v4 =	vld.idx.msk [tilespmem:v2+s6+$0x0], $0xffff  }
.Ltmp15:
0x293: {  	v2 =	vld.idx.msk [tilespmem:v1+s6+$0x0], $0xffff;
	[tilespmem:s28+$0x0] =	vst v0;
	(pc) =	sbr.rel @p1 .LBB2_26-.Ltmp15, $4  }
0x294: {  	[tilespmem:s3+$0xFFFFFFF0] =	vst v3;
	v1 =	vld.idx.msk [tilespmem:v7+s6+$0x0], $0xffff  }
0x295: {  	s11 =	sadd.s32 $0x100, s11;
	[tilespmem:s7+$0xFFFFFFE0] =	vst v5;
	v0 =	vld [tilespmem:s4+$0x0]  }
0x296: {  	[tilespmem:s11+$0xFFFFFFD0] =	vst v6;
	v3 =	vld [tilespmem:s8+$0xFFFFFFF0]  }
0x297: {  	s13 =	sadd.s32 $0x80, s13;
	[tilespmem:s11+$0xFFFFFF90] =	vst v8;
	v5 =	vld [tilespmem:s9+$0xFFFFFFE0]  }
0x298: {  	_ = 	snop  }
0x299: {  	v6 =	vld [tilespmem:s9+$0xFFFFFFA0];
	_ =	sdelay $0x6  }
0x29a: {  	v5 =	vld.idx.msk [tilespmem:v5+s6+$0x0], $0xffff  }
0x29b: {  	v6 =	vld.idx.msk [tilespmem:v6+s6+$0x0], $0xffff;
	_ =	sdelay $0x2  }
0x29c: {  	[tilespmem:s7+$0xFFFFFFA0] =	vst v4  }
0x29d: {  	v4 =	vld [tilespmem:s8+$0xFFFFFFB0];
	[tilespmem:s11+$0xFFFFFFE0] =	vst v5  }
0x29e: {  	v5 =	vld [tilespmem:s9+$0xFFFFFFF0];
	[tilespmem:s11+$0xFFFFFFA0] =	vst v6  }
0x29f: {  	v6 =	vld [tilespmem:s9+$0xFFFFFFB0];
	_ =	sdelay $0x4  }
0x2a0: {  	v3 =	vld.idx.msk [tilespmem:v3+s6+$0x0], $0xffff  }
0x2a1: {  	v4 =	vld.idx.msk [tilespmem:v4+s6+$0x0], $0xffff  }
0x2a2: {  	v5 =	vld.idx.msk [tilespmem:v5+s6+$0x0], $0xffff  }
0x2a3: {  	v6 =	vld.idx.msk [tilespmem:v6+s6+$0x0], $0xffff  }
0x2a4: {  	[tilespmem:s3+$0xFFFFFFB0] =	vst v2  }
0x2a5: {  	v2 =	vld [tilespmem:s4+$0xFFFFFFC0];
	[tilespmem:s7+$0xFFFFFFF0] =	vst v3  }
0x2a6: {  	v3 =	vld [tilespmem:s8+$0x0];
	[tilespmem:s7+$0xFFFFFFB0] =	vst v4  }
0x2a7: {  	v4 =	vld [tilespmem:s8+$0xFFFFFFC0];
	[tilespmem:s11+$0xFFFFFFF0] =	vst v5  }
0x2a8: {  	v5 =	vld [tilespmem:s9+$0x0];
	[tilespmem:s11+$0xFFFFFFB0] =	vst v6  }
0x2a9: {  	v6 =	vld [tilespmem:s9+$0xFFFFFFC0];
	_ =	sdelay $0x2  }
0x2aa: {  	v0 =	vld.idx.msk [tilespmem:v0+s6+$0x0], $0xffff  }
0x2ab: {  	v2 =	vld.idx.msk [tilespmem:v2+s6+$0x0], $0xffff  }
0x2ac: {  	v3 =	vld.idx.msk [tilespmem:v3+s6+$0x0], $0xffff  }
0x2ad: {  	v4 =	vld.idx.msk [tilespmem:v4+s6+$0x0], $0xffff  }
0x2ae: {  	[tilespmem:s28+$0xFFFFFFC0] =	vst v1;
	v62 =	vld.idx.msk [tilespmem:v5+s6+$0x0], $0xffff  }
0x2af: {  	[tilespmem:s3+$0x0] =	vst v0;
	v63 =	vld.idx.msk [tilespmem:v6+s6+$0x0], $0xffff  }
0x2b0: {  	[tilespmem:s3+$0xFFFFFFC0] =	vst v2  }
0x2b1: {  	[tilespmem:s7+$0x0] =	vst v3  }
0x2b2: {  	[tilespmem:s7+$0xFFFFFFC0] =	vst v4  }
0x2b3: {  	s4 =	simm.s32 $0x1C780;
	s3 =	sadd.s32 s29, s17;
	[tilespmem:s11+$0x0] =	vst v62  }
0x2b4: {  	s8 =	simm.s32 $0x1C880;
	s7 =	simm.s32 $0x80;
	s9 =	sadd.s32 $0x0, s3;
	[tilespmem:s11+$0xFFFFFFC0] =	vst v63  }
.LBB2_28:
0x2b5: {  	[hbm4b:s9+s6] =	stream.linear.scatter [tilespmem:s4], [sflag:$0x1], $0x80, $0x38;
	[tilespmem:$0x1E700] =	vst v63  }
0x2b6: {  	s9 =	smov.u32 s7;
	s4 =	smov.u32 s8;
	p1 =	sne.s32 s7, $0xF80  }
.Ltmp16:
0x2b7: {  	s7 =	sadd.s32 $0x80, s7;
	(pc) =	sbr.rel @p1 .LBB2_28-.Ltmp16, $2  }
0x2b8: {  	_ =	sdelay $0x2  }
0x2b9: {  	s8 =	sadd.s32 $0x100, s8;
	s9 =	sadd.s32 s9, s3  }
0x2ba: {  	[hbm4b:s9+s6] =	stream.linear.scatter [tilespmem:s4], [sflag:$0x1], $0x80, $0x38;
	[tilespmem:$0x1E700] =	vst v63  }
0x2bb: {  	_ =	swait.ge [sflag:s2], $0x1000  }
0x2bc: {  	[sflag:s2] =	ssyncset.done $0x0  }
0x2bd: {  	s10 =	simm.s32 $0x1A770;
	[sflag:s2] =	ssyncadd.s32 $0xFFFFF000  }
0x2be: {  	v0 =	vld [tilespmem:s10+$0xFFFFFFD0];
	_ =	sdelay $0x3  }
0x2bf: {  	v1 =	vld [tilespmem:s10+$0xFFFFFF90];
	_ =	sdelay $0x3  }
0x2c0: {  	v0 =	vld.idx.msk [tilespmem:v0+s6+$0x0], $0xffff;
	_ =	sdelay $0x3  }
0x2c1: {  	s28 =	simm.s32 $0x1C740;
	s4 =	simm.s32 $0x1A7F0;
	v1 =	vld.idx.msk [tilespmem:v1+s6+$0x0], $0xffff  }
0x2c2: {  	v2 =	vld [tilespmem:s4+$0xFFFFFFD0];
	[tilespmem:s28+$0x0] =	vst v0  }
0x2c3: {  	v0 =	vld [tilespmem:s10+$0xFFFFFFE0];
	_ =	sdelay $0x2  }
0x2c4: {  	[tilespmem:s28+$0xFFFFFFC0] =	vst v1;
	v1 =	vld [tilespmem:s4+$0xFFFFFF90]  }
0x2c5: {  	v3 =	vld [tilespmem:s10+$0xFFFFFFA0]  }
0x2c6: {  	s8 =	simm.s32 $0x1A870  }
0x2c7: {  	v4 =	vld [tilespmem:s8+$0xFFFFFFD0]  }
0x2c8: {  	v2 =	vld.idx.msk [tilespmem:v2+s6+$0x0], $0xffff  }
0x2c9: {  	v0 =	vld.idx.msk [tilespmem:v0+s6+$0x0], $0xffff;
	_ =	sdelay $0x2  }
0x2ca: {  	s3 =	simm.s32 $0x1C840;
	v1 =	vld.idx.msk [tilespmem:v1+s6+$0x0], $0xffff  }
0x2cb: {  	[tilespmem:s3+$0x0] =	vst v2;
	v3 =	vld.idx.msk [tilespmem:v3+s6+$0x0], $0xffff  }
0x2cc: {  	v2 =	vld [tilespmem:s4+$0xFFFFFFE0];
	[tilespmem:s28+$0x10] =	vst v0  }
0x2cd: {  	v0 =	vld [tilespmem:s10+$0xFFFFFFF0]  }
0x2ce: {  	v4 =	vld.idx.msk [tilespmem:v4+s6+$0x0], $0xffff  }
0x2cf: {  	[tilespmem:s3+$0xFFFFFFC0] =	vst v1;
	v1 =	vld [tilespmem:s8+$0xFFFFFF90]  }
0x2d0: {  	[tilespmem:s28+$0xFFFFFFD0] =	vst v3;
	v3 =	vld [tilespmem:s4+$0xFFFFFFA0]  }
0x2d1: {  	v5 =	vld [tilespmem:s10+$0xFFFFFFB0]  }
0x2d2: {  	s9 =	simm.s32 $0x1A8F0  }
0x2d3: {  	v6 =	vld [tilespmem:s9+$0xFFFFFFD0]  }
0x2d4: {  	s7 =	simm.s32 $0x1C940;
	v2 =	vld.idx.msk [tilespmem:v2+s6+$0x0], $0xffff  }
0x2d5: {  	[tilespmem:s7+$0x0] =	vst v4;
	v0 =	vld.idx.msk [tilespmem:v0+s6+$0x0], $0xffff  }
0x2d6: {  	v4 =	vld [tilespmem:s8+$0xFFFFFFE0]  }
0x2d7: {  	v1 =	vld.idx.msk [tilespmem:v1+s6+$0x0], $0xffff  }
0x2d8: {  	v3 =	vld.idx.msk [tilespmem:v3+s6+$0x0], $0xffff  }
0x2d9: {  	[tilespmem:s3+$0x10] =	vst v2;
	v5 =	vld.idx.msk [tilespmem:v5+s6+$0x0], $0xffff  }
0x2da: {  	v2 =	vld [tilespmem:s4+$0xFFFFFFF0];
	[tilespmem:s28+$0x20] =	vst v0  }
0x2db: {  	v0 =	vld [tilespmem:s10+$0x0]  }
0x2dc: {  	[tilespmem:s7+$0xFFFFFFC0] =	vst v1;
	v1 =	vld [tilespmem:s9+$0xFFFFFF90]  }
0x2dd: {  	[tilespmem:s3+$0xFFFFFFD0] =	vst v3;
	v3 =	vld [tilespmem:s8+$0xFFFFFFA0]  }
0x2de: {  	[tilespmem:s28+$0xFFFFFFE0] =	vst v5;
	v5 =	vld [tilespmem:s4+$0xFFFFFFB0]  }
0x2df: {  	v7 =	vld [tilespmem:s10+$0xFFFFFFC0]  }
0x2e0: {  	v6 =	vld.idx.msk [tilespmem:v6+s6+$0x0], $0xffff  }
0x2e1: {  	v9 =	vld.idx.msk [tilespmem:v4+s6+$0x0], $0xffff  }
0x2e2: {  	v8 =	vld.idx.msk [tilespmem:v2+s6+$0x0], $0xffff  }
0x2e3: {  	v0 =	vld.idx.msk [tilespmem:v0+s6+$0x0], $0xffff  }
0x2e4: {  	v10 =	vld.idx.msk [tilespmem:v1+s6+$0x0], $0xffff  }
0x2e5: {  	v4 =	vld.idx.msk [tilespmem:v3+s6+$0x0], $0xffff  }
0x2e6: {  	[tilespmem:s7+$0x10] =	vst v9;
	v2 =	vld.idx.msk [tilespmem:v5+s6+$0x0], $0xffff  }
0x2e7: {  	[tilespmem:s3+$0x20] =	vst v8;
	v1 =	vld.idx.msk [tilespmem:v7+s6+$0x0], $0xffff  }
0x2e8: {  	s11 =	simm.s32 $0x1CA40;
	[tilespmem:s28+$0x30] =	vst v0;
	v0 =	vld [tilespmem:s4+$0x0]  }
0x2e9: {  	[tilespmem:s11+$0x0] =	vst v6;
	v3 =	vld [tilespmem:s8+$0xFFFFFFF0]  }
0x2ea: {  	s13 =	simm.s32 $0x1A970;
	s10 =	simm.s32 $0x180;
	v5 =	vld [tilespmem:s9+$0xFFFFFFE0];
	[tilespmem:s11+$0xFFFFFFC0] =	vst v10  }
.LBB2_30:
0x2eb: {  	v6 =	vld [tilespmem:s13+$0xFFFFFFD0];
	s10 =	sadd.s32 $0x80, s10;
	[tilespmem:s7+$0xFFFFFFD0] =	vst v4  }
0x2ec: {  	v4 =	vld [tilespmem:s13+$0xFFFFFF90];
	p1 =	slt.u32 s10, $0xF80;
	[tilespmem:s3+$0xFFFFFFE0] =	vst v2  }
0x2ed: {  	v2 =	vld [tilespmem:s9+$0xFFFFFFA0];
	[tilespmem:s28+$0xFFFFFFF0] =	vst v1;
	s28 =	smov.u32 s3;
	s3 =	smov.u32 s7;
	s7 =	smov.u32 s11  }
0x2ee: {  	v1 =	vld [tilespmem:s8+$0xFFFFFFB0]  }
0x2ef: {  	v7 =	vld [tilespmem:s4+$0xFFFFFFC0];
	s4 =	smov.u32 s8;
	s8 =	smov.u32 s9;
	s9 =	smov.u32 s13  }
0x2f0: {  	v0 =	vld.idx.msk [tilespmem:v0+s6+$0x0], $0xffff  }
0x2f1: {  	v3 =	vld.idx.msk [tilespmem:v3+s6+$0x0], $0xffff  }
0x2f2: {  	v5 =	vld.idx.msk [tilespmem:v5+s6+$0x0], $0xffff  }
0x2f3: {  	v6 =	vld.idx.msk [tilespmem:v6+s6+$0x0], $0xffff  }
0x2f4: {  	v8 =	vld.idx.msk [tilespmem:v4+s6+$0x0], $0xffff  }
0x2f5: {  	v4 =	vld.idx.msk [tilespmem:v2+s6+$0x0], $0xffff  }
.Ltmp17:
0x2f6: {  	v2 =	vld.idx.msk [tilespmem:v1+s6+$0x0], $0xffff;
	[tilespmem:s28+$0x30] =	vst v0;
	(pc) =	sbr.rel @p1 .LBB2_30-.Ltmp17, $4  }
0x2f7: {  	[tilespmem:s3+$0x20] =	vst v3;
	v1 =	vld.idx.msk [tilespmem:v7+s6+$0x0], $0xffff  }
0x2f8: {  	s11 =	sadd.s32 $0x100, s11;
	[tilespmem:s7+$0x10] =	vst v5;
	v0 =	vld [tilespmem:s4+$0x0]  }
0x2f9: {  	[tilespmem:s11+$0x0] =	vst v6;
	v3 =	vld [tilespmem:s8+$0xFFFFFFF0]  }
0x2fa: {  	s13 =	sadd.s32 $0x80, s13;
	[tilespmem:s11+$0xFFFFFFC0] =	vst v8;
	v5 =	vld [tilespmem:s9+$0xFFFFFFE0]  }
0x2fb: {  	_ = 	snop  }
0x2fc: {  	v6 =	vld [tilespmem:s9+$0xFFFFFFA0];
	_ =	sdelay $0x6  }
0x2fd: {  	v5 =	vld.idx.msk [tilespmem:v5+s6+$0x0], $0xffff  }
0x2fe: {  	v6 =	vld.idx.msk [tilespmem:v6+s6+$0x0], $0xffff;
	_ =	sdelay $0x2  }
0x2ff: {  	[tilespmem:s7+$0xFFFFFFD0] =	vst v4  }
0x300: {  	v4 =	vld [tilespmem:s8+$0xFFFFFFB0];
	[tilespmem:s11+$0x10] =	vst v5  }
0x301: {  	v5 =	vld [tilespmem:s9+$0xFFFFFFF0];
	[tilespmem:s11+$0xFFFFFFD0] =	vst v6  }
0x302: {  	v6 =	vld [tilespmem:s9+$0xFFFFFFB0];
	_ =	sdelay $0x4  }
0x303: {  	v3 =	vld.idx.msk [tilespmem:v3+s6+$0x0], $0xffff  }
0x304: {  	v4 =	vld.idx.msk [tilespmem:v4+s6+$0x0], $0xffff  }
0x305: {  	v5 =	vld.idx.msk [tilespmem:v5+s6+$0x0], $0xffff  }
0x306: {  	v6 =	vld.idx.msk [tilespmem:v6+s6+$0x0], $0xffff  }
0x307: {  	[tilespmem:s3+$0xFFFFFFE0] =	vst v2  }
0x308: {  	v2 =	vld [tilespmem:s4+$0xFFFFFFC0];
	[tilespmem:s7+$0x20] =	vst v3  }
0x309: {  	v3 =	vld [tilespmem:s8+$0x0];
	[tilespmem:s7+$0xFFFFFFE0] =	vst v4  }
0x30a: {  	v4 =	vld [tilespmem:s8+$0xFFFFFFC0];
	[tilespmem:s11+$0x20] =	vst v5  }
0x30b: {  	v5 =	vld [tilespmem:s9+$0x0];
	[tilespmem:s11+$0xFFFFFFE0] =	vst v6  }
0x30c: {  	v6 =	vld [tilespmem:s9+$0xFFFFFFC0];
	_ =	sdelay $0x2  }
0x30d: {  	v0 =	vld.idx.msk [tilespmem:v0+s6+$0x0], $0xffff  }
0x30e: {  	v2 =	vld.idx.msk [tilespmem:v2+s6+$0x0], $0xffff  }
0x30f: {  	v3 =	vld.idx.msk [tilespmem:v3+s6+$0x0], $0xffff  }
0x310: {  	v4 =	vld.idx.msk [tilespmem:v4+s6+$0x0], $0xffff  }
0x311: {  	[tilespmem:s28+$0xFFFFFFF0] =	vst v1;
	v62 =	vld.idx.msk [tilespmem:v5+s6+$0x0], $0xffff  }
0x312: {  	[tilespmem:s3+$0x30] =	vst v0;
	v63 =	vld.idx.msk [tilespmem:v6+s6+$0x0], $0xffff  }
0x313: {  	[tilespmem:s3+$0xFFFFFFF0] =	vst v2  }
0x314: {  	[tilespmem:s7+$0x30] =	vst v3  }
0x315: {  	[tilespmem:s7+$0xFFFFFFF0] =	vst v4  }
0x316: {  	s4 =	simm.s32 $0x1C700;
	s3 =	sadd.s32 s29, s18;
	[tilespmem:s11+$0x30] =	vst v62  }
0x317: {  	s8 =	simm.s32 $0x1C800;
	s7 =	simm.s32 $0x80;
	s9 =	sadd.s32 $0x0, s3;
	[tilespmem:s11+$0xFFFFFFF0] =	vst v63  }
.LBB2_32:
0x318: {  	[hbm4b:s9+s6] =	stream.linear.scatter [tilespmem:s4], [sflag:$0x1], $0x80, $0x38;
	[tilespmem:$0x1E700] =	vst v63  }
0x319: {  	s9 =	smov.u32 s7;
	s4 =	smov.u32 s8;
	p1 =	sne.s32 s7, $0xF80  }
.Ltmp18:
0x31a: {  	s7 =	sadd.s32 $0x80, s7;
	(pc) =	sbr.rel @p1 .LBB2_32-.Ltmp18, $2  }
0x31b: {  	_ =	sdelay $0x2  }
0x31c: {  	s8 =	sadd.s32 $0x100, s8;
	s9 =	sadd.s32 s9, s3  }
0x31d: {  	[hbm4b:s9+s6] =	stream.linear.scatter [tilespmem:s4], [sflag:$0x1], $0x80, $0x38;
	[tilespmem:$0x1E700] =	vst v63  }
0x31e: {  	_ =	swait.ge [sflag:s2], $0x1000  }
0x31f: {  	[sflag:s2] =	ssyncset.done $0x0  }
0x320: {  	s10 =	simm.s32 $0x1B770;
	[sflag:s2] =	ssyncadd.s32 $0xFFFFF000  }
0x321: {  	v0 =	vld [tilespmem:s10+$0xFFFFFFD0];
	_ =	sdelay $0x3  }
0x322: {  	v1 =	vld [tilespmem:s10+$0xFFFFFF90];
	_ =	sdelay $0x3  }
0x323: {  	v0 =	vld.idx.msk [tilespmem:v0+s6+$0x0], $0xffff;
	_ =	sdelay $0x3  }
0x324: {  	s28 =	simm.s32 $0x1C7F0;
	s4 =	simm.s32 $0x1B7F0;
	v1 =	vld.idx.msk [tilespmem:v1+s6+$0x0], $0xffff  }
0x325: {  	v2 =	vld [tilespmem:s4+$0xFFFFFFD0];
	[tilespmem:s28+$0xFFFFFFD0] =	vst v0  }
0x326: {  	v0 =	vld [tilespmem:s10+$0xFFFFFFE0];
	_ =	sdelay $0x2  }
0x327: {  	[tilespmem:s28+$0xFFFFFF90] =	vst v1;
	v1 =	vld [tilespmem:s4+$0xFFFFFF90]  }
0x328: {  	v3 =	vld [tilespmem:s10+$0xFFFFFFA0]  }
0x329: {  	s8 =	simm.s32 $0x1B870  }
0x32a: {  	v4 =	vld [tilespmem:s8+$0xFFFFFFD0]  }
0x32b: {  	v2 =	vld.idx.msk [tilespmem:v2+s6+$0x0], $0xffff  }
0x32c: {  	v0 =	vld.idx.msk [tilespmem:v0+s6+$0x0], $0xffff;
	_ =	sdelay $0x2  }
0x32d: {  	s3 =	simm.s32 $0x1C8F0;
	v1 =	vld.idx.msk [tilespmem:v1+s6+$0x0], $0xffff  }
0x32e: {  	[tilespmem:s3+$0xFFFFFFD0] =	vst v2;
	v3 =	vld.idx.msk [tilespmem:v3+s6+$0x0], $0xffff  }
0x32f: {  	v2 =	vld [tilespmem:s4+$0xFFFFFFE0];
	[tilespmem:s28+$0xFFFFFFE0] =	vst v0  }
0x330: {  	v0 =	vld [tilespmem:s10+$0xFFFFFFF0]  }
0x331: {  	v4 =	vld.idx.msk [tilespmem:v4+s6+$0x0], $0xffff  }
0x332: {  	[tilespmem:s3+$0xFFFFFF90] =	vst v1;
	v1 =	vld [tilespmem:s8+$0xFFFFFF90]  }
0x333: {  	[tilespmem:s28+$0xFFFFFFA0] =	vst v3;
	v3 =	vld [tilespmem:s4+$0xFFFFFFA0]  }
0x334: {  	v5 =	vld [tilespmem:s10+$0xFFFFFFB0]  }
0x335: {  	s9 =	simm.s32 $0x1B8F0  }
0x336: {  	v6 =	vld [tilespmem:s9+$0xFFFFFFD0]  }
0x337: {  	s7 =	simm.s32 $0x1C9F0;
	v2 =	vld.idx.msk [tilespmem:v2+s6+$0x0], $0xffff  }
0x338: {  	[tilespmem:s7+$0xFFFFFFD0] =	vst v4;
	v0 =	vld.idx.msk [tilespmem:v0+s6+$0x0], $0xffff  }
0x339: {  	v4 =	vld [tilespmem:s8+$0xFFFFFFE0]  }
0x33a: {  	v1 =	vld.idx.msk [tilespmem:v1+s6+$0x0], $0xffff  }
0x33b: {  	v3 =	vld.idx.msk [tilespmem:v3+s6+$0x0], $0xffff  }
0x33c: {  	[tilespmem:s3+$0xFFFFFFE0] =	vst v2;
	v5 =	vld.idx.msk [tilespmem:v5+s6+$0x0], $0xffff  }
0x33d: {  	v2 =	vld [tilespmem:s4+$0xFFFFFFF0];
	[tilespmem:s28+$0xFFFFFFF0] =	vst v0  }
0x33e: {  	v0 =	vld [tilespmem:s10+$0x0]  }
0x33f: {  	[tilespmem:s7+$0xFFFFFF90] =	vst v1;
	v1 =	vld [tilespmem:s9+$0xFFFFFF90]  }
0x340: {  	[tilespmem:s3+$0xFFFFFFA0] =	vst v3;
	v3 =	vld [tilespmem:s8+$0xFFFFFFA0]  }
0x341: {  	[tilespmem:s28+$0xFFFFFFB0] =	vst v5;
	v5 =	vld [tilespmem:s4+$0xFFFFFFB0]  }
0x342: {  	v7 =	vld [tilespmem:s10+$0xFFFFFFC0]  }
0x343: {  	v6 =	vld.idx.msk [tilespmem:v6+s6+$0x0], $0xffff  }
0x344: {  	v9 =	vld.idx.msk [tilespmem:v4+s6+$0x0], $0xffff  }
0x345: {  	v8 =	vld.idx.msk [tilespmem:v2+s6+$0x0], $0xffff  }
0x346: {  	v0 =	vld.idx.msk [tilespmem:v0+s6+$0x0], $0xffff  }
0x347: {  	v10 =	vld.idx.msk [tilespmem:v1+s6+$0x0], $0xffff  }
0x348: {  	v4 =	vld.idx.msk [tilespmem:v3+s6+$0x0], $0xffff  }
0x349: {  	[tilespmem:s7+$0xFFFFFFE0] =	vst v9;
	v2 =	vld.idx.msk [tilespmem:v5+s6+$0x0], $0xffff  }
0x34a: {  	[tilespmem:s3+$0xFFFFFFF0] =	vst v8;
	v1 =	vld.idx.msk [tilespmem:v7+s6+$0x0], $0xffff  }
0x34b: {  	s11 =	simm.s32 $0x1CAF0;
	[tilespmem:s28+$0x0] =	vst v0;
	v0 =	vld [tilespmem:s4+$0x0]  }
0x34c: {  	[tilespmem:s11+$0xFFFFFFD0] =	vst v6;
	v3 =	vld [tilespmem:s8+$0xFFFFFFF0]  }
0x34d: {  	s13 =	simm.s32 $0x1B970;
	s10 =	simm.s32 $0x180;
	v5 =	vld [tilespmem:s9+$0xFFFFFFE0];
	[tilespmem:s11+$0xFFFFFF90] =	vst v10  }
.LBB2_34:
0x34e: {  	v6 =	vld [tilespmem:s13+$0xFFFFFFD0];
	s10 =	sadd.s32 $0x80, s10;
	[tilespmem:s7+$0xFFFFFFA0] =	vst v4  }
0x34f: {  	v4 =	vld [tilespmem:s13+$0xFFFFFF90];
	p1 =	slt.u32 s10, $0xF80;
	[tilespmem:s3+$0xFFFFFFB0] =	vst v2  }
0x350: {  	v2 =	vld [tilespmem:s9+$0xFFFFFFA0];
	[tilespmem:s28+$0xFFFFFFC0] =	vst v1;
	s28 =	smov.u32 s3;
	s3 =	smov.u32 s7;
	s7 =	smov.u32 s11  }
0x351: {  	v1 =	vld [tilespmem:s8+$0xFFFFFFB0]  }
0x352: {  	v7 =	vld [tilespmem:s4+$0xFFFFFFC0];
	s4 =	smov.u32 s8;
	s8 =	smov.u32 s9;
	s9 =	smov.u32 s13  }
0x353: {  	v0 =	vld.idx.msk [tilespmem:v0+s6+$0x0], $0xffff  }
0x354: {  	v3 =	vld.idx.msk [tilespmem:v3+s6+$0x0], $0xffff  }
0x355: {  	v5 =	vld.idx.msk [tilespmem:v5+s6+$0x0], $0xffff  }
0x356: {  	v6 =	vld.idx.msk [tilespmem:v6+s6+$0x0], $0xffff  }
0x357: {  	v8 =	vld.idx.msk [tilespmem:v4+s6+$0x0], $0xffff  }
0x358: {  	v4 =	vld.idx.msk [tilespmem:v2+s6+$0x0], $0xffff  }
.Ltmp19:
0x359: {  	v2 =	vld.idx.msk [tilespmem:v1+s6+$0x0], $0xffff;
	[tilespmem:s28+$0x0] =	vst v0;
	(pc) =	sbr.rel @p1 .LBB2_34-.Ltmp19, $4  }
0x35a: {  	[tilespmem:s3+$0xFFFFFFF0] =	vst v3;
	v1 =	vld.idx.msk [tilespmem:v7+s6+$0x0], $0xffff  }
0x35b: {  	s11 =	sadd.s32 $0x100, s11;
	[tilespmem:s7+$0xFFFFFFE0] =	vst v5;
	v0 =	vld [tilespmem:s4+$0x0]  }
0x35c: {  	[tilespmem:s11+$0xFFFFFFD0] =	vst v6;
	v3 =	vld [tilespmem:s8+$0xFFFFFFF0]  }
0x35d: {  	s13 =	sadd.s32 $0x80, s13;
	[tilespmem:s11+$0xFFFFFF90] =	vst v8;
	v5 =	vld [tilespmem:s9+$0xFFFFFFE0]  }
0x35e: {  	_ = 	snop  }
0x35f: {  	v6 =	vld [tilespmem:s9+$0xFFFFFFA0];
	_ =	sdelay $0x6  }
0x360: {  	v5 =	vld.idx.msk [tilespmem:v5+s6+$0x0], $0xffff  }
0x361: {  	v6 =	vld.idx.msk [tilespmem:v6+s6+$0x0], $0xffff;
	_ =	sdelay $0x2  }
0x362: {  	[tilespmem:s7+$0xFFFFFFA0] =	vst v4  }
0x363: {  	v4 =	vld [tilespmem:s8+$0xFFFFFFB0];
	[tilespmem:s11+$0xFFFFFFE0] =	vst v5  }
0x364: {  	v5 =	vld [tilespmem:s9+$0xFFFFFFF0];
	[tilespmem:s11+$0xFFFFFFA0] =	vst v6  }
0x365: {  	v6 =	vld [tilespmem:s9+$0xFFFFFFB0];
	_ =	sdelay $0x4  }
0x366: {  	v3 =	vld.idx.msk [tilespmem:v3+s6+$0x0], $0xffff  }
0x367: {  	v4 =	vld.idx.msk [tilespmem:v4+s6+$0x0], $0xffff  }
0x368: {  	v5 =	vld.idx.msk [tilespmem:v5+s6+$0x0], $0xffff  }
0x369: {  	v6 =	vld.idx.msk [tilespmem:v6+s6+$0x0], $0xffff  }
0x36a: {  	[tilespmem:s3+$0xFFFFFFB0] =	vst v2  }
0x36b: {  	v2 =	vld [tilespmem:s4+$0xFFFFFFC0];
	[tilespmem:s7+$0xFFFFFFF0] =	vst v3  }
0x36c: {  	v3 =	vld [tilespmem:s8+$0x0];
	[tilespmem:s7+$0xFFFFFFB0] =	vst v4  }
0x36d: {  	v4 =	vld [tilespmem:s8+$0xFFFFFFC0];
	[tilespmem:s11+$0xFFFFFFF0] =	vst v5  }
0x36e: {  	v5 =	vld [tilespmem:s9+$0x0];
	[tilespmem:s11+$0xFFFFFFB0] =	vst v6  }
0x36f: {  	v6 =	vld [tilespmem:s9+$0xFFFFFFC0];
	_ =	sdelay $0x2  }
0x370: {  	v0 =	vld.idx.msk [tilespmem:v0+s6+$0x0], $0xffff  }
0x371: {  	v2 =	vld.idx.msk [tilespmem:v2+s6+$0x0], $0xffff  }
0x372: {  	v3 =	vld.idx.msk [tilespmem:v3+s6+$0x0], $0xffff  }
0x373: {  	v4 =	vld.idx.msk [tilespmem:v4+s6+$0x0], $0xffff  }
0x374: {  	[tilespmem:s28+$0xFFFFFFC0] =	vst v1;
	v62 =	vld.idx.msk [tilespmem:v5+s6+$0x0], $0xffff  }
0x375: {  	[tilespmem:s3+$0x0] =	vst v0;
	v63 =	vld.idx.msk [tilespmem:v6+s6+$0x0], $0xffff  }
0x376: {  	[tilespmem:s3+$0xFFFFFFC0] =	vst v2  }
0x377: {  	[tilespmem:s7+$0x0] =	vst v3  }
0x378: {  	[tilespmem:s7+$0xFFFFFFC0] =	vst v4  }
0x379: {  	s4 =	simm.s32 $0x1C780;
	s3 =	sadd.s32 s29, s19;
	[tilespmem:s11+$0x0] =	vst v62  }
0x37a: {  	s8 =	simm.s32 $0x1C880;
	s7 =	simm.s32 $0x80;
	s9 =	sadd.s32 $0x0, s3;
	[tilespmem:s11+$0xFFFFFFC0] =	vst v63  }
.LBB2_36:
0x37b: {  	[hbm4b:s9+s6] =	stream.linear.scatter [tilespmem:s4], [sflag:$0x1], $0x80, $0x38;
	[tilespmem:$0x1E700] =	vst v63  }
0x37c: {  	s9 =	smov.u32 s7;
	s4 =	smov.u32 s8;
	p1 =	sne.s32 s7, $0xF80  }
.Ltmp20:
0x37d: {  	s7 =	sadd.s32 $0x80, s7;
	(pc) =	sbr.rel @p1 .LBB2_36-.Ltmp20, $2  }
0x37e: {  	_ =	sdelay $0x2  }
0x37f: {  	s8 =	sadd.s32 $0x100, s8;
	s9 =	sadd.s32 s9, s3  }
0x380: {  	s25 =	sadd.s32 $0x1, s25  }
0x381: {  	p1 =	sne.s32 s25, $0x4  }
.Ltmp21:
0x382: {  	_ = 	snop;
	(pc) =	sbr.rel @p1 .LBB2_21-.Ltmp21, $4  }
.Ltmp22:
0x383: {  	_ = 	snop;
	(pc) =	sbr.rel @!p1 .LBB2_38-.Ltmp22, $4  }
0x384: {  	_ = 	snop  }
0x385: {  	_ = 	snop  }
0x386: {  	[hbm4b:s9+s6] =	stream.linear.scatter [tilespmem:s4], [sflag:$0x1], $0x80, $0x38;
	[tilespmem:$0x1E700] =	vst v63  }
0x387: {  	_ = 	snop  }
.LBB2_39:
0x388: {  	_ =	sfence.sel $0x180000  }
0x389: {  	[bflag:$0x0] =	sbarrier.arrive $0xFFFF  }
0x38a: {  	_ =	strace $0x90000047  }
0x38b: {  	s0 =	stileid.u32;
	[bflag:$0x2] =	sbarrier.arrive $0xFFFF  }
0x38c: {  	p0 =	sne.s32 s0, $0x0;
	s0 =	rddreg [dreg:$0x5]  }
0x38d: {  	s0 =	sadd.s32 @!p0 $0x100000, s0  }
0x38e: {  	[sflag:s0] =	ssyncadd.tile.s32 @!p0 $0x1;
	_ =	shalt  }
.Lfunc_end2:
_tile_overlayer_lowered:
.L_overlay_start_2:
0x38f: {  	(tag) =	ssettag $0x2  }
0x390: {  	s0 =	rddreg [dreg:$0x0];
	s2 =	stileid.u32  }
0x391: {  	s1 =	rddreg [dreg:$0x1];
	p0 =	sne.s32 s2, $0x0  }
0x392: {  	s3 =	rddreg [dreg:$0x2];
	[bflag:$0x3] =	sbarrier.arrive $0xFFFF;
	s2 =	simm.s32 @!p0 $0x1C03  }
0x393: {  	[timem:s3], [sflag:s2] =	dma.local @!p0 [hbm:s0], s1  }
0x394: {  	s0 =	simm.s32 @!p0 $0x3  }
0x395: {  	_ =	swait.ge @!p0 [sflag:s0], s1  }
0x396: {  	s1 =	ssub.s32 @!p0 $0x0, s1;
	[sflag:s0] =	ssyncset.done @!p0 $0x0  }
0x397: {  	[sflag:s0] =	ssyncadd.s32 @!p0 s1  }
0x398: {  	[bflag:$0x3] =	sbarrier.arrive $0xFFFF  }
0x399: {  	_ =	shalt  }

// kernel: kernel.9.cloned.1.call-start
scs
__scs_entry_jumppad:
0x0: {  	(pc) =	sbr.rel $0x88, $3  }
0x1: {  	(tag) =	ssettag $0x0;
	lr =	simm.s32 $0x1  }
0x2: {  	[smem:$0x3F8D] =	sst lr;
	_ =	strace $0xD0000000  }
0x3: {  	_ = 	snop  }
0x4: {  	_ = 	snop  }
0x5: {  	_ = 	snop  }
0x6: {  	_ = 	snop  }
0x7: {  	_ = 	snop  }
__scs_overlays_trampoline_lowered:
0x8: {  	[smem:$0x3F9C] =	sst s0  }
0x9: {  	[smem:$0x3F9D] =	sst s1  }
0xa: {  	[smem:$0x3F9E] =	sst s2  }
0xb: {  	[smem:$0x3F9F] =	sst s3  }
0xc: {  	[smem:$0x3FA0] =	sst s4  }
0xd: {  	[smem:$0x3FA1] =	sst s5  }
0xe: {  	[smem:$0x3FA2] =	sst s6  }
0xf: {  	[smem:$0x3FA3] =	sst s7  }
0x10: {  	[smem:$0x3FA4] =	sst s8  }
0x11: {  	[smem:$0x3FA5] =	sst s9;
	s0 =	simm.s32 @!p0 $0x0  }
0x12: {  	s1 =	sld [smem:$0x3F8B];
	s0 =	simm.s32 @p0 $0x1  }
0x13: {  	[smem:$0x3FA6] =	sst s0;
	s0 =	simm.s32 @!p1 $0x0  }
0x14: {  	s2 =	sld [smem:$0x3F8A];
	s0 =	simm.s32 @p1 $0x1  }
0x15: {  	[smem:$0x3FA7] =	sst s0;
	s0 =	simm.s32 @!p2 $0x0  }
0x16: {  	s3 =	sld [smem:$0x3FDB];
	s0 =	simm.s32 @p2 $0x1  }
0x17: {  	s4 =	simm.s32 $0x1BF5;
	[smem:$0x3FA9] =	sst s0  }
0x18: {  	s0 =	sld [smem:$0x3F8C];
	_ =	swait.ge [sflag:s4], $0x0  }
0x19: {  	s7 =	sld [smem:$0x3F8D]  }
0x1a: {  	s8 =	sadd.s32 $0xFFFFE003, lr  }
0x1b: {  	s9 =	sadd.s32 $0xFFFFFEF7, lr;
	s5 =	simm.s32 $0xFFFFFFFF;
	p2 =	slt.u32 s8, $0xFFFFF086  }
0x1c: {  	p1 =	slt.u32 s9, $0xF7A;
	s5 =	simm.s32 @!p2 $0x0  }
0x1d: {  	s5 =	simm.s32 @p1 $0x1;
	p0 =	seq.s32 s7, s2  }
0x1e: {  	s7 =	smul.u32 @!p0 $0xF7A, s2;
	p2 =	seq.s32 @!p0 s5, $0x0  }
0x1f: {  	s9 =	smul.u32 $0xF7A, s1;
	s8 =	simm.s32 @!p0 $0x1BF5;
	p2 =	por !p2, p0  }
0x20: {  	[sflag:s8] =	ssyncset.s32 @!p0 $0xFFFFF086;
	s6 =	sadd.s32 @!p0 s3, s7;
	s7 =	simm.s32 @!p0 $0x108  }
0x21: {  	s3 =	sadd.s32 s3, s9;
	s6 =	sadd.s32 @!p0 $0x88, s6;
	s7 =	simm.s32 @p2 $0x1082  }
0x22: {  	[simem:s7], [sflag:s8] =	dma.local @!p0 [hbm:s6], $0xF7A  }
0x23: {  	s9 =	sor.u32 $0xD0000000, s2;
	s6 =	simm.s32 $0x108;
	_ =	swait.ge @!p0 [sflag:s8], $0x0  }
0x24: {  	s3 =	sadd.s32 $0x88, s3;
	s6 =	simm.s32 @!p1 $0x1082;
	[sflag:s4] =	ssyncset.s32 $0xFFFFF086  }
0x25: {  	[simem:s6], [sflag:s4] =	dma.local [hbm:s3], $0xF7A  }
0x26: {  	[smem:$0x3F8D] =	sst s1;
	(tag) =	ssettag s2;
	_ =	strace s9  }
0x27: {  	s1 =	sld [smem:$0x3F9D]  }
0x28: {  	s2 =	sld [smem:$0x3F9E]  }
0x29: {  	s4 =	sld [smem:$0x3FA0]  }
0x2a: {  	p0 =	seq.s32 s5, $0x0;
	s5 =	sld [smem:$0x3FA1]  }
0x2b: {  	s6 =	sld [smem:$0x3FA2]  }
0x2c: {  	s7 =	sld [smem:$0x3FA3]  }
0x2d: {  	s3 =	simm.s32 $0x108;
	s8 =	sld [smem:$0x3FA4]  }
0x2e: {  	s3 =	simm.s32 @!p0 $0x1082;
	s9 =	sld [smem:$0x3FA5]  }
0x2f: {  	lr =	sadd.s32 s0, s3;
	s0 =	sld [smem:$0x3F9C]  }
0x30: {  	s3 =	sld [smem:$0x3F9F]  }
0x31: {  	[smem:$0x3FA8] =	sst s10  }
0x32: {  	s10 =	sld [smem:$0x3FA6];
	_ =	sdelay $0x3  }
0x33: {  	p0 =	seq.s32 s10, $0x1;
	s10 =	sld [smem:$0x3FA8];
	_ =	sdelay $0x3  }
0x34: {  	[smem:$0x3FA8] =	sst s10  }
0x35: {  	s10 =	sld [smem:$0x3FA7];
	_ =	sdelay $0x3  }
0x36: {  	p1 =	seq.s32 s10, $0x1;
	s10 =	sld [smem:$0x3FA8];
	_ =	sdelay $0x3  }
0x37: {  	[smem:$0x3FA8] =	sst s10  }
0x38: {  	s10 =	sld [smem:$0x3FA9]  }
0x39: {  	_ = 	snop;
	(pc) =	sbr.ind lr, $3  }
0x3a: {  	_ = 	snop  }
0x3b: {  	_ = 	snop  }
0x3c: {  	p2 =	seq.s32 s10, $0x1;
	s10 =	sld [smem:$0x3FA8]  }
0x3d: {  	_ =	shalt  }
0x3e: {  	_ =	shalt  }
0x3f: {  	_ =	shalt  }
0x40: {  	_ =	shalt  }
0x41: {  	_ =	shalt  }
0x42: {  	_ =	shalt  }
0x43: {  	_ =	shalt  }
0x44: {  	_ =	shalt  }
0x45: {  	_ =	shalt  }
0x46: {  	_ =	shalt  }
0x47: {  	_ =	shalt  }
0x48: {  	_ =	shalt  }
0x49: {  	_ =	shalt  }
0x4a: {  	_ =	shalt  }
0x4b: {  	_ =	shalt  }
0x4c: {  	_ =	shalt  }
0x4d: {  	_ =	shalt  }
0x4e: {  	_ =	shalt  }
0x4f: {  	_ =	shalt  }
0x50: {  	_ =	shalt  }
0x51: {  	_ =	shalt  }
0x52: {  	_ =	shalt  }
0x53: {  	_ =	shalt  }
0x54: {  	_ =	shalt  }
0x55: {  	_ =	shalt  }
0x56: {  	_ =	shalt  }
0x57: {  	_ =	shalt  }
0x58: {  	_ =	shalt  }
0x59: {  	_ =	shalt  }
0x5a: {  	_ =	shalt  }
0x5b: {  	_ =	shalt  }
0x5c: {  	_ =	shalt  }
0x5d: {  	_ =	shalt  }
0x5e: {  	_ =	shalt  }
0x5f: {  	_ =	shalt  }
0x60: {  	_ =	shalt  }
0x61: {  	_ =	shalt  }
0x62: {  	_ =	shalt  }
0x63: {  	_ =	shalt  }
0x64: {  	_ =	shalt  }
0x65: {  	_ =	shalt  }
0x66: {  	_ =	shalt  }
0x67: {  	_ =	shalt  }
0x68: {  	_ =	shalt  }
0x69: {  	_ =	shalt  }
0x6a: {  	_ =	shalt  }
0x6b: {  	_ =	shalt  }
0x6c: {  	_ =	shalt  }
0x6d: {  	_ =	shalt  }
0x6e: {  	_ =	shalt  }
0x6f: {  	_ =	shalt  }
0x70: {  	_ =	shalt  }
0x71: {  	_ =	shalt  }
0x72: {  	_ =	shalt  }
0x73: {  	_ =	shalt  }
0x74: {  	_ =	shalt  }
0x75: {  	_ =	shalt  }
0x76: {  	_ =	shalt  }
0x77: {  	_ =	shalt  }
0x78: {  	_ =	shalt  }
0x79: {  	_ =	shalt  }
0x7a: {  	_ =	shalt  }
0x7b: {  	_ =	shalt  }
0x7c: {  	_ =	shalt  }
0x7d: {  	_ =	shalt  }
0x7e: {  	_ =	shalt  }
0x7f: {  	_ =	shalt  }
0x80: {  	_ =	shalt  }
0x81: {  	_ =	shalt  }
0x82: {  	_ =	shalt  }
0x83: {  	_ =	shalt  }
0x84: {  	_ =	shalt  }
0x85: {  	_ =	shalt  }
0x86: {  	_ =	shalt  }
0x87: {  	_ =	shalt  }
.Lfunc_end0:
.L_simem_size_0:
called_computation.1_lowered:
.L_overlay_start_0:
0x88: {  	s2 =	sld [smem:$0x3FD9]  }
0x89: {  	s3 =	sld [smem:$0x3FFE];
	_ =	sdelay $0x1  }
0x8a: {  	s1 =	srdreg.scid  }
0x8b: {  	s0 =	sand.u32 $0x1, s1  }
0x8c: {  	s17 =	sshll.u32 s0, $0xA;
	s2 =	sadd.s32 s3, s2  }
0x8d: {  	s2 =	sadd.s32 s2, s17  }
0x8e: {  	[smem:$0x3FB4] =	sst s2  }
0x8f: {  	_ = 	snop  }
0x90: {  	s18 =	sld [smem:$0x3FC9]  }
0x91: {  	s4 =	sld [smem:$0x3FC8]  }
0x92: {  	s5 =	sld [smem:$0x3FC7]  }
0x93: {  	s6 =	sld [smem:$0x3FC6]  }
0x94: {  	s7 =	sld [smem:$0x3FD0];
	(tm) =	ssettm $0x1  }
0x95: {  	s19 =	sld [smem:$0x3FFB];
	_ =	sdelay $0x3  }
0x96: {  	_ =	strace s19  }
0x97: {  	s2 =	sld [smem:$0x3FFC];
	_ =	sdelay $0x3  }
0x98: {  	_ =	strace s2  }
0x99: {  	s2 =	sld [smem:$0x3FFD];
	_ =	sdelay $0x3  }
0x9a: {  	_ =	strace s2  }
0x9b: {  	_ =	strace $0x8FFFFFFF  }
0x9c: {  	s20 =	sld [smem:$0x3FDB];
	_ =	sdelay $0x1  }
0x9d: {  	s8 =	simm.s32 $_scs_section_size  }
0x9e: {  	s9 =	simm.s32 $_size__tile_overlayer_lowered;
	s10 =	simm.s32 $_tile_overlayer_lowered  }
0x9f: {  	s11 =	simm.s32 $0x1BFF;
	s21 =	sshll.u32 s10, $0x1;
	s8 =	sadd.s32 s8, s20  }
0xa0: {  	s22 =	simm.s32 $0x0;
	s9 =	sshll.u32 s9, $0x1;
	s10 =	sadd.s32 s21, s8  }
0xa1: {  	[timem:s22], [sflag:s11] =	dma.local [hbm:s10], s9  }
0xa2: {  	_ =	swait.ge [sflag:s11], s9  }
0xa3: {  	s9 =	ssub.s32 $0x0, s9;
	[sflag:s11] =	ssyncset.done $0x0  }
0xa4: {  	[sflag:s11] =	ssyncadd.s32 s9;
	_ =	sdelay $0x1  }
0xa5: {  	s23 =	simm.s32 $0x1B8B  }
0xa6: {  	_ =	swait.ge [sflag:s23], $0x1  }
0xa7: {  	[sflag:s23] =	ssyncset.done $0x0  }
0xa8: {  	[sflag:s23] =	ssyncadd.s32 $0xFFFFFFFF  }
0xa9: {  	s9 =	sld [smem:$0x0]  }
0xaa: {  	s10 =	sand.u32 $0xFFFFFFFE, s1  }
0xab: {  	p0 =	sne.s32 s1, s10  }
0xac: {  	s10 =	sshll.u32 @p0 s10, $0xE  }
0xad: {  	s10 =	sadd.s32 @p0 $0x11B8D, s10;
	s11 =	sshll.u32 @p0 s9, $0x11  }
0xae: {  	s10 =	sor.u32 @p0 s11, s10  }
0xaf: {  	[sflag:s10] =	ssyncadd.remote.s32 @p0 $0x1;
	_ =	sdelay $0x1  }
0xb0: {  	s10 =	simm.s32 @p0 $0x1B8D  }
0xb1: {  	_ =	swait.eq @p0 [sflag:s10], $0x1  }
0xb2: {  	[sflag:s10] =	ssyncadd.s32 @p0 $0xFFFFFFFF  }
0xb3: {  	s11 =	sshll.u32 @!p0 s1, $0xE  }
0xb4: {  	s11 =	sor.u32 @!p0 $0x4000, s11;
	s10 =	simm.s32 @!p0 $0x1B8D  }
0xb5: {  	s9 =	sshll.u32 @!p0 s9, $0x11;
	s11 =	sadd.s32 @!p0 $0x11B8D, s11;
	_ =	swait.eq @!p0 [sflag:s10], $0x1  }
0xb6: {  	s9 =	sor.u32 @!p0 s9, s11;
	[sflag:s10] =	ssyncadd.s32 @!p0 $0xFFFFFFFF  }
0xb7: {  	s25 =	simm.s32 $0x1B8E;
	s24 =	sld [smem:$0x3FFE];
	[sflag:s9] =	ssyncadd.remote.s32 @!p0 $0x1  }
0xb8: {  	s26 =	simm.s32 $execute0_lowered;
	[smem:$0x3FD2] =	sst s25  }
0xb9: {  	s10 =	sshll.u32 s26, $0x1;
	_ =	strace $0x80000049;
	[dreg:$0x1] =	wrdreg $0xFFFFFFFF  }
0xba: {  	s28 =	simm.s32 $_size_execute0_lowered;
	s8 =	sadd.s32 s8, s10;
	[dreg:$0x0] =	wrdreg $0x0  }
0xbb: {  	s10 =	sshll.u32 s28, $0x1;
	[dreg:$0x2] =	wrdreg s8  }
0xbc: {  	[dreg:$0x3] =	wrdreg s10  }
0xbd: {  	[dreg:$0x4] =	wrdreg $0xC0  }
0xbe: {  	_ =	task [dreg:s22], $0x5FFFF  }
0xbf: {  	[dreg:$0x1] =	wrdreg $0xFFFFFFFF  }
0xc0: {  	[dreg:$0x0] =	wrdreg $0x60  }
0xc1: {  	[dreg:$0x2] =	wrdreg s18  }
0xc2: {  	[dreg:$0x3] =	wrdreg s4  }
0xc3: {  	[dreg:$0x4] =	wrdreg s5  }
0xc4: {  	[dreg:$0x5] =	wrdreg s6  }
0xc5: {  	[dreg:$0x6] =	wrdreg s7  }
0xc6: {  	[dreg:$0x7] =	wrdreg s24  }
0xc7: {  	[dreg:$0x8] =	wrdreg $0xA  }
0xc8: {  	_ =	task.clear_ibuf [dreg:s22], $0x9FFFF;
	_ =	strace $0x90000049  }
0xc9: {  	s29 =	simm.s32 $0xA;
	_ =	strace $0x8000004B  }
0xca: {  	_ =	swait.ge [sflag:s29], $0x1  }
0xcb: {  	[sflag:s29] =	ssyncadd.s32 $0xFFFFFFFF  }
0xcc: {  	_ =	strace $0x9000004B  }
0xcd: {  	_ =	sfence  }
0xce: {  	s30 =	sld [smem:$0x0];
	_ =	sdelay $0x2  }
0xcf: {  	s31 =	sshll.u32 s1, $0xD;
	s1 =	sshrl.u32 s1, $0x2  }
0xd0: {  	s4 =	sand.u32 $0x4000, s31;
	s1 =	sadd.s32 s1, s30  }
0xd1: {  	s0 =	sor.u32 s4, s0;
	s1 =	sshll.u32 s1, $0x11  }
0xd2: {  	s0 =	sor.u32 s1, s0  }
0xd3: {  	s0 =	sadd.s32 $0x8F2B, s0  }
0xd4: {  	[sflag:s0] =	ssyncadd.remote.s32 $0x1  }
0xd5: {  	_ =	sfence.sel $0xFFFF  }
0xd6: {  	[dreg:$0x0] =	wrdreg $0xFFFFFFFF;
	(pc) =	sbr.abs _section_cstart, $3  }
0xd7: {  	[dreg:$0x1] =	wrdreg $0xFFFFFFFF  }
0xd8: {  	_ =	task.clear_ibuf [dreg:s22], $0x2FFFF;
	_ =	strace $0x9FFFFFFF  }
0xd9: {  	(tm) =	ssettm $0x7FFFFFFF  }
tec
execute0_lowered:
.L_overlay_start_1:
0x0: {  	(tag) =	ssettag $0x1  }
0x1: {  	s0 =	rddreg [dreg:$0x5]  }
0x2: {  	s7 =	simm.s32 $0x0;
	s6 =	stileid.u32;
	s1 =	srdreg.scid  }
0x3: {  	s30 =	simm.s32 $0x80;
	s31 =	simm.s32 $0x400;
	[smem:$0x7FF] =	sst s7  }
0x4: {  	s2 =	sshll.u32 s6, $0x1;
	s3 =	sadd.s32 $0x44400, s0;
	s1 =	sand.u32 $0x1, s1  }
0x5: {  	s24 =	sadd.s32 $0x44800, s0;
	s8 =	sadd.s32 $0x64800, s0;
	s15 =	smul.u32 $0xC3800, s6  }
0x6: {  	s17 =	sadd.s32 $0x65800, s0;
	s18 =	sadd.s32 $0x66800, s0;
	s19 =	sadd.s32 $0x67800, s0  }
0x7: {  	s21 =	sshll.u32 s6, $0xA;
	s22 =	sadd.s32 $0x45800, s0;
	s23 =	sadd.s32 $0x46800, s0  }
0x8: {  	p0 =	sgt.u32 s6, $0x7;
	_ =	strace $0x8000004A;
	[dreg:$0x7] =	wrdreg s3  }
0x9: {  	s2 =	sand.u32 $0xE, s2;
	[dreg:$0x8] =	wrdreg s24;
	s25 =	ssub.s32 $0x2, s1  }
0xa: {  	[dreg:$0x9] =	wrdreg s8;
	s24 =	sadd.s32 $0x47800, s0;
	s0 =	simm.s32 $0xC300  }
0xb: {  	s4 =	sshrl.u32 s2, $0x1;
	s5 =	sshrl.u32 s25, $0x1;
	s1 =	sor.u32 s1, s2  }
0xc: {  	s28 =	sshll.u32 s2, $0x9;
	s16 =	sshll.u32 s2, $0x10;
	s4 =	smul.u32 $0xC3800, s4  }
.Ltmp0:
0xd: {  	s20 =	sadd.s32 $0x61800, s15;
	s2 =	simm.s32 $0x1;
	(pc) =	sbr.rel .LBB2_1-.Ltmp0, $4  }
0xe: {  	s3 =	ssub.s32 s25, s5;
	s12 =	sshll.u32 s1, $0x2;
	[dreg:$0xb] =	wrdreg s28  }
0xf: {  	s1 =	simm.s32 $0x2;
	s29 =	smax.u32 s3, $0x1;
	s14 =	smov.u32 s4  }
0x10: {  	s26 =	sadd.s32 $0x61800, s4;
	[dreg:$0xc] =	wrdreg s29;
	s4 =	simm.s32 $0x0  }
0x11: {  	[dreg:$0xa] =	wrdreg s26;
	s26 =	sshll.u32 s6, $0x11;
	s6 =	simm.s32 $0x18680  }
.LBB2_38:
0x12: {  	_ =	swait.ge [sflag:s2], $0x1000  }
0x13: {  	[sflag:s2] =	ssyncset.done $0x0  }
0x14: {  	[sflag:s2] =	ssyncadd.s32 $0xFFFFF000  }
0x15: {  	_ =	swait.ge [sflag:s2], $0x1000  }
0x16: {  	s4 =	rddreg [dreg:$0xd]  }
0x17: {  	s3 =	rddreg [dreg:$0xc];
	s4 =	sadd.s32 $0x1, s4  }
0x18: {  	p1 =	sne.s32 s4, s3  }
.Ltmp1:
0x19: {  	_ = 	snop;
	(pc) =	sbr.rel @!p1 .LBB2_39-.Ltmp1, $3  }
0x1a: {  	_ =	sdelay $0x1  }
0x1b: {  	[sflag:s2] =	ssyncset.done $0x0  }
0x1c: {  	[sflag:s2] =	ssyncadd.s32 $0xFFFFF000  }
.LBB2_1:
.Ltmp2:
0x1d: {  	(pc) =	sbr.rel @p0 .LBB2_20-.Ltmp2, $2  }
0x1e: {  	_ =	sdelay $0x2  }
0x1f: {  	[dreg:$0xd] =	wrdreg s4;
	s25 =	simm.s32 $0x0  }
0x20: {  	s3 =	rddreg [dreg:$0x0];
	s4 =	simm.s32 $0x18700;
	s29 =	simm.s32 $0x3  }
0x21: {  	[tilespmem:s4], [sflag:$0x3] =	stream.linear.gather [hbm4b:s3+s25], $0x4000, $0x38;
	[tilespmem:$0x1E700] =	vst v63  }
0x22: {  	_ =	swait.ge [sflag:s29], $0x4000  }
0x23: {  	[sflag:s29] =	ssyncset.done $0x0  }
0x24: {  	[sflag:s29] =	ssyncadd.s32 $0xFFFFC000  }
.LBB2_3:
0x25: {  	s3 =	sadd.s32 s12, s25  }
0x26: {  	s3 =	sshll.u32 s3, $0x7  }
0x27: {  	s29 =	sand.u32 $0x380, s3  }
0x28: {  	s3 =	sor.u32 s15, s29  }
0x29: {  	s4 =	rddreg [dreg:$0x2];
	s3 =	sshrl.u32 s3, $0x3  }
0x2a: {  	s10 =	sor.u32 s20, s29;
	s3 =	sadd.s32 s4, s3  }
0x2b: {  	[tilespmem:s7], [sflag:$0x2] =	stream.strided.gather [hbm4b:s3+s30], $0xC300, s31, s30, $0x38;
	[tilespmem:$0x1E700] =	vst v63  }
0x2c: {  	s3 =	sshrl.u32 s10, $0x3  }
0x2d: {  	s11 =	sor.u32 s21, s29;
	s3 =	sadd.s32 s4, s3  }
0x2e: {  	[tilespmem:s0], [sflag:$0x2] =	stream.strided.gather [hbm4b:s3+s30], $0xC380, s31, s30, $0x38;
	[tilespmem:$0x1E700] =	vst v63  }
0x2f: {  	s13 =	rddreg [dreg:$0x4];
	s3 =	sshrl.u32 s11, $0x3  }
0x30: {  	s3 =	sadd.s32 s13, s3  }
0x31: {  	[tilespmem:s6], [sflag:$0x2] =	stream.linear.gather [hbm4b:s3+s7], $0x80, $0x38;
	[tilespmem:$0x1E700] =	vst v63  }
0x32: {  	_ =	swait.ge [sflag:s1], $0xC300  }
0x33: {  	[sflag:s1] =	ssyncset.done $0x0  }
0x34: {  	[sflag:s1] =	ssyncadd.s32 $0xFFFF3D00  }
0x35: {  	_ =	swait.ge [sflag:s1], $0xC380  }
0x36: {  	[sflag:s1] =	ssyncset.done $0x0  }
0x37: {  	[sflag:s1] =	ssyncadd.s32 $0xFFFF3C80  }
0x38: {  	_ =	swait.ge [sflag:s1], $0x80  }
0x39: {  	p1 =	seq.s32 s25, $0x0;
	[sflag:s1] =	ssyncset.done $0x0  }
0x3a: {  	s3 =	simm.s32 @!p1 $0x1;
	[sflag:s1] =	ssyncadd.s32 $0xFFFFFF80  }
0x3b: {  	_ =	swait.ge @!p1 [sflag:s3], $0x1000  }
0x3c: {  	[sflag:s3] =	ssyncset.done @!p1 $0x0  }
0x3d: {  	s10 =	simm.s32 $0x18740;
	[sflag:s3] =	ssyncadd.s32 @!p1 $0xFFFFF000  }
0x3e: {  	v0 =	vld [tilespmem:s10+$0x0];
	_ =	sdelay $0x3  }
0x3f: {  	v1 =	vld [tilespmem:s10+$0xFFFFFFC0];
	_ =	sdelay $0x3  }
0x40: {  	v0 =	vld.idx.msk [tilespmem:v0+s7+$0x0], $0xffff;
	_ =	sdelay $0x3  }
0x41: {  	s28 =	simm.s32 $0x1C740;
	s3 =	simm.s32 $0x187C0;
	v1 =	vld.idx.msk [tilespmem:v1+s7+$0x0], $0xffff  }
0x42: {  	v2 =	vld [tilespmem:s3+$0x0];
	[tilespmem:s28+$0x0] =	vst v0  }
0x43: {  	v0 =	vld [tilespmem:s10+$0x10];
	_ =	sdelay $0x2  }
0x44: {  	[tilespmem:s28+$0xFFFFFFC0] =	vst v1;
	v1 =	vld [tilespmem:s3+$0xFFFFFFC0]  }
0x45: {  	v3 =	vld [tilespmem:s10+$0xFFFFFFD0]  }
0x46: {  	s8 =	simm.s32 $0x18840  }
0x47: {  	v4 =	vld [tilespmem:s8+$0x0]  }
0x48: {  	v2 =	vld.idx.msk [tilespmem:v2+s7+$0x0], $0xffff  }
0x49: {  	v0 =	vld.idx.msk [tilespmem:v0+s7+$0x0], $0xffff;
	_ =	sdelay $0x2  }
0x4a: {  	s5 =	simm.s32 $0x1C840;
	v1 =	vld.idx.msk [tilespmem:v1+s7+$0x0], $0xffff  }
0x4b: {  	[tilespmem:s5+$0x0] =	vst v2;
	v3 =	vld.idx.msk [tilespmem:v3+s7+$0x0], $0xffff  }
0x4c: {  	v2 =	vld [tilespmem:s3+$0x10];
	[tilespmem:s28+$0x10] =	vst v0  }
0x4d: {  	v0 =	vld [tilespmem:s10+$0x20]  }
0x4e: {  	v4 =	vld.idx.msk [tilespmem:v4+s7+$0x0], $0xffff  }
0x4f: {  	[tilespmem:s5+$0xFFFFFFC0] =	vst v1;
	v1 =	vld [tilespmem:s8+$0xFFFFFFC0]  }
0x50: {  	[tilespmem:s28+$0xFFFFFFD0] =	vst v3;
	v3 =	vld [tilespmem:s3+$0xFFFFFFD0]  }
0x51: {  	v5 =	vld [tilespmem:s10+$0xFFFFFFE0]  }
0x52: {  	s9 =	simm.s32 $0x188C0  }
0x53: {  	v6 =	vld [tilespmem:s9+$0x0]  }
0x54: {  	s4 =	simm.s32 $0x1C940;
	v2 =	vld.idx.msk [tilespmem:v2+s7+$0x0], $0xffff  }
0x55: {  	[tilespmem:s4+$0x0] =	vst v4;
	v0 =	vld.idx.msk [tilespmem:v0+s7+$0x0], $0xffff  }
0x56: {  	v4 =	vld [tilespmem:s8+$0x10]  }
0x57: {  	v1 =	vld.idx.msk [tilespmem:v1+s7+$0x0], $0xffff  }
0x58: {  	v3 =	vld.idx.msk [tilespmem:v3+s7+$0x0], $0xffff  }
0x59: {  	[tilespmem:s5+$0x10] =	vst v2;
	v5 =	vld.idx.msk [tilespmem:v5+s7+$0x0], $0xffff  }
0x5a: {  	v2 =	vld [tilespmem:s3+$0x20];
	[tilespmem:s28+$0x20] =	vst v0  }
0x5b: {  	v0 =	vld [tilespmem:s10+$0x30]  }
0x5c: {  	[tilespmem:s4+$0xFFFFFFC0] =	vst v1;
	v1 =	vld [tilespmem:s9+$0xFFFFFFC0]  }
0x5d: {  	[tilespmem:s5+$0xFFFFFFD0] =	vst v3;
	v3 =	vld [tilespmem:s8+$0xFFFFFFD0]  }
0x5e: {  	[tilespmem:s28+$0xFFFFFFE0] =	vst v5;
	v5 =	vld [tilespmem:s3+$0xFFFFFFE0]  }
0x5f: {  	v7 =	vld [tilespmem:s10+$0xFFFFFFF0]  }
0x60: {  	v6 =	vld.idx.msk [tilespmem:v6+s7+$0x0], $0xffff  }
0x61: {  	v9 =	vld.idx.msk [tilespmem:v4+s7+$0x0], $0xffff  }
0x62: {  	v8 =	vld.idx.msk [tilespmem:v2+s7+$0x0], $0xffff  }
0x63: {  	v0 =	vld.idx.msk [tilespmem:v0+s7+$0x0], $0xffff  }
0x64: {  	v10 =	vld.idx.msk [tilespmem:v1+s7+$0x0], $0xffff  }
0x65: {  	v4 =	vld.idx.msk [tilespmem:v3+s7+$0x0], $0xffff  }
0x66: {  	[tilespmem:s4+$0x10] =	vst v9;
	v2 =	vld.idx.msk [tilespmem:v5+s7+$0x0], $0xffff  }
0x67: {  	[tilespmem:s5+$0x20] =	vst v8;
	v1 =	vld.idx.msk [tilespmem:v7+s7+$0x0], $0xffff  }
0x68: {  	s11 =	simm.s32 $0x1CA40;
	[tilespmem:s28+$0x30] =	vst v0;
	v0 =	vld [tilespmem:s3+$0x30]  }
0x69: {  	[tilespmem:s11+$0x0] =	vst v6;
	v3 =	vld [tilespmem:s8+$0x20]  }
0x6a: {  	s13 =	simm.s32 $0x18940;
	s10 =	simm.s32 $0x180;
	v5 =	vld [tilespmem:s9+$0x10];
	[tilespmem:s11+$0xFFFFFFC0] =	vst v10  }
.LBB2_4:
0x6b: {  	v6 =	vld [tilespmem:s13+$0x0];
	s10 =	sadd.s32 $0x80, s10;
	[tilespmem:s4+$0xFFFFFFD0] =	vst v4  }
0x6c: {  	v4 =	vld [tilespmem:s13+$0xFFFFFFC0];
	p2 =	slt.u32 s10, $0xF80;
	[tilespmem:s5+$0xFFFFFFE0] =	vst v2  }
0x6d: {  	v2 =	vld [tilespmem:s9+$0xFFFFFFD0];
	[tilespmem:s28+$0xFFFFFFF0] =	vst v1;
	s28 =	smov.u32 s5;
	s5 =	smov.u32 s4;
	s4 =	smov.u32 s11  }
0x6e: {  	v1 =	vld [tilespmem:s8+$0xFFFFFFE0]  }
0x6f: {  	v7 =	vld [tilespmem:s3+$0xFFFFFFF0];
	s3 =	smov.u32 s8;
	s8 =	smov.u32 s9;
	s9 =	smov.u32 s13  }
0x70: {  	v0 =	vld.idx.msk [tilespmem:v0+s7+$0x0], $0xffff  }
0x71: {  	v3 =	vld.idx.msk [tilespmem:v3+s7+$0x0], $0xffff  }
0x72: {  	v5 =	vld.idx.msk [tilespmem:v5+s7+$0x0], $0xffff  }
0x73: {  	v6 =	vld.idx.msk [tilespmem:v6+s7+$0x0], $0xffff  }
0x74: {  	v8 =	vld.idx.msk [tilespmem:v4+s7+$0x0], $0xffff  }
0x75: {  	v4 =	vld.idx.msk [tilespmem:v2+s7+$0x0], $0xffff  }
.Ltmp3:
0x76: {  	v2 =	vld.idx.msk [tilespmem:v1+s7+$0x0], $0xffff;
	[tilespmem:s28+$0x30] =	vst v0;
	(pc) =	sbr.rel @p2 .LBB2_4-.Ltmp3, $4  }
0x77: {  	[tilespmem:s5+$0x20] =	vst v3;
	v1 =	vld.idx.msk [tilespmem:v7+s7+$0x0], $0xffff  }
0x78: {  	s11 =	sadd.s32 $0x100, s11;
	[tilespmem:s4+$0x10] =	vst v5;
	v0 =	vld [tilespmem:s3+$0x30]  }
0x79: {  	[tilespmem:s11+$0x0] =	vst v6;
	v3 =	vld [tilespmem:s8+$0x20]  }
0x7a: {  	s13 =	sadd.s32 $0x80, s13;
	[tilespmem:s11+$0xFFFFFFC0] =	vst v8;
	v5 =	vld [tilespmem:s9+$0x10]  }
0x7b: {  	_ =	sdelay $0x2  }
0x7c: {  	v6 =	vld [tilespmem:s9+$0xFFFFFFD0];
	_ =	sdelay $0x4  }
0x7d: {  	v5 =	vld.idx.msk [tilespmem:v5+s7+$0x0], $0xffff;
	_ =	sdelay $0x2  }
0x7e: {  	v6 =	vld.idx.msk [tilespmem:v6+s7+$0x0], $0xffff  }
0x7f: {  	[tilespmem:s4+$0xFFFFFFD0] =	vst v4  }
0x80: {  	v4 =	vld [tilespmem:s8+$0xFFFFFFE0];
	[tilespmem:s11+$0x10] =	vst v5  }
0x81: {  	v5 =	vld [tilespmem:s9+$0x20];
	_ =	sdelay $0x1  }
0x82: {  	[tilespmem:s11+$0xFFFFFFD0] =	vst v6  }
0x83: {  	v6 =	vld [tilespmem:s9+$0xFFFFFFE0];
	_ =	sdelay $0x2  }
0x84: {  	v3 =	vld.idx.msk [tilespmem:v3+s7+$0x0], $0xffff  }
0x85: {  	v4 =	vld.idx.msk [tilespmem:v4+s7+$0x0], $0xffff  }
0x86: {  	v5 =	vld.idx.msk [tilespmem:v5+s7+$0x0], $0xffff  }
0x87: {  	[tilespmem:s5+$0xFFFFFFE0] =	vst v2  }
0x88: {  	v2 =	vld [tilespmem:s3+$0xFFFFFFF0]  }
0x89: {  	[tilespmem:s4+$0x20] =	vst v3;
	v6 =	vld.idx.msk [tilespmem:v6+s7+$0x0], $0xffff  }
0x8a: {  	v3 =	vld [tilespmem:s8+$0x30];
	[tilespmem:s4+$0xFFFFFFE0] =	vst v4  }
0x8b: {  	v4 =	vld [tilespmem:s8+$0xFFFFFFF0];
	[tilespmem:s11+$0x20] =	vst v5  }
0x8c: {  	v5 =	vld [tilespmem:s9+$0x30];
	_ =	sdelay $0x1  }
0x8d: {  	[tilespmem:s11+$0xFFFFFFE0] =	vst v6  }
0x8e: {  	v6 =	vld [tilespmem:s9+$0xFFFFFFF0]  }
0x8f: {  	v0 =	vld.idx.msk [tilespmem:v0+s7+$0x0], $0xffff  }
0x90: {  	v2 =	vld.idx.msk [tilespmem:v2+s7+$0x0], $0xffff  }
0x91: {  	v3 =	vld.idx.msk [tilespmem:v3+s7+$0x0], $0xffff  }
0x92: {  	v4 =	vld.idx.msk [tilespmem:v4+s7+$0x0], $0xffff  }
0x93: {  	[tilespmem:s28+$0xFFFFFFF0] =	vst v1;
	v62 =	vld.idx.msk [tilespmem:v5+s7+$0x0], $0xffff  }
0x94: {  	[tilespmem:s5+$0x30] =	vst v0  }
0x95: {  	[tilespmem:s5+$0xFFFFFFF0] =	vst v2  }
0x96: {  	[tilespmem:s4+$0x30] =	vst v3;
	v63 =	vld.idx.msk [tilespmem:v6+s7+$0x0], $0xffff  }
0x97: {  	[tilespmem:s4+$0xFFFFFFF0] =	vst v4  }
0x98: {  	s13 =	sor.u32 s26, s29;
	[tilespmem:s11+$0x30] =	vst v62  }
0x99: {  	s29 =	sshrl.u32 s13, $0x3;
	s28 =	rddreg [dreg:$0x8]  }
0x9a: {  	s5 =	simm.s32 $0x80;
	s3 =	sadd.s32 s28, s29  }
0x9b: {  	s8 =	simm.s32 $0x1C800;
	s4 =	simm.s32 $0x1C700;
	s9 =	sadd.s32 $0x0, s3;
	[tilespmem:s11+$0xFFFFFFF0] =	vst v63  }
.LBB2_6:
0x9c: {  	[hbm4b:s9+s7] =	stream.linear.scatter [tilespmem:s4], [sflag:$0x1], $0x80, $0x38;
	[tilespmem:$0x1E700] =	vst v63  }
0x9d: {  	s9 =	smov.u32 s5;
	s4 =	smov.u32 s8;
	p2 =	sne.s32 s5, $0xF80  }
.Ltmp4:
0x9e: {  	s5 =	sadd.s32 $0x80, s5;
	(pc) =	sbr.rel @p2 .LBB2_6-.Ltmp4, $2  }
0x9f: {  	_ =	sdelay $0x2  }
0xa0: {  	s8 =	sadd.s32 $0x100, s8;
	s9 =	sadd.s32 s9, s3  }
0xa1: {  	[hbm4b:s9+s7] =	stream.linear.scatter [tilespmem:s4], [sflag:$0x1], $0x80, $0x38;
	[tilespmem:$0x1E700] =	vst v63  }
0xa2: {  	s3 =	simm.s32 @!p1 $0x1  }
0xa3: {  	_ =	swait.ge @!p1 [sflag:s3], $0x1000  }
0xa4: {  	[sflag:s3] =	ssyncset.done @!p1 $0x0  }
0xa5: {  	s10 =	simm.s32 $0x19770;
	[sflag:s3] =	ssyncadd.s32 @!p1 $0xFFFFF000  }
0xa6: {  	v0 =	vld [tilespmem:s10+$0xFFFFFFD0];
	_ =	sdelay $0x3  }
0xa7: {  	v1 =	vld [tilespmem:s10+$0xFFFFFF90];
	_ =	sdelay $0x3  }
0xa8: {  	v0 =	vld.idx.msk [tilespmem:v0+s7+$0x0], $0xffff;
	_ =	sdelay $0x3  }
0xa9: {  	s28 =	simm.s32 $0x1C7F0;
	s3 =	simm.s32 $0x197F0;
	v1 =	vld.idx.msk [tilespmem:v1+s7+$0x0], $0xffff  }
0xaa: {  	v2 =	vld [tilespmem:s3+$0xFFFFFFD0];
	[tilespmem:s28+$0xFFFFFFD0] =	vst v0  }
0xab: {  	v0 =	vld [tilespmem:s10+$0xFFFFFFE0];
	_ =	sdelay $0x2  }
0xac: {  	[tilespmem:s28+$0xFFFFFF90] =	vst v1;
	v1 =	vld [tilespmem:s3+$0xFFFFFF90]  }
0xad: {  	v3 =	vld [tilespmem:s10+$0xFFFFFFA0]  }
0xae: {  	s8 =	simm.s32 $0x19870  }
0xaf: {  	v4 =	vld [tilespmem:s8+$0xFFFFFFD0]  }
0xb0: {  	v2 =	vld.idx.msk [tilespmem:v2+s7+$0x0], $0xffff  }
0xb1: {  	v0 =	vld.idx.msk [tilespmem:v0+s7+$0x0], $0xffff;
	_ =	sdelay $0x2  }
0xb2: {  	s5 =	simm.s32 $0x1C8F0;
	v1 =	vld.idx.msk [tilespmem:v1+s7+$0x0], $0xffff  }
0xb3: {  	[tilespmem:s5+$0xFFFFFFD0] =	vst v2;
	v3 =	vld.idx.msk [tilespmem:v3+s7+$0x0], $0xffff  }
0xb4: {  	v2 =	vld [tilespmem:s3+$0xFFFFFFE0];
	[tilespmem:s28+$0xFFFFFFE0] =	vst v0  }
0xb5: {  	v0 =	vld [tilespmem:s10+$0xFFFFFFF0]  }
0xb6: {  	v4 =	vld.idx.msk [tilespmem:v4+s7+$0x0], $0xffff  }
0xb7: {  	[tilespmem:s5+$0xFFFFFF90] =	vst v1;
	v1 =	vld [tilespmem:s8+$0xFFFFFF90]  }
0xb8: {  	[tilespmem:s28+$0xFFFFFFA0] =	vst v3;
	v3 =	vld [tilespmem:s3+$0xFFFFFFA0]  }
0xb9: {  	v5 =	vld [tilespmem:s10+$0xFFFFFFB0]  }
0xba: {  	s9 =	simm.s32 $0x198F0  }
0xbb: {  	v6 =	vld [tilespmem:s9+$0xFFFFFFD0]  }
0xbc: {  	s4 =	simm.s32 $0x1C9F0;
	v2 =	vld.idx.msk [tilespmem:v2+s7+$0x0], $0xffff  }
0xbd: {  	[tilespmem:s4+$0xFFFFFFD0] =	vst v4;
	v0 =	vld.idx.msk [tilespmem:v0+s7+$0x0], $0xffff  }
0xbe: {  	v4 =	vld [tilespmem:s8+$0xFFFFFFE0]  }
0xbf: {  	v1 =	vld.idx.msk [tilespmem:v1+s7+$0x0], $0xffff  }
0xc0: {  	v3 =	vld.idx.msk [tilespmem:v3+s7+$0x0], $0xffff  }
0xc1: {  	[tilespmem:s5+$0xFFFFFFE0] =	vst v2;
	v5 =	vld.idx.msk [tilespmem:v5+s7+$0x0], $0xffff  }
0xc2: {  	v2 =	vld [tilespmem:s3+$0xFFFFFFF0];
	[tilespmem:s28+$0xFFFFFFF0] =	vst v0  }
0xc3: {  	v0 =	vld [tilespmem:s10+$0x0]  }
0xc4: {  	[tilespmem:s4+$0xFFFFFF90] =	vst v1;
	v1 =	vld [tilespmem:s9+$0xFFFFFF90]  }
0xc5: {  	[tilespmem:s5+$0xFFFFFFA0] =	vst v3;
	v3 =	vld [tilespmem:s8+$0xFFFFFFA0]  }
0xc6: {  	[tilespmem:s28+$0xFFFFFFB0] =	vst v5;
	v5 =	vld [tilespmem:s3+$0xFFFFFFB0]  }
0xc7: {  	v7 =	vld [tilespmem:s10+$0xFFFFFFC0]  }
0xc8: {  	v6 =	vld.idx.msk [tilespmem:v6+s7+$0x0], $0xffff  }
0xc9: {  	v9 =	vld.idx.msk [tilespmem:v4+s7+$0x0], $0xffff  }
0xca: {  	v8 =	vld.idx.msk [tilespmem:v2+s7+$0x0], $0xffff  }
0xcb: {  	v0 =	vld.idx.msk [tilespmem:v0+s7+$0x0], $0xffff  }
0xcc: {  	v10 =	vld.idx.msk [tilespmem:v1+s7+$0x0], $0xffff  }
0xcd: {  	v4 =	vld.idx.msk [tilespmem:v3+s7+$0x0], $0xffff  }
0xce: {  	[tilespmem:s4+$0xFFFFFFE0] =	vst v9;
	v2 =	vld.idx.msk [tilespmem:v5+s7+$0x0], $0xffff  }
0xcf: {  	[tilespmem:s5+$0xFFFFFFF0] =	vst v8;
	v1 =	vld.idx.msk [tilespmem:v7+s7+$0x0], $0xffff  }
0xd0: {  	s11 =	simm.s32 $0x1CAF0;
	[tilespmem:s28+$0x0] =	vst v0;
	v0 =	vld [tilespmem:s3+$0x0]  }
0xd1: {  	[tilespmem:s11+$0xFFFFFFD0] =	vst v6;
	v3 =	vld [tilespmem:s8+$0xFFFFFFF0]  }
0xd2: {  	s13 =	simm.s32 $0x19970;
	s10 =	simm.s32 $0x180;
	v5 =	vld [tilespmem:s9+$0xFFFFFFE0];
	[tilespmem:s11+$0xFFFFFF90] =	vst v10  }
.LBB2_8:
0xd3: {  	v6 =	vld [tilespmem:s13+$0xFFFFFFD0];
	s10 =	sadd.s32 $0x80, s10;
	[tilespmem:s4+$0xFFFFFFA0] =	vst v4  }
0xd4: {  	v4 =	vld [tilespmem:s13+$0xFFFFFF90];
	p1 =	slt.u32 s10, $0xF80;
	[tilespmem:s5+$0xFFFFFFB0] =	vst v2  }
0xd5: {  	v2 =	vld [tilespmem:s9+$0xFFFFFFA0];
	[tilespmem:s28+$0xFFFFFFC0] =	vst v1;
	s28 =	smov.u32 s5;
	s5 =	smov.u32 s4;
	s4 =	smov.u32 s11  }
0xd6: {  	v1 =	vld [tilespmem:s8+$0xFFFFFFB0]  }
0xd7: {  	v7 =	vld [tilespmem:s3+$0xFFFFFFC0];
	s3 =	smov.u32 s8;
	s8 =	smov.u32 s9;
	s9 =	smov.u32 s13  }
0xd8: {  	v0 =	vld.idx.msk [tilespmem:v0+s7+$0x0], $0xffff  }
0xd9: {  	v3 =	vld.idx.msk [tilespmem:v3+s7+$0x0], $0xffff  }
0xda: {  	v5 =	vld.idx.msk [tilespmem:v5+s7+$0x0], $0xffff  }
0xdb: {  	v6 =	vld.idx.msk [tilespmem:v6+s7+$0x0], $0xffff  }
0xdc: {  	v8 =	vld.idx.msk [tilespmem:v4+s7+$0x0], $0xffff  }
0xdd: {  	v4 =	vld.idx.msk [tilespmem:v2+s7+$0x0], $0xffff  }
.Ltmp5:
0xde: {  	v2 =	vld.idx.msk [tilespmem:v1+s7+$0x0], $0xffff;
	[tilespmem:s28+$0x0] =	vst v0;
	(pc) =	sbr.rel @p1 .LBB2_8-.Ltmp5, $4  }
0xdf: {  	[tilespmem:s5+$0xFFFFFFF0] =	vst v3;
	v1 =	vld.idx.msk [tilespmem:v7+s7+$0x0], $0xffff  }
0xe0: {  	s11 =	sadd.s32 $0x100, s11;
	[tilespmem:s4+$0xFFFFFFE0] =	vst v5;
	v0 =	vld [tilespmem:s3+$0x0]  }
0xe1: {  	[tilespmem:s11+$0xFFFFFFD0] =	vst v6;
	v3 =	vld [tilespmem:s8+$0xFFFFFFF0]  }
0xe2: {  	s13 =	sadd.s32 $0x80, s13;
	[tilespmem:s11+$0xFFFFFF90] =	vst v8;
	v5 =	vld [tilespmem:s9+$0xFFFFFFE0]  }
0xe3: {  	_ = 	snop  }
0xe4: {  	v6 =	vld [tilespmem:s9+$0xFFFFFFA0];
	_ =	sdelay $0x6  }
0xe5: {  	v5 =	vld.idx.msk [tilespmem:v5+s7+$0x0], $0xffff  }
0xe6: {  	v6 =	vld.idx.msk [tilespmem:v6+s7+$0x0], $0xffff;
	_ =	sdelay $0x2  }
0xe7: {  	[tilespmem:s4+$0xFFFFFFA0] =	vst v4  }
0xe8: {  	v4 =	vld [tilespmem:s8+$0xFFFFFFB0];
	[tilespmem:s11+$0xFFFFFFE0] =	vst v5  }
0xe9: {  	v5 =	vld [tilespmem:s9+$0xFFFFFFF0];
	[tilespmem:s11+$0xFFFFFFA0] =	vst v6  }
0xea: {  	v6 =	vld [tilespmem:s9+$0xFFFFFFB0];
	_ =	sdelay $0x4  }
0xeb: {  	v3 =	vld.idx.msk [tilespmem:v3+s7+$0x0], $0xffff  }
0xec: {  	v4 =	vld.idx.msk [tilespmem:v4+s7+$0x0], $0xffff  }
0xed: {  	v5 =	vld.idx.msk [tilespmem:v5+s7+$0x0], $0xffff  }
0xee: {  	v6 =	vld.idx.msk [tilespmem:v6+s7+$0x0], $0xffff  }
0xef: {  	[tilespmem:s5+$0xFFFFFFB0] =	vst v2  }
0xf0: {  	v2 =	vld [tilespmem:s3+$0xFFFFFFC0];
	[tilespmem:s4+$0xFFFFFFF0] =	vst v3  }
0xf1: {  	v3 =	vld [tilespmem:s8+$0x0];
	[tilespmem:s4+$0xFFFFFFB0] =	vst v4  }
0xf2: {  	v4 =	vld [tilespmem:s8+$0xFFFFFFC0];
	[tilespmem:s11+$0xFFFFFFF0] =	vst v5  }
0xf3: {  	v5 =	vld [tilespmem:s9+$0x0];
	[tilespmem:s11+$0xFFFFFFB0] =	vst v6  }
0xf4: {  	v6 =	vld [tilespmem:s9+$0xFFFFFFC0];
	_ =	sdelay $0x2  }
0xf5: {  	v0 =	vld.idx.msk [tilespmem:v0+s7+$0x0], $0xffff  }
0xf6: {  	v2 =	vld.idx.msk [tilespmem:v2+s7+$0x0], $0xffff  }
0xf7: {  	v3 =	vld.idx.msk [tilespmem:v3+s7+$0x0], $0xffff  }
0xf8: {  	v4 =	vld.idx.msk [tilespmem:v4+s7+$0x0], $0xffff  }
0xf9: {  	[tilespmem:s28+$0xFFFFFFC0] =	vst v1;
	v62 =	vld.idx.msk [tilespmem:v5+s7+$0x0], $0xffff  }
0xfa: {  	[tilespmem:s5+$0x0] =	vst v0;
	v63 =	vld.idx.msk [tilespmem:v6+s7+$0x0], $0xffff  }
0xfb: {  	[tilespmem:s5+$0xFFFFFFC0] =	vst v2  }
0xfc: {  	[tilespmem:s4+$0x0] =	vst v3  }
0xfd: {  	[tilespmem:s4+$0xFFFFFFC0] =	vst v4  }
0xfe: {  	s3 =	sadd.s32 s29, s22;
	s5 =	simm.s32 $0x80;
	[tilespmem:s11+$0x0] =	vst v62  }
0xff: {  	s8 =	simm.s32 $0x1C880;
	s4 =	simm.s32 $0x1C780;
	s9 =	sadd.s32 $0x0, s3;
	[tilespmem:s11+$0xFFFFFFC0] =	vst v63  }
.LBB2_10:
0x100: {  	[hbm4b:s9+s7] =	stream.linear.scatter [tilespmem:s4], [sflag:$0x1], $0x80, $0x38;
	[tilespmem:$0x1E700] =	vst v63  }
0x101: {  	s9 =	smov.u32 s5;
	s4 =	smov.u32 s8;
	p1 =	sne.s32 s5, $0xF80  }
.Ltmp6:
0x102: {  	s5 =	sadd.s32 $0x80, s5;
	(pc) =	sbr.rel @p1 .LBB2_10-.Ltmp6, $2  }
0x103: {  	_ =	sdelay $0x2  }
0x104: {  	s8 =	sadd.s32 $0x100, s8;
	s9 =	sadd.s32 s9, s3  }
0x105: {  	[hbm4b:s9+s7] =	stream.linear.scatter [tilespmem:s4], [sflag:$0x1], $0x80, $0x38;
	[tilespmem:$0x1E700] =	vst v63  }
0x106: {  	_ =	swait.ge [sflag:s2], $0x1000  }
0x107: {  	[sflag:s2] =	ssyncset.done $0x0  }
0x108: {  	s10 =	simm.s32 $0x1A770;
	[sflag:s2] =	ssyncadd.s32 $0xFFFFF000  }
0x109: {  	v0 =	vld [tilespmem:s10+$0xFFFFFFD0];
	_ =	sdelay $0x3  }
0x10a: {  	v1 =	vld [tilespmem:s10+$0xFFFFFF90];
	_ =	sdelay $0x3  }
0x10b: {  	v0 =	vld.idx.msk [tilespmem:v0+s7+$0x0], $0xffff;
	_ =	sdelay $0x3  }
0x10c: {  	s28 =	simm.s32 $0x1C740;
	s3 =	simm.s32 $0x1A7F0;
	v1 =	vld.idx.msk [tilespmem:v1+s7+$0x0], $0xffff  }
0x10d: {  	v2 =	vld [tilespmem:s3+$0xFFFFFFD0];
	[tilespmem:s28+$0x0] =	vst v0  }
0x10e: {  	v0 =	vld [tilespmem:s10+$0xFFFFFFE0];
	_ =	sdelay $0x2  }
0x10f: {  	[tilespmem:s28+$0xFFFFFFC0] =	vst v1;
	v1 =	vld [tilespmem:s3+$0xFFFFFF90]  }
0x110: {  	v3 =	vld [tilespmem:s10+$0xFFFFFFA0]  }
0x111: {  	s8 =	simm.s32 $0x1A870  }
0x112: {  	v4 =	vld [tilespmem:s8+$0xFFFFFFD0]  }
0x113: {  	v2 =	vld.idx.msk [tilespmem:v2+s7+$0x0], $0xffff  }
0x114: {  	v0 =	vld.idx.msk [tilespmem:v0+s7+$0x0], $0xffff;
	_ =	sdelay $0x2  }
0x115: {  	s5 =	simm.s32 $0x1C840;
	v1 =	vld.idx.msk [tilespmem:v1+s7+$0x0], $0xffff  }
0x116: {  	[tilespmem:s5+$0x0] =	vst v2;
	v3 =	vld.idx.msk [tilespmem:v3+s7+$0x0], $0xffff  }
0x117: {  	v2 =	vld [tilespmem:s3+$0xFFFFFFE0];
	[tilespmem:s28+$0x10] =	vst v0  }
0x118: {  	v0 =	vld [tilespmem:s10+$0xFFFFFFF0]  }
0x119: {  	v4 =	vld.idx.msk [tilespmem:v4+s7+$0x0], $0xffff  }
0x11a: {  	[tilespmem:s5+$0xFFFFFFC0] =	vst v1;
	v1 =	vld [tilespmem:s8+$0xFFFFFF90]  }
0x11b: {  	[tilespmem:s28+$0xFFFFFFD0] =	vst v3;
	v3 =	vld [tilespmem:s3+$0xFFFFFFA0]  }
0x11c: {  	v5 =	vld [tilespmem:s10+$0xFFFFFFB0]  }
0x11d: {  	s9 =	simm.s32 $0x1A8F0  }
0x11e: {  	v6 =	vld [tilespmem:s9+$0xFFFFFFD0]  }
0x11f: {  	s4 =	simm.s32 $0x1C940;
	v2 =	vld.idx.msk [tilespmem:v2+s7+$0x0], $0xffff  }
0x120: {  	[tilespmem:s4+$0x0] =	vst v4;
	v0 =	vld.idx.msk [tilespmem:v0+s7+$0x0], $0xffff  }
0x121: {  	v4 =	vld [tilespmem:s8+$0xFFFFFFE0]  }
0x122: {  	v1 =	vld.idx.msk [tilespmem:v1+s7+$0x0], $0xffff  }
0x123: {  	v3 =	vld.idx.msk [tilespmem:v3+s7+$0x0], $0xffff  }
0x124: {  	[tilespmem:s5+$0x10] =	vst v2;
	v5 =	vld.idx.msk [tilespmem:v5+s7+$0x0], $0xffff  }
0x125: {  	v2 =	vld [tilespmem:s3+$0xFFFFFFF0];
	[tilespmem:s28+$0x20] =	vst v0  }
0x126: {  	v0 =	vld [tilespmem:s10+$0x0]  }
0x127: {  	[tilespmem:s4+$0xFFFFFFC0] =	vst v1;
	v1 =	vld [tilespmem:s9+$0xFFFFFF90]  }
0x128: {  	[tilespmem:s5+$0xFFFFFFD0] =	vst v3;
	v3 =	vld [tilespmem:s8+$0xFFFFFFA0]  }
0x129: {  	[tilespmem:s28+$0xFFFFFFE0] =	vst v5;
	v5 =	vld [tilespmem:s3+$0xFFFFFFB0]  }
0x12a: {  	v7 =	vld [tilespmem:s10+$0xFFFFFFC0]  }
0x12b: {  	v6 =	vld.idx.msk [tilespmem:v6+s7+$0x0], $0xffff  }
0x12c: {  	v9 =	vld.idx.msk [tilespmem:v4+s7+$0x0], $0xffff  }
0x12d: {  	v8 =	vld.idx.msk [tilespmem:v2+s7+$0x0], $0xffff  }
0x12e: {  	v0 =	vld.idx.msk [tilespmem:v0+s7+$0x0], $0xffff  }
0x12f: {  	v10 =	vld.idx.msk [tilespmem:v1+s7+$0x0], $0xffff  }
0x130: {  	v4 =	vld.idx.msk [tilespmem:v3+s7+$0x0], $0xffff  }
0x131: {  	[tilespmem:s4+$0x10] =	vst v9;
	v2 =	vld.idx.msk [tilespmem:v5+s7+$0x0], $0xffff  }
0x132: {  	[tilespmem:s5+$0x20] =	vst v8;
	v1 =	vld.idx.msk [tilespmem:v7+s7+$0x0], $0xffff  }
0x133: {  	s11 =	simm.s32 $0x1CA40;
	[tilespmem:s28+$0x30] =	vst v0;
	v0 =	vld [tilespmem:s3+$0x0]  }
0x134: {  	[tilespmem:s11+$0x0] =	vst v6;
	v3 =	vld [tilespmem:s8+$0xFFFFFFF0]  }
0x135: {  	s13 =	simm.s32 $0x1A970;
	s10 =	simm.s32 $0x180;
	v5 =	vld [tilespmem:s9+$0xFFFFFFE0];
	[tilespmem:s11+$0xFFFFFFC0] =	vst v10  }
.LBB2_12:
0x136: {  	v6 =	vld [tilespmem:s13+$0xFFFFFFD0];
	s10 =	sadd.s32 $0x80, s10;
	[tilespmem:s4+$0xFFFFFFD0] =	vst v4  }
0x137: {  	v4 =	vld [tilespmem:s13+$0xFFFFFF90];
	p1 =	slt.u32 s10, $0xF80;
	[tilespmem:s5+$0xFFFFFFE0] =	vst v2  }
0x138: {  	v2 =	vld [tilespmem:s9+$0xFFFFFFA0];
	[tilespmem:s28+$0xFFFFFFF0] =	vst v1;
	s28 =	smov.u32 s5;
	s5 =	smov.u32 s4;
	s4 =	smov.u32 s11  }
0x139: {  	v1 =	vld [tilespmem:s8+$0xFFFFFFB0]  }
0x13a: {  	v7 =	vld [tilespmem:s3+$0xFFFFFFC0];
	s3 =	smov.u32 s8;
	s8 =	smov.u32 s9;
	s9 =	smov.u32 s13  }
0x13b: {  	v0 =	vld.idx.msk [tilespmem:v0+s7+$0x0], $0xffff  }
0x13c: {  	v3 =	vld.idx.msk [tilespmem:v3+s7+$0x0], $0xffff  }
0x13d: {  	v5 =	vld.idx.msk [tilespmem:v5+s7+$0x0], $0xffff  }
0x13e: {  	v6 =	vld.idx.msk [tilespmem:v6+s7+$0x0], $0xffff  }
0x13f: {  	v8 =	vld.idx.msk [tilespmem:v4+s7+$0x0], $0xffff  }
0x140: {  	v4 =	vld.idx.msk [tilespmem:v2+s7+$0x0], $0xffff  }
.Ltmp7:
0x141: {  	v2 =	vld.idx.msk [tilespmem:v1+s7+$0x0], $0xffff;
	[tilespmem:s28+$0x30] =	vst v0;
	(pc) =	sbr.rel @p1 .LBB2_12-.Ltmp7, $4  }
0x142: {  	[tilespmem:s5+$0x20] =	vst v3;
	v1 =	vld.idx.msk [tilespmem:v7+s7+$0x0], $0xffff  }
0x143: {  	s11 =	sadd.s32 $0x100, s11;
	[tilespmem:s4+$0x10] =	vst v5;
	v0 =	vld [tilespmem:s3+$0x0]  }
0x144: {  	[tilespmem:s11+$0x0] =	vst v6;
	v3 =	vld [tilespmem:s8+$0xFFFFFFF0]  }
0x145: {  	s13 =	sadd.s32 $0x80, s13;
	[tilespmem:s11+$0xFFFFFFC0] =	vst v8;
	v5 =	vld [tilespmem:s9+$0xFFFFFFE0]  }
0x146: {  	_ = 	snop  }
0x147: {  	v6 =	vld [tilespmem:s9+$0xFFFFFFA0];
	_ =	sdelay $0x6  }
0x148: {  	v5 =	vld.idx.msk [tilespmem:v5+s7+$0x0], $0xffff  }
0x149: {  	v6 =	vld.idx.msk [tilespmem:v6+s7+$0x0], $0xffff;
	_ =	sdelay $0x2  }
0x14a: {  	[tilespmem:s4+$0xFFFFFFD0] =	vst v4  }
0x14b: {  	v4 =	vld [tilespmem:s8+$0xFFFFFFB0];
	[tilespmem:s11+$0x10] =	vst v5  }
0x14c: {  	v5 =	vld [tilespmem:s9+$0xFFFFFFF0];
	[tilespmem:s11+$0xFFFFFFD0] =	vst v6  }
0x14d: {  	v6 =	vld [tilespmem:s9+$0xFFFFFFB0];
	_ =	sdelay $0x4  }
0x14e: {  	v3 =	vld.idx.msk [tilespmem:v3+s7+$0x0], $0xffff  }
0x14f: {  	v4 =	vld.idx.msk [tilespmem:v4+s7+$0x0], $0xffff  }
0x150: {  	v5 =	vld.idx.msk [tilespmem:v5+s7+$0x0], $0xffff  }
0x151: {  	v6 =	vld.idx.msk [tilespmem:v6+s7+$0x0], $0xffff  }
0x152: {  	[tilespmem:s5+$0xFFFFFFE0] =	vst v2  }
0x153: {  	v2 =	vld [tilespmem:s3+$0xFFFFFFC0];
	[tilespmem:s4+$0x20] =	vst v3  }
0x154: {  	v3 =	vld [tilespmem:s8+$0x0];
	[tilespmem:s4+$0xFFFFFFE0] =	vst v4  }
0x155: {  	v4 =	vld [tilespmem:s8+$0xFFFFFFC0];
	[tilespmem:s11+$0x20] =	vst v5  }
0x156: {  	v5 =	vld [tilespmem:s9+$0x0];
	[tilespmem:s11+$0xFFFFFFE0] =	vst v6  }
0x157: {  	v6 =	vld [tilespmem:s9+$0xFFFFFFC0];
	_ =	sdelay $0x2  }
0x158: {  	v0 =	vld.idx.msk [tilespmem:v0+s7+$0x0], $0xffff  }
0x159: {  	v2 =	vld.idx.msk [tilespmem:v2+s7+$0x0], $0xffff  }
0x15a: {  	v3 =	vld.idx.msk [tilespmem:v3+s7+$0x0], $0xffff  }
0x15b: {  	v4 =	vld.idx.msk [tilespmem:v4+s7+$0x0], $0xffff  }
0x15c: {  	[tilespmem:s28+$0xFFFFFFF0] =	vst v1;
	v62 =	vld.idx.msk [tilespmem:v5+s7+$0x0], $0xffff  }
0x15d: {  	[tilespmem:s5+$0x30] =	vst v0;
	v63 =	vld.idx.msk [tilespmem:v6+s7+$0x0], $0xffff  }
0x15e: {  	[tilespmem:s5+$0xFFFFFFF0] =	vst v2  }
0x15f: {  	[tilespmem:s4+$0x30] =	vst v3  }
0x160: {  	[tilespmem:s4+$0xFFFFFFF0] =	vst v4  }
0x161: {  	s3 =	sadd.s32 s29, s23;
	s5 =	simm.s32 $0x80;
	[tilespmem:s11+$0x30] =	vst v62  }
0x162: {  	s8 =	simm.s32 $0x1C800;
	s4 =	simm.s32 $0x1C700;
	s9 =	sadd.s32 $0x0, s3;
	[tilespmem:s11+$0xFFFFFFF0] =	vst v63  }
.LBB2_14:
0x163: {  	[hbm4b:s9+s7] =	stream.linear.scatter [tilespmem:s4], [sflag:$0x1], $0x80, $0x38;
	[tilespmem:$0x1E700] =	vst v63  }
0x164: {  	s9 =	smov.u32 s5;
	s4 =	smov.u32 s8;
	p1 =	sne.s32 s5, $0xF80  }
.Ltmp8:
0x165: {  	s5 =	sadd.s32 $0x80, s5;
	(pc) =	sbr.rel @p1 .LBB2_14-.Ltmp8, $2  }
0x166: {  	_ =	sdelay $0x2  }
0x167: {  	s8 =	sadd.s32 $0x100, s8;
	s9 =	sadd.s32 s9, s3  }
0x168: {  	[hbm4b:s9+s7] =	stream.linear.scatter [tilespmem:s4], [sflag:$0x1], $0x80, $0x38;
	[tilespmem:$0x1E700] =	vst v63  }
0x169: {  	_ =	swait.ge [sflag:s2], $0x1000  }
0x16a: {  	[sflag:s2] =	ssyncset.done $0x0  }
0x16b: {  	s10 =	simm.s32 $0x1B770;
	[sflag:s2] =	ssyncadd.s32 $0xFFFFF000  }
0x16c: {  	v0 =	vld [tilespmem:s10+$0xFFFFFFD0];
	_ =	sdelay $0x3  }
0x16d: {  	v1 =	vld [tilespmem:s10+$0xFFFFFF90];
	_ =	sdelay $0x3  }
0x16e: {  	v0 =	vld.idx.msk [tilespmem:v0+s7+$0x0], $0xffff;
	_ =	sdelay $0x3  }
0x16f: {  	s28 =	simm.s32 $0x1C7F0;
	s3 =	simm.s32 $0x1B7F0;
	v1 =	vld.idx.msk [tilespmem:v1+s7+$0x0], $0xffff  }
0x170: {  	v2 =	vld [tilespmem:s3+$0xFFFFFFD0];
	[tilespmem:s28+$0xFFFFFFD0] =	vst v0  }
0x171: {  	v0 =	vld [tilespmem:s10+$0xFFFFFFE0];
	_ =	sdelay $0x2  }
0x172: {  	[tilespmem:s28+$0xFFFFFF90] =	vst v1;
	v1 =	vld [tilespmem:s3+$0xFFFFFF90]  }
0x173: {  	v3 =	vld [tilespmem:s10+$0xFFFFFFA0]  }
0x174: {  	s8 =	simm.s32 $0x1B870  }
0x175: {  	v4 =	vld [tilespmem:s8+$0xFFFFFFD0]  }
0x176: {  	v2 =	vld.idx.msk [tilespmem:v2+s7+$0x0], $0xffff  }
0x177: {  	v0 =	vld.idx.msk [tilespmem:v0+s7+$0x0], $0xffff;
	_ =	sdelay $0x2  }
0x178: {  	s5 =	simm.s32 $0x1C8F0;
	v1 =	vld.idx.msk [tilespmem:v1+s7+$0x0], $0xffff  }
0x179: {  	[tilespmem:s5+$0xFFFFFFD0] =	vst v2;
	v3 =	vld.idx.msk [tilespmem:v3+s7+$0x0], $0xffff  }
0x17a: {  	v2 =	vld [tilespmem:s3+$0xFFFFFFE0];
	[tilespmem:s28+$0xFFFFFFE0] =	vst v0  }
0x17b: {  	v0 =	vld [tilespmem:s10+$0xFFFFFFF0]  }
0x17c: {  	v4 =	vld.idx.msk [tilespmem:v4+s7+$0x0], $0xffff  }
0x17d: {  	[tilespmem:s5+$0xFFFFFF90] =	vst v1;
	v1 =	vld [tilespmem:s8+$0xFFFFFF90]  }
0x17e: {  	[tilespmem:s28+$0xFFFFFFA0] =	vst v3;
	v3 =	vld [tilespmem:s3+$0xFFFFFFA0]  }
0x17f: {  	v5 =	vld [tilespmem:s10+$0xFFFFFFB0]  }
0x180: {  	s9 =	simm.s32 $0x1B8F0  }
0x181: {  	v6 =	vld [tilespmem:s9+$0xFFFFFFD0]  }
0x182: {  	s4 =	simm.s32 $0x1C9F0;
	v2 =	vld.idx.msk [tilespmem:v2+s7+$0x0], $0xffff  }
0x183: {  	[tilespmem:s4+$0xFFFFFFD0] =	vst v4;
	v0 =	vld.idx.msk [tilespmem:v0+s7+$0x0], $0xffff  }
0x184: {  	v4 =	vld [tilespmem:s8+$0xFFFFFFE0]  }
0x185: {  	v1 =	vld.idx.msk [tilespmem:v1+s7+$0x0], $0xffff  }
0x186: {  	v3 =	vld.idx.msk [tilespmem:v3+s7+$0x0], $0xffff  }
0x187: {  	[tilespmem:s5+$0xFFFFFFE0] =	vst v2;
	v5 =	vld.idx.msk [tilespmem:v5+s7+$0x0], $0xffff  }
0x188: {  	v2 =	vld [tilespmem:s3+$0xFFFFFFF0];
	[tilespmem:s28+$0xFFFFFFF0] =	vst v0  }
0x189: {  	v0 =	vld [tilespmem:s10+$0x0]  }
0x18a: {  	[tilespmem:s4+$0xFFFFFF90] =	vst v1;
	v1 =	vld [tilespmem:s9+$0xFFFFFF90]  }
0x18b: {  	[tilespmem:s5+$0xFFFFFFA0] =	vst v3;
	v3 =	vld [tilespmem:s8+$0xFFFFFFA0]  }
0x18c: {  	[tilespmem:s28+$0xFFFFFFB0] =	vst v5;
	v5 =	vld [tilespmem:s3+$0xFFFFFFB0]  }
0x18d: {  	v7 =	vld [tilespmem:s10+$0xFFFFFFC0]  }
0x18e: {  	v6 =	vld.idx.msk [tilespmem:v6+s7+$0x0], $0xffff  }
0x18f: {  	v9 =	vld.idx.msk [tilespmem:v4+s7+$0x0], $0xffff  }
0x190: {  	v8 =	vld.idx.msk [tilespmem:v2+s7+$0x0], $0xffff  }
0x191: {  	v0 =	vld.idx.msk [tilespmem:v0+s7+$0x0], $0xffff  }
0x192: {  	v10 =	vld.idx.msk [tilespmem:v1+s7+$0x0], $0xffff  }
0x193: {  	v4 =	vld.idx.msk [tilespmem:v3+s7+$0x0], $0xffff  }
0x194: {  	[tilespmem:s4+$0xFFFFFFE0] =	vst v9;
	v2 =	vld.idx.msk [tilespmem:v5+s7+$0x0], $0xffff  }
0x195: {  	[tilespmem:s5+$0xFFFFFFF0] =	vst v8;
	v1 =	vld.idx.msk [tilespmem:v7+s7+$0x0], $0xffff  }
0x196: {  	s11 =	simm.s32 $0x1CAF0;
	[tilespmem:s28+$0x0] =	vst v0;
	v0 =	vld [tilespmem:s3+$0x0]  }
0x197: {  	[tilespmem:s11+$0xFFFFFFD0] =	vst v6;
	v3 =	vld [tilespmem:s8+$0xFFFFFFF0]  }
0x198: {  	s13 =	simm.s32 $0x1B970;
	s10 =	simm.s32 $0x180;
	v5 =	vld [tilespmem:s9+$0xFFFFFFE0];
	[tilespmem:s11+$0xFFFFFF90] =	vst v10  }
.LBB2_16:
0x199: {  	v6 =	vld [tilespmem:s13+$0xFFFFFFD0];
	s10 =	sadd.s32 $0x80, s10;
	[tilespmem:s4+$0xFFFFFFA0] =	vst v4  }
0x19a: {  	v4 =	vld [tilespmem:s13+$0xFFFFFF90];
	p1 =	slt.u32 s10, $0xF80;
	[tilespmem:s5+$0xFFFFFFB0] =	vst v2  }
0x19b: {  	v2 =	vld [tilespmem:s9+$0xFFFFFFA0];
	[tilespmem:s28+$0xFFFFFFC0] =	vst v1;
	s28 =	smov.u32 s5;
	s5 =	smov.u32 s4;
	s4 =	smov.u32 s11  }
0x19c: {  	v1 =	vld [tilespmem:s8+$0xFFFFFFB0]  }
0x19d: {  	v7 =	vld [tilespmem:s3+$0xFFFFFFC0];
	s3 =	smov.u32 s8;
	s8 =	smov.u32 s9;
	s9 =	smov.u32 s13  }
0x19e: {  	v0 =	vld.idx.msk [tilespmem:v0+s7+$0x0], $0xffff  }
0x19f: {  	v3 =	vld.idx.msk [tilespmem:v3+s7+$0x0], $0xffff  }
0x1a0: {  	v5 =	vld.idx.msk [tilespmem:v5+s7+$0x0], $0xffff  }
0x1a1: {  	v6 =	vld.idx.msk [tilespmem:v6+s7+$0x0], $0xffff  }
0x1a2: {  	v8 =	vld.idx.msk [tilespmem:v4+s7+$0x0], $0xffff  }
0x1a3: {  	v4 =	vld.idx.msk [tilespmem:v2+s7+$0x0], $0xffff  }
.Ltmp9:
0x1a4: {  	v2 =	vld.idx.msk [tilespmem:v1+s7+$0x0], $0xffff;
	[tilespmem:s28+$0x0] =	vst v0;
	(pc) =	sbr.rel @p1 .LBB2_16-.Ltmp9, $4  }
0x1a5: {  	[tilespmem:s5+$0xFFFFFFF0] =	vst v3;
	v1 =	vld.idx.msk [tilespmem:v7+s7+$0x0], $0xffff  }
0x1a6: {  	s11 =	sadd.s32 $0x100, s11;
	[tilespmem:s4+$0xFFFFFFE0] =	vst v5;
	v0 =	vld [tilespmem:s3+$0x0]  }
0x1a7: {  	[tilespmem:s11+$0xFFFFFFD0] =	vst v6;
	v3 =	vld [tilespmem:s8+$0xFFFFFFF0]  }
0x1a8: {  	s13 =	sadd.s32 $0x80, s13;
	[tilespmem:s11+$0xFFFFFF90] =	vst v8;
	v5 =	vld [tilespmem:s9+$0xFFFFFFE0]  }
0x1a9: {  	_ = 	snop  }
0x1aa: {  	v6 =	vld [tilespmem:s9+$0xFFFFFFA0];
	_ =	sdelay $0x6  }
0x1ab: {  	v5 =	vld.idx.msk [tilespmem:v5+s7+$0x0], $0xffff  }
0x1ac: {  	v6 =	vld.idx.msk [tilespmem:v6+s7+$0x0], $0xffff;
	_ =	sdelay $0x2  }
0x1ad: {  	[tilespmem:s4+$0xFFFFFFA0] =	vst v4  }
0x1ae: {  	v4 =	vld [tilespmem:s8+$0xFFFFFFB0];
	[tilespmem:s11+$0xFFFFFFE0] =	vst v5  }
0x1af: {  	v5 =	vld [tilespmem:s9+$0xFFFFFFF0];
	[tilespmem:s11+$0xFFFFFFA0] =	vst v6  }
0x1b0: {  	v6 =	vld [tilespmem:s9+$0xFFFFFFB0];
	_ =	sdelay $0x4  }
0x1b1: {  	v3 =	vld.idx.msk [tilespmem:v3+s7+$0x0], $0xffff  }
0x1b2: {  	v4 =	vld.idx.msk [tilespmem:v4+s7+$0x0], $0xffff  }
0x1b3: {  	v5 =	vld.idx.msk [tilespmem:v5+s7+$0x0], $0xffff  }
0x1b4: {  	v6 =	vld.idx.msk [tilespmem:v6+s7+$0x0], $0xffff  }
0x1b5: {  	[tilespmem:s5+$0xFFFFFFB0] =	vst v2  }
0x1b6: {  	v2 =	vld [tilespmem:s3+$0xFFFFFFC0];
	[tilespmem:s4+$0xFFFFFFF0] =	vst v3  }
0x1b7: {  	v3 =	vld [tilespmem:s8+$0x0];
	[tilespmem:s4+$0xFFFFFFB0] =	vst v4  }
0x1b8: {  	v4 =	vld [tilespmem:s8+$0xFFFFFFC0];
	[tilespmem:s11+$0xFFFFFFF0] =	vst v5  }
0x1b9: {  	v5 =	vld [tilespmem:s9+$0x0];
	[tilespmem:s11+$0xFFFFFFB0] =	vst v6  }
0x1ba: {  	v6 =	vld [tilespmem:s9+$0xFFFFFFC0];
	_ =	sdelay $0x2  }
0x1bb: {  	v0 =	vld.idx.msk [tilespmem:v0+s7+$0x0], $0xffff  }
0x1bc: {  	v2 =	vld.idx.msk [tilespmem:v2+s7+$0x0], $0xffff  }
0x1bd: {  	v3 =	vld.idx.msk [tilespmem:v3+s7+$0x0], $0xffff  }
0x1be: {  	v4 =	vld.idx.msk [tilespmem:v4+s7+$0x0], $0xffff  }
0x1bf: {  	[tilespmem:s28+$0xFFFFFFC0] =	vst v1;
	v62 =	vld.idx.msk [tilespmem:v5+s7+$0x0], $0xffff  }
0x1c0: {  	[tilespmem:s5+$0x0] =	vst v0;
	v63 =	vld.idx.msk [tilespmem:v6+s7+$0x0], $0xffff  }
0x1c1: {  	[tilespmem:s5+$0xFFFFFFC0] =	vst v2  }
0x1c2: {  	[tilespmem:s4+$0x0] =	vst v3  }
0x1c3: {  	[tilespmem:s4+$0xFFFFFFC0] =	vst v4  }
0x1c4: {  	s3 =	sadd.s32 s29, s24;
	s5 =	simm.s32 $0x80;
	[tilespmem:s11+$0x0] =	vst v62  }
0x1c5: {  	s8 =	simm.s32 $0x1C880;
	s4 =	simm.s32 $0x1C780;
	s9 =	sadd.s32 $0x0, s3;
	[tilespmem:s11+$0xFFFFFFC0] =	vst v63  }
.LBB2_18:
0x1c6: {  	[hbm4b:s9+s7] =	stream.linear.scatter [tilespmem:s4], [sflag:$0x1], $0x80, $0x38;
	[tilespmem:$0x1E700] =	vst v63  }
0x1c7: {  	s9 =	smov.u32 s5;
	s4 =	smov.u32 s8;
	p1 =	sne.s32 s5, $0xF80  }
.Ltmp10:
0x1c8: {  	s5 =	sadd.s32 $0x80, s5;
	(pc) =	sbr.rel @p1 .LBB2_18-.Ltmp10, $2  }
0x1c9: {  	_ =	sdelay $0x2  }
0x1ca: {  	s8 =	sadd.s32 $0x100, s8;
	s9 =	sadd.s32 s9, s3  }
0x1cb: {  	s25 =	sadd.s32 $0x1, s25  }
0x1cc: {  	p1 =	seq.s32 s25, $0x4  }
.Ltmp11:
0x1cd: {  	_ = 	snop;
	(pc) =	sbr.rel @!p1 .LBB2_3-.Ltmp11, $4  }
.Ltmp12:
0x1ce: {  	_ = 	snop;
	(pc) =	sbr.rel @p1 .LBB2_38-.Ltmp12, $4  }
0x1cf: {  	_ = 	snop  }
0x1d0: {  	_ = 	snop  }
0x1d1: {  	[hbm4b:s9+s7] =	stream.linear.scatter [tilespmem:s4], [sflag:$0x1], $0x80, $0x38;
	[tilespmem:$0x1E700] =	vst v63  }
0x1d2: {  	_ = 	snop  }
.LBB2_20:
0x1d3: {  	s3 =	rddreg [dreg:$0x1];
	s4 =	simm.s32 $0x18700;
	s29 =	simm.s32 $0x3  }
0x1d4: {  	[tilespmem:s4], [sflag:$0x3] =	stream.linear.gather [hbm4b:s3+s25], $0x4000, $0x38;
	[tilespmem:$0x1E700] =	vst v63  }
0x1d5: {  	_ =	swait.ge [sflag:s29], $0x4000  }
0x1d6: {  	[sflag:s29] =	ssyncset.done $0x0  }
0x1d7: {  	[sflag:s29] =	ssyncadd.s32 $0xFFFFC000  }
.LBB2_21:
0x1d8: {  	s3 =	sadd.s32 s12, s25  }
0x1d9: {  	s3 =	sshll.u32 s3, $0x7  }
0x1da: {  	s29 =	sand.u32 $0x380, s3  }
0x1db: {  	s3 =	sor.u32 s14, s29  }
0x1dc: {  	s4 =	rddreg [dreg:$0x3];
	s3 =	sshrl.u32 s3, $0x3  }
0x1dd: {  	s10 =	rddreg [dreg:$0xa];
	s3 =	sadd.s32 s4, s3  }
0x1de: {  	[tilespmem:s7], [sflag:$0x2] =	stream.strided.gather [hbm4b:s3+s30], $0xC300, s31, s30, $0x38;
	[tilespmem:$0x1E700] =	vst v63  }
0x1df: {  	s3 =	sor.u32 s10, s29  }
0x1e0: {  	s3 =	sshrl.u32 s3, $0x3  }
0x1e1: {  	s11 =	rddreg [dreg:$0xb];
	s3 =	sadd.s32 s4, s3  }
0x1e2: {  	[tilespmem:s0], [sflag:$0x2] =	stream.strided.gather [hbm4b:s3+s30], $0xC380, s31, s30, $0x38;
	[tilespmem:$0x1E700] =	vst v63  }
0x1e3: {  	s3 =	sor.u32 s11, s29  }
0x1e4: {  	s13 =	rddreg [dreg:$0x7];
	s3 =	sshrl.u32 s3, $0x3  }
0x1e5: {  	s3 =	sadd.s32 s13, s3  }
0x1e6: {  	[tilespmem:s6], [sflag:$0x2] =	stream.linear.gather [hbm4b:s3+s7], $0x80, $0x38;
	[tilespmem:$0x1E700] =	vst v63  }
0x1e7: {  	_ =	swait.ge [sflag:s1], $0xC300  }
0x1e8: {  	[sflag:s1] =	ssyncset.done $0x0  }
0x1e9: {  	[sflag:s1] =	ssyncadd.s32 $0xFFFF3D00  }
0x1ea: {  	_ =	swait.ge [sflag:s1], $0xC380  }
0x1eb: {  	[sflag:s1] =	ssyncset.done $0x0  }
0x1ec: {  	[sflag:s1] =	ssyncadd.s32 $0xFFFF3C80  }
0x1ed: {  	_ =	swait.ge [sflag:s1], $0x80  }
0x1ee: {  	p1 =	seq.s32 s25, $0x0;
	[sflag:s1] =	ssyncset.done $0x0  }
0x1ef: {  	s3 =	simm.s32 @!p1 $0x1;
	[sflag:s1] =	ssyncadd.s32 $0xFFFFFF80  }
0x1f0: {  	_ =	swait.ge @!p1 [sflag:s3], $0x1000  }
0x1f1: {  	[sflag:s3] =	ssyncset.done @!p1 $0x0  }
0x1f2: {  	s10 =	simm.s32 $0x18740;
	[sflag:s3] =	ssyncadd.s32 @!p1 $0xFFFFF000  }
0x1f3: {  	v0 =	vld [tilespmem:s10+$0x0];
	_ =	sdelay $0x3  }
0x1f4: {  	v1 =	vld [tilespmem:s10+$0xFFFFFFC0];
	_ =	sdelay $0x3  }
0x1f5: {  	v0 =	vld.idx.msk [tilespmem:v0+s7+$0x0], $0xffff;
	_ =	sdelay $0x3  }
0x1f6: {  	s28 =	simm.s32 $0x1C740;
	s3 =	simm.s32 $0x187C0;
	v1 =	vld.idx.msk [tilespmem:v1+s7+$0x0], $0xffff  }
0x1f7: {  	v2 =	vld [tilespmem:s3+$0x0];
	[tilespmem:s28+$0x0] =	vst v0  }
0x1f8: {  	v0 =	vld [tilespmem:s10+$0x10];
	_ =	sdelay $0x2  }
0x1f9: {  	[tilespmem:s28+$0xFFFFFFC0] =	vst v1;
	v1 =	vld [tilespmem:s3+$0xFFFFFFC0]  }
0x1fa: {  	v3 =	vld [tilespmem:s10+$0xFFFFFFD0]  }
0x1fb: {  	s8 =	simm.s32 $0x18840  }
0x1fc: {  	v4 =	vld [tilespmem:s8+$0x0]  }
0x1fd: {  	v2 =	vld.idx.msk [tilespmem:v2+s7+$0x0], $0xffff  }
0x1fe: {  	v0 =	vld.idx.msk [tilespmem:v0+s7+$0x0], $0xffff;
	_ =	sdelay $0x2  }
0x1ff: {  	s5 =	simm.s32 $0x1C840;
	v1 =	vld.idx.msk [tilespmem:v1+s7+$0x0], $0xffff  }
0x200: {  	[tilespmem:s5+$0x0] =	vst v2;
	v3 =	vld.idx.msk [tilespmem:v3+s7+$0x0], $0xffff  }
0x201: {  	v2 =	vld [tilespmem:s3+$0x10];
	[tilespmem:s28+$0x10] =	vst v0  }
0x202: {  	v0 =	vld [tilespmem:s10+$0x20]  }
0x203: {  	v4 =	vld.idx.msk [tilespmem:v4+s7+$0x0], $0xffff  }
0x204: {  	[tilespmem:s5+$0xFFFFFFC0] =	vst v1;
	v1 =	vld [tilespmem:s8+$0xFFFFFFC0]  }
0x205: {  	[tilespmem:s28+$0xFFFFFFD0] =	vst v3;
	v3 =	vld [tilespmem:s3+$0xFFFFFFD0]  }
0x206: {  	v5 =	vld [tilespmem:s10+$0xFFFFFFE0]  }
0x207: {  	s9 =	simm.s32 $0x188C0  }
0x208: {  	v6 =	vld [tilespmem:s9+$0x0]  }
0x209: {  	s4 =	simm.s32 $0x1C940;
	v2 =	vld.idx.msk [tilespmem:v2+s7+$0x0], $0xffff  }
0x20a: {  	[tilespmem:s4+$0x0] =	vst v4;
	v0 =	vld.idx.msk [tilespmem:v0+s7+$0x0], $0xffff  }
0x20b: {  	v4 =	vld [tilespmem:s8+$0x10]  }
0x20c: {  	v1 =	vld.idx.msk [tilespmem:v1+s7+$0x0], $0xffff  }
0x20d: {  	v3 =	vld.idx.msk [tilespmem:v3+s7+$0x0], $0xffff  }
0x20e: {  	[tilespmem:s5+$0x10] =	vst v2;
	v5 =	vld.idx.msk [tilespmem:v5+s7+$0x0], $0xffff  }
0x20f: {  	v2 =	vld [tilespmem:s3+$0x20];
	[tilespmem:s28+$0x20] =	vst v0  }
0x210: {  	v0 =	vld [tilespmem:s10+$0x30]  }
0x211: {  	[tilespmem:s4+$0xFFFFFFC0] =	vst v1;
	v1 =	vld [tilespmem:s9+$0xFFFFFFC0]  }
0x212: {  	[tilespmem:s5+$0xFFFFFFD0] =	vst v3;
	v3 =	vld [tilespmem:s8+$0xFFFFFFD0]  }
0x213: {  	[tilespmem:s28+$0xFFFFFFE0] =	vst v5;
	v5 =	vld [tilespmem:s3+$0xFFFFFFE0]  }
0x214: {  	v7 =	vld [tilespmem:s10+$0xFFFFFFF0]  }
0x215: {  	v6 =	vld.idx.msk [tilespmem:v6+s7+$0x0], $0xffff  }
0x216: {  	v9 =	vld.idx.msk [tilespmem:v4+s7+$0x0], $0xffff  }
0x217: {  	v8 =	vld.idx.msk [tilespmem:v2+s7+$0x0], $0xffff  }
0x218: {  	v0 =	vld.idx.msk [tilespmem:v0+s7+$0x0], $0xffff  }
0x219: {  	v10 =	vld.idx.msk [tilespmem:v1+s7+$0x0], $0xffff  }
0x21a: {  	v4 =	vld.idx.msk [tilespmem:v3+s7+$0x0], $0xffff  }
0x21b: {  	[tilespmem:s4+$0x10] =	vst v9;
	v2 =	vld.idx.msk [tilespmem:v5+s7+$0x0], $0xffff  }
0x21c: {  	[tilespmem:s5+$0x20] =	vst v8;
	v1 =	vld.idx.msk [tilespmem:v7+s7+$0x0], $0xffff  }
0x21d: {  	s11 =	simm.s32 $0x1CA40;
	[tilespmem:s28+$0x30] =	vst v0;
	v0 =	vld [tilespmem:s3+$0x30]  }
0x21e: {  	[tilespmem:s11+$0x0] =	vst v6;
	v3 =	vld [tilespmem:s8+$0x20]  }
0x21f: {  	s13 =	simm.s32 $0x18940;
	s10 =	simm.s32 $0x180;
	v5 =	vld [tilespmem:s9+$0x10];
	[tilespmem:s11+$0xFFFFFFC0] =	vst v10  }
.LBB2_22:
0x220: {  	v6 =	vld [tilespmem:s13+$0x0];
	s10 =	sadd.s32 $0x80, s10;
	[tilespmem:s4+$0xFFFFFFD0] =	vst v4  }
0x221: {  	v4 =	vld [tilespmem:s13+$0xFFFFFFC0];
	p2 =	slt.u32 s10, $0xF80;
	[tilespmem:s5+$0xFFFFFFE0] =	vst v2  }
0x222: {  	v2 =	vld [tilespmem:s9+$0xFFFFFFD0];
	[tilespmem:s28+$0xFFFFFFF0] =	vst v1;
	s28 =	smov.u32 s5;
	s5 =	smov.u32 s4;
	s4 =	smov.u32 s11  }
0x223: {  	v1 =	vld [tilespmem:s8+$0xFFFFFFE0]  }
0x224: {  	v7 =	vld [tilespmem:s3+$0xFFFFFFF0];
	s3 =	smov.u32 s8;
	s8 =	smov.u32 s9;
	s9 =	smov.u32 s13  }
0x225: {  	v0 =	vld.idx.msk [tilespmem:v0+s7+$0x0], $0xffff  }
0x226: {  	v3 =	vld.idx.msk [tilespmem:v3+s7+$0x0], $0xffff  }
0x227: {  	v5 =	vld.idx.msk [tilespmem:v5+s7+$0x0], $0xffff  }
0x228: {  	v6 =	vld.idx.msk [tilespmem:v6+s7+$0x0], $0xffff  }
0x229: {  	v8 =	vld.idx.msk [tilespmem:v4+s7+$0x0], $0xffff  }
0x22a: {  	v4 =	vld.idx.msk [tilespmem:v2+s7+$0x0], $0xffff  }
.Ltmp13:
0x22b: {  	v2 =	vld.idx.msk [tilespmem:v1+s7+$0x0], $0xffff;
	[tilespmem:s28+$0x30] =	vst v0;
	(pc) =	sbr.rel @p2 .LBB2_22-.Ltmp13, $4  }
0x22c: {  	[tilespmem:s5+$0x20] =	vst v3;
	v1 =	vld.idx.msk [tilespmem:v7+s7+$0x0], $0xffff  }
0x22d: {  	s11 =	sadd.s32 $0x100, s11;
	[tilespmem:s4+$0x10] =	vst v5;
	v0 =	vld [tilespmem:s3+$0x30]  }
0x22e: {  	[tilespmem:s11+$0x0] =	vst v6;
	v3 =	vld [tilespmem:s8+$0x20]  }
0x22f: {  	s13 =	sadd.s32 $0x80, s13;
	[tilespmem:s11+$0xFFFFFFC0] =	vst v8;
	v5 =	vld [tilespmem:s9+$0x10]  }
0x230: {  	_ =	sdelay $0x2  }
0x231: {  	v6 =	vld [tilespmem:s9+$0xFFFFFFD0];
	_ =	sdelay $0x4  }
0x232: {  	v5 =	vld.idx.msk [tilespmem:v5+s7+$0x0], $0xffff;
	_ =	sdelay $0x2  }
0x233: {  	v6 =	vld.idx.msk [tilespmem:v6+s7+$0x0], $0xffff  }
0x234: {  	[tilespmem:s4+$0xFFFFFFD0] =	vst v4  }
0x235: {  	v4 =	vld [tilespmem:s8+$0xFFFFFFE0];
	[tilespmem:s11+$0x10] =	vst v5  }
0x236: {  	v5 =	vld [tilespmem:s9+$0x20];
	_ =	sdelay $0x1  }
0x237: {  	[tilespmem:s11+$0xFFFFFFD0] =	vst v6  }
0x238: {  	v6 =	vld [tilespmem:s9+$0xFFFFFFE0];
	_ =	sdelay $0x2  }
0x239: {  	v3 =	vld.idx.msk [tilespmem:v3+s7+$0x0], $0xffff  }
0x23a: {  	v4 =	vld.idx.msk [tilespmem:v4+s7+$0x0], $0xffff  }
0x23b: {  	v5 =	vld.idx.msk [tilespmem:v5+s7+$0x0], $0xffff  }
0x23c: {  	[tilespmem:s5+$0xFFFFFFE0] =	vst v2  }
0x23d: {  	v2 =	vld [tilespmem:s3+$0xFFFFFFF0]  }
0x23e: {  	[tilespmem:s4+$0x20] =	vst v3;
	v6 =	vld.idx.msk [tilespmem:v6+s7+$0x0], $0xffff  }
0x23f: {  	v3 =	vld [tilespmem:s8+$0x30];
	[tilespmem:s4+$0xFFFFFFE0] =	vst v4  }
0x240: {  	v4 =	vld [tilespmem:s8+$0xFFFFFFF0];
	[tilespmem:s11+$0x20] =	vst v5  }
0x241: {  	v5 =	vld [tilespmem:s9+$0x30];
	_ =	sdelay $0x1  }
0x242: {  	[tilespmem:s11+$0xFFFFFFE0] =	vst v6  }
0x243: {  	v6 =	vld [tilespmem:s9+$0xFFFFFFF0]  }
0x244: {  	v0 =	vld.idx.msk [tilespmem:v0+s7+$0x0], $0xffff  }
0x245: {  	v2 =	vld.idx.msk [tilespmem:v2+s7+$0x0], $0xffff  }
0x246: {  	v3 =	vld.idx.msk [tilespmem:v3+s7+$0x0], $0xffff  }
0x247: {  	v4 =	vld.idx.msk [tilespmem:v4+s7+$0x0], $0xffff  }
0x248: {  	[tilespmem:s28+$0xFFFFFFF0] =	vst v1;
	v62 =	vld.idx.msk [tilespmem:v5+s7+$0x0], $0xffff  }
0x249: {  	[tilespmem:s5+$0x30] =	vst v0  }
0x24a: {  	[tilespmem:s5+$0xFFFFFFF0] =	vst v2  }
0x24b: {  	[tilespmem:s4+$0x30] =	vst v3;
	v63 =	vld.idx.msk [tilespmem:v6+s7+$0x0], $0xffff  }
0x24c: {  	[tilespmem:s4+$0xFFFFFFF0] =	vst v4  }
0x24d: {  	s13 =	sor.u32 s16, s29;
	[tilespmem:s11+$0x30] =	vst v62  }
0x24e: {  	s29 =	sshrl.u32 s13, $0x3;
	s28 =	rddreg [dreg:$0x9]  }
0x24f: {  	s5 =	simm.s32 $0x80;
	s3 =	sadd.s32 s28, s29  }
0x250: {  	s8 =	simm.s32 $0x1C800;
	s4 =	simm.s32 $0x1C700;
	s9 =	sadd.s32 $0x0, s3;
	[tilespmem:s11+$0xFFFFFFF0] =	vst v63  }
.LBB2_24:
0x251: {  	[hbm4b:s9+s7] =	stream.linear.scatter [tilespmem:s4], [sflag:$0x1], $0x80, $0x38;
	[tilespmem:$0x1E700] =	vst v63  }
0x252: {  	s9 =	smov.u32 s5;
	s4 =	smov.u32 s8;
	p2 =	sne.s32 s5, $0xF80  }
.Ltmp14:
0x253: {  	s5 =	sadd.s32 $0x80, s5;
	(pc) =	sbr.rel @p2 .LBB2_24-.Ltmp14, $2  }
0x254: {  	_ =	sdelay $0x2  }
0x255: {  	s8 =	sadd.s32 $0x100, s8;
	s9 =	sadd.s32 s9, s3  }
0x256: {  	[hbm4b:s9+s7] =	stream.linear.scatter [tilespmem:s4], [sflag:$0x1], $0x80, $0x38;
	[tilespmem:$0x1E700] =	vst v63  }
0x257: {  	s3 =	simm.s32 @!p1 $0x1  }
0x258: {  	_ =	swait.ge @!p1 [sflag:s3], $0x1000  }
0x259: {  	[sflag:s3] =	ssyncset.done @!p1 $0x0  }
0x25a: {  	s10 =	simm.s32 $0x19770;
	[sflag:s3] =	ssyncadd.s32 @!p1 $0xFFFFF000  }
0x25b: {  	v0 =	vld [tilespmem:s10+$0xFFFFFFD0];
	_ =	sdelay $0x3  }
0x25c: {  	v1 =	vld [tilespmem:s10+$0xFFFFFF90];
	_ =	sdelay $0x3  }
0x25d: {  	v0 =	vld.idx.msk [tilespmem:v0+s7+$0x0], $0xffff;
	_ =	sdelay $0x3  }
0x25e: {  	s28 =	simm.s32 $0x1C7F0;
	s3 =	simm.s32 $0x197F0;
	v1 =	vld.idx.msk [tilespmem:v1+s7+$0x0], $0xffff  }
0x25f: {  	v2 =	vld [tilespmem:s3+$0xFFFFFFD0];
	[tilespmem:s28+$0xFFFFFFD0] =	vst v0  }
0x260: {  	v0 =	vld [tilespmem:s10+$0xFFFFFFE0];
	_ =	sdelay $0x2  }
0x261: {  	[tilespmem:s28+$0xFFFFFF90] =	vst v1;
	v1 =	vld [tilespmem:s3+$0xFFFFFF90]  }
0x262: {  	v3 =	vld [tilespmem:s10+$0xFFFFFFA0]  }
0x263: {  	s8 =	simm.s32 $0x19870  }
0x264: {  	v4 =	vld [tilespmem:s8+$0xFFFFFFD0]  }
0x265: {  	v2 =	vld.idx.msk [tilespmem:v2+s7+$0x0], $0xffff  }
0x266: {  	v0 =	vld.idx.msk [tilespmem:v0+s7+$0x0], $0xffff;
	_ =	sdelay $0x2  }
0x267: {  	s5 =	simm.s32 $0x1C8F0;
	v1 =	vld.idx.msk [tilespmem:v1+s7+$0x0], $0xffff  }
0x268: {  	[tilespmem:s5+$0xFFFFFFD0] =	vst v2;
	v3 =	vld.idx.msk [tilespmem:v3+s7+$0x0], $0xffff  }
0x269: {  	v2 =	vld [tilespmem:s3+$0xFFFFFFE0];
	[tilespmem:s28+$0xFFFFFFE0] =	vst v0  }
0x26a: {  	v0 =	vld [tilespmem:s10+$0xFFFFFFF0]  }
0x26b: {  	v4 =	vld.idx.msk [tilespmem:v4+s7+$0x0], $0xffff  }
0x26c: {  	[tilespmem:s5+$0xFFFFFF90] =	vst v1;
	v1 =	vld [tilespmem:s8+$0xFFFFFF90]  }
0x26d: {  	[tilespmem:s28+$0xFFFFFFA0] =	vst v3;
	v3 =	vld [tilespmem:s3+$0xFFFFFFA0]  }
0x26e: {  	v5 =	vld [tilespmem:s10+$0xFFFFFFB0]  }
0x26f: {  	s9 =	simm.s32 $0x198F0  }
0x270: {  	v6 =	vld [tilespmem:s9+$0xFFFFFFD0]  }
0x271: {  	s4 =	simm.s32 $0x1C9F0;
	v2 =	vld.idx.msk [tilespmem:v2+s7+$0x0], $0xffff  }
0x272: {  	[tilespmem:s4+$0xFFFFFFD0] =	vst v4;
	v0 =	vld.idx.msk [tilespmem:v0+s7+$0x0], $0xffff  }
0x273: {  	v4 =	vld [tilespmem:s8+$0xFFFFFFE0]  }
0x274: {  	v1 =	vld.idx.msk [tilespmem:v1+s7+$0x0], $0xffff  }
0x275: {  	v3 =	vld.idx.msk [tilespmem:v3+s7+$0x0], $0xffff  }
0x276: {  	[tilespmem:s5+$0xFFFFFFE0] =	vst v2;
	v5 =	vld.idx.msk [tilespmem:v5+s7+$0x0], $0xffff  }
0x277: {  	v2 =	vld [tilespmem:s3+$0xFFFFFFF0];
	[tilespmem:s28+$0xFFFFFFF0] =	vst v0  }
0x278: {  	v0 =	vld [tilespmem:s10+$0x0]  }
0x279: {  	[tilespmem:s4+$0xFFFFFF90] =	vst v1;
	v1 =	vld [tilespmem:s9+$0xFFFFFF90]  }
0x27a: {  	[tilespmem:s5+$0xFFFFFFA0] =	vst v3;
	v3 =	vld [tilespmem:s8+$0xFFFFFFA0]  }
0x27b: {  	[tilespmem:s28+$0xFFFFFFB0] =	vst v5;
	v5 =	vld [tilespmem:s3+$0xFFFFFFB0]  }
0x27c: {  	v7 =	vld [tilespmem:s10+$0xFFFFFFC0]  }
0x27d: {  	v6 =	vld.idx.msk [tilespmem:v6+s7+$0x0], $0xffff  }
0x27e: {  	v9 =	vld.idx.msk [tilespmem:v4+s7+$0x0], $0xffff  }
0x27f: {  	v8 =	vld.idx.msk [tilespmem:v2+s7+$0x0], $0xffff  }
0x280: {  	v0 =	vld.idx.msk [tilespmem:v0+s7+$0x0], $0xffff  }
0x281: {  	v10 =	vld.idx.msk [tilespmem:v1+s7+$0x0], $0xffff  }
0x282: {  	v4 =	vld.idx.msk [tilespmem:v3+s7+$0x0], $0xffff  }
0x283: {  	[tilespmem:s4+$0xFFFFFFE0] =	vst v9;
	v2 =	vld.idx.msk [tilespmem:v5+s7+$0x0], $0xffff  }
0x284: {  	[tilespmem:s5+$0xFFFFFFF0] =	vst v8;
	v1 =	vld.idx.msk [tilespmem:v7+s7+$0x0], $0xffff  }
0x285: {  	s11 =	simm.s32 $0x1CAF0;
	[tilespmem:s28+$0x0] =	vst v0;
	v0 =	vld [tilespmem:s3+$0x0]  }
0x286: {  	[tilespmem:s11+$0xFFFFFFD0] =	vst v6;
	v3 =	vld [tilespmem:s8+$0xFFFFFFF0]  }
0x287: {  	s13 =	simm.s32 $0x19970;
	s10 =	simm.s32 $0x180;
	v5 =	vld [tilespmem:s9+$0xFFFFFFE0];
	[tilespmem:s11+$0xFFFFFF90] =	vst v10  }
.LBB2_26:
0x288: {  	v6 =	vld [tilespmem:s13+$0xFFFFFFD0];
	s10 =	sadd.s32 $0x80, s10;
	[tilespmem:s4+$0xFFFFFFA0] =	vst v4  }
0x289: {  	v4 =	vld [tilespmem:s13+$0xFFFFFF90];
	p1 =	slt.u32 s10, $0xF80;
	[tilespmem:s5+$0xFFFFFFB0] =	vst v2  }
0x28a: {  	v2 =	vld [tilespmem:s9+$0xFFFFFFA0];
	[tilespmem:s28+$0xFFFFFFC0] =	vst v1;
	s28 =	smov.u32 s5;
	s5 =	smov.u32 s4;
	s4 =	smov.u32 s11  }
0x28b: {  	v1 =	vld [tilespmem:s8+$0xFFFFFFB0]  }
0x28c: {  	v7 =	vld [tilespmem:s3+$0xFFFFFFC0];
	s3 =	smov.u32 s8;
	s8 =	smov.u32 s9;
	s9 =	smov.u32 s13  }
0x28d: {  	v0 =	vld.idx.msk [tilespmem:v0+s7+$0x0], $0xffff  }
0x28e: {  	v3 =	vld.idx.msk [tilespmem:v3+s7+$0x0], $0xffff  }
0x28f: {  	v5 =	vld.idx.msk [tilespmem:v5+s7+$0x0], $0xffff  }
0x290: {  	v6 =	vld.idx.msk [tilespmem:v6+s7+$0x0], $0xffff  }
0x291: {  	v8 =	vld.idx.msk [tilespmem:v4+s7+$0x0], $0xffff  }
0x292: {  	v4 =	vld.idx.msk [tilespmem:v2+s7+$0x0], $0xffff  }
.Ltmp15:
0x293: {  	v2 =	vld.idx.msk [tilespmem:v1+s7+$0x0], $0xffff;
	[tilespmem:s28+$0x0] =	vst v0;
	(pc) =	sbr.rel @p1 .LBB2_26-.Ltmp15, $4  }
0x294: {  	[tilespmem:s5+$0xFFFFFFF0] =	vst v3;
	v1 =	vld.idx.msk [tilespmem:v7+s7+$0x0], $0xffff  }
0x295: {  	s11 =	sadd.s32 $0x100, s11;
	[tilespmem:s4+$0xFFFFFFE0] =	vst v5;
	v0 =	vld [tilespmem:s3+$0x0]  }
0x296: {  	[tilespmem:s11+$0xFFFFFFD0] =	vst v6;
	v3 =	vld [tilespmem:s8+$0xFFFFFFF0]  }
0x297: {  	s13 =	sadd.s32 $0x80, s13;
	[tilespmem:s11+$0xFFFFFF90] =	vst v8;
	v5 =	vld [tilespmem:s9+$0xFFFFFFE0]  }
0x298: {  	_ = 	snop  }
0x299: {  	v6 =	vld [tilespmem:s9+$0xFFFFFFA0];
	_ =	sdelay $0x6  }
0x29a: {  	v5 =	vld.idx.msk [tilespmem:v5+s7+$0x0], $0xffff  }
0x29b: {  	v6 =	vld.idx.msk [tilespmem:v6+s7+$0x0], $0xffff;
	_ =	sdelay $0x2  }
0x29c: {  	[tilespmem:s4+$0xFFFFFFA0] =	vst v4  }
0x29d: {  	v4 =	vld [tilespmem:s8+$0xFFFFFFB0];
	[tilespmem:s11+$0xFFFFFFE0] =	vst v5  }
0x29e: {  	v5 =	vld [tilespmem:s9+$0xFFFFFFF0];
	[tilespmem:s11+$0xFFFFFFA0] =	vst v6  }
0x29f: {  	v6 =	vld [tilespmem:s9+$0xFFFFFFB0];
	_ =	sdelay $0x4  }
0x2a0: {  	v3 =	vld.idx.msk [tilespmem:v3+s7+$0x0], $0xffff  }
0x2a1: {  	v4 =	vld.idx.msk [tilespmem:v4+s7+$0x0], $0xffff  }
0x2a2: {  	v5 =	vld.idx.msk [tilespmem:v5+s7+$0x0], $0xffff  }
0x2a3: {  	v6 =	vld.idx.msk [tilespmem:v6+s7+$0x0], $0xffff  }
0x2a4: {  	[tilespmem:s5+$0xFFFFFFB0] =	vst v2  }
0x2a5: {  	v2 =	vld [tilespmem:s3+$0xFFFFFFC0];
	[tilespmem:s4+$0xFFFFFFF0] =	vst v3  }
0x2a6: {  	v3 =	vld [tilespmem:s8+$0x0];
	[tilespmem:s4+$0xFFFFFFB0] =	vst v4  }
0x2a7: {  	v4 =	vld [tilespmem:s8+$0xFFFFFFC0];
	[tilespmem:s11+$0xFFFFFFF0] =	vst v5  }
0x2a8: {  	v5 =	vld [tilespmem:s9+$0x0];
	[tilespmem:s11+$0xFFFFFFB0] =	vst v6  }
0x2a9: {  	v6 =	vld [tilespmem:s9+$0xFFFFFFC0];
	_ =	sdelay $0x2  }
0x2aa: {  	v0 =	vld.idx.msk [tilespmem:v0+s7+$0x0], $0xffff  }
0x2ab: {  	v2 =	vld.idx.msk [tilespmem:v2+s7+$0x0], $0xffff  }
0x2ac: {  	v3 =	vld.idx.msk [tilespmem:v3+s7+$0x0], $0xffff  }
0x2ad: {  	v4 =	vld.idx.msk [tilespmem:v4+s7+$0x0], $0xffff  }
0x2ae: {  	[tilespmem:s28+$0xFFFFFFC0] =	vst v1;
	v62 =	vld.idx.msk [tilespmem:v5+s7+$0x0], $0xffff  }
0x2af: {  	[tilespmem:s5+$0x0] =	vst v0;
	v63 =	vld.idx.msk [tilespmem:v6+s7+$0x0], $0xffff  }
0x2b0: {  	[tilespmem:s5+$0xFFFFFFC0] =	vst v2  }
0x2b1: {  	[tilespmem:s4+$0x0] =	vst v3  }
0x2b2: {  	[tilespmem:s4+$0xFFFFFFC0] =	vst v4  }
0x2b3: {  	s3 =	sadd.s32 s29, s17;
	s5 =	simm.s32 $0x80;
	[tilespmem:s11+$0x0] =	vst v62  }
0x2b4: {  	s8 =	simm.s32 $0x1C880;
	s4 =	simm.s32 $0x1C780;
	s9 =	sadd.s32 $0x0, s3;
	[tilespmem:s11+$0xFFFFFFC0] =	vst v63  }
.LBB2_28:
0x2b5: {  	[hbm4b:s9+s7] =	stream.linear.scatter [tilespmem:s4], [sflag:$0x1], $0x80, $0x38;
	[tilespmem:$0x1E700] =	vst v63  }
0x2b6: {  	s9 =	smov.u32 s5;
	s4 =	smov.u32 s8;
	p1 =	sne.s32 s5, $0xF80  }
.Ltmp16:
0x2b7: {  	s5 =	sadd.s32 $0x80, s5;
	(pc) =	sbr.rel @p1 .LBB2_28-.Ltmp16, $2  }
0x2b8: {  	_ =	sdelay $0x2  }
0x2b9: {  	s8 =	sadd.s32 $0x100, s8;
	s9 =	sadd.s32 s9, s3  }
0x2ba: {  	[hbm4b:s9+s7] =	stream.linear.scatter [tilespmem:s4], [sflag:$0x1], $0x80, $0x38;
	[tilespmem:$0x1E700] =	vst v63  }
0x2bb: {  	_ =	swait.ge [sflag:s2], $0x1000  }
0x2bc: {  	[sflag:s2] =	ssyncset.done $0x0  }
0x2bd: {  	s10 =	simm.s32 $0x1A770;
	[sflag:s2] =	ssyncadd.s32 $0xFFFFF000  }
0x2be: {  	v0 =	vld [tilespmem:s10+$0xFFFFFFD0];
	_ =	sdelay $0x3  }
0x2bf: {  	v1 =	vld [tilespmem:s10+$0xFFFFFF90];
	_ =	sdelay $0x3  }
0x2c0: {  	v0 =	vld.idx.msk [tilespmem:v0+s7+$0x0], $0xffff;
	_ =	sdelay $0x3  }
0x2c1: {  	s28 =	simm.s32 $0x1C740;
	s3 =	simm.s32 $0x1A7F0;
	v1 =	vld.idx.msk [tilespmem:v1+s7+$0x0], $0xffff  }
0x2c2: {  	v2 =	vld [tilespmem:s3+$0xFFFFFFD0];
	[tilespmem:s28+$0x0] =	vst v0  }
0x2c3: {  	v0 =	vld [tilespmem:s10+$0xFFFFFFE0];
	_ =	sdelay $0x2  }
0x2c4: {  	[tilespmem:s28+$0xFFFFFFC0] =	vst v1;
	v1 =	vld [tilespmem:s3+$0xFFFFFF90]  }
0x2c5: {  	v3 =	vld [tilespmem:s10+$0xFFFFFFA0]  }
0x2c6: {  	s8 =	simm.s32 $0x1A870  }
0x2c7: {  	v4 =	vld [tilespmem:s8+$0xFFFFFFD0]  }
0x2c8: {  	v2 =	vld.idx.msk [tilespmem:v2+s7+$0x0], $0xffff  }
0x2c9: {  	v0 =	vld.idx.msk [tilespmem:v0+s7+$0x0], $0xffff;
	_ =	sdelay $0x2  }
0x2ca: {  	s5 =	simm.s32 $0x1C840;
	v1 =	vld.idx.msk [tilespmem:v1+s7+$0x0], $0xffff  }
0x2cb: {  	[tilespmem:s5+$0x0] =	vst v2;
	v3 =	vld.idx.msk [tilespmem:v3+s7+$0x0], $0xffff  }
0x2cc: {  	v2 =	vld [tilespmem:s3+$0xFFFFFFE0];
	[tilespmem:s28+$0x10] =	vst v0  }
0x2cd: {  	v0 =	vld [tilespmem:s10+$0xFFFFFFF0]  }
0x2ce: {  	v4 =	vld.idx.msk [tilespmem:v4+s7+$0x0], $0xffff  }
0x2cf: {  	[tilespmem:s5+$0xFFFFFFC0] =	vst v1;
	v1 =	vld [tilespmem:s8+$0xFFFFFF90]  }
0x2d0: {  	[tilespmem:s28+$0xFFFFFFD0] =	vst v3;
	v3 =	vld [tilespmem:s3+$0xFFFFFFA0]  }
0x2d1: {  	v5 =	vld [tilespmem:s10+$0xFFFFFFB0]  }
0x2d2: {  	s9 =	simm.s32 $0x1A8F0  }
0x2d3: {  	v6 =	vld [tilespmem:s9+$0xFFFFFFD0]  }
0x2d4: {  	s4 =	simm.s32 $0x1C940;
	v2 =	vld.idx.msk [tilespmem:v2+s7+$0x0], $0xffff  }
0x2d5: {  	[tilespmem:s4+$0x0] =	vst v4;
	v0 =	vld.idx.msk [tilespmem:v0+s7+$0x0], $0xffff  }
0x2d6: {  	v4 =	vld [tilespmem:s8+$0xFFFFFFE0]  }
0x2d7: {  	v1 =	vld.idx.msk [tilespmem:v1+s7+$0x0], $0xffff  }
0x2d8: {  	v3 =	vld.idx.msk [tilespmem:v3+s7+$0x0], $0xffff  }
0x2d9: {  	[tilespmem:s5+$0x10] =	vst v2;
	v5 =	vld.idx.msk [tilespmem:v5+s7+$0x0], $0xffff  }
0x2da: {  	v2 =	vld [tilespmem:s3+$0xFFFFFFF0];
	[tilespmem:s28+$0x20] =	vst v0  }
0x2db: {  	v0 =	vld [tilespmem:s10+$0x0]  }
0x2dc: {  	[tilespmem:s4+$0xFFFFFFC0] =	vst v1;
	v1 =	vld [tilespmem:s9+$0xFFFFFF90]  }
0x2dd: {  	[tilespmem:s5+$0xFFFFFFD0] =	vst v3;
	v3 =	vld [tilespmem:s8+$0xFFFFFFA0]  }
0x2de: {  	[tilespmem:s28+$0xFFFFFFE0] =	vst v5;
	v5 =	vld [tilespmem:s3+$0xFFFFFFB0]  }
0x2df: {  	v7 =	vld [tilespmem:s10+$0xFFFFFFC0]  }
0x2e0: {  	v6 =	vld.idx.msk [tilespmem:v6+s7+$0x0], $0xffff  }
0x2e1: {  	v9 =	vld.idx.msk [tilespmem:v4+s7+$0x0], $0xffff  }
0x2e2: {  	v8 =	vld.idx.msk [tilespmem:v2+s7+$0x0], $0xffff  }
0x2e3: {  	v0 =	vld.idx.msk [tilespmem:v0+s7+$0x0], $0xffff  }
0x2e4: {  	v10 =	vld.idx.msk [tilespmem:v1+s7+$0x0], $0xffff  }
0x2e5: {  	v4 =	vld.idx.msk [tilespmem:v3+s7+$0x0], $0xffff  }
0x2e6: {  	[tilespmem:s4+$0x10] =	vst v9;
	v2 =	vld.idx.msk [tilespmem:v5+s7+$0x0], $0xffff  }
0x2e7: {  	[tilespmem:s5+$0x20] =	vst v8;
	v1 =	vld.idx.msk [tilespmem:v7+s7+$0x0], $0xffff  }
0x2e8: {  	s11 =	simm.s32 $0x1CA40;
	[tilespmem:s28+$0x30] =	vst v0;
	v0 =	vld [tilespmem:s3+$0x0]  }
0x2e9: {  	[tilespmem:s11+$0x0] =	vst v6;
	v3 =	vld [tilespmem:s8+$0xFFFFFFF0]  }
0x2ea: {  	s13 =	simm.s32 $0x1A970;
	s10 =	simm.s32 $0x180;
	v5 =	vld [tilespmem:s9+$0xFFFFFFE0];
	[tilespmem:s11+$0xFFFFFFC0] =	vst v10  }
.LBB2_30:
0x2eb: {  	v6 =	vld [tilespmem:s13+$0xFFFFFFD0];
	s10 =	sadd.s32 $0x80, s10;
	[tilespmem:s4+$0xFFFFFFD0] =	vst v4  }
0x2ec: {  	v4 =	vld [tilespmem:s13+$0xFFFFFF90];
	p1 =	slt.u32 s10, $0xF80;
	[tilespmem:s5+$0xFFFFFFE0] =	vst v2  }
0x2ed: {  	v2 =	vld [tilespmem:s9+$0xFFFFFFA0];
	[tilespmem:s28+$0xFFFFFFF0] =	vst v1;
	s28 =	smov.u32 s5;
	s5 =	smov.u32 s4;
	s4 =	smov.u32 s11  }
0x2ee: {  	v1 =	vld [tilespmem:s8+$0xFFFFFFB0]  }
0x2ef: {  	v7 =	vld [tilespmem:s3+$0xFFFFFFC0];
	s3 =	smov.u32 s8;
	s8 =	smov.u32 s9;
	s9 =	smov.u32 s13  }
0x2f0: {  	v0 =	vld.idx.msk [tilespmem:v0+s7+$0x0], $0xffff  }
0x2f1: {  	v3 =	vld.idx.msk [tilespmem:v3+s7+$0x0], $0xffff  }
0x2f2: {  	v5 =	vld.idx.msk [tilespmem:v5+s7+$0x0], $0xffff  }
0x2f3: {  	v6 =	vld.idx.msk [tilespmem:v6+s7+$0x0], $0xffff  }
0x2f4: {  	v8 =	vld.idx.msk [tilespmem:v4+s7+$0x0], $0xffff  }
0x2f5: {  	v4 =	vld.idx.msk [tilespmem:v2+s7+$0x0], $0xffff  }
.Ltmp17:
0x2f6: {  	v2 =	vld.idx.msk [tilespmem:v1+s7+$0x0], $0xffff;
	[tilespmem:s28+$0x30] =	vst v0;
	(pc) =	sbr.rel @p1 .LBB2_30-.Ltmp17, $4  }
0x2f7: {  	[tilespmem:s5+$0x20] =	vst v3;
	v1 =	vld.idx.msk [tilespmem:v7+s7+$0x0], $0xffff  }
0x2f8: {  	s11 =	sadd.s32 $0x100, s11;
	[tilespmem:s4+$0x10] =	vst v5;
	v0 =	vld [tilespmem:s3+$0x0]  }
0x2f9: {  	[tilespmem:s11+$0x0] =	vst v6;
	v3 =	vld [tilespmem:s8+$0xFFFFFFF0]  }
0x2fa: {  	s13 =	sadd.s32 $0x80, s13;
	[tilespmem:s11+$0xFFFFFFC0] =	vst v8;
	v5 =	vld [tilespmem:s9+$0xFFFFFFE0]  }
0x2fb: {  	_ = 	snop  }
0x2fc: {  	v6 =	vld [tilespmem:s9+$0xFFFFFFA0];
	_ =	sdelay $0x6  }
0x2fd: {  	v5 =	vld.idx.msk [tilespmem:v5+s7+$0x0], $0xffff  }
0x2fe: {  	v6 =	vld.idx.msk [tilespmem:v6+s7+$0x0], $0xffff;
	_ =	sdelay $0x2  }
0x2ff: {  	[tilespmem:s4+$0xFFFFFFD0] =	vst v4  }
0x300: {  	v4 =	vld [tilespmem:s8+$0xFFFFFFB0];
	[tilespmem:s11+$0x10] =	vst v5  }
0x301: {  	v5 =	vld [tilespmem:s9+$0xFFFFFFF0];
	[tilespmem:s11+$0xFFFFFFD0] =	vst v6  }
0x302: {  	v6 =	vld [tilespmem:s9+$0xFFFFFFB0];
	_ =	sdelay $0x4  }
0x303: {  	v3 =	vld.idx.msk [tilespmem:v3+s7+$0x0], $0xffff  }
0x304: {  	v4 =	vld.idx.msk [tilespmem:v4+s7+$0x0], $0xffff  }
0x305: {  	v5 =	vld.idx.msk [tilespmem:v5+s7+$0x0], $0xffff  }
0x306: {  	v6 =	vld.idx.msk [tilespmem:v6+s7+$0x0], $0xffff  }
0x307: {  	[tilespmem:s5+$0xFFFFFFE0] =	vst v2  }
0x308: {  	v2 =	vld [tilespmem:s3+$0xFFFFFFC0];
	[tilespmem:s4+$0x20] =	vst v3  }
0x309: {  	v3 =	vld [tilespmem:s8+$0x0];
	[tilespmem:s4+$0xFFFFFFE0] =	vst v4  }
0x30a: {  	v4 =	vld [tilespmem:s8+$0xFFFFFFC0];
	[tilespmem:s11+$0x20] =	vst v5  }
0x30b: {  	v5 =	vld [tilespmem:s9+$0x0];
	[tilespmem:s11+$0xFFFFFFE0] =	vst v6  }
0x30c: {  	v6 =	vld [tilespmem:s9+$0xFFFFFFC0];
	_ =	sdelay $0x2  }
0x30d: {  	v0 =	vld.idx.msk [tilespmem:v0+s7+$0x0], $0xffff  }
0x30e: {  	v2 =	vld.idx.msk [tilespmem:v2+s7+$0x0], $0xffff  }
0x30f: {  	v3 =	vld.idx.msk [tilespmem:v3+s7+$0x0], $0xffff  }
0x310: {  	v4 =	vld.idx.msk [tilespmem:v4+s7+$0x0], $0xffff  }
0x311: {  	[tilespmem:s28+$0xFFFFFFF0] =	vst v1;
	v62 =	vld.idx.msk [tilespmem:v5+s7+$0x0], $0xffff  }
0x312: {  	[tilespmem:s5+$0x30] =	vst v0;
	v63 =	vld.idx.msk [tilespmem:v6+s7+$0x0], $0xffff  }
0x313: {  	[tilespmem:s5+$0xFFFFFFF0] =	vst v2  }
0x314: {  	[tilespmem:s4+$0x30] =	vst v3  }
0x315: {  	[tilespmem:s4+$0xFFFFFFF0] =	vst v4  }
0x316: {  	s3 =	sadd.s32 s29, s18;
	s5 =	simm.s32 $0x80;
	[tilespmem:s11+$0x30] =	vst v62  }
0x317: {  	s8 =	simm.s32 $0x1C800;
	s4 =	simm.s32 $0x1C700;
	s9 =	sadd.s32 $0x0, s3;
	[tilespmem:s11+$0xFFFFFFF0] =	vst v63  }
.LBB2_32:
0x318: {  	[hbm4b:s9+s7] =	stream.linear.scatter [tilespmem:s4], [sflag:$0x1], $0x80, $0x38;
	[tilespmem:$0x1E700] =	vst v63  }
0x319: {  	s9 =	smov.u32 s5;
	s4 =	smov.u32 s8;
	p1 =	sne.s32 s5, $0xF80  }
.Ltmp18:
0x31a: {  	s5 =	sadd.s32 $0x80, s5;
	(pc) =	sbr.rel @p1 .LBB2_32-.Ltmp18, $2  }
0x31b: {  	_ =	sdelay $0x2  }
0x31c: {  	s8 =	sadd.s32 $0x100, s8;
	s9 =	sadd.s32 s9, s3  }
0x31d: {  	[hbm4b:s9+s7] =	stream.linear.scatter [tilespmem:s4], [sflag:$0x1], $0x80, $0x38;
	[tilespmem:$0x1E700] =	vst v63  }
0x31e: {  	_ =	swait.ge [sflag:s2], $0x1000  }
0x31f: {  	[sflag:s2] =	ssyncset.done $0x0  }
0x320: {  	s10 =	simm.s32 $0x1B770;
	[sflag:s2] =	ssyncadd.s32 $0xFFFFF000  }
0x321: {  	v0 =	vld [tilespmem:s10+$0xFFFFFFD0];
	_ =	sdelay $0x3  }
0x322: {  	v1 =	vld [tilespmem:s10+$0xFFFFFF90];
	_ =	sdelay $0x3  }
0x323: {  	v0 =	vld.idx.msk [tilespmem:v0+s7+$0x0], $0xffff;
	_ =	sdelay $0x3  }
0x324: {  	s28 =	simm.s32 $0x1C7F0;
	s3 =	simm.s32 $0x1B7F0;
	v1 =	vld.idx.msk [tilespmem:v1+s7+$0x0], $0xffff  }
0x325: {  	v2 =	vld [tilespmem:s3+$0xFFFFFFD0];
	[tilespmem:s28+$0xFFFFFFD0] =	vst v0  }
0x326: {  	v0 =	vld [tilespmem:s10+$0xFFFFFFE0];
	_ =	sdelay $0x2  }
0x327: {  	[tilespmem:s28+$0xFFFFFF90] =	vst v1;
	v1 =	vld [tilespmem:s3+$0xFFFFFF90]  }
0x328: {  	v3 =	vld [tilespmem:s10+$0xFFFFFFA0]  }
0x329: {  	s8 =	simm.s32 $0x1B870  }
0x32a: {  	v4 =	vld [tilespmem:s8+$0xFFFFFFD0]  }
0x32b: {  	v2 =	vld.idx.msk [tilespmem:v2+s7+$0x0], $0xffff  }
0x32c: {  	v0 =	vld.idx.msk [tilespmem:v0+s7+$0x0], $0xffff;
	_ =	sdelay $0x2  }
0x32d: {  	s5 =	simm.s32 $0x1C8F0;
	v1 =	vld.idx.msk [tilespmem:v1+s7+$0x0], $0xffff  }
0x32e: {  	[tilespmem:s5+$0xFFFFFFD0] =	vst v2;
	v3 =	vld.idx.msk [tilespmem:v3+s7+$0x0], $0xffff  }
0x32f: {  	v2 =	vld [tilespmem:s3+$0xFFFFFFE0];
	[tilespmem:s28+$0xFFFFFFE0] =	vst v0  }
0x330: {  	v0 =	vld [tilespmem:s10+$0xFFFFFFF0]  }
0x331: {  	v4 =	vld.idx.msk [tilespmem:v4+s7+$0x0], $0xffff  }
0x332: {  	[tilespmem:s5+$0xFFFFFF90] =	vst v1;
	v1 =	vld [tilespmem:s8+$0xFFFFFF90]  }
0x333: {  	[tilespmem:s28+$0xFFFFFFA0] =	vst v3;
	v3 =	vld [tilespmem:s3+$0xFFFFFFA0]  }
0x334: {  	v5 =	vld [tilespmem:s10+$0xFFFFFFB0]  }
0x335: {  	s9 =	simm.s32 $0x1B8F0  }
0x336: {  	v6 =	vld [tilespmem:s9+$0xFFFFFFD0]  }
0x337: {  	s4 =	simm.s32 $0x1C9F0;
	v2 =	vld.idx.msk [tilespmem:v2+s7+$0x0], $0xffff  }
0x338: {  	[tilespmem:s4+$0xFFFFFFD0] =	vst v4;
	v0 =	vld.idx.msk [tilespmem:v0+s7+$0x0], $0xffff  }
0x339: {  	v4 =	vld [tilespmem:s8+$0xFFFFFFE0]  }
0x33a: {  	v1 =	vld.idx.msk [tilespmem:v1+s7+$0x0], $0xffff  }
0x33b: {  	v3 =	vld.idx.msk [tilespmem:v3+s7+$0x0], $0xffff  }
0x33c: {  	[tilespmem:s5+$0xFFFFFFE0] =	vst v2;
	v5 =	vld.idx.msk [tilespmem:v5+s7+$0x0], $0xffff  }
0x33d: {  	v2 =	vld [tilespmem:s3+$0xFFFFFFF0];
	[tilespmem:s28+$0xFFFFFFF0] =	vst v0  }
0x33e: {  	v0 =	vld [tilespmem:s10+$0x0]  }
0x33f: {  	[tilespmem:s4+$0xFFFFFF90] =	vst v1;
	v1 =	vld [tilespmem:s9+$0xFFFFFF90]  }
0x340: {  	[tilespmem:s5+$0xFFFFFFA0] =	vst v3;
	v3 =	vld [tilespmem:s8+$0xFFFFFFA0]  }
0x341: {  	[tilespmem:s28+$0xFFFFFFB0] =	vst v5;
	v5 =	vld [tilespmem:s3+$0xFFFFFFB0]  }
0x342: {  	v7 =	vld [tilespmem:s10+$0xFFFFFFC0]  }
0x343: {  	v6 =	vld.idx.msk [tilespmem:v6+s7+$0x0], $0xffff  }
0x344: {  	v9 =	vld.idx.msk [tilespmem:v4+s7+$0x0], $0xffff  }
0x345: {  	v8 =	vld.idx.msk [tilespmem:v2+s7+$0x0], $0xffff  }
0x346: {  	v0 =	vld.idx.msk [tilespmem:v0+s7+$0x0], $0xffff  }
0x347: {  	v10 =	vld.idx.msk [tilespmem:v1+s7+$0x0], $0xffff  }
0x348: {  	v4 =	vld.idx.msk [tilespmem:v3+s7+$0x0], $0xffff  }
0x349: {  	[tilespmem:s4+$0xFFFFFFE0] =	vst v9;
	v2 =	vld.idx.msk [tilespmem:v5+s7+$0x0], $0xffff  }
0x34a: {  	[tilespmem:s5+$0xFFFFFFF0] =	vst v8;
	v1 =	vld.idx.msk [tilespmem:v7+s7+$0x0], $0xffff  }
0x34b: {  	s11 =	simm.s32 $0x1CAF0;
	[tilespmem:s28+$0x0] =	vst v0;
	v0 =	vld [tilespmem:s3+$0x0]  }
0x34c: {  	[tilespmem:s11+$0xFFFFFFD0] =	vst v6;
	v3 =	vld [tilespmem:s8+$0xFFFFFFF0]  }
0x34d: {  	s13 =	simm.s32 $0x1B970;
	s10 =	simm.s32 $0x180;
	v5 =	vld [tilespmem:s9+$0xFFFFFFE0];
	[tilespmem:s11+$0xFFFFFF90] =	vst v10  }
.LBB2_34:
0x34e: {  	v6 =	vld [tilespmem:s13+$0xFFFFFFD0];
	s10 =	sadd.s32 $0x80, s10;
	[tilespmem:s4+$0xFFFFFFA0] =	vst v4  }
0x34f: {  	v4 =	vld [tilespmem:s13+$0xFFFFFF90];
	p1 =	slt.u32 s10, $0xF80;
	[tilespmem:s5+$0xFFFFFFB0] =	vst v2  }
0x350: {  	v2 =	vld [tilespmem:s9+$0xFFFFFFA0];
	[tilespmem:s28+$0xFFFFFFC0] =	vst v1;
	s28 =	smov.u32 s5;
	s5 =	smov.u32 s4;
	s4 =	smov.u32 s11  }
0x351: {  	v1 =	vld [tilespmem:s8+$0xFFFFFFB0]  }
0x352: {  	v7 =	vld [tilespmem:s3+$0xFFFFFFC0];
	s3 =	smov.u32 s8;
	s8 =	smov.u32 s9;
	s9 =	smov.u32 s13  }
0x353: {  	v0 =	vld.idx.msk [tilespmem:v0+s7+$0x0], $0xffff  }
0x354: {  	v3 =	vld.idx.msk [tilespmem:v3+s7+$0x0], $0xffff  }
0x355: {  	v5 =	vld.idx.msk [tilespmem:v5+s7+$0x0], $0xffff  }
0x356: {  	v6 =	vld.idx.msk [tilespmem:v6+s7+$0x0], $0xffff  }
0x357: {  	v8 =	vld.idx.msk [tilespmem:v4+s7+$0x0], $0xffff  }
0x358: {  	v4 =	vld.idx.msk [tilespmem:v2+s7+$0x0], $0xffff  }
.Ltmp19:
0x359: {  	v2 =	vld.idx.msk [tilespmem:v1+s7+$0x0], $0xffff;
	[tilespmem:s28+$0x0] =	vst v0;
	(pc) =	sbr.rel @p1 .LBB2_34-.Ltmp19, $4  }
0x35a: {  	[tilespmem:s5+$0xFFFFFFF0] =	vst v3;
	v1 =	vld.idx.msk [tilespmem:v7+s7+$0x0], $0xffff  }
0x35b: {  	s11 =	sadd.s32 $0x100, s11;
	[tilespmem:s4+$0xFFFFFFE0] =	vst v5;
	v0 =	vld [tilespmem:s3+$0x0]  }
0x35c: {  	[tilespmem:s11+$0xFFFFFFD0] =	vst v6;
	v3 =	vld [tilespmem:s8+$0xFFFFFFF0]  }
0x35d: {  	s13 =	sadd.s32 $0x80, s13;
	[tilespmem:s11+$0xFFFFFF90] =	vst v8;
	v5 =	vld [tilespmem:s9+$0xFFFFFFE0]  }
0x35e: {  	_ = 	snop  }
0x35f: {  	v6 =	vld [tilespmem:s9+$0xFFFFFFA0];
	_ =	sdelay $0x6  }
0x360: {  	v5 =	vld.idx.msk [tilespmem:v5+s7+$0x0], $0xffff  }
0x361: {  	v6 =	vld.idx.msk [tilespmem:v6+s7+$0x0], $0xffff;
	_ =	sdelay $0x2  }
0x362: {  	[tilespmem:s4+$0xFFFFFFA0] =	vst v4  }
0x363: {  	v4 =	vld [tilespmem:s8+$0xFFFFFFB0];
	[tilespmem:s11+$0xFFFFFFE0] =	vst v5  }
0x364: {  	v5 =	vld [tilespmem:s9+$0xFFFFFFF0];
	[tilespmem:s11+$0xFFFFFFA0] =	vst v6  }
0x365: {  	v6 =	vld [tilespmem:s9+$0xFFFFFFB0];
	_ =	sdelay $0x4  }
0x366: {  	v3 =	vld.idx.msk [tilespmem:v3+s7+$0x0], $0xffff  }
0x367: {  	v4 =	vld.idx.msk [tilespmem:v4+s7+$0x0], $0xffff  }
0x368: {  	v5 =	vld.idx.msk [tilespmem:v5+s7+$0x0], $0xffff  }
0x369: {  	v6 =	vld.idx.msk [tilespmem:v6+s7+$0x0], $0xffff  }
0x36a: {  	[tilespmem:s5+$0xFFFFFFB0] =	vst v2  }
0x36b: {  	v2 =	vld [tilespmem:s3+$0xFFFFFFC0];
	[tilespmem:s4+$0xFFFFFFF0] =	vst v3  }
0x36c: {  	v3 =	vld [tilespmem:s8+$0x0];
	[tilespmem:s4+$0xFFFFFFB0] =	vst v4  }
0x36d: {  	v4 =	vld [tilespmem:s8+$0xFFFFFFC0];
	[tilespmem:s11+$0xFFFFFFF0] =	vst v5  }
0x36e: {  	v5 =	vld [tilespmem:s9+$0x0];
	[tilespmem:s11+$0xFFFFFFB0] =	vst v6  }
0x36f: {  	v6 =	vld [tilespmem:s9+$0xFFFFFFC0];
	_ =	sdelay $0x2  }
0x370: {  	v0 =	vld.idx.msk [tilespmem:v0+s7+$0x0], $0xffff  }
0x371: {  	v2 =	vld.idx.msk [tilespmem:v2+s7+$0x0], $0xffff  }
0x372: {  	v3 =	vld.idx.msk [tilespmem:v3+s7+$0x0], $0xffff  }
0x373: {  	v4 =	vld.idx.msk [tilespmem:v4+s7+$0x0], $0xffff  }
0x374: {  	[tilespmem:s28+$0xFFFFFFC0] =	vst v1;
	v62 =	vld.idx.msk [tilespmem:v5+s7+$0x0], $0xffff  }
0x375: {  	[tilespmem:s5+$0x0] =	vst v0;
	v63 =	vld.idx.msk [tilespmem:v6+s7+$0x0], $0xffff  }
0x376: {  	[tilespmem:s5+$0xFFFFFFC0] =	vst v2  }
0x377: {  	[tilespmem:s4+$0x0] =	vst v3  }
0x378: {  	[tilespmem:s4+$0xFFFFFFC0] =	vst v4  }
0x379: {  	s3 =	sadd.s32 s29, s19;
	s5 =	simm.s32 $0x80;
	[tilespmem:s11+$0x0] =	vst v62  }
0x37a: {  	s8 =	simm.s32 $0x1C880;
	s4 =	simm.s32 $0x1C780;
	s9 =	sadd.s32 $0x0, s3;
	[tilespmem:s11+$0xFFFFFFC0] =	vst v63  }
.LBB2_36:
0x37b: {  	[hbm4b:s9+s7] =	stream.linear.scatter [tilespmem:s4], [sflag:$0x1], $0x80, $0x38;
	[tilespmem:$0x1E700] =	vst v63  }
0x37c: {  	s9 =	smov.u32 s5;
	s4 =	smov.u32 s8;
	p1 =	sne.s32 s5, $0xF80  }
.Ltmp20:
0x37d: {  	s5 =	sadd.s32 $0x80, s5;
	(pc) =	sbr.rel @p1 .LBB2_36-.Ltmp20, $2  }
0x37e: {  	_ =	sdelay $0x2  }
0x37f: {  	s8 =	sadd.s32 $0x100, s8;
	s9 =	sadd.s32 s9, s3  }
0x380: {  	s25 =	sadd.s32 $0x1, s25  }
0x381: {  	p1 =	sne.s32 s25, $0x4  }
.Ltmp21:
0x382: {  	_ = 	snop;
	(pc) =	sbr.rel @p1 .LBB2_21-.Ltmp21, $4  }
.Ltmp22:
0x383: {  	_ = 	snop;
	(pc) =	sbr.rel @!p1 .LBB2_38-.Ltmp22, $4  }
0x384: {  	_ = 	snop  }
0x385: {  	_ = 	snop  }
0x386: {  	[hbm4b:s9+s7] =	stream.linear.scatter [tilespmem:s4], [sflag:$0x1], $0x80, $0x38;
	[tilespmem:$0x1E700] =	vst v63  }
0x387: {  	_ = 	snop  }
.LBB2_39:
0x388: {  	_ =	sfence.sel $0x180000  }
0x389: {  	[bflag:$0x0] =	sbarrier.arrive $0xFFFF  }
0x38a: {  	_ =	strace $0x9000004A  }
0x38b: {  	s0 =	stileid.u32;
	[bflag:$0x2] =	sbarrier.arrive $0xFFFF  }
0x38c: {  	p0 =	sne.s32 s0, $0x0;
	s0 =	rddreg [dreg:$0x6]  }
0x38d: {  	s0 =	sadd.s32 @!p0 $0x100000, s0  }
0x38e: {  	[sflag:s0] =	ssyncadd.tile.s32 @!p0 $0x1;
	_ =	shalt  }
.Lfunc_end2:
_tile_overlayer_lowered:
.L_overlay_start_2:
0x38f: {  	(tag) =	ssettag $0x2  }
0x390: {  	s0 =	rddreg [dreg:$0x0];
	s2 =	stileid.u32  }
0x391: {  	s1 =	rddreg [dreg:$0x1];
	p0 =	sne.s32 s2, $0x0  }
0x392: {  	s3 =	rddreg [dreg:$0x2];
	[bflag:$0x3] =	sbarrier.arrive $0xFFFF;
	s2 =	simm.s32 @!p0 $0x1C03  }
0x393: {  	[timem:s3], [sflag:s2] =	dma.local @!p0 [hbm:s0], s1  }
0x394: {  	s0 =	simm.s32 @!p0 $0x3  }
0x395: {  	_ =	swait.ge @!p0 [sflag:s0], s1  }
0x396: {  	s1 =	ssub.s32 @!p0 $0x0, s1;
	[sflag:s0] =	ssyncset.done @!p0 $0x0  }
0x397: {  	[sflag:s0] =	ssyncadd.s32 @!p0 s1  }
0x398: {  	[bflag:$0x3] =	sbarrier.arrive $0xFFFF  }
0x399: {  	_ =	shalt  }

</sc_bundles>
